<compile_context>
chip_gen: v7x
topology: tpu7x:2x2x1
jax: 0.10.2.dev20260603
libtpu: 0.0.44.dev20260713+nightly
codegen_flags: <defaults>
</compile_context>

<pallas_src>
import functools

import jax
import jax.numpy as jnp
from jax import lax
from jax.experimental import pallas as pl
from jax.experimental.pallas import tpu as pltpu
from jax.experimental.pallas import tpu_sc as plsc

VOCAB = 1_000_000
EMBED_DIM = 16
BATCH = 16384
SEQ = 200

NW = 32
ROWS_PER_W = BATCH // NW
CHUNK = 64
N_CHUNKS = ROWS_PER_W // CHUNK
CWORDS = CHUNK * SEQ
PAIRW = 2 * SEQ
NPVREG = PAIRW // 16
PWORDS = 16 * CHUNK


def _proj_body(x_ref, wq_ref, wa_ref, oq_ref, oa_ref):
    x = x_ref[...]
    yq = jnp.dot(wq_ref[...], x, preferred_element_type=jnp.float32)
    ya = jnp.dot(wa_ref[...], x, preferred_element_type=jnp.float32)
    oq_ref[...] = yq.reshape(-1)
    oa_ref[...] = ya.reshape(-1)


def _project_tables(embed, W):
    xt = embed.T
    wq = W[0:1, :EMBED_DIM]
    wa = W[0:1, EMBED_DIM:]
    blkv = 32768
    grid = (VOCAB + blkv - 1) // blkv
    tabq, taba = pl.pallas_call(
        _proj_body,
        grid=(grid,),
        in_specs=[
            pl.BlockSpec((EMBED_DIM, blkv), lambda i: (0, i)),
            pl.BlockSpec((1, EMBED_DIM), lambda i: (0, 0)),
            pl.BlockSpec((1, EMBED_DIM), lambda i: (0, 0)),
        ],
        out_specs=[
            pl.BlockSpec((blkv,), lambda i: (i,)),
            pl.BlockSpec((blkv,), lambda i: (i,)),
        ],
        out_shape=[
            jax.ShapeDtypeStruct((VOCAB,), jnp.float32),
            jax.ShapeDtypeStruct((VOCAB,), jnp.float32),
        ],
    )(xt, wq, wa)
    return tabq, taba


def _sc_gather_reduce(tabq, taba, qf, af, bvec):
    mesh = plsc.VectorSubcoreMesh(core_axis_name="c", subcore_axis_name="s")

    @functools.partial(
        pl.kernel,
        mesh=mesh,
        out_type=jax.ShapeDtypeStruct((BATCH,), jnp.float32),
        scratch_types=(
            [pltpu.VMEM((PWORDS,), jnp.int32)]
            + [pltpu.VMEM((CWORDS,), jnp.int32) for _ in range(4)]
            + [pltpu.VMEM((CWORDS,), jnp.float32) for _ in range(4)]
            + [
                pltpu.VMEM((PWORDS,), jnp.float32),
                pltpu.VMEM((PWORDS,), jnp.float32),
                pltpu.VMEM((CHUNK,), jnp.float32),
                pltpu.VMEM((16,), jnp.float32),
                pltpu.VMEM_SHARED((16 * PWORDS,), jnp.float32),
            ]
            + [pltpu.SemaphoreType.DMA for _ in range(4)]
        ),
    )
    def _sc(tabq_hbm, taba_hbm, qf_hbm, af_hbm, bv_hbm, out_hbm, *refs):
        tmpl_v = refs[0]
        qidx2, aidx2 = refs[1:3], refs[3:5]
        gq2, ga2 = refs[5:7], refs[7:9]
        pacc_v, trans_v, outv_v, bv_v, p_sp = refs[9:14]
        semq2, sema2 = refs[14:16], refs[16:18]
        wid = lax.axis_index("s") * 2 + lax.axis_index("c")
        sid = lax.axis_index("s")
        pltpu.sync_copy(bv_hbm, bv_v)
        bval = bv_v[...]
        scale = jnp.float32(1.0 / SEQ)
        lane = lax.iota(jnp.int32, 16)
        evenmask = lane < 8

        def tbuild(i, _):
            o = i * 16 + lane
            r = o & (CHUNK - 1)
            l = o >> 6
            tmpl_v[pl.ds(i * 16, 16)] = sid * PWORDS + r * 16 + l
            return 0

        lax.fori_loop(0, PWORDS // 16, tbuild, 0)

        def pair_partials(gbuf, m):
            base = m * PAIRW

            def vsum(lo, hi, init):
                def body(j, acc):
                    return acc + gbuf[pl.ds(base + j * 16, 16)]
                return lax.fori_loop(lo, hi, body, init, unroll=4)

            mid = gbuf[pl.ds(base + 192, 16)]
            va = vsum(0, 12, jnp.where(evenmask, mid, 0.0))
            vb = vsum(13, NPVREG, jnp.where(evenmask, 0.0, mid))
            return va, vb

        def stage_and_fire(k, bi):
            b0 = wid * ROWS_PER_W + k * CHUNK
            pltpu.sync_copy(qf_hbm.at[pl.ds(b0 * SEQ, CWORDS)], qidx2[bi])
            pltpu.sync_copy(af_hbm.at[pl.ds(b0 * SEQ, CWORDS)], aidx2[bi])
            cq = pltpu.async_copy(tabq_hbm.at[qidx2[bi]], gq2[bi], semq2[bi])
            ca = pltpu.async_copy(taba_hbm.at[aidx2[bi]], ga2[bi], sema2[bi])
            return cq, ca

        def reduce_and_write(k, bi):
            b0 = wid * ROWS_PER_W + k * CHUNK
            gq_v, ga_v = gq2[bi], ga2[bi]

            def red(m, _):
                qa, qb = pair_partials(gq_v, m)
                aa, ab = pair_partials(ga_v, m)
                pacc_v[pl.ds(32 * m, 16)] = qa + aa
                pacc_v[pl.ds(32 * m + 16, 16)] = qb + ab
                return 0

            lax.fori_loop(0, CHUNK // 2, red, 0)
            pltpu.sync_copy(pacc_v, p_sp.at[pl.ds(sid * PWORDS, PWORDS)])
            pltpu.sync_copy(p_sp.at[tmpl_v], trans_v)

            def fin(g, _):
                acc = trans_v[pl.ds(g * 16, 16)]

                def fbody(l, a):
                    return a + trans_v[pl.ds(l * CHUNK + g * 16, 16)]

                acc = lax.fori_loop(1, 16, fbody, acc, unroll=4)
                outv_v[pl.ds(g * 16, 16)] = acc * scale + bval
                return 0

            lax.fori_loop(0, CHUNK // 16, fin, 0)
            pltpu.sync_copy(outv_v, out_hbm.at[pl.ds(b0, CHUNK)])

        pend = stage_and_fire(0, 0)
        for k in range(N_CHUNKS):
            nxt = stage_and_fire(k + 1, (k + 1) & 1) if k + 1 < N_CHUNKS else None
            pend[0].wait()
            pend[1].wait()
            reduce_and_write(k, k & 1)
            pend = nxt

    return _sc(tabq, taba, qf, af, bvec)


def kernel(q_ids, a_ids, embed, W, b):
    tabq, taba = _project_tables(embed, W)
    qf = q_ids.astype(jnp.int32).reshape(-1)
    af = a_ids.astype(jnp.int32).reshape(-1)
    bvec = jnp.broadcast_to(b.astype(jnp.float32), (16,))
    return _sc_gather_reduce(tabq, taba, qf, af, bvec)

# --- scband reference (transcript-rebuilt; emitter-appended) ---
"""Pipeline reference for scband-simple-reward-model-18614388261206 (READ-ONLY COPY).

The authoritative reference and input builder live on the scoring server;
editing this copy changes nothing except your own understanding.
"""

import jax, jax.numpy as jnp
import numpy as np

VOCAB = 1000000
EMBED_DIM = 16
BATCH = 16384
SEQ = 200

def setup_inputs(seed: int = 0) -> dict:
    key = jax.random.key(seed)
    k1, k2, k3, k4, k5 = jax.random.split(key, 5)
    q_ids = jax.random.randint(k1, (BATCH, SEQ), 0, VOCAB, dtype=jnp.int64) if jax.config.jax_enable_x64 else jax.random.randint(k1, (BATCH, SEQ), 0, VOCAB).astype(jnp.int32)
    a_ids = jax.random.randint(k2, (BATCH, SEQ), 0, VOCAB).astype(q_ids.dtype)
    embed = jax.random.normal(k3, (VOCAB, EMBED_DIM), dtype=jnp.float32) * 0.02
    W = jax.random.normal(k4, (1, EMBED_DIM * 2), dtype=jnp.float32) * 0.1
    b = jnp.zeros((1,), dtype=jnp.float32)
    return {"q_ids": q_ids, "a_ids": a_ids, "embed": embed, "W": W, "b": b}

def reference(q_ids, a_ids, embed, W, b):
    q_emb = jnp.take(embed, q_ids, axis=0).mean(axis=1)  # [B, D]
    a_emb = jnp.take(embed, a_ids, axis=0).mean(axis=1)  # [B, D]
    x = jnp.concatenate([q_emb, a_emb], axis=-1)          # [B, 2D]
    out = x @ W.T + b                                     # [B, 1]
    return jnp.squeeze(out, axis=-1)                      # [B]

if __name__ == "__main__":
    import jax
    _d = setup_inputs()
    print(jax.jit(kernel)(*tuple(_d.values())))

</pallas_src>

<mosaic_0001>
#map = affine_map<(d0, d1) -> (0)>
module attributes {stable_mosaic.version = 14 : i64} {
  func.func @_sc(%arg0: i32, %arg1: i32, %arg2: memref<1000000xf32, #tpu.memory_space<hbm>>, %arg3: memref<1000000xf32, #tpu.memory_space<hbm>>, %arg4: memref<3276800xi32, #tpu.memory_space<hbm>>, %arg5: memref<3276800xi32, #tpu.memory_space<hbm>>, %arg6: memref<16xf32, #tpu.memory_space<hbm>>, %arg7: memref<16384xf32, #tpu.memory_space<hbm>>, %arg8: memref<1024xi32, #tpu.memory_space<vmem>>, %arg9: memref<12800xi32, #tpu.memory_space<vmem>>, %arg10: memref<12800xi32, #tpu.memory_space<vmem>>, %arg11: memref<12800xi32, #tpu.memory_space<vmem>>, %arg12: memref<12800xi32, #tpu.memory_space<vmem>>, %arg13: memref<12800xf32, #tpu.memory_space<vmem>>, %arg14: memref<12800xf32, #tpu.memory_space<vmem>>, %arg15: memref<12800xf32, #tpu.memory_space<vmem>>, %arg16: memref<12800xf32, #tpu.memory_space<vmem>>, %arg17: memref<1024xf32, #tpu.memory_space<vmem>>, %arg18: memref<1024xf32, #tpu.memory_space<vmem>>, %arg19: memref<64xf32, #tpu.memory_space<vmem>>, %arg20: memref<16xf32, #tpu.memory_space<vmem>>, %arg21: memref<16384xf32, #tpu.memory_space<vmem_shared>>, %arg22: memref<!tpu.dma_semaphore, #tpu.memory_space<semaphore_mem>>, %arg23: memref<!tpu.dma_semaphore, #tpu.memory_space<semaphore_mem>>, %arg24: memref<!tpu.dma_semaphore, #tpu.memory_space<semaphore_mem>>, %arg25: memref<!tpu.dma_semaphore, #tpu.memory_space<semaphore_mem>>) attributes {dimension_semantics = [#tpu.dimension_semantics<core_parallel>, #tpu.dimension_semantics<subcore_parallel>], iteration_bounds = array<i64: 2, 16>, scalar_prefetch = 0 : i64, scratch_operands = 18 : i64, tpu.core_type = #tpu.core_type<sc_vector_subcore>, window_params = [{transform_indices = #map}, {transform_indices = #map}, {transform_indices = #map}, {transform_indices = #map}, {transform_indices = #map}, {transform_indices = #map}]} {
    %mul3A = arith.constant 2 : i32
    %mul3A_0 = arith.muli %arg1, %mul3A : i32
    %add3A = arith.addi %mul3A_0, %arg0 : i32
    "tpu.region"() ({
      %run_scoped3A = tpu.sem_alloc : memref<!tpu.dma_semaphore, #tpu.memory_space<semaphore_mem>>
      tpu.enqueue_dma source(%arg6 : memref<16xf32, #tpu.memory_space<hbm>>) target(%arg20 : memref<16xf32, #tpu.memory_space<vmem>>) target_semaphore(%run_scoped3A : memref<!tpu.dma_semaphore, #tpu.memory_space<semaphore_mem>>)
      tpu.wait_dma2 semaphore(%run_scoped3A : memref<!tpu.dma_semaphore, #tpu.memory_space<semaphore_mem>>) src(%arg6 : memref<16xf32, #tpu.memory_space<hbm>>) dst(%arg20 : memref<16xf32, #tpu.memory_space<vmem>>)
      tpu.yield
    }) : () -> ()
    %get3A = arith.constant 0 : index
    %get3A_1 = tpu.vector_load %arg20[%get3A] {strides = array<i32>} : memref<16xf32, #tpu.memory_space<vmem>>, vector<16xf32>,
    %get3A_2 = vector.shape_cast %get3A_1 : vector<16xf32> to vector<16xf32>
    %iota3A = tpu.iota {dimensions = array<i32: 0>} : vector<16xi32>
    %lt3A = arith.constant 8 : i32
    %lt3A_3 = vector.broadcast %lt3A : i32 to vector<16xi32>
    %lt3A_4 = arith.cmpi slt, %iota3A, %lt3A_3 : vector<16xi32>
    %scan3A = arith.constant 0 : i32
    %scan3A_5 = arith.constant 0 : i32
    %scan3A_6 = arith.constant 64 : i32
    %scan3A_7 = arith.addi %scan3A_5, %scan3A_6 : i32
    %scan3A_8 = arith.constant 1 : i32
    %scan3A_9 = scf.for %scan3A_305 = %scan3A_5 to %scan3A_7 step %scan3A_8 iter_args(%scan3A_306 = %scan3A) -> (i32)  : i32 {
      %mul3A_307 = arith.constant 16 : i32
      %mul3A_308 = arith.muli %scan3A_305, %mul3A_307 : i32
      %add3A_309 = vector.broadcast %mul3A_308 : i32 to vector<16xi32>
      %add3A_310 = arith.addi %add3A_309, %iota3A : vector<16xi32>
      %and3A = arith.constant 63 : i32
      %and3A_311 = vector.broadcast %and3A : i32 to vector<16xi32>
      %and3A_312 = arith.andi %add3A_310, %and3A_311 : vector<16xi32>
      %shift_right_arithmetic3A = arith.constant 6 : i32
      %shift_right_arithmetic3A_313 = vector.broadcast %shift_right_arithmetic3A : i32 to vector<16xi32>
      %shift_right_arithmetic3A_314 = arith.shrsi %add3A_310, %shift_right_arithmetic3A_313 : vector<16xi32>
      %mul3A_315 = arith.constant 1024 : i32
      %mul3A_316 = arith.muli %arg1, %mul3A_315 : i32
      %mul3A_317 = arith.constant 16 : i32
      %mul3A_318 = vector.broadcast %mul3A_317 : i32 to vector<16xi32>
      %mul3A_319 = arith.muli %and3A_312, %mul3A_318 : vector<16xi32>
      %add3A_320 = vector.broadcast %mul3A_316 : i32 to vector<16xi32>
      %add3A_321 = arith.addi %add3A_320, %mul3A_319 : vector<16xi32>
      %add3A_322 = arith.addi %add3A_321, %shift_right_arithmetic3A_314 : vector<16xi32>
      %mul3A_323 = arith.constant 16 : i32
      %mul3A_324 = arith.muli %scan3A_305, %mul3A_323 : i32
      %swap3A = arith.index_cast %mul3A_324 : i32 to index
      %swap3A_325 = tpu.vector_load %arg8[%swap3A] {strides = array<i32>} : memref<1024xi32, #tpu.memory_space<vmem>>, vector<16xi32>,
      %swap3A_326 = vector.shape_cast %swap3A_325 : vector<16xi32> to vector<16xi32>
      %swap3A_327 = vector.shape_cast %add3A_322 : vector<16xi32> to vector<16xi32>
      tpu.vector_store %arg8[%swap3A], %swap3A_327 {strides = array<i32>} : memref<1024xi32, #tpu.memory_space<vmem>>, vector<16xi32>,
      %scan3A_328 = arith.constant 0 : i32
      scf.yield %scan3A_328 : i32
    }
    %scan3A_10 = arith.constant 64 : i32
    %mul3A_11 = arith.constant 512 : i32
    %mul3A_12 = arith.muli %add3A, %mul3A_11 : i32
    %add3A_13 = arith.constant 0 : i32
    %add3A_14 = arith.addi %mul3A_12, %add3A_13 : i32
    %mul3A_15 = arith.constant 200 : i32
    %mul3A_16 = arith.muli %add3A_14, %mul3A_15 : i32
    "tpu.region"() ({
      %run_scoped3A = tpu.sem_alloc : memref<!tpu.dma_semaphore, #tpu.memory_space<semaphore_mem>>
      %dma_start3A_305 = tpu.memref_slice %arg4[%mul3A_16] : memref<3276800xi32, #tpu.memory_space<hbm>> -> memref<12800xi32, #tpu.memory_space<hbm>>
      %dma_start3A_306 = tpu.memref_slice %arg4[%mul3A_16] : memref<3276800xi32, #tpu.memory_space<hbm>> -> memref<12800xi32, #tpu.memory_space<hbm>>
      tpu.enqueue_dma source(%dma_start3A_306 : memref<12800xi32, #tpu.memory_space<hbm>>) target(%arg9 : memref<12800xi32, #tpu.memory_space<vmem>>) target_semaphore(%run_scoped3A : memref<!tpu.dma_semaphore, #tpu.memory_space<semaphore_mem>>)
      %dma_wait3A_307 = tpu.memref_slice %arg4[%mul3A_16] : memref<3276800xi32, #tpu.memory_space<hbm>> -> memref<12800xi32, #tpu.memory_space<hbm>>
      %dma_wait3A_308 = tpu.memref_slice %arg4[%mul3A_16] : memref<3276800xi32, #tpu.memory_space<hbm>> -> memref<12800xi32, #tpu.memory_space<hbm>>
      tpu.wait_dma2 semaphore(%run_scoped3A : memref<!tpu.dma_semaphore, #tpu.memory_space<semaphore_mem>>) src(%dma_wait3A_308 : memref<12800xi32, #tpu.memory_space<hbm>>) dst(%arg9 : memref<12800xi32, #tpu.memory_space<vmem>>)
      tpu.yield
    }) : () -> ()
    %mul3A_17 = arith.constant 200 : i32
    %mul3A_18 = arith.muli %add3A_14, %mul3A_17 : i32
    "tpu.region"() ({
      %run_scoped3A = tpu.sem_alloc : memref<!tpu.dma_semaphore, #tpu.memory_space<semaphore_mem>>
      %dma_start3A_305 = tpu.memref_slice %arg5[%mul3A_18] : memref<3276800xi32, #tpu.memory_space<hbm>> -> memref<12800xi32, #tpu.memory_space<hbm>>
      %dma_start3A_306 = tpu.memref_slice %arg5[%mul3A_18] : memref<3276800xi32, #tpu.memory_space<hbm>> -> memref<12800xi32, #tpu.memory_space<hbm>>
      tpu.enqueue_dma source(%dma_start3A_306 : memref<12800xi32, #tpu.memory_space<hbm>>) target(%arg11 : memref<12800xi32, #tpu.memory_space<vmem>>) target_semaphore(%run_scoped3A : memref<!tpu.dma_semaphore, #tpu.memory_space<semaphore_mem>>)
      %dma_wait3A_307 = tpu.memref_slice %arg5[%mul3A_18] : memref<3276800xi32, #tpu.memory_space<hbm>> -> memref<12800xi32, #tpu.memory_space<hbm>>
      %dma_wait3A_308 = tpu.memref_slice %arg5[%mul3A_18] : memref<3276800xi32, #tpu.memory_space<hbm>> -> memref<12800xi32, #tpu.memory_space<hbm>>
      tpu.wait_dma2 semaphore(%run_scoped3A : memref<!tpu.dma_semaphore, #tpu.memory_space<semaphore_mem>>) src(%dma_wait3A_308 : memref<12800xi32, #tpu.memory_space<hbm>>) dst(%arg11 : memref<12800xi32, #tpu.memory_space<vmem>>)
      tpu.yield
    }) : () -> ()
    %dma_start3A = arith.constant 0 : i32
    %dma_start3A_19 = tpu.memref_slice %arg2[%dma_start3A] : memref<1000000xf32, #tpu.memory_space<hbm>> -> memref<1000000xf32, #tpu.memory_space<hbm>>
    tpu.enqueue_indirect_dma source(%dma_start3A_19 : memref<1000000xf32, #tpu.memory_space<hbm>>) target(%arg13 : memref<12800xf32, #tpu.memory_space<vmem>>) offsets(%arg9 : memref<12800xi32, #tpu.memory_space<vmem>>) semaphore(%arg22 : memref<!tpu.dma_semaphore, #tpu.memory_space<semaphore_mem>>)
    %dma_start3A_20 = arith.constant 0 : i32
    %dma_start3A_21 = tpu.memref_slice %arg3[%dma_start3A_20] : memref<1000000xf32, #tpu.memory_space<hbm>> -> memref<1000000xf32, #tpu.memory_space<hbm>>
    tpu.enqueue_indirect_dma source(%dma_start3A_21 : memref<1000000xf32, #tpu.memory_space<hbm>>) target(%arg15 : memref<12800xf32, #tpu.memory_space<vmem>>) offsets(%arg11 : memref<12800xi32, #tpu.memory_space<vmem>>) semaphore(%arg24 : memref<!tpu.dma_semaphore, #tpu.memory_space<semaphore_mem>>)
    %mul3A_22 = arith.constant 512 : i32
    %mul3A_23 = arith.muli %add3A, %mul3A_22 : i32
    %add3A_24 = arith.constant 64 : i32
    %add3A_25 = arith.addi %mul3A_23, %add3A_24 : i32
    %mul3A_26 = arith.constant 200 : i32
    %mul3A_27 = arith.muli %add3A_25, %mul3A_26 : i32
    "tpu.region"() ({
      %run_scoped3A = tpu.sem_alloc : memref<!tpu.dma_semaphore, #tpu.memory_space<semaphore_mem>>
      %dma_start3A_305 = tpu.memref_slice %arg4[%mul3A_27] : memref<3276800xi32, #tpu.memory_space<hbm>> -> memref<12800xi32, #tpu.memory_space<hbm>>
      %dma_start3A_306 = tpu.memref_slice %arg4[%mul3A_27] : memref<3276800xi32, #tpu.memory_space<hbm>> -> memref<12800xi32, #tpu.memory_space<hbm>>
      tpu.enqueue_dma source(%dma_start3A_306 : memref<12800xi32, #tpu.memory_space<hbm>>) target(%arg10 : memref<12800xi32, #tpu.memory_space<vmem>>) target_semaphore(%run_scoped3A : memref<!tpu.dma_semaphore, #tpu.memory_space<semaphore_mem>>)
      %dma_wait3A_307 = tpu.memref_slice %arg4[%mul3A_27] : memref<3276800xi32, #tpu.memory_space<hbm>> -> memref<12800xi32, #tpu.memory_space<hbm>>
      %dma_wait3A_308 = tpu.memref_slice %arg4[%mul3A_27] : memref<3276800xi32, #tpu.memory_space<hbm>> -> memref<12800xi32, #tpu.memory_space<hbm>>
      tpu.wait_dma2 semaphore(%run_scoped3A : memref<!tpu.dma_semaphore, #tpu.memory_space<semaphore_mem>>) src(%dma_wait3A_308 : memref<12800xi32, #tpu.memory_space<hbm>>) dst(%arg10 : memref<12800xi32, #tpu.memory_space<vmem>>)
      tpu.yield
    }) : () -> ()
    %mul3A_28 = arith.constant 200 : i32
    %mul3A_29 = arith.muli %add3A_25, %mul3A_28 : i32
    "tpu.region"() ({
      %run_scoped3A = tpu.sem_alloc : memref<!tpu.dma_semaphore, #tpu.memory_space<semaphore_mem>>
      %dma_start3A_305 = tpu.memref_slice %arg5[%mul3A_29] : memref<3276800xi32, #tpu.memory_space<hbm>> -> memref<12800xi32, #tpu.memory_space<hbm>>
      %dma_start3A_306 = tpu.memref_slice %arg5[%mul3A_29] : memref<3276800xi32, #tpu.memory_space<hbm>> -> memref<12800xi32, #tpu.memory_space<hbm>>
      tpu.enqueue_dma source(%dma_start3A_306 : memref<12800xi32, #tpu.memory_space<hbm>>) target(%arg12 : memref<12800xi32, #tpu.memory_space<vmem>>) target_semaphore(%run_scoped3A : memref<!tpu.dma_semaphore, #tpu.memory_space<semaphore_mem>>)
      %dma_wait3A_307 = tpu.memref_slice %arg5[%mul3A_29] : memref<3276800xi32, #tpu.memory_space<hbm>> -> memref<12800xi32, #tpu.memory_space<hbm>>
      %dma_wait3A_308 = tpu.memref_slice %arg5[%mul3A_29] : memref<3276800xi32, #tpu.memory_space<hbm>> -> memref<12800xi32, #tpu.memory_space<hbm>>
      tpu.wait_dma2 semaphore(%run_scoped3A : memref<!tpu.dma_semaphore, #tpu.memory_space<semaphore_mem>>) src(%dma_wait3A_308 : memref<12800xi32, #tpu.memory_space<hbm>>) dst(%arg12 : memref<12800xi32, #tpu.memory_space<vmem>>)
      tpu.yield
    }) : () -> ()
    %dma_start3A_30 = arith.constant 0 : i32
    %dma_start3A_31 = tpu.memref_slice %arg2[%dma_start3A_30] : memref<1000000xf32, #tpu.memory_space<hbm>> -> memref<1000000xf32, #tpu.memory_space<hbm>>
    tpu.enqueue_indirect_dma source(%dma_start3A_31 : memref<1000000xf32, #tpu.memory_space<hbm>>) target(%arg14 : memref<12800xf32, #tpu.memory_space<vmem>>) offsets(%arg10 : memref<12800xi32, #tpu.memory_space<vmem>>) semaphore(%arg23 : memref<!tpu.dma_semaphore, #tpu.memory_space<semaphore_mem>>)
    %dma_start3A_32 = arith.constant 0 : i32
    %dma_start3A_33 = tpu.memref_slice %arg3[%dma_start3A_32] : memref<1000000xf32, #tpu.memory_space<hbm>> -> memref<1000000xf32, #tpu.memory_space<hbm>>
    tpu.enqueue_indirect_dma source(%dma_start3A_33 : memref<1000000xf32, #tpu.memory_space<hbm>>) target(%arg16 : memref<12800xf32, #tpu.memory_space<vmem>>) offsets(%arg12 : memref<12800xi32, #tpu.memory_space<vmem>>) semaphore(%arg25 : memref<!tpu.dma_semaphore, #tpu.memory_space<semaphore_mem>>)
    %dma_wait3A = arith.constant 0 : i32
    %dma_wait3A_34 = tpu.memref_slice %arg2[%dma_wait3A] : memref<1000000xf32, #tpu.memory_space<hbm>> -> memref<1000000xf32, #tpu.memory_space<hbm>>
    tpu.wait_indirect_dma semaphore(%arg22 : memref<!tpu.dma_semaphore, #tpu.memory_space<semaphore_mem>>) src(%dma_wait3A_34 : memref<1000000xf32, #tpu.memory_space<hbm>>) dst(%arg13 : memref<12800xf32, #tpu.memory_space<vmem>>)
    %dma_wait3A_35 = arith.constant 0 : i32
    %dma_wait3A_36 = tpu.memref_slice %arg3[%dma_wait3A_35] : memref<1000000xf32, #tpu.memory_space<hbm>> -> memref<1000000xf32, #tpu.memory_space<hbm>>
    tpu.wait_indirect_dma semaphore(%arg24 : memref<!tpu.dma_semaphore, #tpu.memory_space<semaphore_mem>>) src(%dma_wait3A_36 : memref<1000000xf32, #tpu.memory_space<hbm>>) dst(%arg15 : memref<12800xf32, #tpu.memory_space<vmem>>)
    %mul3A_37 = arith.constant 512 : i32
    %mul3A_38 = arith.muli %add3A, %mul3A_37 : i32
    %add3A_39 = arith.constant 0 : i32
    %add3A_40 = arith.addi %mul3A_38, %add3A_39 : i32
    %scan3A_41 = arith.constant 0 : i32
    %scan3A_42 = arith.constant 0 : i32
    %scan3A_43 = arith.constant 32 : i32
    %scan3A_44 = arith.addi %scan3A_42, %scan3A_43 : i32
    %scan3A_45 = arith.constant 1 : i32
    %scan3A_46 = scf.for %scan3A_305 = %scan3A_42 to %scan3A_44 step %scan3A_45 iter_args(%scan3A_306 = %scan3A_41) -> (i32)  : i32 {
      %mul3A_307 = arith.constant 400 : i32
      %mul3A_308 = arith.muli %scan3A_305, %mul3A_307 : i32
      %add3A_309 = arith.constant 192 : i32
      %add3A_310 = arith.addi %mul3A_308, %add3A_309 : i32
      %get3A_311 = arith.index_cast %add3A_310 : i32 to index
      %get3A_312 = tpu.vector_load %arg13[%get3A_311] {strides = array<i32>} : memref<12800xf32, #tpu.memory_space<vmem>>, vector<16xf32>,
      %get3A_313 = vector.shape_cast %get3A_312 : vector<16xf32> to vector<16xf32>
      %jit3A = arith.constant 0.000000e+00 : f32
      %broadcast_in_dim3A = vector.broadcast %jit3A : f32 to vector<16xf32>
      %select_n3A = arith.select %lt3A_4, %get3A_313, %broadcast_in_dim3A : vector<16xi1>, vector<16xf32>
      %scan3A_314 = arith.constant 0 : i32
      %scan3A_315 = arith.constant 12 : i32
      %scan3A_316 = arith.addi %scan3A_314, %scan3A_315 : i32
      %scan3A_317 = arith.constant 4 : i32
      %scan3A_318 = scf.for %scan3A_370 = %scan3A_314 to %scan3A_316 step %scan3A_317 iter_args(%scan3A_371 = %select_n3A) -> (vector<16xf32>)  : i32 {
        %mul3A_372 = arith.constant 16 : i32
        %mul3A_373 = arith.muli %scan3A_370, %mul3A_372 : i32
        %add3A_374 = arith.addi %mul3A_308, %mul3A_373 : i32
        %get3A_375 = arith.index_cast %add3A_374 : i32 to index
        %get3A_376 = tpu.vector_load %arg13[%get3A_375] {strides = array<i32>} : memref<12800xf32, #tpu.memory_space<vmem>>, vector<16xf32>,
        %get3A_377 = vector.shape_cast %get3A_376 : vector<16xf32> to vector<16xf32>
        %add3A_378 = arith.addf %scan3A_371, %get3A_377 : vector<16xf32>
        %scan3A_379 = arith.constant 1 : i32
        %scan3A_380 = arith.addi %scan3A_370, %scan3A_379 : i32
        %mul3A_381 = arith.constant 16 : i32
        %mul3A_382 = arith.muli %scan3A_380, %mul3A_381 : i32
        %add3A_383 = arith.addi %mul3A_308, %mul3A_382 : i32
        %get3A_384 = arith.index_cast %add3A_383 : i32 to index
        %get3A_385 = tpu.vector_load %arg13[%get3A_384] {strides = array<i32>} : memref<12800xf32, #tpu.memory_space<vmem>>, vector<16xf32>,
        %get3A_386 = vector.shape_cast %get3A_385 : vector<16xf32> to vector<16xf32>
        %add3A_387 = arith.addf %add3A_378, %get3A_386 : vector<16xf32>
        %scan3A_388 = arith.constant 2 : i32
        %scan3A_389 = arith.addi %scan3A_370, %scan3A_388 : i32
        %mul3A_390 = arith.constant 16 : i32
        %mul3A_391 = arith.muli %scan3A_389, %mul3A_390 : i32
        %add3A_392 = arith.addi %mul3A_308, %mul3A_391 : i32
        %get3A_393 = arith.index_cast %add3A_392 : i32 to index
        %get3A_394 = tpu.vector_load %arg13[%get3A_393] {strides = array<i32>} : memref<12800xf32, #tpu.memory_space<vmem>>, vector<16xf32>,
        %get3A_395 = vector.shape_cast %get3A_394 : vector<16xf32> to vector<16xf32>
        %add3A_396 = arith.addf %add3A_387, %get3A_395 : vector<16xf32>
        %scan3A_397 = arith.constant 3 : i32
        %scan3A_398 = arith.addi %scan3A_370, %scan3A_397 : i32
        %mul3A_399 = arith.constant 16 : i32
        %mul3A_400 = arith.muli %scan3A_398, %mul3A_399 : i32
        %add3A_401 = arith.addi %mul3A_308, %mul3A_400 : i32
        %get3A_402 = arith.index_cast %add3A_401 : i32 to index
        %get3A_403 = tpu.vector_load %arg13[%get3A_402] {strides = array<i32>} : memref<12800xf32, #tpu.memory_space<vmem>>, vector<16xf32>,
        %get3A_404 = vector.shape_cast %get3A_403 : vector<16xf32> to vector<16xf32>
        %add3A_405 = arith.addf %add3A_396, %get3A_404 : vector<16xf32>
        scf.yield %add3A_405 : vector<16xf32>
      }
      %scan3A_319 = arith.constant 12 : i32
      %jit3A_320 = arith.constant 0.000000e+00 : f32
      %broadcast_in_dim3A_321 = vector.broadcast %jit3A_320 : f32 to vector<16xf32>
      %select_n3A_322 = arith.select %lt3A_4, %broadcast_in_dim3A_321, %get3A_313 : vector<16xi1>, vector<16xf32>
      %scan3A_323 = arith.constant 13 : i32
      %scan3A_324 = arith.constant 12 : i32
      %scan3A_325 = arith.addi %scan3A_323, %scan3A_324 : i32
      %scan3A_326 = arith.constant 4 : i32
      %scan3A_327 = scf.for %scan3A_370 = %scan3A_323 to %scan3A_325 step %scan3A_326 iter_args(%scan3A_371 = %select_n3A_322) -> (vector<16xf32>)  : i32 {
        %mul3A_372 = arith.constant 16 : i32
        %mul3A_373 = arith.muli %scan3A_370, %mul3A_372 : i32
        %add3A_374 = arith.addi %mul3A_308, %mul3A_373 : i32
        %get3A_375 = arith.index_cast %add3A_374 : i32 to index
        %get3A_376 = tpu.vector_load %arg13[%get3A_375] {strides = array<i32>} : memref<12800xf32, #tpu.memory_space<vmem>>, vector<16xf32>,
        %get3A_377 = vector.shape_cast %get3A_376 : vector<16xf32> to vector<16xf32>
        %add3A_378 = arith.addf %scan3A_371, %get3A_377 : vector<16xf32>
        %scan3A_379 = arith.constant 1 : i32
        %scan3A_380 = arith.addi %scan3A_370, %scan3A_379 : i32
        %mul3A_381 = arith.constant 16 : i32
        %mul3A_382 = arith.muli %scan3A_380, %mul3A_381 : i32
        %add3A_383 = arith.addi %mul3A_308, %mul3A_382 : i32
        %get3A_384 = arith.index_cast %add3A_383 : i32 to index
        %get3A_385 = tpu.vector_load %arg13[%get3A_384] {strides = array<i32>} : memref<12800xf32, #tpu.memory_space<vmem>>, vector<16xf32>,
        %get3A_386 = vector.shape_cast %get3A_385 : vector<16xf32> to vector<16xf32>
        %add3A_387 = arith.addf %add3A_378, %get3A_386 : vector<16xf32>
        %scan3A_388 = arith.constant 2 : i32
        %scan3A_389 = arith.addi %scan3A_370, %scan3A_388 : i32
        %mul3A_390 = arith.constant 16 : i32
        %mul3A_391 = arith.muli %scan3A_389, %mul3A_390 : i32
        %add3A_392 = arith.addi %mul3A_308, %mul3A_391 : i32
        %get3A_393 = arith.index_cast %add3A_392 : i32 to index
        %get3A_394 = tpu.vector_load %arg13[%get3A_393] {strides = array<i32>} : memref<12800xf32, #tpu.memory_space<vmem>>, vector<16xf32>,
        %get3A_395 = vector.shape_cast %get3A_394 : vector<16xf32> to vector<16xf32>
        %add3A_396 = arith.addf %add3A_387, %get3A_395 : vector<16xf32>
        %scan3A_397 = arith.constant 3 : i32
        %scan3A_398 = arith.addi %scan3A_370, %scan3A_397 : i32
        %mul3A_399 = arith.constant 16 : i32
        %mul3A_400 = arith.muli %scan3A_398, %mul3A_399 : i32
        %add3A_401 = arith.addi %mul3A_308, %mul3A_400 : i32
        %get3A_402 = arith.index_cast %add3A_401 : i32 to index
        %get3A_403 = tpu.vector_load %arg13[%get3A_402] {strides = array<i32>} : memref<12800xf32, #tpu.memory_space<vmem>>, vector<16xf32>,
        %get3A_404 = vector.shape_cast %get3A_403 : vector<16xf32> to vector<16xf32>
        %add3A_405 = arith.addf %add3A_396, %get3A_404 : vector<16xf32>
        scf.yield %add3A_405 : vector<16xf32>
      }
      %scan3A_328 = arith.constant 12 : i32
      %mul3A_329 = arith.constant 400 : i32
      %mul3A_330 = arith.muli %scan3A_305, %mul3A_329 : i32
      %add3A_331 = arith.constant 192 : i32
      %add3A_332 = arith.addi %mul3A_330, %add3A_331 : i32
      %get3A_333 = arith.index_cast %add3A_332 : i32 to index
      %get3A_334 = tpu.vector_load %arg15[%get3A_333] {strides = array<i32>} : memref<12800xf32, #tpu.memory_space<vmem>>, vector<16xf32>,
      %get3A_335 = vector.shape_cast %get3A_334 : vector<16xf32> to vector<16xf32>
      %jit3A_336 = arith.constant 0.000000e+00 : f32
      %broadcast_in_dim3A_337 = vector.broadcast %jit3A_336 : f32 to vector<16xf32>
      %select_n3A_338 = arith.select %lt3A_4, %get3A_335, %broadcast_in_dim3A_337 : vector<16xi1>, vector<16xf32>
      %scan3A_339 = arith.constant 0 : i32
      %scan3A_340 = arith.constant 12 : i32
      %scan3A_341 = arith.addi %scan3A_339, %scan3A_340 : i32
      %scan3A_342 = arith.constant 4 : i32
      %scan3A_343 = scf.for %scan3A_370 = %scan3A_339 to %scan3A_341 step %scan3A_342 iter_args(%scan3A_371 = %select_n3A_338) -> (vector<16xf32>)  : i32 {
        %mul3A_372 = arith.constant 16 : i32
        %mul3A_373 = arith.muli %scan3A_370, %mul3A_372 : i32
        %add3A_374 = arith.addi %mul3A_330, %mul3A_373 : i32
        %get3A_375 = arith.index_cast %add3A_374 : i32 to index
        %get3A_376 = tpu.vector_load %arg15[%get3A_375] {strides = array<i32>} : memref<12800xf32, #tpu.memory_space<vmem>>, vector<16xf32>,
        %get3A_377 = vector.shape_cast %get3A_376 : vector<16xf32> to vector<16xf32>
        %add3A_378 = arith.addf %scan3A_371, %get3A_377 : vector<16xf32>
        %scan3A_379 = arith.constant 1 : i32
        %scan3A_380 = arith.addi %scan3A_370, %scan3A_379 : i32
        %mul3A_381 = arith.constant 16 : i32
        %mul3A_382 = arith.muli %scan3A_380, %mul3A_381 : i32
        %add3A_383 = arith.addi %mul3A_330, %mul3A_382 : i32
        %get3A_384 = arith.index_cast %add3A_383 : i32 to index
        %get3A_385 = tpu.vector_load %arg15[%get3A_384] {strides = array<i32>} : memref<12800xf32, #tpu.memory_space<vmem>>, vector<16xf32>,
        %get3A_386 = vector.shape_cast %get3A_385 : vector<16xf32> to vector<16xf32>
        %add3A_387 = arith.addf %add3A_378, %get3A_386 : vector<16xf32>
        %scan3A_388 = arith.constant 2 : i32
        %scan3A_389 = arith.addi %scan3A_370, %scan3A_388 : i32
        %mul3A_390 = arith.constant 16 : i32
        %mul3A_391 = arith.muli %scan3A_389, %mul3A_390 : i32
        %add3A_392 = arith.addi %mul3A_330, %mul3A_391 : i32
        %get3A_393 = arith.index_cast %add3A_392 : i32 to index
        %get3A_394 = tpu.vector_load %arg15[%get3A_393] {strides = array<i32>} : memref<12800xf32, #tpu.memory_space<vmem>>, vector<16xf32>,
        %get3A_395 = vector.shape_cast %get3A_394 : vector<16xf32> to vector<16xf32>
        %add3A_396 = arith.addf %add3A_387, %get3A_395 : vector<16xf32>
        %scan3A_397 = arith.constant 3 : i32
        %scan3A_398 = arith.addi %scan3A_370, %scan3A_397 : i32
        %mul3A_399 = arith.constant 16 : i32
        %mul3A_400 = arith.muli %scan3A_398, %mul3A_399 : i32
        %add3A_401 = arith.addi %mul3A_330, %mul3A_400 : i32
        %get3A_402 = arith.index_cast %add3A_401 : i32 to index
        %get3A_403 = tpu.vector_load %arg15[%get3A_402] {strides = array<i32>} : memref<12800xf32, #tpu.memory_space<vmem>>, vector<16xf32>,
        %get3A_404 = vector.shape_cast %get3A_403 : vector<16xf32> to vector<16xf32>
        %add3A_405 = arith.addf %add3A_396, %get3A_404 : vector<16xf32>
        scf.yield %add3A_405 : vector<16xf32>
      }
      %scan3A_344 = arith.constant 12 : i32
      %jit3A_345 = arith.constant 0.000000e+00 : f32
      %broadcast_in_dim3A_346 = vector.broadcast %jit3A_345 : f32 to vector<16xf32>
      %select_n3A_347 = arith.select %lt3A_4, %broadcast_in_dim3A_346, %get3A_335 : vector<16xi1>, vector<16xf32>
      %scan3A_348 = arith.constant 13 : i32
      %scan3A_349 = arith.constant 12 : i32
      %scan3A_350 = arith.addi %scan3A_348, %scan3A_349 : i32
      %scan3A_351 = arith.constant 4 : i32
      %scan3A_352 = scf.for %scan3A_370 = %scan3A_348 to %scan3A_350 step %scan3A_351 iter_args(%scan3A_371 = %select_n3A_347) -> (vector<16xf32>)  : i32 {
        %mul3A_372 = arith.constant 16 : i32
        %mul3A_373 = arith.muli %scan3A_370, %mul3A_372 : i32
        %add3A_374 = arith.addi %mul3A_330, %mul3A_373 : i32
        %get3A_375 = arith.index_cast %add3A_374 : i32 to index
        %get3A_376 = tpu.vector_load %arg15[%get3A_375] {strides = array<i32>} : memref<12800xf32, #tpu.memory_space<vmem>>, vector<16xf32>,
        %get3A_377 = vector.shape_cast %get3A_376 : vector<16xf32> to vector<16xf32>
        %add3A_378 = arith.addf %scan3A_371, %get3A_377 : vector<16xf32>
        %scan3A_379 = arith.constant 1 : i32
        %scan3A_380 = arith.addi %scan3A_370, %scan3A_379 : i32
        %mul3A_381 = arith.constant 16 : i32
        %mul3A_382 = arith.muli %scan3A_380, %mul3A_381 : i32
        %add3A_383 = arith.addi %mul3A_330, %mul3A_382 : i32
        %get3A_384 = arith.index_cast %add3A_383 : i32 to index
        %get3A_385 = tpu.vector_load %arg15[%get3A_384] {strides = array<i32>} : memref<12800xf32, #tpu.memory_space<vmem>>, vector<16xf32>,
        %get3A_386 = vector.shape_cast %get3A_385 : vector<16xf32> to vector<16xf32>
        %add3A_387 = arith.addf %add3A_378, %get3A_386 : vector<16xf32>
        %scan3A_388 = arith.constant 2 : i32
        %scan3A_389 = arith.addi %scan3A_370, %scan3A_388 : i32
        %mul3A_390 = arith.constant 16 : i32
        %mul3A_391 = arith.muli %scan3A_389, %mul3A_390 : i32
        %add3A_392 = arith.addi %mul3A_330, %mul3A_391 : i32
        %get3A_393 = arith.index_cast %add3A_392 : i32 to index
        %get3A_394 = tpu.vector_load %arg15[%get3A_393] {strides = array<i32>} : memref<12800xf32, #tpu.memory_space<vmem>>, vector<16xf32>,
        %get3A_395 = vector.shape_cast %get3A_394 : vector<16xf32> to vector<16xf32>
        %add3A_396 = arith.addf %add3A_387, %get3A_395 : vector<16xf32>
        %scan3A_397 = arith.constant 3 : i32
        %scan3A_398 = arith.addi %scan3A_370, %scan3A_397 : i32
        %mul3A_399 = arith.constant 16 : i32
        %mul3A_400 = arith.muli %scan3A_398, %mul3A_399 : i32
        %add3A_401 = arith.addi %mul3A_330, %mul3A_400 : i32
        %get3A_402 = arith.index_cast %add3A_401 : i32 to index
        %get3A_403 = tpu.vector_load %arg15[%get3A_402] {strides = array<i32>} : memref<12800xf32, #tpu.memory_space<vmem>>, vector<16xf32>,
        %get3A_404 = vector.shape_cast %get3A_403 : vector<16xf32> to vector<16xf32>
        %add3A_405 = arith.addf %add3A_396, %get3A_404 : vector<16xf32>
        scf.yield %add3A_405 : vector<16xf32>
      }
      %scan3A_353 = arith.constant 12 : i32
      %add3A_354 = arith.addf %scan3A_318, %scan3A_343 : vector<16xf32>
      %mul3A_355 = arith.constant 32 : i32
      %mul3A_356 = arith.muli %mul3A_355, %scan3A_305 : i32
      %swap3A = arith.index_cast %mul3A_356 : i32 to index
      %swap3A_357 = tpu.vector_load %arg17[%swap3A] {strides = array<i32>} : memref<1024xf32, #tpu.memory_space<vmem>>, vector<16xf32>,
      %swap3A_358 = vector.shape_cast %swap3A_357 : vector<16xf32> to vector<16xf32>
      %swap3A_359 = vector.shape_cast %add3A_354 : vector<16xf32> to vector<16xf32>
      tpu.vector_store %arg17[%swap3A], %swap3A_359 {strides = array<i32>} : memref<1024xf32, #tpu.memory_space<vmem>>, vector<16xf32>,
      %add3A_360 = arith.addf %scan3A_327, %scan3A_352 : vector<16xf32>
      %mul3A_361 = arith.constant 32 : i32
      %mul3A_362 = arith.muli %mul3A_361, %scan3A_305 : i32
      %add3A_363 = arith.constant 16 : i32
      %add3A_364 = arith.addi %mul3A_362, %add3A_363 : i32
      %swap3A_365 = arith.index_cast %add3A_364 : i32 to index
      %swap3A_366 = tpu.vector_load %arg17[%swap3A_365] {strides = array<i32>} : memref<1024xf32, #tpu.memory_space<vmem>>, vector<16xf32>,
      %swap3A_367 = vector.shape_cast %swap3A_366 : vector<16xf32> to vector<16xf32>
      %swap3A_368 = vector.shape_cast %add3A_360 : vector<16xf32> to vector<16xf32>
      tpu.vector_store %arg17[%swap3A_365], %swap3A_368 {strides = array<i32>} : memref<1024xf32, #tpu.memory_space<vmem>>, vector<16xf32>,
      %scan3A_369 = arith.constant 0 : i32
      scf.yield %scan3A_369 : i32
    }
    %scan3A_47 = arith.constant 32 : i32
    %mul3A_48 = arith.constant 1024 : i32
    %mul3A_49 = arith.muli %arg1, %mul3A_48 : i32
    "tpu.region"() ({
      %run_scoped3A = tpu.sem_alloc : memref<!tpu.dma_semaphore, #tpu.memory_space<semaphore_mem>>
      %dma_start3A_305 = tpu.memref_slice %arg21[%mul3A_49] : memref<16384xf32, #tpu.memory_space<vmem_shared>> -> memref<1024xf32, #tpu.memory_space<vmem_shared>>
      %dma_start3A_306 = tpu.memref_slice %arg21[%mul3A_49] : memref<16384xf32, #tpu.memory_space<vmem_shared>> -> memref<1024xf32, #tpu.memory_space<vmem_shared>>
      tpu.enqueue_dma source(%arg17 : memref<1024xf32, #tpu.memory_space<vmem>>) target(%dma_start3A_306 : memref<1024xf32, #tpu.memory_space<vmem_shared>>) target_semaphore(%run_scoped3A : memref<!tpu.dma_semaphore, #tpu.memory_space<semaphore_mem>>)
      %dma_wait3A_307 = tpu.memref_slice %arg21[%mul3A_49] : memref<16384xf32, #tpu.memory_space<vmem_shared>> -> memref<1024xf32, #tpu.memory_space<vmem_shared>>
      %dma_wait3A_308 = tpu.memref_slice %arg21[%mul3A_49] : memref<16384xf32, #tpu.memory_space<vmem_shared>> -> memref<1024xf32, #tpu.memory_space<vmem_shared>>
      tpu.wait_dma2 semaphore(%run_scoped3A : memref<!tpu.dma_semaphore, #tpu.memory_space<semaphore_mem>>) src(%arg17 : memref<1024xf32, #tpu.memory_space<vmem>>) dst(%dma_wait3A_308 : memref<1024xf32, #tpu.memory_space<vmem_shared>>)
      tpu.yield
    }) : () -> ()
    "tpu.region"() ({
      %run_scoped3A = tpu.sem_alloc : memref<!tpu.dma_semaphore, #tpu.memory_space<semaphore_mem>>
      %dma_start3A_305 = arith.constant 0 : i32
      %dma_start3A_306 = tpu.memref_slice %arg21[%dma_start3A_305] : memref<16384xf32, #tpu.memory_space<vmem_shared>> -> memref<16384xf32, #tpu.memory_space<vmem_shared>>
      tpu.enqueue_indirect_dma source(%dma_start3A_306 : memref<16384xf32, #tpu.memory_space<vmem_shared>>) target(%arg18 : memref<1024xf32, #tpu.memory_space<vmem>>) offsets(%arg8 : memref<1024xi32, #tpu.memory_space<vmem>>) semaphore(%run_scoped3A : memref<!tpu.dma_semaphore, #tpu.memory_space<semaphore_mem>>)
      %dma_wait3A_307 = arith.constant 0 : i32
      %dma_wait3A_308 = tpu.memref_slice %arg21[%dma_wait3A_307] : memref<16384xf32, #tpu.memory_space<vmem_shared>> -> memref<16384xf32, #tpu.memory_space<vmem_shared>>
      tpu.wait_indirect_dma semaphore(%run_scoped3A : memref<!tpu.dma_semaphore, #tpu.memory_space<semaphore_mem>>) src(%dma_wait3A_308 : memref<16384xf32, #tpu.memory_space<vmem_shared>>) dst(%arg18 : memref<1024xf32, #tpu.memory_space<vmem>>)
      tpu.yield
    }) : () -> ()
    %scan3A_50 = arith.constant 5.000000e-03 : f32
    %scan3A_51 = arith.constant 0 : i32
    %scan3A_52 = arith.constant 0 : i32
    %scan3A_53 = arith.constant 4 : i32
    %scan3A_54 = arith.addi %scan3A_52, %scan3A_53 : i32
    %scan3A_55 = arith.constant 1 : i32
    %scan3A_56 = scf.for %scan3A_305 = %scan3A_52 to %scan3A_54 step %scan3A_55 iter_args(%scan3A_306 = %scan3A_51) -> (i32)  : i32 {
      %mul3A_307 = arith.constant 16 : i32
      %mul3A_308 = arith.muli %scan3A_305, %mul3A_307 : i32
      %get3A_309 = arith.index_cast %mul3A_308 : i32 to index
      %get3A_310 = tpu.vector_load %arg18[%get3A_309] {strides = array<i32>} : memref<1024xf32, #tpu.memory_space<vmem>>, vector<16xf32>,
      %get3A_311 = vector.shape_cast %get3A_310 : vector<16xf32> to vector<16xf32>
      %scan3A_312 = arith.constant 1 : i32
      %scan3A_313 = arith.constant 12 : i32
      %scan3A_314 = arith.addi %scan3A_312, %scan3A_313 : i32
      %scan3A_315 = arith.constant 4 : i32
      %scan3A_316 = scf.for %scan3A_360 = %scan3A_312 to %scan3A_314 step %scan3A_315 iter_args(%scan3A_361 = %get3A_311) -> (vector<16xf32>)  : i32 {
        %mul3A_362 = arith.constant 64 : i32
        %mul3A_363 = arith.muli %scan3A_360, %mul3A_362 : i32
        %mul3A_364 = arith.constant 16 : i32
        %mul3A_365 = arith.muli %scan3A_305, %mul3A_364 : i32
        %add3A_366 = arith.addi %mul3A_363, %mul3A_365 : i32
        %get3A_367 = arith.index_cast %add3A_366 : i32 to index
        %get3A_368 = tpu.vector_load %arg18[%get3A_367] {strides = array<i32>} : memref<1024xf32, #tpu.memory_space<vmem>>, vector<16xf32>,
        %get3A_369 = vector.shape_cast %get3A_368 : vector<16xf32> to vector<16xf32>
        %add3A_370 = arith.addf %scan3A_361, %get3A_369 : vector<16xf32>
        %scan3A_371 = arith.constant 1 : i32
        %scan3A_372 = arith.addi %scan3A_360, %scan3A_371 : i32
        %mul3A_373 = arith.constant 64 : i32
        %mul3A_374 = arith.muli %scan3A_372, %mul3A_373 : i32
        %mul3A_375 = arith.constant 16 : i32
        %mul3A_376 = arith.muli %scan3A_305, %mul3A_375 : i32
        %add3A_377 = arith.addi %mul3A_374, %mul3A_376 : i32
        %get3A_378 = arith.index_cast %add3A_377 : i32 to index
        %get3A_379 = tpu.vector_load %arg18[%get3A_378] {strides = array<i32>} : memref<1024xf32, #tpu.memory_space<vmem>>, vector<16xf32>,
        %get3A_380 = vector.shape_cast %get3A_379 : vector<16xf32> to vector<16xf32>
        %add3A_381 = arith.addf %add3A_370, %get3A_380 : vector<16xf32>
        %scan3A_382 = arith.constant 2 : i32
        %scan3A_383 = arith.addi %scan3A_360, %scan3A_382 : i32
        %mul3A_384 = arith.constant 64 : i32
        %mul3A_385 = arith.muli %scan3A_383, %mul3A_384 : i32
        %mul3A_386 = arith.constant 16 : i32
        %mul3A_387 = arith.muli %scan3A_305, %mul3A_386 : i32
        %add3A_388 = arith.addi %mul3A_385, %mul3A_387 : i32
        %get3A_389 = arith.index_cast %add3A_388 : i32 to index
        %get3A_390 = tpu.vector_load %arg18[%get3A_389] {strides = array<i32>} : memref<1024xf32, #tpu.memory_space<vmem>>, vector<16xf32>,
        %get3A_391 = vector.shape_cast %get3A_390 : vector<16xf32> to vector<16xf32>
        %add3A_392 = arith.addf %add3A_381, %get3A_391 : vector<16xf32>
        %scan3A_393 = arith.constant 3 : i32
        %scan3A_394 = arith.addi %scan3A_360, %scan3A_393 : i32
        %mul3A_395 = arith.constant 64 : i32
        %mul3A_396 = arith.muli %scan3A_394, %mul3A_395 : i32
        %mul3A_397 = arith.constant 16 : i32
        %mul3A_398 = arith.muli %scan3A_305, %mul3A_397 : i32
        %add3A_399 = arith.addi %mul3A_396, %mul3A_398 : i32
        %get3A_400 = arith.index_cast %add3A_399 : i32 to index
        %get3A_401 = tpu.vector_load %arg18[%get3A_400] {strides = array<i32>} : memref<1024xf32, #tpu.memory_space<vmem>>, vector<16xf32>,
        %get3A_402 = vector.shape_cast %get3A_401 : vector<16xf32> to vector<16xf32>
        %add3A_403 = arith.addf %add3A_392, %get3A_402 : vector<16xf32>
        scf.yield %add3A_403 : vector<16xf32>
      }
      %scan3A_317 = arith.constant 12 : i32
      %scan3A_318 = arith.addi %scan3A_312, %scan3A_317 : i32
      %mul3A_319 = arith.constant 64 : i32
      %mul3A_320 = arith.muli %scan3A_318, %mul3A_319 : i32
      %mul3A_321 = arith.constant 16 : i32
      %mul3A_322 = arith.muli %scan3A_305, %mul3A_321 : i32
      %add3A_323 = arith.addi %mul3A_320, %mul3A_322 : i32
      %get3A_324 = arith.index_cast %add3A_323 : i32 to index
      %get3A_325 = tpu.vector_load %arg18[%get3A_324] {strides = array<i32>} : memref<1024xf32, #tpu.memory_space<vmem>>, vector<16xf32>,
      %get3A_326 = vector.shape_cast %get3A_325 : vector<16xf32> to vector<16xf32>
      %add3A_327 = arith.addf %scan3A_316, %get3A_326 : vector<16xf32>
      %scan3A_328 = arith.constant 13 : i32
      %scan3A_329 = arith.addi %scan3A_312, %scan3A_328 : i32
      %mul3A_330 = arith.constant 64 : i32
      %mul3A_331 = arith.muli %scan3A_329, %mul3A_330 : i32
      %mul3A_332 = arith.constant 16 : i32
      %mul3A_333 = arith.muli %scan3A_305, %mul3A_332 : i32
      %add3A_334 = arith.addi %mul3A_331, %mul3A_333 : i32
      %get3A_335 = arith.index_cast %add3A_334 : i32 to index
      %get3A_336 = tpu.vector_load %arg18[%get3A_335] {strides = array<i32>} : memref<1024xf32, #tpu.memory_space<vmem>>, vector<16xf32>,
      %get3A_337 = vector.shape_cast %get3A_336 : vector<16xf32> to vector<16xf32>
      %add3A_338 = arith.addf %add3A_327, %get3A_337 : vector<16xf32>
      %scan3A_339 = arith.constant 14 : i32
      %scan3A_340 = arith.addi %scan3A_312, %scan3A_339 : i32
      %mul3A_341 = arith.constant 64 : i32
      %mul3A_342 = arith.muli %scan3A_340, %mul3A_341 : i32
      %mul3A_343 = arith.constant 16 : i32
      %mul3A_344 = arith.muli %scan3A_305, %mul3A_343 : i32
      %add3A_345 = arith.addi %mul3A_342, %mul3A_344 : i32
      %get3A_346 = arith.index_cast %add3A_345 : i32 to index
      %get3A_347 = tpu.vector_load %arg18[%get3A_346] {strides = array<i32>} : memref<1024xf32, #tpu.memory_space<vmem>>, vector<16xf32>,
      %get3A_348 = vector.shape_cast %get3A_347 : vector<16xf32> to vector<16xf32>
      %add3A_349 = arith.addf %add3A_338, %get3A_348 : vector<16xf32>
      %scan3A_350 = arith.constant 15 : i32
      %mul3A_351 = vector.broadcast %scan3A_50 : f32 to vector<16xf32>
      %mul3A_352 = arith.mulf %add3A_349, %mul3A_351 : vector<16xf32>
      %add3A_353 = arith.addf %mul3A_352, %get3A_2 : vector<16xf32>
      %mul3A_354 = arith.constant 16 : i32
      %mul3A_355 = arith.muli %scan3A_305, %mul3A_354 : i32
      %swap3A = arith.index_cast %mul3A_355 : i32 to index
      %swap3A_356 = tpu.vector_load %arg19[%swap3A] {strides = array<i32>} : memref<64xf32, #tpu.memory_space<vmem>>, vector<16xf32>,
      %swap3A_357 = vector.shape_cast %swap3A_356 : vector<16xf32> to vector<16xf32>
      %swap3A_358 = vector.shape_cast %add3A_353 : vector<16xf32> to vector<16xf32>
      tpu.vector_store %arg19[%swap3A], %swap3A_358 {strides = array<i32>} : memref<64xf32, #tpu.memory_space<vmem>>, vector<16xf32>,
      %scan3A_359 = arith.constant 0 : i32
      scf.yield %scan3A_359 : i32
    }
    %scan3A_57 = arith.constant 4 : i32
    "tpu.region"() ({
      %run_scoped3A = tpu.sem_alloc : memref<!tpu.dma_semaphore, #tpu.memory_space<semaphore_mem>>
      %dma_start3A_305 = tpu.memref_slice %arg7[%add3A_40] : memref<16384xf32, #tpu.memory_space<hbm>> -> memref<64xf32, #tpu.memory_space<hbm>>
      %dma_start3A_306 = tpu.memref_slice %arg7[%add3A_40] : memref<16384xf32, #tpu.memory_space<hbm>> -> memref<64xf32, #tpu.memory_space<hbm>>
      tpu.enqueue_dma source(%arg19 : memref<64xf32, #tpu.memory_space<vmem>>) target(%dma_start3A_306 : memref<64xf32, #tpu.memory_space<hbm>>) target_semaphore(%run_scoped3A : memref<!tpu.dma_semaphore, #tpu.memory_space<semaphore_mem>>)
      %dma_wait3A_307 = tpu.memref_slice %arg7[%add3A_40] : memref<16384xf32, #tpu.memory_space<hbm>> -> memref<64xf32, #tpu.memory_space<hbm>>
      %dma_wait3A_308 = tpu.memref_slice %arg7[%add3A_40] : memref<16384xf32, #tpu.memory_space<hbm>> -> memref<64xf32, #tpu.memory_space<hbm>>
      tpu.wait_dma2 semaphore(%run_scoped3A : memref<!tpu.dma_semaphore, #tpu.memory_space<semaphore_mem>>) src(%arg19 : memref<64xf32, #tpu.memory_space<vmem>>) dst(%dma_wait3A_308 : memref<64xf32, #tpu.memory_space<hbm>>)
      tpu.yield
    }) : () -> ()
    %mul3A_58 = arith.constant 512 : i32
    %mul3A_59 = arith.muli %add3A, %mul3A_58 : i32
    %add3A_60 = arith.constant 128 : i32
    %add3A_61 = arith.addi %mul3A_59, %add3A_60 : i32
    %mul3A_62 = arith.constant 200 : i32
    %mul3A_63 = arith.muli %add3A_61, %mul3A_62 : i32
    "tpu.region"() ({
      %run_scoped3A = tpu.sem_alloc : memref<!tpu.dma_semaphore, #tpu.memory_space<semaphore_mem>>
      %dma_start3A_305 = tpu.memref_slice %arg4[%mul3A_63] : memref<3276800xi32, #tpu.memory_space<hbm>> -> memref<12800xi32, #tpu.memory_space<hbm>>
      %dma_start3A_306 = tpu.memref_slice %arg4[%mul3A_63] : memref<3276800xi32, #tpu.memory_space<hbm>> -> memref<12800xi32, #tpu.memory_space<hbm>>
      tpu.enqueue_dma source(%dma_start3A_306 : memref<12800xi32, #tpu.memory_space<hbm>>) target(%arg9 : memref<12800xi32, #tpu.memory_space<vmem>>) target_semaphore(%run_scoped3A : memref<!tpu.dma_semaphore, #tpu.memory_space<semaphore_mem>>)
      %dma_wait3A_307 = tpu.memref_slice %arg4[%mul3A_63] : memref<3276800xi32, #tpu.memory_space<hbm>> -> memref<12800xi32, #tpu.memory_space<hbm>>
      %dma_wait3A_308 = tpu.memref_slice %arg4[%mul3A_63] : memref<3276800xi32, #tpu.memory_space<hbm>> -> memref<12800xi32, #tpu.memory_space<hbm>>
      tpu.wait_dma2 semaphore(%run_scoped3A : memref<!tpu.dma_semaphore, #tpu.memory_space<semaphore_mem>>) src(%dma_wait3A_308 : memref<12800xi32, #tpu.memory_space<hbm>>) dst(%arg9 : memref<12800xi32, #tpu.memory_space<vmem>>)
      tpu.yield
    }) : () -> ()
    %mul3A_64 = arith.constant 200 : i32
    %mul3A_65 = arith.muli %add3A_61, %mul3A_64 : i32
    "tpu.region"() ({
      %run_scoped3A = tpu.sem_alloc : memref<!tpu.dma_semaphore, #tpu.memory_space<semaphore_mem>>
      %dma_start3A_305 = tpu.memref_slice %arg5[%mul3A_65] : memref<3276800xi32, #tpu.memory_space<hbm>> -> memref<12800xi32, #tpu.memory_space<hbm>>
      %dma_start3A_306 = tpu.memref_slice %arg5[%mul3A_65] : memref<3276800xi32, #tpu.memory_space<hbm>> -> memref<12800xi32, #tpu.memory_space<hbm>>
      tpu.enqueue_dma source(%dma_start3A_306 : memref<12800xi32, #tpu.memory_space<hbm>>) target(%arg11 : memref<12800xi32, #tpu.memory_space<vmem>>) target_semaphore(%run_scoped3A : memref<!tpu.dma_semaphore, #tpu.memory_space<semaphore_mem>>)
      %dma_wait3A_307 = tpu.memref_slice %arg5[%mul3A_65] : memref<3276800xi32, #tpu.memory_space<hbm>> -> memref<12800xi32, #tpu.memory_space<hbm>>
      %dma_wait3A_308 = tpu.memref_slice %arg5[%mul3A_65] : memref<3276800xi32, #tpu.memory_space<hbm>> -> memref<12800xi32, #tpu.memory_space<hbm>>
      tpu.wait_dma2 semaphore(%run_scoped3A : memref<!tpu.dma_semaphore, #tpu.memory_space<semaphore_mem>>) src(%dma_wait3A_308 : memref<12800xi32, #tpu.memory_space<hbm>>) dst(%arg11 : memref<12800xi32, #tpu.memory_space<vmem>>)
      tpu.yield
    }) : () -> ()
    %dma_start3A_66 = arith.constant 0 : i32
    %dma_start3A_67 = tpu.memref_slice %arg2[%dma_start3A_66] : memref<1000000xf32, #tpu.memory_space<hbm>> -> memref<1000000xf32, #tpu.memory_space<hbm>>
    tpu.enqueue_indirect_dma source(%dma_start3A_67 : memref<1000000xf32, #tpu.memory_space<hbm>>) target(%arg13 : memref<12800xf32, #tpu.memory_space<vmem>>) offsets(%arg9 : memref<12800xi32, #tpu.memory_space<vmem>>) semaphore(%arg22 : memref<!tpu.dma_semaphore, #tpu.memory_space<semaphore_mem>>)
    %dma_start3A_68 = arith.constant 0 : i32
    %dma_start3A_69 = tpu.memref_slice %arg3[%dma_start3A_68] : memref<1000000xf32, #tpu.memory_space<hbm>> -> memref<1000000xf32, #tpu.memory_space<hbm>>
    tpu.enqueue_indirect_dma source(%dma_start3A_69 : memref<1000000xf32, #tpu.memory_space<hbm>>) target(%arg15 : memref<12800xf32, #tpu.memory_space<vmem>>) offsets(%arg11 : memref<12800xi32, #tpu.memory_space<vmem>>) semaphore(%arg24 : memref<!tpu.dma_semaphore, #tpu.memory_space<semaphore_mem>>)
    %dma_wait3A_70 = arith.constant 0 : i32
    %dma_wait3A_71 = tpu.memref_slice %arg2[%dma_wait3A_70] : memref<1000000xf32, #tpu.memory_space<hbm>> -> memref<1000000xf32, #tpu.memory_space<hbm>>
    tpu.wait_indirect_dma semaphore(%arg23 : memref<!tpu.dma_semaphore, #tpu.memory_space<semaphore_mem>>) src(%dma_wait3A_71 : memref<1000000xf32, #tpu.memory_space<hbm>>) dst(%arg14 : memref<12800xf32, #tpu.memory_space<vmem>>)
    %dma_wait3A_72 = arith.constant 0 : i32
    %dma_wait3A_73 = tpu.memref_slice %arg3[%dma_wait3A_72] : memref<1000000xf32, #tpu.memory_space<hbm>> -> memref<1000000xf32, #tpu.memory_space<hbm>>
    tpu.wait_indirect_dma semaphore(%arg25 : memref<!tpu.dma_semaphore, #tpu.memory_space<semaphore_mem>>) src(%dma_wait3A_73 : memref<1000000xf32, #tpu.memory_space<hbm>>) dst(%arg16 : memref<12800xf32, #tpu.memory_space<vmem>>)
    %mul3A_74 = arith.constant 512 : i32
    %mul3A_75 = arith.muli %add3A, %mul3A_74 : i32
    %add3A_76 = arith.constant 64 : i32
    %add3A_77 = arith.addi %mul3A_75, %add3A_76 : i32
    %scan3A_78 = arith.constant 0 : i32
    %scan3A_79 = arith.constant 0 : i32
    %scan3A_80 = arith.constant 32 : i32
    %scan3A_81 = arith.addi %scan3A_79, %scan3A_80 : i32
    %scan3A_82 = arith.constant 1 : i32
    %scan3A_83 = scf.for %scan3A_305 = %scan3A_79 to %scan3A_81 step %scan3A_82 iter_args(%scan3A_306 = %scan3A_78) -> (i32)  : i32 {
      %mul3A_307 = arith.constant 400 : i32
      %mul3A_308 = arith.muli %scan3A_305, %mul3A_307 : i32
      %add3A_309 = arith.constant 192 : i32
      %add3A_310 = arith.addi %mul3A_308, %add3A_309 : i32
      %get3A_311 = arith.index_cast %add3A_310 : i32 to index
      %get3A_312 = tpu.vector_load %arg14[%get3A_311] {strides = array<i32>} : memref<12800xf32, #tpu.memory_space<vmem>>, vector<16xf32>,
      %get3A_313 = vector.shape_cast %get3A_312 : vector<16xf32> to vector<16xf32>
      %jit3A = arith.constant 0.000000e+00 : f32
      %broadcast_in_dim3A = vector.broadcast %jit3A : f32 to vector<16xf32>
      %select_n3A = arith.select %lt3A_4, %get3A_313, %broadcast_in_dim3A : vector<16xi1>, vector<16xf32>
      %scan3A_314 = arith.constant 0 : i32
      %scan3A_315 = arith.constant 12 : i32
      %scan3A_316 = arith.addi %scan3A_314, %scan3A_315 : i32
      %scan3A_317 = arith.constant 4 : i32
      %scan3A_318 = scf.for %scan3A_370 = %scan3A_314 to %scan3A_316 step %scan3A_317 iter_args(%scan3A_371 = %select_n3A) -> (vector<16xf32>)  : i32 {
        %mul3A_372 = arith.constant 16 : i32
        %mul3A_373 = arith.muli %scan3A_370, %mul3A_372 : i32
        %add3A_374 = arith.addi %mul3A_308, %mul3A_373 : i32
        %get3A_375 = arith.index_cast %add3A_374 : i32 to index
        %get3A_376 = tpu.vector_load %arg14[%get3A_375] {strides = array<i32>} : memref<12800xf32, #tpu.memory_space<vmem>>, vector<16xf32>,
        %get3A_377 = vector.shape_cast %get3A_376 : vector<16xf32> to vector<16xf32>
        %add3A_378 = arith.addf %scan3A_371, %get3A_377 : vector<16xf32>
        %scan3A_379 = arith.constant 1 : i32
        %scan3A_380 = arith.addi %scan3A_370, %scan3A_379 : i32
        %mul3A_381 = arith.constant 16 : i32
        %mul3A_382 = arith.muli %scan3A_380, %mul3A_381 : i32
        %add3A_383 = arith.addi %mul3A_308, %mul3A_382 : i32
        %get3A_384 = arith.index_cast %add3A_383 : i32 to index
        %get3A_385 = tpu.vector_load %arg14[%get3A_384] {strides = array<i32>} : memref<12800xf32, #tpu.memory_space<vmem>>, vector<16xf32>,
        %get3A_386 = vector.shape_cast %get3A_385 : vector<16xf32> to vector<16xf32>
        %add3A_387 = arith.addf %add3A_378, %get3A_386 : vector<16xf32>
        %scan3A_388 = arith.constant 2 : i32
        %scan3A_389 = arith.addi %scan3A_370, %scan3A_388 : i32
        %mul3A_390 = arith.constant 16 : i32
        %mul3A_391 = arith.muli %scan3A_389, %mul3A_390 : i32
        %add3A_392 = arith.addi %mul3A_308, %mul3A_391 : i32
        %get3A_393 = arith.index_cast %add3A_392 : i32 to index
        %get3A_394 = tpu.vector_load %arg14[%get3A_393] {strides = array<i32>} : memref<12800xf32, #tpu.memory_space<vmem>>, vector<16xf32>,
        %get3A_395 = vector.shape_cast %get3A_394 : vector<16xf32> to vector<16xf32>
        %add3A_396 = arith.addf %add3A_387, %get3A_395 : vector<16xf32>
        %scan3A_397 = arith.constant 3 : i32
        %scan3A_398 = arith.addi %scan3A_370, %scan3A_397 : i32
        %mul3A_399 = arith.constant 16 : i32
        %mul3A_400 = arith.muli %scan3A_398, %mul3A_399 : i32
        %add3A_401 = arith.addi %mul3A_308, %mul3A_400 : i32
        %get3A_402 = arith.index_cast %add3A_401 : i32 to index
        %get3A_403 = tpu.vector_load %arg14[%get3A_402] {strides = array<i32>} : memref<12800xf32, #tpu.memory_space<vmem>>, vector<16xf32>,
        %get3A_404 = vector.shape_cast %get3A_403 : vector<16xf32> to vector<16xf32>
        %add3A_405 = arith.addf %add3A_396, %get3A_404 : vector<16xf32>
        scf.yield %add3A_405 : vector<16xf32>
      }
      %scan3A_319 = arith.constant 12 : i32
      %jit3A_320 = arith.constant 0.000000e+00 : f32
      %broadcast_in_dim3A_321 = vector.broadcast %jit3A_320 : f32 to vector<16xf32>
      %select_n3A_322 = arith.select %lt3A_4, %broadcast_in_dim3A_321, %get3A_313 : vector<16xi1>, vector<16xf32>
      %scan3A_323 = arith.constant 13 : i32
      %scan3A_324 = arith.constant 12 : i32
      %scan3A_325 = arith.addi %scan3A_323, %scan3A_324 : i32
      %scan3A_326 = arith.constant 4 : i32
      %scan3A_327 = scf.for %scan3A_370 = %scan3A_323 to %scan3A_325 step %scan3A_326 iter_args(%scan3A_371 = %select_n3A_322) -> (vector<16xf32>)  : i32 {
        %mul3A_372 = arith.constant 16 : i32
        %mul3A_373 = arith.muli %scan3A_370, %mul3A_372 : i32
        %add3A_374 = arith.addi %mul3A_308, %mul3A_373 : i32
        %get3A_375 = arith.index_cast %add3A_374 : i32 to index
        %get3A_376 = tpu.vector_load %arg14[%get3A_375] {strides = array<i32>} : memref<12800xf32, #tpu.memory_space<vmem>>, vector<16xf32>,
        %get3A_377 = vector.shape_cast %get3A_376 : vector<16xf32> to vector<16xf32>
        %add3A_378 = arith.addf %scan3A_371, %get3A_377 : vector<16xf32>
        %scan3A_379 = arith.constant 1 : i32
        %scan3A_380 = arith.addi %scan3A_370, %scan3A_379 : i32
        %mul3A_381 = arith.constant 16 : i32
        %mul3A_382 = arith.muli %scan3A_380, %mul3A_381 : i32
        %add3A_383 = arith.addi %mul3A_308, %mul3A_382 : i32
        %get3A_384 = arith.index_cast %add3A_383 : i32 to index
        %get3A_385 = tpu.vector_load %arg14[%get3A_384] {strides = array<i32>} : memref<12800xf32, #tpu.memory_space<vmem>>, vector<16xf32>,
        %get3A_386 = vector.shape_cast %get3A_385 : vector<16xf32> to vector<16xf32>
        %add3A_387 = arith.addf %add3A_378, %get3A_386 : vector<16xf32>
        %scan3A_388 = arith.constant 2 : i32
        %scan3A_389 = arith.addi %scan3A_370, %scan3A_388 : i32
        %mul3A_390 = arith.constant 16 : i32
        %mul3A_391 = arith.muli %scan3A_389, %mul3A_390 : i32
        %add3A_392 = arith.addi %mul3A_308, %mul3A_391 : i32
        %get3A_393 = arith.index_cast %add3A_392 : i32 to index
        %get3A_394 = tpu.vector_load %arg14[%get3A_393] {strides = array<i32>} : memref<12800xf32, #tpu.memory_space<vmem>>, vector<16xf32>,
        %get3A_395 = vector.shape_cast %get3A_394 : vector<16xf32> to vector<16xf32>
        %add3A_396 = arith.addf %add3A_387, %get3A_395 : vector<16xf32>
        %scan3A_397 = arith.constant 3 : i32
        %scan3A_398 = arith.addi %scan3A_370, %scan3A_397 : i32
        %mul3A_399 = arith.constant 16 : i32
        %mul3A_400 = arith.muli %scan3A_398, %mul3A_399 : i32
        %add3A_401 = arith.addi %mul3A_308, %mul3A_400 : i32
        %get3A_402 = arith.index_cast %add3A_401 : i32 to index
        %get3A_403 = tpu.vector_load %arg14[%get3A_402] {strides = array<i32>} : memref<12800xf32, #tpu.memory_space<vmem>>, vector<16xf32>,
        %get3A_404 = vector.shape_cast %get3A_403 : vector<16xf32> to vector<16xf32>
        %add3A_405 = arith.addf %add3A_396, %get3A_404 : vector<16xf32>
        scf.yield %add3A_405 : vector<16xf32>
      }
      %scan3A_328 = arith.constant 12 : i32
      %mul3A_329 = arith.constant 400 : i32
      %mul3A_330 = arith.muli %scan3A_305, %mul3A_329 : i32
      %add3A_331 = arith.constant 192 : i32
      %add3A_332 = arith.addi %mul3A_330, %add3A_331 : i32
      %get3A_333 = arith.index_cast %add3A_332 : i32 to index
      %get3A_334 = tpu.vector_load %arg16[%get3A_333] {strides = array<i32>} : memref<12800xf32, #tpu.memory_space<vmem>>, vector<16xf32>,
      %get3A_335 = vector.shape_cast %get3A_334 : vector<16xf32> to vector<16xf32>
      %jit3A_336 = arith.constant 0.000000e+00 : f32
      %broadcast_in_dim3A_337 = vector.broadcast %jit3A_336 : f32 to vector<16xf32>
      %select_n3A_338 = arith.select %lt3A_4, %get3A_335, %broadcast_in_dim3A_337 : vector<16xi1>, vector<16xf32>
      %scan3A_339 = arith.constant 0 : i32
      %scan3A_340 = arith.constant 12 : i32
      %scan3A_341 = arith.addi %scan3A_339, %scan3A_340 : i32
      %scan3A_342 = arith.constant 4 : i32
      %scan3A_343 = scf.for %scan3A_370 = %scan3A_339 to %scan3A_341 step %scan3A_342 iter_args(%scan3A_371 = %select_n3A_338) -> (vector<16xf32>)  : i32 {
        %mul3A_372 = arith.constant 16 : i32
        %mul3A_373 = arith.muli %scan3A_370, %mul3A_372 : i32
        %add3A_374 = arith.addi %mul3A_330, %mul3A_373 : i32
        %get3A_375 = arith.index_cast %add3A_374 : i32 to index
        %get3A_376 = tpu.vector_load %arg16[%get3A_375] {strides = array<i32>} : memref<12800xf32, #tpu.memory_space<vmem>>, vector<16xf32>,
        %get3A_377 = vector.shape_cast %get3A_376 : vector<16xf32> to vector<16xf32>
        %add3A_378 = arith.addf %scan3A_371, %get3A_377 : vector<16xf32>
        %scan3A_379 = arith.constant 1 : i32
        %scan3A_380 = arith.addi %scan3A_370, %scan3A_379 : i32
        %mul3A_381 = arith.constant 16 : i32
        %mul3A_382 = arith.muli %scan3A_380, %mul3A_381 : i32
        %add3A_383 = arith.addi %mul3A_330, %mul3A_382 : i32
        %get3A_384 = arith.index_cast %add3A_383 : i32 to index
        %get3A_385 = tpu.vector_load %arg16[%get3A_384] {strides = array<i32>} : memref<12800xf32, #tpu.memory_space<vmem>>, vector<16xf32>,
        %get3A_386 = vector.shape_cast %get3A_385 : vector<16xf32> to vector<16xf32>
        %add3A_387 = arith.addf %add3A_378, %get3A_386 : vector<16xf32>
        %scan3A_388 = arith.constant 2 : i32
        %scan3A_389 = arith.addi %scan3A_370, %scan3A_388 : i32
        %mul3A_390 = arith.constant 16 : i32
        %mul3A_391 = arith.muli %scan3A_389, %mul3A_390 : i32
        %add3A_392 = arith.addi %mul3A_330, %mul3A_391 : i32
        %get3A_393 = arith.index_cast %add3A_392 : i32 to index
        %get3A_394 = tpu.vector_load %arg16[%get3A_393] {strides = array<i32>} : memref<12800xf32, #tpu.memory_space<vmem>>, vector<16xf32>,
        %get3A_395 = vector.shape_cast %get3A_394 : vector<16xf32> to vector<16xf32>
        %add3A_396 = arith.addf %add3A_387, %get3A_395 : vector<16xf32>
        %scan3A_397 = arith.constant 3 : i32
        %scan3A_398 = arith.addi %scan3A_370, %scan3A_397 : i32
        %mul3A_399 = arith.constant 16 : i32
        %mul3A_400 = arith.muli %scan3A_398, %mul3A_399 : i32
        %add3A_401 = arith.addi %mul3A_330, %mul3A_400 : i32
        %get3A_402 = arith.index_cast %add3A_401 : i32 to index
        %get3A_403 = tpu.vector_load %arg16[%get3A_402] {strides = array<i32>} : memref<12800xf32, #tpu.memory_space<vmem>>, vector<16xf32>,
        %get3A_404 = vector.shape_cast %get3A_403 : vector<16xf32> to vector<16xf32>
        %add3A_405 = arith.addf %add3A_396, %get3A_404 : vector<16xf32>
        scf.yield %add3A_405 : vector<16xf32>
      }
      %scan3A_344 = arith.constant 12 : i32
      %jit3A_345 = arith.constant 0.000000e+00 : f32
      %broadcast_in_dim3A_346 = vector.broadcast %jit3A_345 : f32 to vector<16xf32>
      %select_n3A_347 = arith.select %lt3A_4, %broadcast_in_dim3A_346, %get3A_335 : vector<16xi1>, vector<16xf32>
      %scan3A_348 = arith.constant 13 : i32
      %scan3A_349 = arith.constant 12 : i32
      %scan3A_350 = arith.addi %scan3A_348, %scan3A_349 : i32
      %scan3A_351 = arith.constant 4 : i32
      %scan3A_352 = scf.for %scan3A_370 = %scan3A_348 to %scan3A_350 step %scan3A_351 iter_args(%scan3A_371 = %select_n3A_347) -> (vector<16xf32>)  : i32 {
        %mul3A_372 = arith.constant 16 : i32
        %mul3A_373 = arith.muli %scan3A_370, %mul3A_372 : i32
        %add3A_374 = arith.addi %mul3A_330, %mul3A_373 : i32
        %get3A_375 = arith.index_cast %add3A_374 : i32 to index
        %get3A_376 = tpu.vector_load %arg16[%get3A_375] {strides = array<i32>} : memref<12800xf32, #tpu.memory_space<vmem>>, vector<16xf32>,
        %get3A_377 = vector.shape_cast %get3A_376 : vector<16xf32> to vector<16xf32>
        %add3A_378 = arith.addf %scan3A_371, %get3A_377 : vector<16xf32>
        %scan3A_379 = arith.constant 1 : i32
        %scan3A_380 = arith.addi %scan3A_370, %scan3A_379 : i32
        %mul3A_381 = arith.constant 16 : i32
        %mul3A_382 = arith.muli %scan3A_380, %mul3A_381 : i32
        %add3A_383 = arith.addi %mul3A_330, %mul3A_382 : i32
        %get3A_384 = arith.index_cast %add3A_383 : i32 to index
        %get3A_385 = tpu.vector_load %arg16[%get3A_384] {strides = array<i32>} : memref<12800xf32, #tpu.memory_space<vmem>>, vector<16xf32>,
        %get3A_386 = vector.shape_cast %get3A_385 : vector<16xf32> to vector<16xf32>
        %add3A_387 = arith.addf %add3A_378, %get3A_386 : vector<16xf32>
        %scan3A_388 = arith.constant 2 : i32
        %scan3A_389 = arith.addi %scan3A_370, %scan3A_388 : i32
        %mul3A_390 = arith.constant 16 : i32
        %mul3A_391 = arith.muli %scan3A_389, %mul3A_390 : i32
        %add3A_392 = arith.addi %mul3A_330, %mul3A_391 : i32
        %get3A_393 = arith.index_cast %add3A_392 : i32 to index
        %get3A_394 = tpu.vector_load %arg16[%get3A_393] {strides = array<i32>} : memref<12800xf32, #tpu.memory_space<vmem>>, vector<16xf32>,
        %get3A_395 = vector.shape_cast %get3A_394 : vector<16xf32> to vector<16xf32>
        %add3A_396 = arith.addf %add3A_387, %get3A_395 : vector<16xf32>
        %scan3A_397 = arith.constant 3 : i32
        %scan3A_398 = arith.addi %scan3A_370, %scan3A_397 : i32
        %mul3A_399 = arith.constant 16 : i32
        %mul3A_400 = arith.muli %scan3A_398, %mul3A_399 : i32
        %add3A_401 = arith.addi %mul3A_330, %mul3A_400 : i32
        %get3A_402 = arith.index_cast %add3A_401 : i32 to index
        %get3A_403 = tpu.vector_load %arg16[%get3A_402] {strides = array<i32>} : memref<12800xf32, #tpu.memory_space<vmem>>, vector<16xf32>,
        %get3A_404 = vector.shape_cast %get3A_403 : vector<16xf32> to vector<16xf32>
        %add3A_405 = arith.addf %add3A_396, %get3A_404 : vector<16xf32>
        scf.yield %add3A_405 : vector<16xf32>
      }
      %scan3A_353 = arith.constant 12 : i32
      %add3A_354 = arith.addf %scan3A_318, %scan3A_343 : vector<16xf32>
      %mul3A_355 = arith.constant 32 : i32
      %mul3A_356 = arith.muli %mul3A_355, %scan3A_305 : i32
      %swap3A = arith.index_cast %mul3A_356 : i32 to index
      %swap3A_357 = tpu.vector_load %arg17[%swap3A] {strides = array<i32>} : memref<1024xf32, #tpu.memory_space<vmem>>, vector<16xf32>,
      %swap3A_358 = vector.shape_cast %swap3A_357 : vector<16xf32> to vector<16xf32>
      %swap3A_359 = vector.shape_cast %add3A_354 : vector<16xf32> to vector<16xf32>
      tpu.vector_store %arg17[%swap3A], %swap3A_359 {strides = array<i32>} : memref<1024xf32, #tpu.memory_space<vmem>>, vector<16xf32>,
      %add3A_360 = arith.addf %scan3A_327, %scan3A_352 : vector<16xf32>
      %mul3A_361 = arith.constant 32 : i32
      %mul3A_362 = arith.muli %mul3A_361, %scan3A_305 : i32
      %add3A_363 = arith.constant 16 : i32
      %add3A_364 = arith.addi %mul3A_362, %add3A_363 : i32
      %swap3A_365 = arith.index_cast %add3A_364 : i32 to index
      %swap3A_366 = tpu.vector_load %arg17[%swap3A_365] {strides = array<i32>} : memref<1024xf32, #tpu.memory_space<vmem>>, vector<16xf32>,
      %swap3A_367 = vector.shape_cast %swap3A_366 : vector<16xf32> to vector<16xf32>
      %swap3A_368 = vector.shape_cast %add3A_360 : vector<16xf32> to vector<16xf32>
      tpu.vector_store %arg17[%swap3A_365], %swap3A_368 {strides = array<i32>} : memref<1024xf32, #tpu.memory_space<vmem>>, vector<16xf32>,
      %scan3A_369 = arith.constant 0 : i32
      scf.yield %scan3A_369 : i32
    }
    %scan3A_84 = arith.constant 32 : i32
    %mul3A_85 = arith.constant 1024 : i32
    %mul3A_86 = arith.muli %arg1, %mul3A_85 : i32
    "tpu.region"() ({
      %run_scoped3A = tpu.sem_alloc : memref<!tpu.dma_semaphore, #tpu.memory_space<semaphore_mem>>
      %dma_start3A_305 = tpu.memref_slice %arg21[%mul3A_86] : memref<16384xf32, #tpu.memory_space<vmem_shared>> -> memref<1024xf32, #tpu.memory_space<vmem_shared>>
      %dma_start3A_306 = tpu.memref_slice %arg21[%mul3A_86] : memref<16384xf32, #tpu.memory_space<vmem_shared>> -> memref<1024xf32, #tpu.memory_space<vmem_shared>>
      tpu.enqueue_dma source(%arg17 : memref<1024xf32, #tpu.memory_space<vmem>>) target(%dma_start3A_306 : memref<1024xf32, #tpu.memory_space<vmem_shared>>) target_semaphore(%run_scoped3A : memref<!tpu.dma_semaphore, #tpu.memory_space<semaphore_mem>>)
      %dma_wait3A_307 = tpu.memref_slice %arg21[%mul3A_86] : memref<16384xf32, #tpu.memory_space<vmem_shared>> -> memref<1024xf32, #tpu.memory_space<vmem_shared>>
      %dma_wait3A_308 = tpu.memref_slice %arg21[%mul3A_86] : memref<16384xf32, #tpu.memory_space<vmem_shared>> -> memref<1024xf32, #tpu.memory_space<vmem_shared>>
      tpu.wait_dma2 semaphore(%run_scoped3A : memref<!tpu.dma_semaphore, #tpu.memory_space<semaphore_mem>>) src(%arg17 : memref<1024xf32, #tpu.memory_space<vmem>>) dst(%dma_wait3A_308 : memref<1024xf32, #tpu.memory_space<vmem_shared>>)
      tpu.yield
    }) : () -> ()
    "tpu.region"() ({
      %run_scoped3A = tpu.sem_alloc : memref<!tpu.dma_semaphore, #tpu.memory_space<semaphore_mem>>
      %dma_start3A_305 = arith.constant 0 : i32
      %dma_start3A_306 = tpu.memref_slice %arg21[%dma_start3A_305] : memref<16384xf32, #tpu.memory_space<vmem_shared>> -> memref<16384xf32, #tpu.memory_space<vmem_shared>>
      tpu.enqueue_indirect_dma source(%dma_start3A_306 : memref<16384xf32, #tpu.memory_space<vmem_shared>>) target(%arg18 : memref<1024xf32, #tpu.memory_space<vmem>>) offsets(%arg8 : memref<1024xi32, #tpu.memory_space<vmem>>) semaphore(%run_scoped3A : memref<!tpu.dma_semaphore, #tpu.memory_space<semaphore_mem>>)
      %dma_wait3A_307 = arith.constant 0 : i32
      %dma_wait3A_308 = tpu.memref_slice %arg21[%dma_wait3A_307] : memref<16384xf32, #tpu.memory_space<vmem_shared>> -> memref<16384xf32, #tpu.memory_space<vmem_shared>>
      tpu.wait_indirect_dma semaphore(%run_scoped3A : memref<!tpu.dma_semaphore, #tpu.memory_space<semaphore_mem>>) src(%dma_wait3A_308 : memref<16384xf32, #tpu.memory_space<vmem_shared>>) dst(%arg18 : memref<1024xf32, #tpu.memory_space<vmem>>)
      tpu.yield
    }) : () -> ()
    %scan3A_87 = arith.constant 5.000000e-03 : f32
    %scan3A_88 = arith.constant 0 : i32
    %scan3A_89 = arith.constant 0 : i32
    %scan3A_90 = arith.constant 4 : i32
    %scan3A_91 = arith.addi %scan3A_89, %scan3A_90 : i32
    %scan3A_92 = arith.constant 1 : i32
    %scan3A_93 = scf.for %scan3A_305 = %scan3A_89 to %scan3A_91 step %scan3A_92 iter_args(%scan3A_306 = %scan3A_88) -> (i32)  : i32 {
      %mul3A_307 = arith.constant 16 : i32
      %mul3A_308 = arith.muli %scan3A_305, %mul3A_307 : i32
      %get3A_309 = arith.index_cast %mul3A_308 : i32 to index
      %get3A_310 = tpu.vector_load %arg18[%get3A_309] {strides = array<i32>} : memref<1024xf32, #tpu.memory_space<vmem>>, vector<16xf32>,
      %get3A_311 = vector.shape_cast %get3A_310 : vector<16xf32> to vector<16xf32>
      %scan3A_312 = arith.constant 1 : i32
      %scan3A_313 = arith.constant 12 : i32
      %scan3A_314 = arith.addi %scan3A_312, %scan3A_313 : i32
      %scan3A_315 = arith.constant 4 : i32
      %scan3A_316 = scf.for %scan3A_360 = %scan3A_312 to %scan3A_314 step %scan3A_315 iter_args(%scan3A_361 = %get3A_311) -> (vector<16xf32>)  : i32 {
        %mul3A_362 = arith.constant 64 : i32
        %mul3A_363 = arith.muli %scan3A_360, %mul3A_362 : i32
        %mul3A_364 = arith.constant 16 : i32
        %mul3A_365 = arith.muli %scan3A_305, %mul3A_364 : i32
        %add3A_366 = arith.addi %mul3A_363, %mul3A_365 : i32
        %get3A_367 = arith.index_cast %add3A_366 : i32 to index
        %get3A_368 = tpu.vector_load %arg18[%get3A_367] {strides = array<i32>} : memref<1024xf32, #tpu.memory_space<vmem>>, vector<16xf32>,
        %get3A_369 = vector.shape_cast %get3A_368 : vector<16xf32> to vector<16xf32>
        %add3A_370 = arith.addf %scan3A_361, %get3A_369 : vector<16xf32>
        %scan3A_371 = arith.constant 1 : i32
        %scan3A_372 = arith.addi %scan3A_360, %scan3A_371 : i32
        %mul3A_373 = arith.constant 64 : i32
        %mul3A_374 = arith.muli %scan3A_372, %mul3A_373 : i32
        %mul3A_375 = arith.constant 16 : i32
        %mul3A_376 = arith.muli %scan3A_305, %mul3A_375 : i32
        %add3A_377 = arith.addi %mul3A_374, %mul3A_376 : i32
        %get3A_378 = arith.index_cast %add3A_377 : i32 to index
        %get3A_379 = tpu.vector_load %arg18[%get3A_378] {strides = array<i32>} : memref<1024xf32, #tpu.memory_space<vmem>>, vector<16xf32>,
        %get3A_380 = vector.shape_cast %get3A_379 : vector<16xf32> to vector<16xf32>
        %add3A_381 = arith.addf %add3A_370, %get3A_380 : vector<16xf32>
        %scan3A_382 = arith.constant 2 : i32
        %scan3A_383 = arith.addi %scan3A_360, %scan3A_382 : i32
        %mul3A_384 = arith.constant 64 : i32
        %mul3A_385 = arith.muli %scan3A_383, %mul3A_384 : i32
        %mul3A_386 = arith.constant 16 : i32
        %mul3A_387 = arith.muli %scan3A_305, %mul3A_386 : i32
        %add3A_388 = arith.addi %mul3A_385, %mul3A_387 : i32
        %get3A_389 = arith.index_cast %add3A_388 : i32 to index
        %get3A_390 = tpu.vector_load %arg18[%get3A_389] {strides = array<i32>} : memref<1024xf32, #tpu.memory_space<vmem>>, vector<16xf32>,
        %get3A_391 = vector.shape_cast %get3A_390 : vector<16xf32> to vector<16xf32>
        %add3A_392 = arith.addf %add3A_381, %get3A_391 : vector<16xf32>
        %scan3A_393 = arith.constant 3 : i32
        %scan3A_394 = arith.addi %scan3A_360, %scan3A_393 : i32
        %mul3A_395 = arith.constant 64 : i32
        %mul3A_396 = arith.muli %scan3A_394, %mul3A_395 : i32
        %mul3A_397 = arith.constant 16 : i32
        %mul3A_398 = arith.muli %scan3A_305, %mul3A_397 : i32
        %add3A_399 = arith.addi %mul3A_396, %mul3A_398 : i32
        %get3A_400 = arith.index_cast %add3A_399 : i32 to index
        %get3A_401 = tpu.vector_load %arg18[%get3A_400] {strides = array<i32>} : memref<1024xf32, #tpu.memory_space<vmem>>, vector<16xf32>,
        %get3A_402 = vector.shape_cast %get3A_401 : vector<16xf32> to vector<16xf32>
        %add3A_403 = arith.addf %add3A_392, %get3A_402 : vector<16xf32>
        scf.yield %add3A_403 : vector<16xf32>
      }
      %scan3A_317 = arith.constant 12 : i32
      %scan3A_318 = arith.addi %scan3A_312, %scan3A_317 : i32
      %mul3A_319 = arith.constant 64 : i32
      %mul3A_320 = arith.muli %scan3A_318, %mul3A_319 : i32
      %mul3A_321 = arith.constant 16 : i32
      %mul3A_322 = arith.muli %scan3A_305, %mul3A_321 : i32
      %add3A_323 = arith.addi %mul3A_320, %mul3A_322 : i32
      %get3A_324 = arith.index_cast %add3A_323 : i32 to index
      %get3A_325 = tpu.vector_load %arg18[%get3A_324] {strides = array<i32>} : memref<1024xf32, #tpu.memory_space<vmem>>, vector<16xf32>,
      %get3A_326 = vector.shape_cast %get3A_325 : vector<16xf32> to vector<16xf32>
      %add3A_327 = arith.addf %scan3A_316, %get3A_326 : vector<16xf32>
      %scan3A_328 = arith.constant 13 : i32
      %scan3A_329 = arith.addi %scan3A_312, %scan3A_328 : i32
      %mul3A_330 = arith.constant 64 : i32
      %mul3A_331 = arith.muli %scan3A_329, %mul3A_330 : i32
      %mul3A_332 = arith.constant 16 : i32
      %mul3A_333 = arith.muli %scan3A_305, %mul3A_332 : i32
      %add3A_334 = arith.addi %mul3A_331, %mul3A_333 : i32
      %get3A_335 = arith.index_cast %add3A_334 : i32 to index
      %get3A_336 = tpu.vector_load %arg18[%get3A_335] {strides = array<i32>} : memref<1024xf32, #tpu.memory_space<vmem>>, vector<16xf32>,
      %get3A_337 = vector.shape_cast %get3A_336 : vector<16xf32> to vector<16xf32>
      %add3A_338 = arith.addf %add3A_327, %get3A_337 : vector<16xf32>
      %scan3A_339 = arith.constant 14 : i32
      %scan3A_340 = arith.addi %scan3A_312, %scan3A_339 : i32
      %mul3A_341 = arith.constant 64 : i32
      %mul3A_342 = arith.muli %scan3A_340, %mul3A_341 : i32
      %mul3A_343 = arith.constant 16 : i32
      %mul3A_344 = arith.muli %scan3A_305, %mul3A_343 : i32
      %add3A_345 = arith.addi %mul3A_342, %mul3A_344 : i32
      %get3A_346 = arith.index_cast %add3A_345 : i32 to index
      %get3A_347 = tpu.vector_load %arg18[%get3A_346] {strides = array<i32>} : memref<1024xf32, #tpu.memory_space<vmem>>, vector<16xf32>,
      %get3A_348 = vector.shape_cast %get3A_347 : vector<16xf32> to vector<16xf32>
      %add3A_349 = arith.addf %add3A_338, %get3A_348 : vector<16xf32>
      %scan3A_350 = arith.constant 15 : i32
      %mul3A_351 = vector.broadcast %scan3A_87 : f32 to vector<16xf32>
      %mul3A_352 = arith.mulf %add3A_349, %mul3A_351 : vector<16xf32>
      %add3A_353 = arith.addf %mul3A_352, %get3A_2 : vector<16xf32>
      %mul3A_354 = arith.constant 16 : i32
      %mul3A_355 = arith.muli %scan3A_305, %mul3A_354 : i32
      %swap3A = arith.index_cast %mul3A_355 : i32 to index
      %swap3A_356 = tpu.vector_load %arg19[%swap3A] {strides = array<i32>} : memref<64xf32, #tpu.memory_space<vmem>>, vector<16xf32>,
      %swap3A_357 = vector.shape_cast %swap3A_356 : vector<16xf32> to vector<16xf32>
      %swap3A_358 = vector.shape_cast %add3A_353 : vector<16xf32> to vector<16xf32>
      tpu.vector_store %arg19[%swap3A], %swap3A_358 {strides = array<i32>} : memref<64xf32, #tpu.memory_space<vmem>>, vector<16xf32>,
      %scan3A_359 = arith.constant 0 : i32
      scf.yield %scan3A_359 : i32
    }
    %scan3A_94 = arith.constant 4 : i32
    "tpu.region"() ({
      %run_scoped3A = tpu.sem_alloc : memref<!tpu.dma_semaphore, #tpu.memory_space<semaphore_mem>>
      %dma_start3A_305 = tpu.memref_slice %arg7[%add3A_77] : memref<16384xf32, #tpu.memory_space<hbm>> -> memref<64xf32, #tpu.memory_space<hbm>>
      %dma_start3A_306 = tpu.memref_slice %arg7[%add3A_77] : memref<16384xf32, #tpu.memory_space<hbm>> -> memref<64xf32, #tpu.memory_space<hbm>>
      tpu.enqueue_dma source(%arg19 : memref<64xf32, #tpu.memory_space<vmem>>) target(%dma_start3A_306 : memref<64xf32, #tpu.memory_space<hbm>>) target_semaphore(%run_scoped3A : memref<!tpu.dma_semaphore, #tpu.memory_space<semaphore_mem>>)
      %dma_wait3A_307 = tpu.memref_slice %arg7[%add3A_77] : memref<16384xf32, #tpu.memory_space<hbm>> -> memref<64xf32, #tpu.memory_space<hbm>>
      %dma_wait3A_308 = tpu.memref_slice %arg7[%add3A_77] : memref<16384xf32, #tpu.memory_space<hbm>> -> memref<64xf32, #tpu.memory_space<hbm>>
      tpu.wait_dma2 semaphore(%run_scoped3A : memref<!tpu.dma_semaphore, #tpu.memory_space<semaphore_mem>>) src(%arg19 : memref<64xf32, #tpu.memory_space<vmem>>) dst(%dma_wait3A_308 : memref<64xf32, #tpu.memory_space<hbm>>)
      tpu.yield
    }) : () -> ()
    %mul3A_95 = arith.constant 512 : i32
    %mul3A_96 = arith.muli %add3A, %mul3A_95 : i32
    %add3A_97 = arith.constant 192 : i32
    %add3A_98 = arith.addi %mul3A_96, %add3A_97 : i32
    %mul3A_99 = arith.constant 200 : i32
    %mul3A_100 = arith.muli %add3A_98, %mul3A_99 : i32
    "tpu.region"() ({
      %run_scoped3A = tpu.sem_alloc : memref<!tpu.dma_semaphore, #tpu.memory_space<semaphore_mem>>
      %dma_start3A_305 = tpu.memref_slice %arg4[%mul3A_100] : memref<3276800xi32, #tpu.memory_space<hbm>> -> memref<12800xi32, #tpu.memory_space<hbm>>
      %dma_start3A_306 = tpu.memref_slice %arg4[%mul3A_100] : memref<3276800xi32, #tpu.memory_space<hbm>> -> memref<12800xi32, #tpu.memory_space<hbm>>
      tpu.enqueue_dma source(%dma_start3A_306 : memref<12800xi32, #tpu.memory_space<hbm>>) target(%arg10 : memref<12800xi32, #tpu.memory_space<vmem>>) target_semaphore(%run_scoped3A : memref<!tpu.dma_semaphore, #tpu.memory_space<semaphore_mem>>)
      %dma_wait3A_307 = tpu.memref_slice %arg4[%mul3A_100] : memref<3276800xi32, #tpu.memory_space<hbm>> -> memref<12800xi32, #tpu.memory_space<hbm>>
      %dma_wait3A_308 = tpu.memref_slice %arg4[%mul3A_100] : memref<3276800xi32, #tpu.memory_space<hbm>> -> memref<12800xi32, #tpu.memory_space<hbm>>
      tpu.wait_dma2 semaphore(%run_scoped3A : memref<!tpu.dma_semaphore, #tpu.memory_space<semaphore_mem>>) src(%dma_wait3A_308 : memref<12800xi32, #tpu.memory_space<hbm>>) dst(%arg10 : memref<12800xi32, #tpu.memory_space<vmem>>)
      tpu.yield
    }) : () -> ()
    %mul3A_101 = arith.constant 200 : i32
    %mul3A_102 = arith.muli %add3A_98, %mul3A_101 : i32
    "tpu.region"() ({
      %run_scoped3A = tpu.sem_alloc : memref<!tpu.dma_semaphore, #tpu.memory_space<semaphore_mem>>
      %dma_start3A_305 = tpu.memref_slice %arg5[%mul3A_102] : memref<3276800xi32, #tpu.memory_space<hbm>> -> memref<12800xi32, #tpu.memory_space<hbm>>
      %dma_start3A_306 = tpu.memref_slice %arg5[%mul3A_102] : memref<3276800xi32, #tpu.memory_space<hbm>> -> memref<12800xi32, #tpu.memory_space<hbm>>
      tpu.enqueue_dma source(%dma_start3A_306 : memref<12800xi32, #tpu.memory_space<hbm>>) target(%arg12 : memref<12800xi32, #tpu.memory_space<vmem>>) target_semaphore(%run_scoped3A : memref<!tpu.dma_semaphore, #tpu.memory_space<semaphore_mem>>)
      %dma_wait3A_307 = tpu.memref_slice %arg5[%mul3A_102] : memref<3276800xi32, #tpu.memory_space<hbm>> -> memref<12800xi32, #tpu.memory_space<hbm>>
      %dma_wait3A_308 = tpu.memref_slice %arg5[%mul3A_102] : memref<3276800xi32, #tpu.memory_space<hbm>> -> memref<12800xi32, #tpu.memory_space<hbm>>
      tpu.wait_dma2 semaphore(%run_scoped3A : memref<!tpu.dma_semaphore, #tpu.memory_space<semaphore_mem>>) src(%dma_wait3A_308 : memref<12800xi32, #tpu.memory_space<hbm>>) dst(%arg12 : memref<12800xi32, #tpu.memory_space<vmem>>)
      tpu.yield
    }) : () -> ()
    %dma_start3A_103 = arith.constant 0 : i32
    %dma_start3A_104 = tpu.memref_slice %arg2[%dma_start3A_103] : memref<1000000xf32, #tpu.memory_space<hbm>> -> memref<1000000xf32, #tpu.memory_space<hbm>>
    tpu.enqueue_indirect_dma source(%dma_start3A_104 : memref<1000000xf32, #tpu.memory_space<hbm>>) target(%arg14 : memref<12800xf32, #tpu.memory_space<vmem>>) offsets(%arg10 : memref<12800xi32, #tpu.memory_space<vmem>>) semaphore(%arg23 : memref<!tpu.dma_semaphore, #tpu.memory_space<semaphore_mem>>)
    %dma_start3A_105 = arith.constant 0 : i32
    %dma_start3A_106 = tpu.memref_slice %arg3[%dma_start3A_105] : memref<1000000xf32, #tpu.memory_space<hbm>> -> memref<1000000xf32, #tpu.memory_space<hbm>>
    tpu.enqueue_indirect_dma source(%dma_start3A_106 : memref<1000000xf32, #tpu.memory_space<hbm>>) target(%arg16 : memref<12800xf32, #tpu.memory_space<vmem>>) offsets(%arg12 : memref<12800xi32, #tpu.memory_space<vmem>>) semaphore(%arg25 : memref<!tpu.dma_semaphore, #tpu.memory_space<semaphore_mem>>)
    %dma_wait3A_107 = arith.constant 0 : i32
    %dma_wait3A_108 = tpu.memref_slice %arg2[%dma_wait3A_107] : memref<1000000xf32, #tpu.memory_space<hbm>> -> memref<1000000xf32, #tpu.memory_space<hbm>>
    tpu.wait_indirect_dma semaphore(%arg22 : memref<!tpu.dma_semaphore, #tpu.memory_space<semaphore_mem>>) src(%dma_wait3A_108 : memref<1000000xf32, #tpu.memory_space<hbm>>) dst(%arg13 : memref<12800xf32, #tpu.memory_space<vmem>>)
    %dma_wait3A_109 = arith.constant 0 : i32
    %dma_wait3A_110 = tpu.memref_slice %arg3[%dma_wait3A_109] : memref<1000000xf32, #tpu.memory_space<hbm>> -> memref<1000000xf32, #tpu.memory_space<hbm>>
    tpu.wait_indirect_dma semaphore(%arg24 : memref<!tpu.dma_semaphore, #tpu.memory_space<semaphore_mem>>) src(%dma_wait3A_110 : memref<1000000xf32, #tpu.memory_space<hbm>>) dst(%arg15 : memref<12800xf32, #tpu.memory_space<vmem>>)
    %mul3A_111 = arith.constant 512 : i32
    %mul3A_112 = arith.muli %add3A, %mul3A_111 : i32
    %add3A_113 = arith.constant 128 : i32
    %add3A_114 = arith.addi %mul3A_112, %add3A_113 : i32
    %scan3A_115 = arith.constant 0 : i32
    %scan3A_116 = arith.constant 0 : i32
    %scan3A_117 = arith.constant 32 : i32
    %scan3A_118 = arith.addi %scan3A_116, %scan3A_117 : i32
    %scan3A_119 = arith.constant 1 : i32
    %scan3A_120 = scf.for %scan3A_305 = %scan3A_116 to %scan3A_118 step %scan3A_119 iter_args(%scan3A_306 = %scan3A_115) -> (i32)  : i32 {
      %mul3A_307 = arith.constant 400 : i32
      %mul3A_308 = arith.muli %scan3A_305, %mul3A_307 : i32
      %add3A_309 = arith.constant 192 : i32
      %add3A_310 = arith.addi %mul3A_308, %add3A_309 : i32
      %get3A_311 = arith.index_cast %add3A_310 : i32 to index
      %get3A_312 = tpu.vector_load %arg13[%get3A_311] {strides = array<i32>} : memref<12800xf32, #tpu.memory_space<vmem>>, vector<16xf32>,
      %get3A_313 = vector.shape_cast %get3A_312 : vector<16xf32> to vector<16xf32>
      %jit3A = arith.constant 0.000000e+00 : f32
      %broadcast_in_dim3A = vector.broadcast %jit3A : f32 to vector<16xf32>
      %select_n3A = arith.select %lt3A_4, %get3A_313, %broadcast_in_dim3A : vector<16xi1>, vector<16xf32>
      %scan3A_314 = arith.constant 0 : i32
      %scan3A_315 = arith.constant 12 : i32
      %scan3A_316 = arith.addi %scan3A_314, %scan3A_315 : i32
      %scan3A_317 = arith.constant 4 : i32
      %scan3A_318 = scf.for %scan3A_370 = %scan3A_314 to %scan3A_316 step %scan3A_317 iter_args(%scan3A_371 = %select_n3A) -> (vector<16xf32>)  : i32 {
        %mul3A_372 = arith.constant 16 : i32
        %mul3A_373 = arith.muli %scan3A_370, %mul3A_372 : i32
        %add3A_374 = arith.addi %mul3A_308, %mul3A_373 : i32
        %get3A_375 = arith.index_cast %add3A_374 : i32 to index
        %get3A_376 = tpu.vector_load %arg13[%get3A_375] {strides = array<i32>} : memref<12800xf32, #tpu.memory_space<vmem>>, vector<16xf32>,
        %get3A_377 = vector.shape_cast %get3A_376 : vector<16xf32> to vector<16xf32>
        %add3A_378 = arith.addf %scan3A_371, %get3A_377 : vector<16xf32>
        %scan3A_379 = arith.constant 1 : i32
        %scan3A_380 = arith.addi %scan3A_370, %scan3A_379 : i32
        %mul3A_381 = arith.constant 16 : i32
        %mul3A_382 = arith.muli %scan3A_380, %mul3A_381 : i32
        %add3A_383 = arith.addi %mul3A_308, %mul3A_382 : i32
        %get3A_384 = arith.index_cast %add3A_383 : i32 to index
        %get3A_385 = tpu.vector_load %arg13[%get3A_384] {strides = array<i32>} : memref<12800xf32, #tpu.memory_space<vmem>>, vector<16xf32>,
        %get3A_386 = vector.shape_cast %get3A_385 : vector<16xf32> to vector<16xf32>
        %add3A_387 = arith.addf %add3A_378, %get3A_386 : vector<16xf32>
        %scan3A_388 = arith.constant 2 : i32
        %scan3A_389 = arith.addi %scan3A_370, %scan3A_388 : i32
        %mul3A_390 = arith.constant 16 : i32
        %mul3A_391 = arith.muli %scan3A_389, %mul3A_390 : i32
        %add3A_392 = arith.addi %mul3A_308, %mul3A_391 : i32
        %get3A_393 = arith.index_cast %add3A_392 : i32 to index
        %get3A_394 = tpu.vector_load %arg13[%get3A_393] {strides = array<i32>} : memref<12800xf32, #tpu.memory_space<vmem>>, vector<16xf32>,
        %get3A_395 = vector.shape_cast %get3A_394 : vector<16xf32> to vector<16xf32>
        %add3A_396 = arith.addf %add3A_387, %get3A_395 : vector<16xf32>
        %scan3A_397 = arith.constant 3 : i32
        %scan3A_398 = arith.addi %scan3A_370, %scan3A_397 : i32
        %mul3A_399 = arith.constant 16 : i32
        %mul3A_400 = arith.muli %scan3A_398, %mul3A_399 : i32
        %add3A_401 = arith.addi %mul3A_308, %mul3A_400 : i32
        %get3A_402 = arith.index_cast %add3A_401 : i32 to index
        %get3A_403 = tpu.vector_load %arg13[%get3A_402] {strides = array<i32>} : memref<12800xf32, #tpu.memory_space<vmem>>, vector<16xf32>,
        %get3A_404 = vector.shape_cast %get3A_403 : vector<16xf32> to vector<16xf32>
        %add3A_405 = arith.addf %add3A_396, %get3A_404 : vector<16xf32>
        scf.yield %add3A_405 : vector<16xf32>
      }
      %scan3A_319 = arith.constant 12 : i32
      %jit3A_320 = arith.constant 0.000000e+00 : f32
      %broadcast_in_dim3A_321 = vector.broadcast %jit3A_320 : f32 to vector<16xf32>
      %select_n3A_322 = arith.select %lt3A_4, %broadcast_in_dim3A_321, %get3A_313 : vector<16xi1>, vector<16xf32>
      %scan3A_323 = arith.constant 13 : i32
      %scan3A_324 = arith.constant 12 : i32
      %scan3A_325 = arith.addi %scan3A_323, %scan3A_324 : i32
      %scan3A_326 = arith.constant 4 : i32
      %scan3A_327 = scf.for %scan3A_370 = %scan3A_323 to %scan3A_325 step %scan3A_326 iter_args(%scan3A_371 = %select_n3A_322) -> (vector<16xf32>)  : i32 {
        %mul3A_372 = arith.constant 16 : i32
        %mul3A_373 = arith.muli %scan3A_370, %mul3A_372 : i32
        %add3A_374 = arith.addi %mul3A_308, %mul3A_373 : i32
        %get3A_375 = arith.index_cast %add3A_374 : i32 to index
        %get3A_376 = tpu.vector_load %arg13[%get3A_375] {strides = array<i32>} : memref<12800xf32, #tpu.memory_space<vmem>>, vector<16xf32>,
        %get3A_377 = vector.shape_cast %get3A_376 : vector<16xf32> to vector<16xf32>
        %add3A_378 = arith.addf %scan3A_371, %get3A_377 : vector<16xf32>
        %scan3A_379 = arith.constant 1 : i32
        %scan3A_380 = arith.addi %scan3A_370, %scan3A_379 : i32
        %mul3A_381 = arith.constant 16 : i32
        %mul3A_382 = arith.muli %scan3A_380, %mul3A_381 : i32
        %add3A_383 = arith.addi %mul3A_308, %mul3A_382 : i32
        %get3A_384 = arith.index_cast %add3A_383 : i32 to index
        %get3A_385 = tpu.vector_load %arg13[%get3A_384] {strides = array<i32>} : memref<12800xf32, #tpu.memory_space<vmem>>, vector<16xf32>,
        %get3A_386 = vector.shape_cast %get3A_385 : vector<16xf32> to vector<16xf32>
        %add3A_387 = arith.addf %add3A_378, %get3A_386 : vector<16xf32>
        %scan3A_388 = arith.constant 2 : i32
        %scan3A_389 = arith.addi %scan3A_370, %scan3A_388 : i32
        %mul3A_390 = arith.constant 16 : i32
        %mul3A_391 = arith.muli %scan3A_389, %mul3A_390 : i32
        %add3A_392 = arith.addi %mul3A_308, %mul3A_391 : i32
        %get3A_393 = arith.index_cast %add3A_392 : i32 to index
        %get3A_394 = tpu.vector_load %arg13[%get3A_393] {strides = array<i32>} : memref<12800xf32, #tpu.memory_space<vmem>>, vector<16xf32>,
        %get3A_395 = vector.shape_cast %get3A_394 : vector<16xf32> to vector<16xf32>
        %add3A_396 = arith.addf %add3A_387, %get3A_395 : vector<16xf32>
        %scan3A_397 = arith.constant 3 : i32
        %scan3A_398 = arith.addi %scan3A_370, %scan3A_397 : i32
        %mul3A_399 = arith.constant 16 : i32
        %mul3A_400 = arith.muli %scan3A_398, %mul3A_399 : i32
        %add3A_401 = arith.addi %mul3A_308, %mul3A_400 : i32
        %get3A_402 = arith.index_cast %add3A_401 : i32 to index
        %get3A_403 = tpu.vector_load %arg13[%get3A_402] {strides = array<i32>} : memref<12800xf32, #tpu.memory_space<vmem>>, vector<16xf32>,
        %get3A_404 = vector.shape_cast %get3A_403 : vector<16xf32> to vector<16xf32>
        %add3A_405 = arith.addf %add3A_396, %get3A_404 : vector<16xf32>
        scf.yield %add3A_405 : vector<16xf32>
      }
      %scan3A_328 = arith.constant 12 : i32
      %mul3A_329 = arith.constant 400 : i32
      %mul3A_330 = arith.muli %scan3A_305, %mul3A_329 : i32
      %add3A_331 = arith.constant 192 : i32
      %add3A_332 = arith.addi %mul3A_330, %add3A_331 : i32
      %get3A_333 = arith.index_cast %add3A_332 : i32 to index
      %get3A_334 = tpu.vector_load %arg15[%get3A_333] {strides = array<i32>} : memref<12800xf32, #tpu.memory_space<vmem>>, vector<16xf32>,
      %get3A_335 = vector.shape_cast %get3A_334 : vector<16xf32> to vector<16xf32>
      %jit3A_336 = arith.constant 0.000000e+00 : f32
      %broadcast_in_dim3A_337 = vector.broadcast %jit3A_336 : f32 to vector<16xf32>
      %select_n3A_338 = arith.select %lt3A_4, %get3A_335, %broadcast_in_dim3A_337 : vector<16xi1>, vector<16xf32>
      %scan3A_339 = arith.constant 0 : i32
      %scan3A_340 = arith.constant 12 : i32
      %scan3A_341 = arith.addi %scan3A_339, %scan3A_340 : i32
      %scan3A_342 = arith.constant 4 : i32
      %scan3A_343 = scf.for %scan3A_370 = %scan3A_339 to %scan3A_341 step %scan3A_342 iter_args(%scan3A_371 = %select_n3A_338) -> (vector<16xf32>)  : i32 {
        %mul3A_372 = arith.constant 16 : i32
        %mul3A_373 = arith.muli %scan3A_370, %mul3A_372 : i32
        %add3A_374 = arith.addi %mul3A_330, %mul3A_373 : i32
        %get3A_375 = arith.index_cast %add3A_374 : i32 to index
        %get3A_376 = tpu.vector_load %arg15[%get3A_375] {strides = array<i32>} : memref<12800xf32, #tpu.memory_space<vmem>>, vector<16xf32>,
        %get3A_377 = vector.shape_cast %get3A_376 : vector<16xf32> to vector<16xf32>
        %add3A_378 = arith.addf %scan3A_371, %get3A_377 : vector<16xf32>
        %scan3A_379 = arith.constant 1 : i32
        %scan3A_380 = arith.addi %scan3A_370, %scan3A_379 : i32
        %mul3A_381 = arith.constant 16 : i32
        %mul3A_382 = arith.muli %scan3A_380, %mul3A_381 : i32
        %add3A_383 = arith.addi %mul3A_330, %mul3A_382 : i32
        %get3A_384 = arith.index_cast %add3A_383 : i32 to index
        %get3A_385 = tpu.vector_load %arg15[%get3A_384] {strides = array<i32>} : memref<12800xf32, #tpu.memory_space<vmem>>, vector<16xf32>,
        %get3A_386 = vector.shape_cast %get3A_385 : vector<16xf32> to vector<16xf32>
        %add3A_387 = arith.addf %add3A_378, %get3A_386 : vector<16xf32>
        %scan3A_388 = arith.constant 2 : i32
        %scan3A_389 = arith.addi %scan3A_370, %scan3A_388 : i32
        %mul3A_390 = arith.constant 16 : i32
        %mul3A_391 = arith.muli %scan3A_389, %mul3A_390 : i32
        %add3A_392 = arith.addi %mul3A_330, %mul3A_391 : i32
        %get3A_393 = arith.index_cast %add3A_392 : i32 to index
        %get3A_394 = tpu.vector_load %arg15[%get3A_393] {strides = array<i32>} : memref<12800xf32, #tpu.memory_space<vmem>>, vector<16xf32>,
        %get3A_395 = vector.shape_cast %get3A_394 : vector<16xf32> to vector<16xf32>
        %add3A_396 = arith.addf %add3A_387, %get3A_395 : vector<16xf32>
        %scan3A_397 = arith.constant 3 : i32
        %scan3A_398 = arith.addi %scan3A_370, %scan3A_397 : i32
        %mul3A_399 = arith.constant 16 : i32
        %mul3A_400 = arith.muli %scan3A_398, %mul3A_399 : i32
        %add3A_401 = arith.addi %mul3A_330, %mul3A_400 : i32
        %get3A_402 = arith.index_cast %add3A_401 : i32 to index
        %get3A_403 = tpu.vector_load %arg15[%get3A_402] {strides = array<i32>} : memref<12800xf32, #tpu.memory_space<vmem>>, vector<16xf32>,
        %get3A_404 = vector.shape_cast %get3A_403 : vector<16xf32> to vector<16xf32>
        %add3A_405 = arith.addf %add3A_396, %get3A_404 : vector<16xf32>
        scf.yield %add3A_405 : vector<16xf32>
      }
      %scan3A_344 = arith.constant 12 : i32
      %jit3A_345 = arith.constant 0.000000e+00 : f32
      %broadcast_in_dim3A_346 = vector.broadcast %jit3A_345 : f32 to vector<16xf32>
      %select_n3A_347 = arith.select %lt3A_4, %broadcast_in_dim3A_346, %get3A_335 : vector<16xi1>, vector<16xf32>
      %scan3A_348 = arith.constant 13 : i32
      %scan3A_349 = arith.constant 12 : i32
      %scan3A_350 = arith.addi %scan3A_348, %scan3A_349 : i32
      %scan3A_351 = arith.constant 4 : i32
      %scan3A_352 = scf.for %scan3A_370 = %scan3A_348 to %scan3A_350 step %scan3A_351 iter_args(%scan3A_371 = %select_n3A_347) -> (vector<16xf32>)  : i32 {
        %mul3A_372 = arith.constant 16 : i32
        %mul3A_373 = arith.muli %scan3A_370, %mul3A_372 : i32
        %add3A_374 = arith.addi %mul3A_330, %mul3A_373 : i32
        %get3A_375 = arith.index_cast %add3A_374 : i32 to index
        %get3A_376 = tpu.vector_load %arg15[%get3A_375] {strides = array<i32>} : memref<12800xf32, #tpu.memory_space<vmem>>, vector<16xf32>,
        %get3A_377 = vector.shape_cast %get3A_376 : vector<16xf32> to vector<16xf32>
        %add3A_378 = arith.addf %scan3A_371, %get3A_377 : vector<16xf32>
        %scan3A_379 = arith.constant 1 : i32
        %scan3A_380 = arith.addi %scan3A_370, %scan3A_379 : i32
        %mul3A_381 = arith.constant 16 : i32
        %mul3A_382 = arith.muli %scan3A_380, %mul3A_381 : i32
        %add3A_383 = arith.addi %mul3A_330, %mul3A_382 : i32
        %get3A_384 = arith.index_cast %add3A_383 : i32 to index
        %get3A_385 = tpu.vector_load %arg15[%get3A_384] {strides = array<i32>} : memref<12800xf32, #tpu.memory_space<vmem>>, vector<16xf32>,
        %get3A_386 = vector.shape_cast %get3A_385 : vector<16xf32> to vector<16xf32>
        %add3A_387 = arith.addf %add3A_378, %get3A_386 : vector<16xf32>
        %scan3A_388 = arith.constant 2 : i32
        %scan3A_389 = arith.addi %scan3A_370, %scan3A_388 : i32
        %mul3A_390 = arith.constant 16 : i32
        %mul3A_391 = arith.muli %scan3A_389, %mul3A_390 : i32
        %add3A_392 = arith.addi %mul3A_330, %mul3A_391 : i32
        %get3A_393 = arith.index_cast %add3A_392 : i32 to index
        %get3A_394 = tpu.vector_load %arg15[%get3A_393] {strides = array<i32>} : memref<12800xf32, #tpu.memory_space<vmem>>, vector<16xf32>,
        %get3A_395 = vector.shape_cast %get3A_394 : vector<16xf32> to vector<16xf32>
        %add3A_396 = arith.addf %add3A_387, %get3A_395 : vector<16xf32>
        %scan3A_397 = arith.constant 3 : i32
        %scan3A_398 = arith.addi %scan3A_370, %scan3A_397 : i32
        %mul3A_399 = arith.constant 16 : i32
        %mul3A_400 = arith.muli %scan3A_398, %mul3A_399 : i32
        %add3A_401 = arith.addi %mul3A_330, %mul3A_400 : i32
        %get3A_402 = arith.index_cast %add3A_401 : i32 to index
        %get3A_403 = tpu.vector_load %arg15[%get3A_402] {strides = array<i32>} : memref<12800xf32, #tpu.memory_space<vmem>>, vector<16xf32>,
        %get3A_404 = vector.shape_cast %get3A_403 : vector<16xf32> to vector<16xf32>
        %add3A_405 = arith.addf %add3A_396, %get3A_404 : vector<16xf32>
        scf.yield %add3A_405 : vector<16xf32>
      }
      %scan3A_353 = arith.constant 12 : i32
      %add3A_354 = arith.addf %scan3A_318, %scan3A_343 : vector<16xf32>
      %mul3A_355 = arith.constant 32 : i32
      %mul3A_356 = arith.muli %mul3A_355, %scan3A_305 : i32
      %swap3A = arith.index_cast %mul3A_356 : i32 to index
      %swap3A_357 = tpu.vector_load %arg17[%swap3A] {strides = array<i32>} : memref<1024xf32, #tpu.memory_space<vmem>>, vector<16xf32>,
      %swap3A_358 = vector.shape_cast %swap3A_357 : vector<16xf32> to vector<16xf32>
      %swap3A_359 = vector.shape_cast %add3A_354 : vector<16xf32> to vector<16xf32>
      tpu.vector_store %arg17[%swap3A], %swap3A_359 {strides = array<i32>} : memref<1024xf32, #tpu.memory_space<vmem>>, vector<16xf32>,
      %add3A_360 = arith.addf %scan3A_327, %scan3A_352 : vector<16xf32>
      %mul3A_361 = arith.constant 32 : i32
      %mul3A_362 = arith.muli %mul3A_361, %scan3A_305 : i32
      %add3A_363 = arith.constant 16 : i32
      %add3A_364 = arith.addi %mul3A_362, %add3A_363 : i32
      %swap3A_365 = arith.index_cast %add3A_364 : i32 to index
      %swap3A_366 = tpu.vector_load %arg17[%swap3A_365] {strides = array<i32>} : memref<1024xf32, #tpu.memory_space<vmem>>, vector<16xf32>,
      %swap3A_367 = vector.shape_cast %swap3A_366 : vector<16xf32> to vector<16xf32>
      %swap3A_368 = vector.shape_cast %add3A_360 : vector<16xf32> to vector<16xf32>
      tpu.vector_store %arg17[%swap3A_365], %swap3A_368 {strides = array<i32>} : memref<1024xf32, #tpu.memory_space<vmem>>, vector<16xf32>,
      %scan3A_369 = arith.constant 0 : i32
      scf.yield %scan3A_369 : i32
    }
    %scan3A_121 = arith.constant 32 : i32
    %mul3A_122 = arith.constant 1024 : i32
    %mul3A_123 = arith.muli %arg1, %mul3A_122 : i32
    "tpu.region"() ({
      %run_scoped3A = tpu.sem_alloc : memref<!tpu.dma_semaphore, #tpu.memory_space<semaphore_mem>>
      %dma_start3A_305 = tpu.memref_slice %arg21[%mul3A_123] : memref<16384xf32, #tpu.memory_space<vmem_shared>> -> memref<1024xf32, #tpu.memory_space<vmem_shared>>
      %dma_start3A_306 = tpu.memref_slice %arg21[%mul3A_123] : memref<16384xf32, #tpu.memory_space<vmem_shared>> -> memref<1024xf32, #tpu.memory_space<vmem_shared>>
      tpu.enqueue_dma source(%arg17 : memref<1024xf32, #tpu.memory_space<vmem>>) target(%dma_start3A_306 : memref<1024xf32, #tpu.memory_space<vmem_shared>>) target_semaphore(%run_scoped3A : memref<!tpu.dma_semaphore, #tpu.memory_space<semaphore_mem>>)
      %dma_wait3A_307 = tpu.memref_slice %arg21[%mul3A_123] : memref<16384xf32, #tpu.memory_space<vmem_shared>> -> memref<1024xf32, #tpu.memory_space<vmem_shared>>
      %dma_wait3A_308 = tpu.memref_slice %arg21[%mul3A_123] : memref<16384xf32, #tpu.memory_space<vmem_shared>> -> memref<1024xf32, #tpu.memory_space<vmem_shared>>
      tpu.wait_dma2 semaphore(%run_scoped3A : memref<!tpu.dma_semaphore, #tpu.memory_space<semaphore_mem>>) src(%arg17 : memref<1024xf32, #tpu.memory_space<vmem>>) dst(%dma_wait3A_308 : memref<1024xf32, #tpu.memory_space<vmem_shared>>)
      tpu.yield
    }) : () -> ()
    "tpu.region"() ({
      %run_scoped3A = tpu.sem_alloc : memref<!tpu.dma_semaphore, #tpu.memory_space<semaphore_mem>>
      %dma_start3A_305 = arith.constant 0 : i32
      %dma_start3A_306 = tpu.memref_slice %arg21[%dma_start3A_305] : memref<16384xf32, #tpu.memory_space<vmem_shared>> -> memref<16384xf32, #tpu.memory_space<vmem_shared>>
      tpu.enqueue_indirect_dma source(%dma_start3A_306 : memref<16384xf32, #tpu.memory_space<vmem_shared>>) target(%arg18 : memref<1024xf32, #tpu.memory_space<vmem>>) offsets(%arg8 : memref<1024xi32, #tpu.memory_space<vmem>>) semaphore(%run_scoped3A : memref<!tpu.dma_semaphore, #tpu.memory_space<semaphore_mem>>)
      %dma_wait3A_307 = arith.constant 0 : i32
      %dma_wait3A_308 = tpu.memref_slice %arg21[%dma_wait3A_307] : memref<16384xf32, #tpu.memory_space<vmem_shared>> -> memref<16384xf32, #tpu.memory_space<vmem_shared>>
      tpu.wait_indirect_dma semaphore(%run_scoped3A : memref<!tpu.dma_semaphore, #tpu.memory_space<semaphore_mem>>) src(%dma_wait3A_308 : memref<16384xf32, #tpu.memory_space<vmem_shared>>) dst(%arg18 : memref<1024xf32, #tpu.memory_space<vmem>>)
      tpu.yield
    }) : () -> ()
    %scan3A_124 = arith.constant 5.000000e-03 : f32
    %scan3A_125 = arith.constant 0 : i32
    %scan3A_126 = arith.constant 0 : i32
    %scan3A_127 = arith.constant 4 : i32
    %scan3A_128 = arith.addi %scan3A_126, %scan3A_127 : i32
    %scan3A_129 = arith.constant 1 : i32
    %scan3A_130 = scf.for %scan3A_305 = %scan3A_126 to %scan3A_128 step %scan3A_129 iter_args(%scan3A_306 = %scan3A_125) -> (i32)  : i32 {
      %mul3A_307 = arith.constant 16 : i32
      %mul3A_308 = arith.muli %scan3A_305, %mul3A_307 : i32
      %get3A_309 = arith.index_cast %mul3A_308 : i32 to index
      %get3A_310 = tpu.vector_load %arg18[%get3A_309] {strides = array<i32>} : memref<1024xf32, #tpu.memory_space<vmem>>, vector<16xf32>,
      %get3A_311 = vector.shape_cast %get3A_310 : vector<16xf32> to vector<16xf32>
      %scan3A_312 = arith.constant 1 : i32
      %scan3A_313 = arith.constant 12 : i32
      %scan3A_314 = arith.addi %scan3A_312, %scan3A_313 : i32
      %scan3A_315 = arith.constant 4 : i32
      %scan3A_316 = scf.for %scan3A_360 = %scan3A_312 to %scan3A_314 step %scan3A_315 iter_args(%scan3A_361 = %get3A_311) -> (vector<16xf32>)  : i32 {
        %mul3A_362 = arith.constant 64 : i32
        %mul3A_363 = arith.muli %scan3A_360, %mul3A_362 : i32
        %mul3A_364 = arith.constant 16 : i32
        %mul3A_365 = arith.muli %scan3A_305, %mul3A_364 : i32
        %add3A_366 = arith.addi %mul3A_363, %mul3A_365 : i32
        %get3A_367 = arith.index_cast %add3A_366 : i32 to index
        %get3A_368 = tpu.vector_load %arg18[%get3A_367] {strides = array<i32>} : memref<1024xf32, #tpu.memory_space<vmem>>, vector<16xf32>,
        %get3A_369 = vector.shape_cast %get3A_368 : vector<16xf32> to vector<16xf32>
        %add3A_370 = arith.addf %scan3A_361, %get3A_369 : vector<16xf32>
        %scan3A_371 = arith.constant 1 : i32
        %scan3A_372 = arith.addi %scan3A_360, %scan3A_371 : i32
        %mul3A_373 = arith.constant 64 : i32
        %mul3A_374 = arith.muli %scan3A_372, %mul3A_373 : i32
        %mul3A_375 = arith.constant 16 : i32
        %mul3A_376 = arith.muli %scan3A_305, %mul3A_375 : i32
        %add3A_377 = arith.addi %mul3A_374, %mul3A_376 : i32
        %get3A_378 = arith.index_cast %add3A_377 : i32 to index
        %get3A_379 = tpu.vector_load %arg18[%get3A_378] {strides = array<i32>} : memref<1024xf32, #tpu.memory_space<vmem>>, vector<16xf32>,
        %get3A_380 = vector.shape_cast %get3A_379 : vector<16xf32> to vector<16xf32>
        %add3A_381 = arith.addf %add3A_370, %get3A_380 : vector<16xf32>
        %scan3A_382 = arith.constant 2 : i32
        %scan3A_383 = arith.addi %scan3A_360, %scan3A_382 : i32
        %mul3A_384 = arith.constant 64 : i32
        %mul3A_385 = arith.muli %scan3A_383, %mul3A_384 : i32
        %mul3A_386 = arith.constant 16 : i32
        %mul3A_387 = arith.muli %scan3A_305, %mul3A_386 : i32
        %add3A_388 = arith.addi %mul3A_385, %mul3A_387 : i32
        %get3A_389 = arith.index_cast %add3A_388 : i32 to index
        %get3A_390 = tpu.vector_load %arg18[%get3A_389] {strides = array<i32>} : memref<1024xf32, #tpu.memory_space<vmem>>, vector<16xf32>,
        %get3A_391 = vector.shape_cast %get3A_390 : vector<16xf32> to vector<16xf32>
        %add3A_392 = arith.addf %add3A_381, %get3A_391 : vector<16xf32>
        %scan3A_393 = arith.constant 3 : i32
        %scan3A_394 = arith.addi %scan3A_360, %scan3A_393 : i32
        %mul3A_395 = arith.constant 64 : i32
        %mul3A_396 = arith.muli %scan3A_394, %mul3A_395 : i32
        %mul3A_397 = arith.constant 16 : i32
        %mul3A_398 = arith.muli %scan3A_305, %mul3A_397 : i32
        %add3A_399 = arith.addi %mul3A_396, %mul3A_398 : i32
        %get3A_400 = arith.index_cast %add3A_399 : i32 to index
        %get3A_401 = tpu.vector_load %arg18[%get3A_400] {strides = array<i32>} : memref<1024xf32, #tpu.memory_space<vmem>>, vector<16xf32>,
        %get3A_402 = vector.shape_cast %get3A_401 : vector<16xf32> to vector<16xf32>
        %add3A_403 = arith.addf %add3A_392, %get3A_402 : vector<16xf32>
        scf.yield %add3A_403 : vector<16xf32>
      }
      %scan3A_317 = arith.constant 12 : i32
      %scan3A_318 = arith.addi %scan3A_312, %scan3A_317 : i32
      %mul3A_319 = arith.constant 64 : i32
      %mul3A_320 = arith.muli %scan3A_318, %mul3A_319 : i32
      %mul3A_321 = arith.constant 16 : i32
      %mul3A_322 = arith.muli %scan3A_305, %mul3A_321 : i32
      %add3A_323 = arith.addi %mul3A_320, %mul3A_322 : i32
      %get3A_324 = arith.index_cast %add3A_323 : i32 to index
      %get3A_325 = tpu.vector_load %arg18[%get3A_324] {strides = array<i32>} : memref<1024xf32, #tpu.memory_space<vmem>>, vector<16xf32>,
      %get3A_326 = vector.shape_cast %get3A_325 : vector<16xf32> to vector<16xf32>
      %add3A_327 = arith.addf %scan3A_316, %get3A_326 : vector<16xf32>
      %scan3A_328 = arith.constant 13 : i32
      %scan3A_329 = arith.addi %scan3A_312, %scan3A_328 : i32
      %mul3A_330 = arith.constant 64 : i32
      %mul3A_331 = arith.muli %scan3A_329, %mul3A_330 : i32
      %mul3A_332 = arith.constant 16 : i32
      %mul3A_333 = arith.muli %scan3A_305, %mul3A_332 : i32
      %add3A_334 = arith.addi %mul3A_331, %mul3A_333 : i32
      %get3A_335 = arith.index_cast %add3A_334 : i32 to index
      %get3A_336 = tpu.vector_load %arg18[%get3A_335] {strides = array<i32>} : memref<1024xf32, #tpu.memory_space<vmem>>, vector<16xf32>,
      %get3A_337 = vector.shape_cast %get3A_336 : vector<16xf32> to vector<16xf32>
      %add3A_338 = arith.addf %add3A_327, %get3A_337 : vector<16xf32>
      %scan3A_339 = arith.constant 14 : i32
      %scan3A_340 = arith.addi %scan3A_312, %scan3A_339 : i32
      %mul3A_341 = arith.constant 64 : i32
      %mul3A_342 = arith.muli %scan3A_340, %mul3A_341 : i32
      %mul3A_343 = arith.constant 16 : i32
      %mul3A_344 = arith.muli %scan3A_305, %mul3A_343 : i32
      %add3A_345 = arith.addi %mul3A_342, %mul3A_344 : i32
      %get3A_346 = arith.index_cast %add3A_345 : i32 to index
      %get3A_347 = tpu.vector_load %arg18[%get3A_346] {strides = array<i32>} : memref<1024xf32, #tpu.memory_space<vmem>>, vector<16xf32>,
      %get3A_348 = vector.shape_cast %get3A_347 : vector<16xf32> to vector<16xf32>
      %add3A_349 = arith.addf %add3A_338, %get3A_348 : vector<16xf32>
      %scan3A_350 = arith.constant 15 : i32
      %mul3A_351 = vector.broadcast %scan3A_124 : f32 to vector<16xf32>
      %mul3A_352 = arith.mulf %add3A_349, %mul3A_351 : vector<16xf32>
      %add3A_353 = arith.addf %mul3A_352, %get3A_2 : vector<16xf32>
      %mul3A_354 = arith.constant 16 : i32
      %mul3A_355 = arith.muli %scan3A_305, %mul3A_354 : i32
      %swap3A = arith.index_cast %mul3A_355 : i32 to index
      %swap3A_356 = tpu.vector_load %arg19[%swap3A] {strides = array<i32>} : memref<64xf32, #tpu.memory_space<vmem>>, vector<16xf32>,
      %swap3A_357 = vector.shape_cast %swap3A_356 : vector<16xf32> to vector<16xf32>
      %swap3A_358 = vector.shape_cast %add3A_353 : vector<16xf32> to vector<16xf32>
      tpu.vector_store %arg19[%swap3A], %swap3A_358 {strides = array<i32>} : memref<64xf32, #tpu.memory_space<vmem>>, vector<16xf32>,
      %scan3A_359 = arith.constant 0 : i32
      scf.yield %scan3A_359 : i32
    }
    %scan3A_131 = arith.constant 4 : i32
    "tpu.region"() ({
      %run_scoped3A = tpu.sem_alloc : memref<!tpu.dma_semaphore, #tpu.memory_space<semaphore_mem>>
      %dma_start3A_305 = tpu.memref_slice %arg7[%add3A_114] : memref<16384xf32, #tpu.memory_space<hbm>> -> memref<64xf32, #tpu.memory_space<hbm>>
      %dma_start3A_306 = tpu.memref_slice %arg7[%add3A_114] : memref<16384xf32, #tpu.memory_space<hbm>> -> memref<64xf32, #tpu.memory_space<hbm>>
      tpu.enqueue_dma source(%arg19 : memref<64xf32, #tpu.memory_space<vmem>>) target(%dma_start3A_306 : memref<64xf32, #tpu.memory_space<hbm>>) target_semaphore(%run_scoped3A : memref<!tpu.dma_semaphore, #tpu.memory_space<semaphore_mem>>)
      %dma_wait3A_307 = tpu.memref_slice %arg7[%add3A_114] : memref<16384xf32, #tpu.memory_space<hbm>> -> memref<64xf32, #tpu.memory_space<hbm>>
      %dma_wait3A_308 = tpu.memref_slice %arg7[%add3A_114] : memref<16384xf32, #tpu.memory_space<hbm>> -> memref<64xf32, #tpu.memory_space<hbm>>
      tpu.wait_dma2 semaphore(%run_scoped3A : memref<!tpu.dma_semaphore, #tpu.memory_space<semaphore_mem>>) src(%arg19 : memref<64xf32, #tpu.memory_space<vmem>>) dst(%dma_wait3A_308 : memref<64xf32, #tpu.memory_space<hbm>>)
      tpu.yield
    }) : () -> ()
    %mul3A_132 = arith.constant 512 : i32
    %mul3A_133 = arith.muli %add3A, %mul3A_132 : i32
    %add3A_134 = arith.constant 256 : i32
    %add3A_135 = arith.addi %mul3A_133, %add3A_134 : i32
    %mul3A_136 = arith.constant 200 : i32
    %mul3A_137 = arith.muli %add3A_135, %mul3A_136 : i32
    "tpu.region"() ({
      %run_scoped3A = tpu.sem_alloc : memref<!tpu.dma_semaphore, #tpu.memory_space<semaphore_mem>>
      %dma_start3A_305 = tpu.memref_slice %arg4[%mul3A_137] : memref<3276800xi32, #tpu.memory_space<hbm>> -> memref<12800xi32, #tpu.memory_space<hbm>>
      %dma_start3A_306 = tpu.memref_slice %arg4[%mul3A_137] : memref<3276800xi32, #tpu.memory_space<hbm>> -> memref<12800xi32, #tpu.memory_space<hbm>>
      tpu.enqueue_dma source(%dma_start3A_306 : memref<12800xi32, #tpu.memory_space<hbm>>) target(%arg9 : memref<12800xi32, #tpu.memory_space<vmem>>) target_semaphore(%run_scoped3A : memref<!tpu.dma_semaphore, #tpu.memory_space<semaphore_mem>>)
      %dma_wait3A_307 = tpu.memref_slice %arg4[%mul3A_137] : memref<3276800xi32, #tpu.memory_space<hbm>> -> memref<12800xi32, #tpu.memory_space<hbm>>
      %dma_wait3A_308 = tpu.memref_slice %arg4[%mul3A_137] : memref<3276800xi32, #tpu.memory_space<hbm>> -> memref<12800xi32, #tpu.memory_space<hbm>>
      tpu.wait_dma2 semaphore(%run_scoped3A : memref<!tpu.dma_semaphore, #tpu.memory_space<semaphore_mem>>) src(%dma_wait3A_308 : memref<12800xi32, #tpu.memory_space<hbm>>) dst(%arg9 : memref<12800xi32, #tpu.memory_space<vmem>>)
      tpu.yield
    }) : () -> ()
    %mul3A_138 = arith.constant 200 : i32
    %mul3A_139 = arith.muli %add3A_135, %mul3A_138 : i32
    "tpu.region"() ({
      %run_scoped3A = tpu.sem_alloc : memref<!tpu.dma_semaphore, #tpu.memory_space<semaphore_mem>>
      %dma_start3A_305 = tpu.memref_slice %arg5[%mul3A_139] : memref<3276800xi32, #tpu.memory_space<hbm>> -> memref<12800xi32, #tpu.memory_space<hbm>>
      %dma_start3A_306 = tpu.memref_slice %arg5[%mul3A_139] : memref<3276800xi32, #tpu.memory_space<hbm>> -> memref<12800xi32, #tpu.memory_space<hbm>>
      tpu.enqueue_dma source(%dma_start3A_306 : memref<12800xi32, #tpu.memory_space<hbm>>) target(%arg11 : memref<12800xi32, #tpu.memory_space<vmem>>) target_semaphore(%run_scoped3A : memref<!tpu.dma_semaphore, #tpu.memory_space<semaphore_mem>>)
      %dma_wait3A_307 = tpu.memref_slice %arg5[%mul3A_139] : memref<3276800xi32, #tpu.memory_space<hbm>> -> memref<12800xi32, #tpu.memory_space<hbm>>
      %dma_wait3A_308 = tpu.memref_slice %arg5[%mul3A_139] : memref<3276800xi32, #tpu.memory_space<hbm>> -> memref<12800xi32, #tpu.memory_space<hbm>>
      tpu.wait_dma2 semaphore(%run_scoped3A : memref<!tpu.dma_semaphore, #tpu.memory_space<semaphore_mem>>) src(%dma_wait3A_308 : memref<12800xi32, #tpu.memory_space<hbm>>) dst(%arg11 : memref<12800xi32, #tpu.memory_space<vmem>>)
      tpu.yield
    }) : () -> ()
    %dma_start3A_140 = arith.constant 0 : i32
    %dma_start3A_141 = tpu.memref_slice %arg2[%dma_start3A_140] : memref<1000000xf32, #tpu.memory_space<hbm>> -> memref<1000000xf32, #tpu.memory_space<hbm>>
    tpu.enqueue_indirect_dma source(%dma_start3A_141 : memref<1000000xf32, #tpu.memory_space<hbm>>) target(%arg13 : memref<12800xf32, #tpu.memory_space<vmem>>) offsets(%arg9 : memref<12800xi32, #tpu.memory_space<vmem>>) semaphore(%arg22 : memref<!tpu.dma_semaphore, #tpu.memory_space<semaphore_mem>>)
    %dma_start3A_142 = arith.constant 0 : i32
    %dma_start3A_143 = tpu.memref_slice %arg3[%dma_start3A_142] : memref<1000000xf32, #tpu.memory_space<hbm>> -> memref<1000000xf32, #tpu.memory_space<hbm>>
    tpu.enqueue_indirect_dma source(%dma_start3A_143 : memref<1000000xf32, #tpu.memory_space<hbm>>) target(%arg15 : memref<12800xf32, #tpu.memory_space<vmem>>) offsets(%arg11 : memref<12800xi32, #tpu.memory_space<vmem>>) semaphore(%arg24 : memref<!tpu.dma_semaphore, #tpu.memory_space<semaphore_mem>>)
    %dma_wait3A_144 = arith.constant 0 : i32
    %dma_wait3A_145 = tpu.memref_slice %arg2[%dma_wait3A_144] : memref<1000000xf32, #tpu.memory_space<hbm>> -> memref<1000000xf32, #tpu.memory_space<hbm>>
    tpu.wait_indirect_dma semaphore(%arg23 : memref<!tpu.dma_semaphore, #tpu.memory_space<semaphore_mem>>) src(%dma_wait3A_145 : memref<1000000xf32, #tpu.memory_space<hbm>>) dst(%arg14 : memref<12800xf32, #tpu.memory_space<vmem>>)
    %dma_wait3A_146 = arith.constant 0 : i32
    %dma_wait3A_147 = tpu.memref_slice %arg3[%dma_wait3A_146] : memref<1000000xf32, #tpu.memory_space<hbm>> -> memref<1000000xf32, #tpu.memory_space<hbm>>
    tpu.wait_indirect_dma semaphore(%arg25 : memref<!tpu.dma_semaphore, #tpu.memory_space<semaphore_mem>>) src(%dma_wait3A_147 : memref<1000000xf32, #tpu.memory_space<hbm>>) dst(%arg16 : memref<12800xf32, #tpu.memory_space<vmem>>)
    %mul3A_148 = arith.constant 512 : i32
    %mul3A_149 = arith.muli %add3A, %mul3A_148 : i32
    %add3A_150 = arith.constant 192 : i32
    %add3A_151 = arith.addi %mul3A_149, %add3A_150 : i32
    %scan3A_152 = arith.constant 0 : i32
    %scan3A_153 = arith.constant 0 : i32
    %scan3A_154 = arith.constant 32 : i32
    %scan3A_155 = arith.addi %scan3A_153, %scan3A_154 : i32
    %scan3A_156 = arith.constant 1 : i32
    %scan3A_157 = scf.for %scan3A_305 = %scan3A_153 to %scan3A_155 step %scan3A_156 iter_args(%scan3A_306 = %scan3A_152) -> (i32)  : i32 {
      %mul3A_307 = arith.constant 400 : i32
      %mul3A_308 = arith.muli %scan3A_305, %mul3A_307 : i32
      %add3A_309 = arith.constant 192 : i32
      %add3A_310 = arith.addi %mul3A_308, %add3A_309 : i32
      %get3A_311 = arith.index_cast %add3A_310 : i32 to index
      %get3A_312 = tpu.vector_load %arg14[%get3A_311] {strides = array<i32>} : memref<12800xf32, #tpu.memory_space<vmem>>, vector<16xf32>,
      %get3A_313 = vector.shape_cast %get3A_312 : vector<16xf32> to vector<16xf32>
      %jit3A = arith.constant 0.000000e+00 : f32
      %broadcast_in_dim3A = vector.broadcast %jit3A : f32 to vector<16xf32>
      %select_n3A = arith.select %lt3A_4, %get3A_313, %broadcast_in_dim3A : vector<16xi1>, vector<16xf32>
      %scan3A_314 = arith.constant 0 : i32
      %scan3A_315 = arith.constant 12 : i32
      %scan3A_316 = arith.addi %scan3A_314, %scan3A_315 : i32
      %scan3A_317 = arith.constant 4 : i32
      %scan3A_318 = scf.for %scan3A_370 = %scan3A_314 to %scan3A_316 step %scan3A_317 iter_args(%scan3A_371 = %select_n3A) -> (vector<16xf32>)  : i32 {
        %mul3A_372 = arith.constant 16 : i32
        %mul3A_373 = arith.muli %scan3A_370, %mul3A_372 : i32
        %add3A_374 = arith.addi %mul3A_308, %mul3A_373 : i32
        %get3A_375 = arith.index_cast %add3A_374 : i32 to index
        %get3A_376 = tpu.vector_load %arg14[%get3A_375] {strides = array<i32>} : memref<12800xf32, #tpu.memory_space<vmem>>, vector<16xf32>,
        %get3A_377 = vector.shape_cast %get3A_376 : vector<16xf32> to vector<16xf32>
        %add3A_378 = arith.addf %scan3A_371, %get3A_377 : vector<16xf32>
        %scan3A_379 = arith.constant 1 : i32
        %scan3A_380 = arith.addi %scan3A_370, %scan3A_379 : i32
        %mul3A_381 = arith.constant 16 : i32
        %mul3A_382 = arith.muli %scan3A_380, %mul3A_381 : i32
        %add3A_383 = arith.addi %mul3A_308, %mul3A_382 : i32
        %get3A_384 = arith.index_cast %add3A_383 : i32 to index
        %get3A_385 = tpu.vector_load %arg14[%get3A_384] {strides = array<i32>} : memref<12800xf32, #tpu.memory_space<vmem>>, vector<16xf32>,
        %get3A_386 = vector.shape_cast %get3A_385 : vector<16xf32> to vector<16xf32>
        %add3A_387 = arith.addf %add3A_378, %get3A_386 : vector<16xf32>
        %scan3A_388 = arith.constant 2 : i32
        %scan3A_389 = arith.addi %scan3A_370, %scan3A_388 : i32
        %mul3A_390 = arith.constant 16 : i32
        %mul3A_391 = arith.muli %scan3A_389, %mul3A_390 : i32
        %add3A_392 = arith.addi %mul3A_308, %mul3A_391 : i32
        %get3A_393 = arith.index_cast %add3A_392 : i32 to index
        %get3A_394 = tpu.vector_load %arg14[%get3A_393] {strides = array<i32>} : memref<12800xf32, #tpu.memory_space<vmem>>, vector<16xf32>,
        %get3A_395 = vector.shape_cast %get3A_394 : vector<16xf32> to vector<16xf32>
        %add3A_396 = arith.addf %add3A_387, %get3A_395 : vector<16xf32>
        %scan3A_397 = arith.constant 3 : i32
        %scan3A_398 = arith.addi %scan3A_370, %scan3A_397 : i32
        %mul3A_399 = arith.constant 16 : i32
        %mul3A_400 = arith.muli %scan3A_398, %mul3A_399 : i32
        %add3A_401 = arith.addi %mul3A_308, %mul3A_400 : i32
        %get3A_402 = arith.index_cast %add3A_401 : i32 to index
        %get3A_403 = tpu.vector_load %arg14[%get3A_402] {strides = array<i32>} : memref<12800xf32, #tpu.memory_space<vmem>>, vector<16xf32>,
        %get3A_404 = vector.shape_cast %get3A_403 : vector<16xf32> to vector<16xf32>
        %add3A_405 = arith.addf %add3A_396, %get3A_404 : vector<16xf32>
        scf.yield %add3A_405 : vector<16xf32>
      }
      %scan3A_319 = arith.constant 12 : i32
      %jit3A_320 = arith.constant 0.000000e+00 : f32
      %broadcast_in_dim3A_321 = vector.broadcast %jit3A_320 : f32 to vector<16xf32>
      %select_n3A_322 = arith.select %lt3A_4, %broadcast_in_dim3A_321, %get3A_313 : vector<16xi1>, vector<16xf32>
      %scan3A_323 = arith.constant 13 : i32
      %scan3A_324 = arith.constant 12 : i32
      %scan3A_325 = arith.addi %scan3A_323, %scan3A_324 : i32
      %scan3A_326 = arith.constant 4 : i32
      %scan3A_327 = scf.for %scan3A_370 = %scan3A_323 to %scan3A_325 step %scan3A_326 iter_args(%scan3A_371 = %select_n3A_322) -> (vector<16xf32>)  : i32 {
        %mul3A_372 = arith.constant 16 : i32
        %mul3A_373 = arith.muli %scan3A_370, %mul3A_372 : i32
        %add3A_374 = arith.addi %mul3A_308, %mul3A_373 : i32
        %get3A_375 = arith.index_cast %add3A_374 : i32 to index
        %get3A_376 = tpu.vector_load %arg14[%get3A_375] {strides = array<i32>} : memref<12800xf32, #tpu.memory_space<vmem>>, vector<16xf32>,
        %get3A_377 = vector.shape_cast %get3A_376 : vector<16xf32> to vector<16xf32>
        %add3A_378 = arith.addf %scan3A_371, %get3A_377 : vector<16xf32>
        %scan3A_379 = arith.constant 1 : i32
        %scan3A_380 = arith.addi %scan3A_370, %scan3A_379 : i32
        %mul3A_381 = arith.constant 16 : i32
        %mul3A_382 = arith.muli %scan3A_380, %mul3A_381 : i32
        %add3A_383 = arith.addi %mul3A_308, %mul3A_382 : i32
        %get3A_384 = arith.index_cast %add3A_383 : i32 to index
        %get3A_385 = tpu.vector_load %arg14[%get3A_384] {strides = array<i32>} : memref<12800xf32, #tpu.memory_space<vmem>>, vector<16xf32>,
        %get3A_386 = vector.shape_cast %get3A_385 : vector<16xf32> to vector<16xf32>
        %add3A_387 = arith.addf %add3A_378, %get3A_386 : vector<16xf32>
        %scan3A_388 = arith.constant 2 : i32
        %scan3A_389 = arith.addi %scan3A_370, %scan3A_388 : i32
        %mul3A_390 = arith.constant 16 : i32
        %mul3A_391 = arith.muli %scan3A_389, %mul3A_390 : i32
        %add3A_392 = arith.addi %mul3A_308, %mul3A_391 : i32
        %get3A_393 = arith.index_cast %add3A_392 : i32 to index
        %get3A_394 = tpu.vector_load %arg14[%get3A_393] {strides = array<i32>} : memref<12800xf32, #tpu.memory_space<vmem>>, vector<16xf32>,
        %get3A_395 = vector.shape_cast %get3A_394 : vector<16xf32> to vector<16xf32>
        %add3A_396 = arith.addf %add3A_387, %get3A_395 : vector<16xf32>
        %scan3A_397 = arith.constant 3 : i32
        %scan3A_398 = arith.addi %scan3A_370, %scan3A_397 : i32
        %mul3A_399 = arith.constant 16 : i32
        %mul3A_400 = arith.muli %scan3A_398, %mul3A_399 : i32
        %add3A_401 = arith.addi %mul3A_308, %mul3A_400 : i32
        %get3A_402 = arith.index_cast %add3A_401 : i32 to index
        %get3A_403 = tpu.vector_load %arg14[%get3A_402] {strides = array<i32>} : memref<12800xf32, #tpu.memory_space<vmem>>, vector<16xf32>,
        %get3A_404 = vector.shape_cast %get3A_403 : vector<16xf32> to vector<16xf32>
        %add3A_405 = arith.addf %add3A_396, %get3A_404 : vector<16xf32>
        scf.yield %add3A_405 : vector<16xf32>
      }
      %scan3A_328 = arith.constant 12 : i32
      %mul3A_329 = arith.constant 400 : i32
      %mul3A_330 = arith.muli %scan3A_305, %mul3A_329 : i32
      %add3A_331 = arith.constant 192 : i32
      %add3A_332 = arith.addi %mul3A_330, %add3A_331 : i32
      %get3A_333 = arith.index_cast %add3A_332 : i32 to index
      %get3A_334 = tpu.vector_load %arg16[%get3A_333] {strides = array<i32>} : memref<12800xf32, #tpu.memory_space<vmem>>, vector<16xf32>,
      %get3A_335 = vector.shape_cast %get3A_334 : vector<16xf32> to vector<16xf32>
      %jit3A_336 = arith.constant 0.000000e+00 : f32
      %broadcast_in_dim3A_337 = vector.broadcast %jit3A_336 : f32 to vector<16xf32>
      %select_n3A_338 = arith.select %lt3A_4, %get3A_335, %broadcast_in_dim3A_337 : vector<16xi1>, vector<16xf32>
      %scan3A_339 = arith.constant 0 : i32
      %scan3A_340 = arith.constant 12 : i32
      %scan3A_341 = arith.addi %scan3A_339, %scan3A_340 : i32
      %scan3A_342 = arith.constant 4 : i32
      %scan3A_343 = scf.for %scan3A_370 = %scan3A_339 to %scan3A_341 step %scan3A_342 iter_args(%scan3A_371 = %select_n3A_338) -> (vector<16xf32>)  : i32 {
        %mul3A_372 = arith.constant 16 : i32
        %mul3A_373 = arith.muli %scan3A_370, %mul3A_372 : i32
        %add3A_374 = arith.addi %mul3A_330, %mul3A_373 : i32
        %get3A_375 = arith.index_cast %add3A_374 : i32 to index
        %get3A_376 = tpu.vector_load %arg16[%get3A_375] {strides = array<i32>} : memref<12800xf32, #tpu.memory_space<vmem>>, vector<16xf32>,
        %get3A_377 = vector.shape_cast %get3A_376 : vector<16xf32> to vector<16xf32>
        %add3A_378 = arith.addf %scan3A_371, %get3A_377 : vector<16xf32>
        %scan3A_379 = arith.constant 1 : i32
        %scan3A_380 = arith.addi %scan3A_370, %scan3A_379 : i32
        %mul3A_381 = arith.constant 16 : i32
        %mul3A_382 = arith.muli %scan3A_380, %mul3A_381 : i32
        %add3A_383 = arith.addi %mul3A_330, %mul3A_382 : i32
        %get3A_384 = arith.index_cast %add3A_383 : i32 to index
        %get3A_385 = tpu.vector_load %arg16[%get3A_384] {strides = array<i32>} : memref<12800xf32, #tpu.memory_space<vmem>>, vector<16xf32>,
        %get3A_386 = vector.shape_cast %get3A_385 : vector<16xf32> to vector<16xf32>
        %add3A_387 = arith.addf %add3A_378, %get3A_386 : vector<16xf32>
        %scan3A_388 = arith.constant 2 : i32
        %scan3A_389 = arith.addi %scan3A_370, %scan3A_388 : i32
        %mul3A_390 = arith.constant 16 : i32
        %mul3A_391 = arith.muli %scan3A_389, %mul3A_390 : i32
        %add3A_392 = arith.addi %mul3A_330, %mul3A_391 : i32
        %get3A_393 = arith.index_cast %add3A_392 : i32 to index
        %get3A_394 = tpu.vector_load %arg16[%get3A_393] {strides = array<i32>} : memref<12800xf32, #tpu.memory_space<vmem>>, vector<16xf32>,
        %get3A_395 = vector.shape_cast %get3A_394 : vector<16xf32> to vector<16xf32>
        %add3A_396 = arith.addf %add3A_387, %get3A_395 : vector<16xf32>
        %scan3A_397 = arith.constant 3 : i32
        %scan3A_398 = arith.addi %scan3A_370, %scan3A_397 : i32
        %mul3A_399 = arith.constant 16 : i32
        %mul3A_400 = arith.muli %scan3A_398, %mul3A_399 : i32
        %add3A_401 = arith.addi %mul3A_330, %mul3A_400 : i32
        %get3A_402 = arith.index_cast %add3A_401 : i32 to index
        %get3A_403 = tpu.vector_load %arg16[%get3A_402] {strides = array<i32>} : memref<12800xf32, #tpu.memory_space<vmem>>, vector<16xf32>,
        %get3A_404 = vector.shape_cast %get3A_403 : vector<16xf32> to vector<16xf32>
        %add3A_405 = arith.addf %add3A_396, %get3A_404 : vector<16xf32>
        scf.yield %add3A_405 : vector<16xf32>
      }
      %scan3A_344 = arith.constant 12 : i32
      %jit3A_345 = arith.constant 0.000000e+00 : f32
      %broadcast_in_dim3A_346 = vector.broadcast %jit3A_345 : f32 to vector<16xf32>
      %select_n3A_347 = arith.select %lt3A_4, %broadcast_in_dim3A_346, %get3A_335 : vector<16xi1>, vector<16xf32>
      %scan3A_348 = arith.constant 13 : i32
      %scan3A_349 = arith.constant 12 : i32
      %scan3A_350 = arith.addi %scan3A_348, %scan3A_349 : i32
      %scan3A_351 = arith.constant 4 : i32
      %scan3A_352 = scf.for %scan3A_370 = %scan3A_348 to %scan3A_350 step %scan3A_351 iter_args(%scan3A_371 = %select_n3A_347) -> (vector<16xf32>)  : i32 {
        %mul3A_372 = arith.constant 16 : i32
        %mul3A_373 = arith.muli %scan3A_370, %mul3A_372 : i32
        %add3A_374 = arith.addi %mul3A_330, %mul3A_373 : i32
        %get3A_375 = arith.index_cast %add3A_374 : i32 to index
        %get3A_376 = tpu.vector_load %arg16[%get3A_375] {strides = array<i32>} : memref<12800xf32, #tpu.memory_space<vmem>>, vector<16xf32>,
        %get3A_377 = vector.shape_cast %get3A_376 : vector<16xf32> to vector<16xf32>
        %add3A_378 = arith.addf %scan3A_371, %get3A_377 : vector<16xf32>
        %scan3A_379 = arith.constant 1 : i32
        %scan3A_380 = arith.addi %scan3A_370, %scan3A_379 : i32
        %mul3A_381 = arith.constant 16 : i32
        %mul3A_382 = arith.muli %scan3A_380, %mul3A_381 : i32
        %add3A_383 = arith.addi %mul3A_330, %mul3A_382 : i32
        %get3A_384 = arith.index_cast %add3A_383 : i32 to index
        %get3A_385 = tpu.vector_load %arg16[%get3A_384] {strides = array<i32>} : memref<12800xf32, #tpu.memory_space<vmem>>, vector<16xf32>,
        %get3A_386 = vector.shape_cast %get3A_385 : vector<16xf32> to vector<16xf32>
        %add3A_387 = arith.addf %add3A_378, %get3A_386 : vector<16xf32>
        %scan3A_388 = arith.constant 2 : i32
        %scan3A_389 = arith.addi %scan3A_370, %scan3A_388 : i32
        %mul3A_390 = arith.constant 16 : i32
        %mul3A_391 = arith.muli %scan3A_389, %mul3A_390 : i32
        %add3A_392 = arith.addi %mul3A_330, %mul3A_391 : i32
        %get3A_393 = arith.index_cast %add3A_392 : i32 to index
        %get3A_394 = tpu.vector_load %arg16[%get3A_393] {strides = array<i32>} : memref<12800xf32, #tpu.memory_space<vmem>>, vector<16xf32>,
        %get3A_395 = vector.shape_cast %get3A_394 : vector<16xf32> to vector<16xf32>
        %add3A_396 = arith.addf %add3A_387, %get3A_395 : vector<16xf32>
        %scan3A_397 = arith.constant 3 : i32
        %scan3A_398 = arith.addi %scan3A_370, %scan3A_397 : i32
        %mul3A_399 = arith.constant 16 : i32
        %mul3A_400 = arith.muli %scan3A_398, %mul3A_399 : i32
        %add3A_401 = arith.addi %mul3A_330, %mul3A_400 : i32
        %get3A_402 = arith.index_cast %add3A_401 : i32 to index
        %get3A_403 = tpu.vector_load %arg16[%get3A_402] {strides = array<i32>} : memref<12800xf32, #tpu.memory_space<vmem>>, vector<16xf32>,
        %get3A_404 = vector.shape_cast %get3A_403 : vector<16xf32> to vector<16xf32>
        %add3A_405 = arith.addf %add3A_396, %get3A_404 : vector<16xf32>
        scf.yield %add3A_405 : vector<16xf32>
      }
      %scan3A_353 = arith.constant 12 : i32
      %add3A_354 = arith.addf %scan3A_318, %scan3A_343 : vector<16xf32>
      %mul3A_355 = arith.constant 32 : i32
      %mul3A_356 = arith.muli %mul3A_355, %scan3A_305 : i32
      %swap3A = arith.index_cast %mul3A_356 : i32 to index
      %swap3A_357 = tpu.vector_load %arg17[%swap3A] {strides = array<i32>} : memref<1024xf32, #tpu.memory_space<vmem>>, vector<16xf32>,
      %swap3A_358 = vector.shape_cast %swap3A_357 : vector<16xf32> to vector<16xf32>
      %swap3A_359 = vector.shape_cast %add3A_354 : vector<16xf32> to vector<16xf32>
      tpu.vector_store %arg17[%swap3A], %swap3A_359 {strides = array<i32>} : memref<1024xf32, #tpu.memory_space<vmem>>, vector<16xf32>,
      %add3A_360 = arith.addf %scan3A_327, %scan3A_352 : vector<16xf32>
      %mul3A_361 = arith.constant 32 : i32
      %mul3A_362 = arith.muli %mul3A_361, %scan3A_305 : i32
      %add3A_363 = arith.constant 16 : i32
      %add3A_364 = arith.addi %mul3A_362, %add3A_363 : i32
      %swap3A_365 = arith.index_cast %add3A_364 : i32 to index
      %swap3A_366 = tpu.vector_load %arg17[%swap3A_365] {strides = array<i32>} : memref<1024xf32, #tpu.memory_space<vmem>>, vector<16xf32>,
      %swap3A_367 = vector.shape_cast %swap3A_366 : vector<16xf32> to vector<16xf32>
      %swap3A_368 = vector.shape_cast %add3A_360 : vector<16xf32> to vector<16xf32>
      tpu.vector_store %arg17[%swap3A_365], %swap3A_368 {strides = array<i32>} : memref<1024xf32, #tpu.memory_space<vmem>>, vector<16xf32>,
      %scan3A_369 = arith.constant 0 : i32
      scf.yield %scan3A_369 : i32
    }
    %scan3A_158 = arith.constant 32 : i32
    %mul3A_159 = arith.constant 1024 : i32
    %mul3A_160 = arith.muli %arg1, %mul3A_159 : i32
    "tpu.region"() ({
      %run_scoped3A = tpu.sem_alloc : memref<!tpu.dma_semaphore, #tpu.memory_space<semaphore_mem>>
      %dma_start3A_305 = tpu.memref_slice %arg21[%mul3A_160] : memref<16384xf32, #tpu.memory_space<vmem_shared>> -> memref<1024xf32, #tpu.memory_space<vmem_shared>>
      %dma_start3A_306 = tpu.memref_slice %arg21[%mul3A_160] : memref<16384xf32, #tpu.memory_space<vmem_shared>> -> memref<1024xf32, #tpu.memory_space<vmem_shared>>
      tpu.enqueue_dma source(%arg17 : memref<1024xf32, #tpu.memory_space<vmem>>) target(%dma_start3A_306 : memref<1024xf32, #tpu.memory_space<vmem_shared>>) target_semaphore(%run_scoped3A : memref<!tpu.dma_semaphore, #tpu.memory_space<semaphore_mem>>)
      %dma_wait3A_307 = tpu.memref_slice %arg21[%mul3A_160] : memref<16384xf32, #tpu.memory_space<vmem_shared>> -> memref<1024xf32, #tpu.memory_space<vmem_shared>>
      %dma_wait3A_308 = tpu.memref_slice %arg21[%mul3A_160] : memref<16384xf32, #tpu.memory_space<vmem_shared>> -> memref<1024xf32, #tpu.memory_space<vmem_shared>>
      tpu.wait_dma2 semaphore(%run_scoped3A : memref<!tpu.dma_semaphore, #tpu.memory_space<semaphore_mem>>) src(%arg17 : memref<1024xf32, #tpu.memory_space<vmem>>) dst(%dma_wait3A_308 : memref<1024xf32, #tpu.memory_space<vmem_shared>>)
      tpu.yield
    }) : () -> ()
    "tpu.region"() ({
      %run_scoped3A = tpu.sem_alloc : memref<!tpu.dma_semaphore, #tpu.memory_space<semaphore_mem>>
      %dma_start3A_305 = arith.constant 0 : i32
      %dma_start3A_306 = tpu.memref_slice %arg21[%dma_start3A_305] : memref<16384xf32, #tpu.memory_space<vmem_shared>> -> memref<16384xf32, #tpu.memory_space<vmem_shared>>
      tpu.enqueue_indirect_dma source(%dma_start3A_306 : memref<16384xf32, #tpu.memory_space<vmem_shared>>) target(%arg18 : memref<1024xf32, #tpu.memory_space<vmem>>) offsets(%arg8 : memref<1024xi32, #tpu.memory_space<vmem>>) semaphore(%run_scoped3A : memref<!tpu.dma_semaphore, #tpu.memory_space<semaphore_mem>>)
      %dma_wait3A_307 = arith.constant 0 : i32
      %dma_wait3A_308 = tpu.memref_slice %arg21[%dma_wait3A_307] : memref<16384xf32, #tpu.memory_space<vmem_shared>> -> memref<16384xf32, #tpu.memory_space<vmem_shared>>
      tpu.wait_indirect_dma semaphore(%run_scoped3A : memref<!tpu.dma_semaphore, #tpu.memory_space<semaphore_mem>>) src(%dma_wait3A_308 : memref<16384xf32, #tpu.memory_space<vmem_shared>>) dst(%arg18 : memref<1024xf32, #tpu.memory_space<vmem>>)
      tpu.yield
    }) : () -> ()
    %scan3A_161 = arith.constant 5.000000e-03 : f32
    %scan3A_162 = arith.constant 0 : i32
    %scan3A_163 = arith.constant 0 : i32
    %scan3A_164 = arith.constant 4 : i32
    %scan3A_165 = arith.addi %scan3A_163, %scan3A_164 : i32
    %scan3A_166 = arith.constant 1 : i32
    %scan3A_167 = scf.for %scan3A_305 = %scan3A_163 to %scan3A_165 step %scan3A_166 iter_args(%scan3A_306 = %scan3A_162) -> (i32)  : i32 {
      %mul3A_307 = arith.constant 16 : i32
      %mul3A_308 = arith.muli %scan3A_305, %mul3A_307 : i32
      %get3A_309 = arith.index_cast %mul3A_308 : i32 to index
      %get3A_310 = tpu.vector_load %arg18[%get3A_309] {strides = array<i32>} : memref<1024xf32, #tpu.memory_space<vmem>>, vector<16xf32>,
      %get3A_311 = vector.shape_cast %get3A_310 : vector<16xf32> to vector<16xf32>
      %scan3A_312 = arith.constant 1 : i32
      %scan3A_313 = arith.constant 12 : i32
      %scan3A_314 = arith.addi %scan3A_312, %scan3A_313 : i32
      %scan3A_315 = arith.constant 4 : i32
      %scan3A_316 = scf.for %scan3A_360 = %scan3A_312 to %scan3A_314 step %scan3A_315 iter_args(%scan3A_361 = %get3A_311) -> (vector<16xf32>)  : i32 {
        %mul3A_362 = arith.constant 64 : i32
        %mul3A_363 = arith.muli %scan3A_360, %mul3A_362 : i32
        %mul3A_364 = arith.constant 16 : i32
        %mul3A_365 = arith.muli %scan3A_305, %mul3A_364 : i32
        %add3A_366 = arith.addi %mul3A_363, %mul3A_365 : i32
        %get3A_367 = arith.index_cast %add3A_366 : i32 to index
        %get3A_368 = tpu.vector_load %arg18[%get3A_367] {strides = array<i32>} : memref<1024xf32, #tpu.memory_space<vmem>>, vector<16xf32>,
        %get3A_369 = vector.shape_cast %get3A_368 : vector<16xf32> to vector<16xf32>
        %add3A_370 = arith.addf %scan3A_361, %get3A_369 : vector<16xf32>
        %scan3A_371 = arith.constant 1 : i32
        %scan3A_372 = arith.addi %scan3A_360, %scan3A_371 : i32
        %mul3A_373 = arith.constant 64 : i32
        %mul3A_374 = arith.muli %scan3A_372, %mul3A_373 : i32
        %mul3A_375 = arith.constant 16 : i32
        %mul3A_376 = arith.muli %scan3A_305, %mul3A_375 : i32
        %add3A_377 = arith.addi %mul3A_374, %mul3A_376 : i32
        %get3A_378 = arith.index_cast %add3A_377 : i32 to index
        %get3A_379 = tpu.vector_load %arg18[%get3A_378] {strides = array<i32>} : memref<1024xf32, #tpu.memory_space<vmem>>, vector<16xf32>,
        %get3A_380 = vector.shape_cast %get3A_379 : vector<16xf32> to vector<16xf32>
        %add3A_381 = arith.addf %add3A_370, %get3A_380 : vector<16xf32>
        %scan3A_382 = arith.constant 2 : i32
        %scan3A_383 = arith.addi %scan3A_360, %scan3A_382 : i32
        %mul3A_384 = arith.constant 64 : i32
        %mul3A_385 = arith.muli %scan3A_383, %mul3A_384 : i32
        %mul3A_386 = arith.constant 16 : i32
        %mul3A_387 = arith.muli %scan3A_305, %mul3A_386 : i32
        %add3A_388 = arith.addi %mul3A_385, %mul3A_387 : i32
        %get3A_389 = arith.index_cast %add3A_388 : i32 to index
        %get3A_390 = tpu.vector_load %arg18[%get3A_389] {strides = array<i32>} : memref<1024xf32, #tpu.memory_space<vmem>>, vector<16xf32>,
        %get3A_391 = vector.shape_cast %get3A_390 : vector<16xf32> to vector<16xf32>
        %add3A_392 = arith.addf %add3A_381, %get3A_391 : vector<16xf32>
        %scan3A_393 = arith.constant 3 : i32
        %scan3A_394 = arith.addi %scan3A_360, %scan3A_393 : i32
        %mul3A_395 = arith.constant 64 : i32
        %mul3A_396 = arith.muli %scan3A_394, %mul3A_395 : i32
        %mul3A_397 = arith.constant 16 : i32
        %mul3A_398 = arith.muli %scan3A_305, %mul3A_397 : i32
        %add3A_399 = arith.addi %mul3A_396, %mul3A_398 : i32
        %get3A_400 = arith.index_cast %add3A_399 : i32 to index
        %get3A_401 = tpu.vector_load %arg18[%get3A_400] {strides = array<i32>} : memref<1024xf32, #tpu.memory_space<vmem>>, vector<16xf32>,
        %get3A_402 = vector.shape_cast %get3A_401 : vector<16xf32> to vector<16xf32>
        %add3A_403 = arith.addf %add3A_392, %get3A_402 : vector<16xf32>
        scf.yield %add3A_403 : vector<16xf32>
      }
      %scan3A_317 = arith.constant 12 : i32
      %scan3A_318 = arith.addi %scan3A_312, %scan3A_317 : i32
      %mul3A_319 = arith.constant 64 : i32
      %mul3A_320 = arith.muli %scan3A_318, %mul3A_319 : i32
      %mul3A_321 = arith.constant 16 : i32
      %mul3A_322 = arith.muli %scan3A_305, %mul3A_321 : i32
      %add3A_323 = arith.addi %mul3A_320, %mul3A_322 : i32
      %get3A_324 = arith.index_cast %add3A_323 : i32 to index
      %get3A_325 = tpu.vector_load %arg18[%get3A_324] {strides = array<i32>} : memref<1024xf32, #tpu.memory_space<vmem>>, vector<16xf32>,
      %get3A_326 = vector.shape_cast %get3A_325 : vector<16xf32> to vector<16xf32>
      %add3A_327 = arith.addf %scan3A_316, %get3A_326 : vector<16xf32>
      %scan3A_328 = arith.constant 13 : i32
      %scan3A_329 = arith.addi %scan3A_312, %scan3A_328 : i32
      %mul3A_330 = arith.constant 64 : i32
      %mul3A_331 = arith.muli %scan3A_329, %mul3A_330 : i32
      %mul3A_332 = arith.constant 16 : i32
      %mul3A_333 = arith.muli %scan3A_305, %mul3A_332 : i32
      %add3A_334 = arith.addi %mul3A_331, %mul3A_333 : i32
      %get3A_335 = arith.index_cast %add3A_334 : i32 to index
      %get3A_336 = tpu.vector_load %arg18[%get3A_335] {strides = array<i32>} : memref<1024xf32, #tpu.memory_space<vmem>>, vector<16xf32>,
      %get3A_337 = vector.shape_cast %get3A_336 : vector<16xf32> to vector<16xf32>
      %add3A_338 = arith.addf %add3A_327, %get3A_337 : vector<16xf32>
      %scan3A_339 = arith.constant 14 : i32
      %scan3A_340 = arith.addi %scan3A_312, %scan3A_339 : i32
      %mul3A_341 = arith.constant 64 : i32
      %mul3A_342 = arith.muli %scan3A_340, %mul3A_341 : i32
      %mul3A_343 = arith.constant 16 : i32
      %mul3A_344 = arith.muli %scan3A_305, %mul3A_343 : i32
      %add3A_345 = arith.addi %mul3A_342, %mul3A_344 : i32
      %get3A_346 = arith.index_cast %add3A_345 : i32 to index
      %get3A_347 = tpu.vector_load %arg18[%get3A_346] {strides = array<i32>} : memref<1024xf32, #tpu.memory_space<vmem>>, vector<16xf32>,
      %get3A_348 = vector.shape_cast %get3A_347 : vector<16xf32> to vector<16xf32>
      %add3A_349 = arith.addf %add3A_338, %get3A_348 : vector<16xf32>
      %scan3A_350 = arith.constant 15 : i32
      %mul3A_351 = vector.broadcast %scan3A_161 : f32 to vector<16xf32>
      %mul3A_352 = arith.mulf %add3A_349, %mul3A_351 : vector<16xf32>
      %add3A_353 = arith.addf %mul3A_352, %get3A_2 : vector<16xf32>
      %mul3A_354 = arith.constant 16 : i32
      %mul3A_355 = arith.muli %scan3A_305, %mul3A_354 : i32
      %swap3A = arith.index_cast %mul3A_355 : i32 to index
      %swap3A_356 = tpu.vector_load %arg19[%swap3A] {strides = array<i32>} : memref<64xf32, #tpu.memory_space<vmem>>, vector<16xf32>,
      %swap3A_357 = vector.shape_cast %swap3A_356 : vector<16xf32> to vector<16xf32>
      %swap3A_358 = vector.shape_cast %add3A_353 : vector<16xf32> to vector<16xf32>
      tpu.vector_store %arg19[%swap3A], %swap3A_358 {strides = array<i32>} : memref<64xf32, #tpu.memory_space<vmem>>, vector<16xf32>,
      %scan3A_359 = arith.constant 0 : i32
      scf.yield %scan3A_359 : i32
    }
    %scan3A_168 = arith.constant 4 : i32
    "tpu.region"() ({
      %run_scoped3A = tpu.sem_alloc : memref<!tpu.dma_semaphore, #tpu.memory_space<semaphore_mem>>
      %dma_start3A_305 = tpu.memref_slice %arg7[%add3A_151] : memref<16384xf32, #tpu.memory_space<hbm>> -> memref<64xf32, #tpu.memory_space<hbm>>
      %dma_start3A_306 = tpu.memref_slice %arg7[%add3A_151] : memref<16384xf32, #tpu.memory_space<hbm>> -> memref<64xf32, #tpu.memory_space<hbm>>
      tpu.enqueue_dma source(%arg19 : memref<64xf32, #tpu.memory_space<vmem>>) target(%dma_start3A_306 : memref<64xf32, #tpu.memory_space<hbm>>) target_semaphore(%run_scoped3A : memref<!tpu.dma_semaphore, #tpu.memory_space<semaphore_mem>>)
      %dma_wait3A_307 = tpu.memref_slice %arg7[%add3A_151] : memref<16384xf32, #tpu.memory_space<hbm>> -> memref<64xf32, #tpu.memory_space<hbm>>
      %dma_wait3A_308 = tpu.memref_slice %arg7[%add3A_151] : memref<16384xf32, #tpu.memory_space<hbm>> -> memref<64xf32, #tpu.memory_space<hbm>>
      tpu.wait_dma2 semaphore(%run_scoped3A : memref<!tpu.dma_semaphore, #tpu.memory_space<semaphore_mem>>) src(%arg19 : memref<64xf32, #tpu.memory_space<vmem>>) dst(%dma_wait3A_308 : memref<64xf32, #tpu.memory_space<hbm>>)
      tpu.yield
    }) : () -> ()
    %mul3A_169 = arith.constant 512 : i32
    %mul3A_170 = arith.muli %add3A, %mul3A_169 : i32
    %add3A_171 = arith.constant 320 : i32
    %add3A_172 = arith.addi %mul3A_170, %add3A_171 : i32
    %mul3A_173 = arith.constant 200 : i32
    %mul3A_174 = arith.muli %add3A_172, %mul3A_173 : i32
    "tpu.region"() ({
      %run_scoped3A = tpu.sem_alloc : memref<!tpu.dma_semaphore, #tpu.memory_space<semaphore_mem>>
      %dma_start3A_305 = tpu.memref_slice %arg4[%mul3A_174] : memref<3276800xi32, #tpu.memory_space<hbm>> -> memref<12800xi32, #tpu.memory_space<hbm>>
      %dma_start3A_306 = tpu.memref_slice %arg4[%mul3A_174] : memref<3276800xi32, #tpu.memory_space<hbm>> -> memref<12800xi32, #tpu.memory_space<hbm>>
      tpu.enqueue_dma source(%dma_start3A_306 : memref<12800xi32, #tpu.memory_space<hbm>>) target(%arg10 : memref<12800xi32, #tpu.memory_space<vmem>>) target_semaphore(%run_scoped3A : memref<!tpu.dma_semaphore, #tpu.memory_space<semaphore_mem>>)
      %dma_wait3A_307 = tpu.memref_slice %arg4[%mul3A_174] : memref<3276800xi32, #tpu.memory_space<hbm>> -> memref<12800xi32, #tpu.memory_space<hbm>>
      %dma_wait3A_308 = tpu.memref_slice %arg4[%mul3A_174] : memref<3276800xi32, #tpu.memory_space<hbm>> -> memref<12800xi32, #tpu.memory_space<hbm>>
      tpu.wait_dma2 semaphore(%run_scoped3A : memref<!tpu.dma_semaphore, #tpu.memory_space<semaphore_mem>>) src(%dma_wait3A_308 : memref<12800xi32, #tpu.memory_space<hbm>>) dst(%arg10 : memref<12800xi32, #tpu.memory_space<vmem>>)
      tpu.yield
    }) : () -> ()
    %mul3A_175 = arith.constant 200 : i32
    %mul3A_176 = arith.muli %add3A_172, %mul3A_175 : i32
    "tpu.region"() ({
      %run_scoped3A = tpu.sem_alloc : memref<!tpu.dma_semaphore, #tpu.memory_space<semaphore_mem>>
      %dma_start3A_305 = tpu.memref_slice %arg5[%mul3A_176] : memref<3276800xi32, #tpu.memory_space<hbm>> -> memref<12800xi32, #tpu.memory_space<hbm>>
      %dma_start3A_306 = tpu.memref_slice %arg5[%mul3A_176] : memref<3276800xi32, #tpu.memory_space<hbm>> -> memref<12800xi32, #tpu.memory_space<hbm>>
      tpu.enqueue_dma source(%dma_start3A_306 : memref<12800xi32, #tpu.memory_space<hbm>>) target(%arg12 : memref<12800xi32, #tpu.memory_space<vmem>>) target_semaphore(%run_scoped3A : memref<!tpu.dma_semaphore, #tpu.memory_space<semaphore_mem>>)
      %dma_wait3A_307 = tpu.memref_slice %arg5[%mul3A_176] : memref<3276800xi32, #tpu.memory_space<hbm>> -> memref<12800xi32, #tpu.memory_space<hbm>>
      %dma_wait3A_308 = tpu.memref_slice %arg5[%mul3A_176] : memref<3276800xi32, #tpu.memory_space<hbm>> -> memref<12800xi32, #tpu.memory_space<hbm>>
      tpu.wait_dma2 semaphore(%run_scoped3A : memref<!tpu.dma_semaphore, #tpu.memory_space<semaphore_mem>>) src(%dma_wait3A_308 : memref<12800xi32, #tpu.memory_space<hbm>>) dst(%arg12 : memref<12800xi32, #tpu.memory_space<vmem>>)
      tpu.yield
    }) : () -> ()
    %dma_start3A_177 = arith.constant 0 : i32
    %dma_start3A_178 = tpu.memref_slice %arg2[%dma_start3A_177] : memref<1000000xf32, #tpu.memory_space<hbm>> -> memref<1000000xf32, #tpu.memory_space<hbm>>
    tpu.enqueue_indirect_dma source(%dma_start3A_178 : memref<1000000xf32, #tpu.memory_space<hbm>>) target(%arg14 : memref<12800xf32, #tpu.memory_space<vmem>>) offsets(%arg10 : memref<12800xi32, #tpu.memory_space<vmem>>) semaphore(%arg23 : memref<!tpu.dma_semaphore, #tpu.memory_space<semaphore_mem>>)
    %dma_start3A_179 = arith.constant 0 : i32
    %dma_start3A_180 = tpu.memref_slice %arg3[%dma_start3A_179] : memref<1000000xf32, #tpu.memory_space<hbm>> -> memref<1000000xf32, #tpu.memory_space<hbm>>
    tpu.enqueue_indirect_dma source(%dma_start3A_180 : memref<1000000xf32, #tpu.memory_space<hbm>>) target(%arg16 : memref<12800xf32, #tpu.memory_space<vmem>>) offsets(%arg12 : memref<12800xi32, #tpu.memory_space<vmem>>) semaphore(%arg25 : memref<!tpu.dma_semaphore, #tpu.memory_space<semaphore_mem>>)
    %dma_wait3A_181 = arith.constant 0 : i32
    %dma_wait3A_182 = tpu.memref_slice %arg2[%dma_wait3A_181] : memref<1000000xf32, #tpu.memory_space<hbm>> -> memref<1000000xf32, #tpu.memory_space<hbm>>
    tpu.wait_indirect_dma semaphore(%arg22 : memref<!tpu.dma_semaphore, #tpu.memory_space<semaphore_mem>>) src(%dma_wait3A_182 : memref<1000000xf32, #tpu.memory_space<hbm>>) dst(%arg13 : memref<12800xf32, #tpu.memory_space<vmem>>)
    %dma_wait3A_183 = arith.constant 0 : i32
    %dma_wait3A_184 = tpu.memref_slice %arg3[%dma_wait3A_183] : memref<1000000xf32, #tpu.memory_space<hbm>> -> memref<1000000xf32, #tpu.memory_space<hbm>>
    tpu.wait_indirect_dma semaphore(%arg24 : memref<!tpu.dma_semaphore, #tpu.memory_space<semaphore_mem>>) src(%dma_wait3A_184 : memref<1000000xf32, #tpu.memory_space<hbm>>) dst(%arg15 : memref<12800xf32, #tpu.memory_space<vmem>>)
    %mul3A_185 = arith.constant 512 : i32
    %mul3A_186 = arith.muli %add3A, %mul3A_185 : i32
    %add3A_187 = arith.constant 256 : i32
    %add3A_188 = arith.addi %mul3A_186, %add3A_187 : i32
    %scan3A_189 = arith.constant 0 : i32
    %scan3A_190 = arith.constant 0 : i32
    %scan3A_191 = arith.constant 32 : i32
    %scan3A_192 = arith.addi %scan3A_190, %scan3A_191 : i32
    %scan3A_193 = arith.constant 1 : i32
    %scan3A_194 = scf.for %scan3A_305 = %scan3A_190 to %scan3A_192 step %scan3A_193 iter_args(%scan3A_306 = %scan3A_189) -> (i32)  : i32 {
      %mul3A_307 = arith.constant 400 : i32
      %mul3A_308 = arith.muli %scan3A_305, %mul3A_307 : i32
      %add3A_309 = arith.constant 192 : i32
      %add3A_310 = arith.addi %mul3A_308, %add3A_309 : i32
      %get3A_311 = arith.index_cast %add3A_310 : i32 to index
      %get3A_312 = tpu.vector_load %arg13[%get3A_311] {strides = array<i32>} : memref<12800xf32, #tpu.memory_space<vmem>>, vector<16xf32>,
      %get3A_313 = vector.shape_cast %get3A_312 : vector<16xf32> to vector<16xf32>
      %jit3A = arith.constant 0.000000e+00 : f32
      %broadcast_in_dim3A = vector.broadcast %jit3A : f32 to vector<16xf32>
      %select_n3A = arith.select %lt3A_4, %get3A_313, %broadcast_in_dim3A : vector<16xi1>, vector<16xf32>
      %scan3A_314 = arith.constant 0 : i32
      %scan3A_315 = arith.constant 12 : i32
      %scan3A_316 = arith.addi %scan3A_314, %scan3A_315 : i32
      %scan3A_317 = arith.constant 4 : i32
      %scan3A_318 = scf.for %scan3A_370 = %scan3A_314 to %scan3A_316 step %scan3A_317 iter_args(%scan3A_371 = %select_n3A) -> (vector<16xf32>)  : i32 {
        %mul3A_372 = arith.constant 16 : i32
        %mul3A_373 = arith.muli %scan3A_370, %mul3A_372 : i32
        %add3A_374 = arith.addi %mul3A_308, %mul3A_373 : i32
        %get3A_375 = arith.index_cast %add3A_374 : i32 to index
        %get3A_376 = tpu.vector_load %arg13[%get3A_375] {strides = array<i32>} : memref<12800xf32, #tpu.memory_space<vmem>>, vector<16xf32>,
        %get3A_377 = vector.shape_cast %get3A_376 : vector<16xf32> to vector<16xf32>
        %add3A_378 = arith.addf %scan3A_371, %get3A_377 : vector<16xf32>
        %scan3A_379 = arith.constant 1 : i32
        %scan3A_380 = arith.addi %scan3A_370, %scan3A_379 : i32
        %mul3A_381 = arith.constant 16 : i32
        %mul3A_382 = arith.muli %scan3A_380, %mul3A_381 : i32
        %add3A_383 = arith.addi %mul3A_308, %mul3A_382 : i32
        %get3A_384 = arith.index_cast %add3A_383 : i32 to index
        %get3A_385 = tpu.vector_load %arg13[%get3A_384] {strides = array<i32>} : memref<12800xf32, #tpu.memory_space<vmem>>, vector<16xf32>,
        %get3A_386 = vector.shape_cast %get3A_385 : vector<16xf32> to vector<16xf32>
        %add3A_387 = arith.addf %add3A_378, %get3A_386 : vector<16xf32>
        %scan3A_388 = arith.constant 2 : i32
        %scan3A_389 = arith.addi %scan3A_370, %scan3A_388 : i32
        %mul3A_390 = arith.constant 16 : i32
        %mul3A_391 = arith.muli %scan3A_389, %mul3A_390 : i32
        %add3A_392 = arith.addi %mul3A_308, %mul3A_391 : i32
        %get3A_393 = arith.index_cast %add3A_392 : i32 to index
        %get3A_394 = tpu.vector_load %arg13[%get3A_393] {strides = array<i32>} : memref<12800xf32, #tpu.memory_space<vmem>>, vector<16xf32>,
        %get3A_395 = vector.shape_cast %get3A_394 : vector<16xf32> to vector<16xf32>
        %add3A_396 = arith.addf %add3A_387, %get3A_395 : vector<16xf32>
        %scan3A_397 = arith.constant 3 : i32
        %scan3A_398 = arith.addi %scan3A_370, %scan3A_397 : i32
        %mul3A_399 = arith.constant 16 : i32
        %mul3A_400 = arith.muli %scan3A_398, %mul3A_399 : i32
        %add3A_401 = arith.addi %mul3A_308, %mul3A_400 : i32
        %get3A_402 = arith.index_cast %add3A_401 : i32 to index
        %get3A_403 = tpu.vector_load %arg13[%get3A_402] {strides = array<i32>} : memref<12800xf32, #tpu.memory_space<vmem>>, vector<16xf32>,
        %get3A_404 = vector.shape_cast %get3A_403 : vector<16xf32> to vector<16xf32>
        %add3A_405 = arith.addf %add3A_396, %get3A_404 : vector<16xf32>
        scf.yield %add3A_405 : vector<16xf32>
      }
      %scan3A_319 = arith.constant 12 : i32
      %jit3A_320 = arith.constant 0.000000e+00 : f32
      %broadcast_in_dim3A_321 = vector.broadcast %jit3A_320 : f32 to vector<16xf32>
      %select_n3A_322 = arith.select %lt3A_4, %broadcast_in_dim3A_321, %get3A_313 : vector<16xi1>, vector<16xf32>
      %scan3A_323 = arith.constant 13 : i32
      %scan3A_324 = arith.constant 12 : i32
      %scan3A_325 = arith.addi %scan3A_323, %scan3A_324 : i32
      %scan3A_326 = arith.constant 4 : i32
      %scan3A_327 = scf.for %scan3A_370 = %scan3A_323 to %scan3A_325 step %scan3A_326 iter_args(%scan3A_371 = %select_n3A_322) -> (vector<16xf32>)  : i32 {
        %mul3A_372 = arith.constant 16 : i32
        %mul3A_373 = arith.muli %scan3A_370, %mul3A_372 : i32
        %add3A_374 = arith.addi %mul3A_308, %mul3A_373 : i32
        %get3A_375 = arith.index_cast %add3A_374 : i32 to index
        %get3A_376 = tpu.vector_load %arg13[%get3A_375] {strides = array<i32>} : memref<12800xf32, #tpu.memory_space<vmem>>, vector<16xf32>,
        %get3A_377 = vector.shape_cast %get3A_376 : vector<16xf32> to vector<16xf32>
        %add3A_378 = arith.addf %scan3A_371, %get3A_377 : vector<16xf32>
        %scan3A_379 = arith.constant 1 : i32
        %scan3A_380 = arith.addi %scan3A_370, %scan3A_379 : i32
        %mul3A_381 = arith.constant 16 : i32
        %mul3A_382 = arith.muli %scan3A_380, %mul3A_381 : i32
        %add3A_383 = arith.addi %mul3A_308, %mul3A_382 : i32
        %get3A_384 = arith.index_cast %add3A_383 : i32 to index
        %get3A_385 = tpu.vector_load %arg13[%get3A_384] {strides = array<i32>} : memref<12800xf32, #tpu.memory_space<vmem>>, vector<16xf32>,
        %get3A_386 = vector.shape_cast %get3A_385 : vector<16xf32> to vector<16xf32>
        %add3A_387 = arith.addf %add3A_378, %get3A_386 : vector<16xf32>
        %scan3A_388 = arith.constant 2 : i32
        %scan3A_389 = arith.addi %scan3A_370, %scan3A_388 : i32
        %mul3A_390 = arith.constant 16 : i32
        %mul3A_391 = arith.muli %scan3A_389, %mul3A_390 : i32
        %add3A_392 = arith.addi %mul3A_308, %mul3A_391 : i32
        %get3A_393 = arith.index_cast %add3A_392 : i32 to index
        %get3A_394 = tpu.vector_load %arg13[%get3A_393] {strides = array<i32>} : memref<12800xf32, #tpu.memory_space<vmem>>, vector<16xf32>,
        %get3A_395 = vector.shape_cast %get3A_394 : vector<16xf32> to vector<16xf32>
        %add3A_396 = arith.addf %add3A_387, %get3A_395 : vector<16xf32>
        %scan3A_397 = arith.constant 3 : i32
        %scan3A_398 = arith.addi %scan3A_370, %scan3A_397 : i32
        %mul3A_399 = arith.constant 16 : i32
        %mul3A_400 = arith.muli %scan3A_398, %mul3A_399 : i32
        %add3A_401 = arith.addi %mul3A_308, %mul3A_400 : i32
        %get3A_402 = arith.index_cast %add3A_401 : i32 to index
        %get3A_403 = tpu.vector_load %arg13[%get3A_402] {strides = array<i32>} : memref<12800xf32, #tpu.memory_space<vmem>>, vector<16xf32>,
        %get3A_404 = vector.shape_cast %get3A_403 : vector<16xf32> to vector<16xf32>
        %add3A_405 = arith.addf %add3A_396, %get3A_404 : vector<16xf32>
        scf.yield %add3A_405 : vector<16xf32>
      }
      %scan3A_328 = arith.constant 12 : i32
      %mul3A_329 = arith.constant 400 : i32
      %mul3A_330 = arith.muli %scan3A_305, %mul3A_329 : i32
      %add3A_331 = arith.constant 192 : i32
      %add3A_332 = arith.addi %mul3A_330, %add3A_331 : i32
      %get3A_333 = arith.index_cast %add3A_332 : i32 to index
      %get3A_334 = tpu.vector_load %arg15[%get3A_333] {strides = array<i32>} : memref<12800xf32, #tpu.memory_space<vmem>>, vector<16xf32>,
      %get3A_335 = vector.shape_cast %get3A_334 : vector<16xf32> to vector<16xf32>
      %jit3A_336 = arith.constant 0.000000e+00 : f32
      %broadcast_in_dim3A_337 = vector.broadcast %jit3A_336 : f32 to vector<16xf32>
      %select_n3A_338 = arith.select %lt3A_4, %get3A_335, %broadcast_in_dim3A_337 : vector<16xi1>, vector<16xf32>
      %scan3A_339 = arith.constant 0 : i32
      %scan3A_340 = arith.constant 12 : i32
      %scan3A_341 = arith.addi %scan3A_339, %scan3A_340 : i32
      %scan3A_342 = arith.constant 4 : i32
      %scan3A_343 = scf.for %scan3A_370 = %scan3A_339 to %scan3A_341 step %scan3A_342 iter_args(%scan3A_371 = %select_n3A_338) -> (vector<16xf32>)  : i32 {
        %mul3A_372 = arith.constant 16 : i32
        %mul3A_373 = arith.muli %scan3A_370, %mul3A_372 : i32
        %add3A_374 = arith.addi %mul3A_330, %mul3A_373 : i32
        %get3A_375 = arith.index_cast %add3A_374 : i32 to index
        %get3A_376 = tpu.vector_load %arg15[%get3A_375] {strides = array<i32>} : memref<12800xf32, #tpu.memory_space<vmem>>, vector<16xf32>,
        %get3A_377 = vector.shape_cast %get3A_376 : vector<16xf32> to vector<16xf32>
        %add3A_378 = arith.addf %scan3A_371, %get3A_377 : vector<16xf32>
        %scan3A_379 = arith.constant 1 : i32
        %scan3A_380 = arith.addi %scan3A_370, %scan3A_379 : i32
        %mul3A_381 = arith.constant 16 : i32
        %mul3A_382 = arith.muli %scan3A_380, %mul3A_381 : i32
        %add3A_383 = arith.addi %mul3A_330, %mul3A_382 : i32
        %get3A_384 = arith.index_cast %add3A_383 : i32 to index
        %get3A_385 = tpu.vector_load %arg15[%get3A_384] {strides = array<i32>} : memref<12800xf32, #tpu.memory_space<vmem>>, vector<16xf32>,
        %get3A_386 = vector.shape_cast %get3A_385 : vector<16xf32> to vector<16xf32>
        %add3A_387 = arith.addf %add3A_378, %get3A_386 : vector<16xf32>
        %scan3A_388 = arith.constant 2 : i32
        %scan3A_389 = arith.addi %scan3A_370, %scan3A_388 : i32
        %mul3A_390 = arith.constant 16 : i32
        %mul3A_391 = arith.muli %scan3A_389, %mul3A_390 : i32
        %add3A_392 = arith.addi %mul3A_330, %mul3A_391 : i32
        %get3A_393 = arith.index_cast %add3A_392 : i32 to index
        %get3A_394 = tpu.vector_load %arg15[%get3A_393] {strides = array<i32>} : memref<12800xf32, #tpu.memory_space<vmem>>, vector<16xf32>,
        %get3A_395 = vector.shape_cast %get3A_394 : vector<16xf32> to vector<16xf32>
        %add3A_396 = arith.addf %add3A_387, %get3A_395 : vector<16xf32>
        %scan3A_397 = arith.constant 3 : i32
        %scan3A_398 = arith.addi %scan3A_370, %scan3A_397 : i32
        %mul3A_399 = arith.constant 16 : i32
        %mul3A_400 = arith.muli %scan3A_398, %mul3A_399 : i32
        %add3A_401 = arith.addi %mul3A_330, %mul3A_400 : i32
        %get3A_402 = arith.index_cast %add3A_401 : i32 to index
        %get3A_403 = tpu.vector_load %arg15[%get3A_402] {strides = array<i32>} : memref<12800xf32, #tpu.memory_space<vmem>>, vector<16xf32>,
        %get3A_404 = vector.shape_cast %get3A_403 : vector<16xf32> to vector<16xf32>
        %add3A_405 = arith.addf %add3A_396, %get3A_404 : vector<16xf32>
        scf.yield %add3A_405 : vector<16xf32>
      }
      %scan3A_344 = arith.constant 12 : i32
      %jit3A_345 = arith.constant 0.000000e+00 : f32
      %broadcast_in_dim3A_346 = vector.broadcast %jit3A_345 : f32 to vector<16xf32>
      %select_n3A_347 = arith.select %lt3A_4, %broadcast_in_dim3A_346, %get3A_335 : vector<16xi1>, vector<16xf32>
      %scan3A_348 = arith.constant 13 : i32
      %scan3A_349 = arith.constant 12 : i32
      %scan3A_350 = arith.addi %scan3A_348, %scan3A_349 : i32
      %scan3A_351 = arith.constant 4 : i32
      %scan3A_352 = scf.for %scan3A_370 = %scan3A_348 to %scan3A_350 step %scan3A_351 iter_args(%scan3A_371 = %select_n3A_347) -> (vector<16xf32>)  : i32 {
        %mul3A_372 = arith.constant 16 : i32
        %mul3A_373 = arith.muli %scan3A_370, %mul3A_372 : i32
        %add3A_374 = arith.addi %mul3A_330, %mul3A_373 : i32
        %get3A_375 = arith.index_cast %add3A_374 : i32 to index
        %get3A_376 = tpu.vector_load %arg15[%get3A_375] {strides = array<i32>} : memref<12800xf32, #tpu.memory_space<vmem>>, vector<16xf32>,
        %get3A_377 = vector.shape_cast %get3A_376 : vector<16xf32> to vector<16xf32>
        %add3A_378 = arith.addf %scan3A_371, %get3A_377 : vector<16xf32>
        %scan3A_379 = arith.constant 1 : i32
        %scan3A_380 = arith.addi %scan3A_370, %scan3A_379 : i32
        %mul3A_381 = arith.constant 16 : i32
        %mul3A_382 = arith.muli %scan3A_380, %mul3A_381 : i32
        %add3A_383 = arith.addi %mul3A_330, %mul3A_382 : i32
        %get3A_384 = arith.index_cast %add3A_383 : i32 to index
        %get3A_385 = tpu.vector_load %arg15[%get3A_384] {strides = array<i32>} : memref<12800xf32, #tpu.memory_space<vmem>>, vector<16xf32>,
        %get3A_386 = vector.shape_cast %get3A_385 : vector<16xf32> to vector<16xf32>
        %add3A_387 = arith.addf %add3A_378, %get3A_386 : vector<16xf32>
        %scan3A_388 = arith.constant 2 : i32
        %scan3A_389 = arith.addi %scan3A_370, %scan3A_388 : i32
        %mul3A_390 = arith.constant 16 : i32
        %mul3A_391 = arith.muli %scan3A_389, %mul3A_390 : i32
        %add3A_392 = arith.addi %mul3A_330, %mul3A_391 : i32
        %get3A_393 = arith.index_cast %add3A_392 : i32 to index
        %get3A_394 = tpu.vector_load %arg15[%get3A_393] {strides = array<i32>} : memref<12800xf32, #tpu.memory_space<vmem>>, vector<16xf32>,
        %get3A_395 = vector.shape_cast %get3A_394 : vector<16xf32> to vector<16xf32>
        %add3A_396 = arith.addf %add3A_387, %get3A_395 : vector<16xf32>
        %scan3A_397 = arith.constant 3 : i32
        %scan3A_398 = arith.addi %scan3A_370, %scan3A_397 : i32
        %mul3A_399 = arith.constant 16 : i32
        %mul3A_400 = arith.muli %scan3A_398, %mul3A_399 : i32
        %add3A_401 = arith.addi %mul3A_330, %mul3A_400 : i32
        %get3A_402 = arith.index_cast %add3A_401 : i32 to index
        %get3A_403 = tpu.vector_load %arg15[%get3A_402] {strides = array<i32>} : memref<12800xf32, #tpu.memory_space<vmem>>, vector<16xf32>,
        %get3A_404 = vector.shape_cast %get3A_403 : vector<16xf32> to vector<16xf32>
        %add3A_405 = arith.addf %add3A_396, %get3A_404 : vector<16xf32>
        scf.yield %add3A_405 : vector<16xf32>
      }
      %scan3A_353 = arith.constant 12 : i32
      %add3A_354 = arith.addf %scan3A_318, %scan3A_343 : vector<16xf32>
      %mul3A_355 = arith.constant 32 : i32
      %mul3A_356 = arith.muli %mul3A_355, %scan3A_305 : i32
      %swap3A = arith.index_cast %mul3A_356 : i32 to index
      %swap3A_357 = tpu.vector_load %arg17[%swap3A] {strides = array<i32>} : memref<1024xf32, #tpu.memory_space<vmem>>, vector<16xf32>,
      %swap3A_358 = vector.shape_cast %swap3A_357 : vector<16xf32> to vector<16xf32>
      %swap3A_359 = vector.shape_cast %add3A_354 : vector<16xf32> to vector<16xf32>
      tpu.vector_store %arg17[%swap3A], %swap3A_359 {strides = array<i32>} : memref<1024xf32, #tpu.memory_space<vmem>>, vector<16xf32>,
      %add3A_360 = arith.addf %scan3A_327, %scan3A_352 : vector<16xf32>
      %mul3A_361 = arith.constant 32 : i32
      %mul3A_362 = arith.muli %mul3A_361, %scan3A_305 : i32
      %add3A_363 = arith.constant 16 : i32
      %add3A_364 = arith.addi %mul3A_362, %add3A_363 : i32
      %swap3A_365 = arith.index_cast %add3A_364 : i32 to index
      %swap3A_366 = tpu.vector_load %arg17[%swap3A_365] {strides = array<i32>} : memref<1024xf32, #tpu.memory_space<vmem>>, vector<16xf32>,
      %swap3A_367 = vector.shape_cast %swap3A_366 : vector<16xf32> to vector<16xf32>
      %swap3A_368 = vector.shape_cast %add3A_360 : vector<16xf32> to vector<16xf32>
      tpu.vector_store %arg17[%swap3A_365], %swap3A_368 {strides = array<i32>} : memref<1024xf32, #tpu.memory_space<vmem>>, vector<16xf32>,
      %scan3A_369 = arith.constant 0 : i32
      scf.yield %scan3A_369 : i32
    }
    %scan3A_195 = arith.constant 32 : i32
    %mul3A_196 = arith.constant 1024 : i32
    %mul3A_197 = arith.muli %arg1, %mul3A_196 : i32
    "tpu.region"() ({
      %run_scoped3A = tpu.sem_alloc : memref<!tpu.dma_semaphore, #tpu.memory_space<semaphore_mem>>
      %dma_start3A_305 = tpu.memref_slice %arg21[%mul3A_197] : memref<16384xf32, #tpu.memory_space<vmem_shared>> -> memref<1024xf32, #tpu.memory_space<vmem_shared>>
      %dma_start3A_306 = tpu.memref_slice %arg21[%mul3A_197] : memref<16384xf32, #tpu.memory_space<vmem_shared>> -> memref<1024xf32, #tpu.memory_space<vmem_shared>>
      tpu.enqueue_dma source(%arg17 : memref<1024xf32, #tpu.memory_space<vmem>>) target(%dma_start3A_306 : memref<1024xf32, #tpu.memory_space<vmem_shared>>) target_semaphore(%run_scoped3A : memref<!tpu.dma_semaphore, #tpu.memory_space<semaphore_mem>>)
      %dma_wait3A_307 = tpu.memref_slice %arg21[%mul3A_197] : memref<16384xf32, #tpu.memory_space<vmem_shared>> -> memref<1024xf32, #tpu.memory_space<vmem_shared>>
      %dma_wait3A_308 = tpu.memref_slice %arg21[%mul3A_197] : memref<16384xf32, #tpu.memory_space<vmem_shared>> -> memref<1024xf32, #tpu.memory_space<vmem_shared>>
      tpu.wait_dma2 semaphore(%run_scoped3A : memref<!tpu.dma_semaphore, #tpu.memory_space<semaphore_mem>>) src(%arg17 : memref<1024xf32, #tpu.memory_space<vmem>>) dst(%dma_wait3A_308 : memref<1024xf32, #tpu.memory_space<vmem_shared>>)
      tpu.yield
    }) : () -> ()
    "tpu.region"() ({
      %run_scoped3A = tpu.sem_alloc : memref<!tpu.dma_semaphore, #tpu.memory_space<semaphore_mem>>
      %dma_start3A_305 = arith.constant 0 : i32
      %dma_start3A_306 = tpu.memref_slice %arg21[%dma_start3A_305] : memref<16384xf32, #tpu.memory_space<vmem_shared>> -> memref<16384xf32, #tpu.memory_space<vmem_shared>>
      tpu.enqueue_indirect_dma source(%dma_start3A_306 : memref<16384xf32, #tpu.memory_space<vmem_shared>>) target(%arg18 : memref<1024xf32, #tpu.memory_space<vmem>>) offsets(%arg8 : memref<1024xi32, #tpu.memory_space<vmem>>) semaphore(%run_scoped3A : memref<!tpu.dma_semaphore, #tpu.memory_space<semaphore_mem>>)
      %dma_wait3A_307 = arith.constant 0 : i32
      %dma_wait3A_308 = tpu.memref_slice %arg21[%dma_wait3A_307] : memref<16384xf32, #tpu.memory_space<vmem_shared>> -> memref<16384xf32, #tpu.memory_space<vmem_shared>>
      tpu.wait_indirect_dma semaphore(%run_scoped3A : memref<!tpu.dma_semaphore, #tpu.memory_space<semaphore_mem>>) src(%dma_wait3A_308 : memref<16384xf32, #tpu.memory_space<vmem_shared>>) dst(%arg18 : memref<1024xf32, #tpu.memory_space<vmem>>)
      tpu.yield
    }) : () -> ()
    %scan3A_198 = arith.constant 5.000000e-03 : f32
    %scan3A_199 = arith.constant 0 : i32
    %scan3A_200 = arith.constant 0 : i32
    %scan3A_201 = arith.constant 4 : i32
    %scan3A_202 = arith.addi %scan3A_200, %scan3A_201 : i32
    %scan3A_203 = arith.constant 1 : i32
    %scan3A_204 = scf.for %scan3A_305 = %scan3A_200 to %scan3A_202 step %scan3A_203 iter_args(%scan3A_306 = %scan3A_199) -> (i32)  : i32 {
      %mul3A_307 = arith.constant 16 : i32
      %mul3A_308 = arith.muli %scan3A_305, %mul3A_307 : i32
      %get3A_309 = arith.index_cast %mul3A_308 : i32 to index
      %get3A_310 = tpu.vector_load %arg18[%get3A_309] {strides = array<i32>} : memref<1024xf32, #tpu.memory_space<vmem>>, vector<16xf32>,
      %get3A_311 = vector.shape_cast %get3A_310 : vector<16xf32> to vector<16xf32>
      %scan3A_312 = arith.constant 1 : i32
      %scan3A_313 = arith.constant 12 : i32
      %scan3A_314 = arith.addi %scan3A_312, %scan3A_313 : i32
      %scan3A_315 = arith.constant 4 : i32
      %scan3A_316 = scf.for %scan3A_360 = %scan3A_312 to %scan3A_314 step %scan3A_315 iter_args(%scan3A_361 = %get3A_311) -> (vector<16xf32>)  : i32 {
        %mul3A_362 = arith.constant 64 : i32
        %mul3A_363 = arith.muli %scan3A_360, %mul3A_362 : i32
        %mul3A_364 = arith.constant 16 : i32
        %mul3A_365 = arith.muli %scan3A_305, %mul3A_364 : i32
        %add3A_366 = arith.addi %mul3A_363, %mul3A_365 : i32
        %get3A_367 = arith.index_cast %add3A_366 : i32 to index
        %get3A_368 = tpu.vector_load %arg18[%get3A_367] {strides = array<i32>} : memref<1024xf32, #tpu.memory_space<vmem>>, vector<16xf32>,
        %get3A_369 = vector.shape_cast %get3A_368 : vector<16xf32> to vector<16xf32>
        %add3A_370 = arith.addf %scan3A_361, %get3A_369 : vector<16xf32>
        %scan3A_371 = arith.constant 1 : i32
        %scan3A_372 = arith.addi %scan3A_360, %scan3A_371 : i32
        %mul3A_373 = arith.constant 64 : i32
        %mul3A_374 = arith.muli %scan3A_372, %mul3A_373 : i32
        %mul3A_375 = arith.constant 16 : i32
        %mul3A_376 = arith.muli %scan3A_305, %mul3A_375 : i32
        %add3A_377 = arith.addi %mul3A_374, %mul3A_376 : i32
        %get3A_378 = arith.index_cast %add3A_377 : i32 to index
        %get3A_379 = tpu.vector_load %arg18[%get3A_378] {strides = array<i32>} : memref<1024xf32, #tpu.memory_space<vmem>>, vector<16xf32>,
        %get3A_380 = vector.shape_cast %get3A_379 : vector<16xf32> to vector<16xf32>
        %add3A_381 = arith.addf %add3A_370, %get3A_380 : vector<16xf32>
        %scan3A_382 = arith.constant 2 : i32
        %scan3A_383 = arith.addi %scan3A_360, %scan3A_382 : i32
        %mul3A_384 = arith.constant 64 : i32
        %mul3A_385 = arith.muli %scan3A_383, %mul3A_384 : i32
        %mul3A_386 = arith.constant 16 : i32
        %mul3A_387 = arith.muli %scan3A_305, %mul3A_386 : i32
        %add3A_388 = arith.addi %mul3A_385, %mul3A_387 : i32
        %get3A_389 = arith.index_cast %add3A_388 : i32 to index
        %get3A_390 = tpu.vector_load %arg18[%get3A_389] {strides = array<i32>} : memref<1024xf32, #tpu.memory_space<vmem>>, vector<16xf32>,
        %get3A_391 = vector.shape_cast %get3A_390 : vector<16xf32> to vector<16xf32>
        %add3A_392 = arith.addf %add3A_381, %get3A_391 : vector<16xf32>
        %scan3A_393 = arith.constant 3 : i32
        %scan3A_394 = arith.addi %scan3A_360, %scan3A_393 : i32
        %mul3A_395 = arith.constant 64 : i32
        %mul3A_396 = arith.muli %scan3A_394, %mul3A_395 : i32
        %mul3A_397 = arith.constant 16 : i32
        %mul3A_398 = arith.muli %scan3A_305, %mul3A_397 : i32
        %add3A_399 = arith.addi %mul3A_396, %mul3A_398 : i32
        %get3A_400 = arith.index_cast %add3A_399 : i32 to index
        %get3A_401 = tpu.vector_load %arg18[%get3A_400] {strides = array<i32>} : memref<1024xf32, #tpu.memory_space<vmem>>, vector<16xf32>,
        %get3A_402 = vector.shape_cast %get3A_401 : vector<16xf32> to vector<16xf32>
        %add3A_403 = arith.addf %add3A_392, %get3A_402 : vector<16xf32>
        scf.yield %add3A_403 : vector<16xf32>
      }
      %scan3A_317 = arith.constant 12 : i32
      %scan3A_318 = arith.addi %scan3A_312, %scan3A_317 : i32
      %mul3A_319 = arith.constant 64 : i32
      %mul3A_320 = arith.muli %scan3A_318, %mul3A_319 : i32
      %mul3A_321 = arith.constant 16 : i32
      %mul3A_322 = arith.muli %scan3A_305, %mul3A_321 : i32
      %add3A_323 = arith.addi %mul3A_320, %mul3A_322 : i32
      %get3A_324 = arith.index_cast %add3A_323 : i32 to index
      %get3A_325 = tpu.vector_load %arg18[%get3A_324] {strides = array<i32>} : memref<1024xf32, #tpu.memory_space<vmem>>, vector<16xf32>,
      %get3A_326 = vector.shape_cast %get3A_325 : vector<16xf32> to vector<16xf32>
      %add3A_327 = arith.addf %scan3A_316, %get3A_326 : vector<16xf32>
      %scan3A_328 = arith.constant 13 : i32
      %scan3A_329 = arith.addi %scan3A_312, %scan3A_328 : i32
      %mul3A_330 = arith.constant 64 : i32
      %mul3A_331 = arith.muli %scan3A_329, %mul3A_330 : i32
      %mul3A_332 = arith.constant 16 : i32
      %mul3A_333 = arith.muli %scan3A_305, %mul3A_332 : i32
      %add3A_334 = arith.addi %mul3A_331, %mul3A_333 : i32
      %get3A_335 = arith.index_cast %add3A_334 : i32 to index
      %get3A_336 = tpu.vector_load %arg18[%get3A_335] {strides = array<i32>} : memref<1024xf32, #tpu.memory_space<vmem>>, vector<16xf32>,
      %get3A_337 = vector.shape_cast %get3A_336 : vector<16xf32> to vector<16xf32>
      %add3A_338 = arith.addf %add3A_327, %get3A_337 : vector<16xf32>
      %scan3A_339 = arith.constant 14 : i32
      %scan3A_340 = arith.addi %scan3A_312, %scan3A_339 : i32
      %mul3A_341 = arith.constant 64 : i32
      %mul3A_342 = arith.muli %scan3A_340, %mul3A_341 : i32
      %mul3A_343 = arith.constant 16 : i32
      %mul3A_344 = arith.muli %scan3A_305, %mul3A_343 : i32
      %add3A_345 = arith.addi %mul3A_342, %mul3A_344 : i32
      %get3A_346 = arith.index_cast %add3A_345 : i32 to index
      %get3A_347 = tpu.vector_load %arg18[%get3A_346] {strides = array<i32>} : memref<1024xf32, #tpu.memory_space<vmem>>, vector<16xf32>,
      %get3A_348 = vector.shape_cast %get3A_347 : vector<16xf32> to vector<16xf32>
      %add3A_349 = arith.addf %add3A_338, %get3A_348 : vector<16xf32>
      %scan3A_350 = arith.constant 15 : i32
      %mul3A_351 = vector.broadcast %scan3A_198 : f32 to vector<16xf32>
      %mul3A_352 = arith.mulf %add3A_349, %mul3A_351 : vector<16xf32>
      %add3A_353 = arith.addf %mul3A_352, %get3A_2 : vector<16xf32>
      %mul3A_354 = arith.constant 16 : i32
      %mul3A_355 = arith.muli %scan3A_305, %mul3A_354 : i32
      %swap3A = arith.index_cast %mul3A_355 : i32 to index
      %swap3A_356 = tpu.vector_load %arg19[%swap3A] {strides = array<i32>} : memref<64xf32, #tpu.memory_space<vmem>>, vector<16xf32>,
      %swap3A_357 = vector.shape_cast %swap3A_356 : vector<16xf32> to vector<16xf32>
      %swap3A_358 = vector.shape_cast %add3A_353 : vector<16xf32> to vector<16xf32>
      tpu.vector_store %arg19[%swap3A], %swap3A_358 {strides = array<i32>} : memref<64xf32, #tpu.memory_space<vmem>>, vector<16xf32>,
      %scan3A_359 = arith.constant 0 : i32
      scf.yield %scan3A_359 : i32
    }
    %scan3A_205 = arith.constant 4 : i32
    "tpu.region"() ({
      %run_scoped3A = tpu.sem_alloc : memref<!tpu.dma_semaphore, #tpu.memory_space<semaphore_mem>>
      %dma_start3A_305 = tpu.memref_slice %arg7[%add3A_188] : memref<16384xf32, #tpu.memory_space<hbm>> -> memref<64xf32, #tpu.memory_space<hbm>>
      %dma_start3A_306 = tpu.memref_slice %arg7[%add3A_188] : memref<16384xf32, #tpu.memory_space<hbm>> -> memref<64xf32, #tpu.memory_space<hbm>>
      tpu.enqueue_dma source(%arg19 : memref<64xf32, #tpu.memory_space<vmem>>) target(%dma_start3A_306 : memref<64xf32, #tpu.memory_space<hbm>>) target_semaphore(%run_scoped3A : memref<!tpu.dma_semaphore, #tpu.memory_space<semaphore_mem>>)
      %dma_wait3A_307 = tpu.memref_slice %arg7[%add3A_188] : memref<16384xf32, #tpu.memory_space<hbm>> -> memref<64xf32, #tpu.memory_space<hbm>>
      %dma_wait3A_308 = tpu.memref_slice %arg7[%add3A_188] : memref<16384xf32, #tpu.memory_space<hbm>> -> memref<64xf32, #tpu.memory_space<hbm>>
      tpu.wait_dma2 semaphore(%run_scoped3A : memref<!tpu.dma_semaphore, #tpu.memory_space<semaphore_mem>>) src(%arg19 : memref<64xf32, #tpu.memory_space<vmem>>) dst(%dma_wait3A_308 : memref<64xf32, #tpu.memory_space<hbm>>)
      tpu.yield
    }) : () -> ()
    %mul3A_206 = arith.constant 512 : i32
    %mul3A_207 = arith.muli %add3A, %mul3A_206 : i32
    %add3A_208 = arith.constant 384 : i32
    %add3A_209 = arith.addi %mul3A_207, %add3A_208 : i32
    %mul3A_210 = arith.constant 200 : i32
    %mul3A_211 = arith.muli %add3A_209, %mul3A_210 : i32
    "tpu.region"() ({
      %run_scoped3A = tpu.sem_alloc : memref<!tpu.dma_semaphore, #tpu.memory_space<semaphore_mem>>
      %dma_start3A_305 = tpu.memref_slice %arg4[%mul3A_211] : memref<3276800xi32, #tpu.memory_space<hbm>> -> memref<12800xi32, #tpu.memory_space<hbm>>
      %dma_start3A_306 = tpu.memref_slice %arg4[%mul3A_211] : memref<3276800xi32, #tpu.memory_space<hbm>> -> memref<12800xi32, #tpu.memory_space<hbm>>
      tpu.enqueue_dma source(%dma_start3A_306 : memref<12800xi32, #tpu.memory_space<hbm>>) target(%arg9 : memref<12800xi32, #tpu.memory_space<vmem>>) target_semaphore(%run_scoped3A : memref<!tpu.dma_semaphore, #tpu.memory_space<semaphore_mem>>)
      %dma_wait3A_307 = tpu.memref_slice %arg4[%mul3A_211] : memref<3276800xi32, #tpu.memory_space<hbm>> -> memref<12800xi32, #tpu.memory_space<hbm>>
      %dma_wait3A_308 = tpu.memref_slice %arg4[%mul3A_211] : memref<3276800xi32, #tpu.memory_space<hbm>> -> memref<12800xi32, #tpu.memory_space<hbm>>
      tpu.wait_dma2 semaphore(%run_scoped3A : memref<!tpu.dma_semaphore, #tpu.memory_space<semaphore_mem>>) src(%dma_wait3A_308 : memref<12800xi32, #tpu.memory_space<hbm>>) dst(%arg9 : memref<12800xi32, #tpu.memory_space<vmem>>)
      tpu.yield
    }) : () -> ()
    %mul3A_212 = arith.constant 200 : i32
    %mul3A_213 = arith.muli %add3A_209, %mul3A_212 : i32
    "tpu.region"() ({
      %run_scoped3A = tpu.sem_alloc : memref<!tpu.dma_semaphore, #tpu.memory_space<semaphore_mem>>
      %dma_start3A_305 = tpu.memref_slice %arg5[%mul3A_213] : memref<3276800xi32, #tpu.memory_space<hbm>> -> memref<12800xi32, #tpu.memory_space<hbm>>
      %dma_start3A_306 = tpu.memref_slice %arg5[%mul3A_213] : memref<3276800xi32, #tpu.memory_space<hbm>> -> memref<12800xi32, #tpu.memory_space<hbm>>
      tpu.enqueue_dma source(%dma_start3A_306 : memref<12800xi32, #tpu.memory_space<hbm>>) target(%arg11 : memref<12800xi32, #tpu.memory_space<vmem>>) target_semaphore(%run_scoped3A : memref<!tpu.dma_semaphore, #tpu.memory_space<semaphore_mem>>)
      %dma_wait3A_307 = tpu.memref_slice %arg5[%mul3A_213] : memref<3276800xi32, #tpu.memory_space<hbm>> -> memref<12800xi32, #tpu.memory_space<hbm>>
      %dma_wait3A_308 = tpu.memref_slice %arg5[%mul3A_213] : memref<3276800xi32, #tpu.memory_space<hbm>> -> memref<12800xi32, #tpu.memory_space<hbm>>
      tpu.wait_dma2 semaphore(%run_scoped3A : memref<!tpu.dma_semaphore, #tpu.memory_space<semaphore_mem>>) src(%dma_wait3A_308 : memref<12800xi32, #tpu.memory_space<hbm>>) dst(%arg11 : memref<12800xi32, #tpu.memory_space<vmem>>)
      tpu.yield
    }) : () -> ()
    %dma_start3A_214 = arith.constant 0 : i32
    %dma_start3A_215 = tpu.memref_slice %arg2[%dma_start3A_214] : memref<1000000xf32, #tpu.memory_space<hbm>> -> memref<1000000xf32, #tpu.memory_space<hbm>>
    tpu.enqueue_indirect_dma source(%dma_start3A_215 : memref<1000000xf32, #tpu.memory_space<hbm>>) target(%arg13 : memref<12800xf32, #tpu.memory_space<vmem>>) offsets(%arg9 : memref<12800xi32, #tpu.memory_space<vmem>>) semaphore(%arg22 : memref<!tpu.dma_semaphore, #tpu.memory_space<semaphore_mem>>)
    %dma_start3A_216 = arith.constant 0 : i32
    %dma_start3A_217 = tpu.memref_slice %arg3[%dma_start3A_216] : memref<1000000xf32, #tpu.memory_space<hbm>> -> memref<1000000xf32, #tpu.memory_space<hbm>>
    tpu.enqueue_indirect_dma source(%dma_start3A_217 : memref<1000000xf32, #tpu.memory_space<hbm>>) target(%arg15 : memref<12800xf32, #tpu.memory_space<vmem>>) offsets(%arg11 : memref<12800xi32, #tpu.memory_space<vmem>>) semaphore(%arg24 : memref<!tpu.dma_semaphore, #tpu.memory_space<semaphore_mem>>)
    %dma_wait3A_218 = arith.constant 0 : i32
    %dma_wait3A_219 = tpu.memref_slice %arg2[%dma_wait3A_218] : memref<1000000xf32, #tpu.memory_space<hbm>> -> memref<1000000xf32, #tpu.memory_space<hbm>>
    tpu.wait_indirect_dma semaphore(%arg23 : memref<!tpu.dma_semaphore, #tpu.memory_space<semaphore_mem>>) src(%dma_wait3A_219 : memref<1000000xf32, #tpu.memory_space<hbm>>) dst(%arg14 : memref<12800xf32, #tpu.memory_space<vmem>>)
    %dma_wait3A_220 = arith.constant 0 : i32
    %dma_wait3A_221 = tpu.memref_slice %arg3[%dma_wait3A_220] : memref<1000000xf32, #tpu.memory_space<hbm>> -> memref<1000000xf32, #tpu.memory_space<hbm>>
    tpu.wait_indirect_dma semaphore(%arg25 : memref<!tpu.dma_semaphore, #tpu.memory_space<semaphore_mem>>) src(%dma_wait3A_221 : memref<1000000xf32, #tpu.memory_space<hbm>>) dst(%arg16 : memref<12800xf32, #tpu.memory_space<vmem>>)
    %mul3A_222 = arith.constant 512 : i32
    %mul3A_223 = arith.muli %add3A, %mul3A_222 : i32
    %add3A_224 = arith.constant 320 : i32
    %add3A_225 = arith.addi %mul3A_223, %add3A_224 : i32
    %scan3A_226 = arith.constant 0 : i32
    %scan3A_227 = arith.constant 0 : i32
    %scan3A_228 = arith.constant 32 : i32
    %scan3A_229 = arith.addi %scan3A_227, %scan3A_228 : i32
    %scan3A_230 = arith.constant 1 : i32
    %scan3A_231 = scf.for %scan3A_305 = %scan3A_227 to %scan3A_229 step %scan3A_230 iter_args(%scan3A_306 = %scan3A_226) -> (i32)  : i32 {
      %mul3A_307 = arith.constant 400 : i32
      %mul3A_308 = arith.muli %scan3A_305, %mul3A_307 : i32
      %add3A_309 = arith.constant 192 : i32
      %add3A_310 = arith.addi %mul3A_308, %add3A_309 : i32
      %get3A_311 = arith.index_cast %add3A_310 : i32 to index
      %get3A_312 = tpu.vector_load %arg14[%get3A_311] {strides = array<i32>} : memref<12800xf32, #tpu.memory_space<vmem>>, vector<16xf32>,
      %get3A_313 = vector.shape_cast %get3A_312 : vector<16xf32> to vector<16xf32>
      %jit3A = arith.constant 0.000000e+00 : f32
      %broadcast_in_dim3A = vector.broadcast %jit3A : f32 to vector<16xf32>
      %select_n3A = arith.select %lt3A_4, %get3A_313, %broadcast_in_dim3A : vector<16xi1>, vector<16xf32>
      %scan3A_314 = arith.constant 0 : i32
      %scan3A_315 = arith.constant 12 : i32
      %scan3A_316 = arith.addi %scan3A_314, %scan3A_315 : i32
      %scan3A_317 = arith.constant 4 : i32
      %scan3A_318 = scf.for %scan3A_370 = %scan3A_314 to %scan3A_316 step %scan3A_317 iter_args(%scan3A_371 = %select_n3A) -> (vector<16xf32>)  : i32 {
        %mul3A_372 = arith.constant 16 : i32
        %mul3A_373 = arith.muli %scan3A_370, %mul3A_372 : i32
        %add3A_374 = arith.addi %mul3A_308, %mul3A_373 : i32
        %get3A_375 = arith.index_cast %add3A_374 : i32 to index
        %get3A_376 = tpu.vector_load %arg14[%get3A_375] {strides = array<i32>} : memref<12800xf32, #tpu.memory_space<vmem>>, vector<16xf32>,
        %get3A_377 = vector.shape_cast %get3A_376 : vector<16xf32> to vector<16xf32>
        %add3A_378 = arith.addf %scan3A_371, %get3A_377 : vector<16xf32>
        %scan3A_379 = arith.constant 1 : i32
        %scan3A_380 = arith.addi %scan3A_370, %scan3A_379 : i32
        %mul3A_381 = arith.constant 16 : i32
        %mul3A_382 = arith.muli %scan3A_380, %mul3A_381 : i32
        %add3A_383 = arith.addi %mul3A_308, %mul3A_382 : i32
        %get3A_384 = arith.index_cast %add3A_383 : i32 to index
        %get3A_385 = tpu.vector_load %arg14[%get3A_384] {strides = array<i32>} : memref<12800xf32, #tpu.memory_space<vmem>>, vector<16xf32>,
        %get3A_386 = vector.shape_cast %get3A_385 : vector<16xf32> to vector<16xf32>
        %add3A_387 = arith.addf %add3A_378, %get3A_386 : vector<16xf32>
        %scan3A_388 = arith.constant 2 : i32
        %scan3A_389 = arith.addi %scan3A_370, %scan3A_388 : i32
        %mul3A_390 = arith.constant 16 : i32
        %mul3A_391 = arith.muli %scan3A_389, %mul3A_390 : i32
        %add3A_392 = arith.addi %mul3A_308, %mul3A_391 : i32
        %get3A_393 = arith.index_cast %add3A_392 : i32 to index
        %get3A_394 = tpu.vector_load %arg14[%get3A_393] {strides = array<i32>} : memref<12800xf32, #tpu.memory_space<vmem>>, vector<16xf32>,
        %get3A_395 = vector.shape_cast %get3A_394 : vector<16xf32> to vector<16xf32>
        %add3A_396 = arith.addf %add3A_387, %get3A_395 : vector<16xf32>
        %scan3A_397 = arith.constant 3 : i32
        %scan3A_398 = arith.addi %scan3A_370, %scan3A_397 : i32
        %mul3A_399 = arith.constant 16 : i32
        %mul3A_400 = arith.muli %scan3A_398, %mul3A_399 : i32
        %add3A_401 = arith.addi %mul3A_308, %mul3A_400 : i32
        %get3A_402 = arith.index_cast %add3A_401 : i32 to index
        %get3A_403 = tpu.vector_load %arg14[%get3A_402] {strides = array<i32>} : memref<12800xf32, #tpu.memory_space<vmem>>, vector<16xf32>,
        %get3A_404 = vector.shape_cast %get3A_403 : vector<16xf32> to vector<16xf32>
        %add3A_405 = arith.addf %add3A_396, %get3A_404 : vector<16xf32>
        scf.yield %add3A_405 : vector<16xf32>
      }
      %scan3A_319 = arith.constant 12 : i32
      %jit3A_320 = arith.constant 0.000000e+00 : f32
      %broadcast_in_dim3A_321 = vector.broadcast %jit3A_320 : f32 to vector<16xf32>
      %select_n3A_322 = arith.select %lt3A_4, %broadcast_in_dim3A_321, %get3A_313 : vector<16xi1>, vector<16xf32>
      %scan3A_323 = arith.constant 13 : i32
      %scan3A_324 = arith.constant 12 : i32
      %scan3A_325 = arith.addi %scan3A_323, %scan3A_324 : i32
      %scan3A_326 = arith.constant 4 : i32
      %scan3A_327 = scf.for %scan3A_370 = %scan3A_323 to %scan3A_325 step %scan3A_326 iter_args(%scan3A_371 = %select_n3A_322) -> (vector<16xf32>)  : i32 {
        %mul3A_372 = arith.constant 16 : i32
        %mul3A_373 = arith.muli %scan3A_370, %mul3A_372 : i32
        %add3A_374 = arith.addi %mul3A_308, %mul3A_373 : i32
        %get3A_375 = arith.index_cast %add3A_374 : i32 to index
        %get3A_376 = tpu.vector_load %arg14[%get3A_375] {strides = array<i32>} : memref<12800xf32, #tpu.memory_space<vmem>>, vector<16xf32>,
        %get3A_377 = vector.shape_cast %get3A_376 : vector<16xf32> to vector<16xf32>
        %add3A_378 = arith.addf %scan3A_371, %get3A_377 : vector<16xf32>
        %scan3A_379 = arith.constant 1 : i32
        %scan3A_380 = arith.addi %scan3A_370, %scan3A_379 : i32
        %mul3A_381 = arith.constant 16 : i32
        %mul3A_382 = arith.muli %scan3A_380, %mul3A_381 : i32
        %add3A_383 = arith.addi %mul3A_308, %mul3A_382 : i32
        %get3A_384 = arith.index_cast %add3A_383 : i32 to index
        %get3A_385 = tpu.vector_load %arg14[%get3A_384] {strides = array<i32>} : memref<12800xf32, #tpu.memory_space<vmem>>, vector<16xf32>,
        %get3A_386 = vector.shape_cast %get3A_385 : vector<16xf32> to vector<16xf32>
        %add3A_387 = arith.addf %add3A_378, %get3A_386 : vector<16xf32>
        %scan3A_388 = arith.constant 2 : i32
        %scan3A_389 = arith.addi %scan3A_370, %scan3A_388 : i32
        %mul3A_390 = arith.constant 16 : i32
        %mul3A_391 = arith.muli %scan3A_389, %mul3A_390 : i32
        %add3A_392 = arith.addi %mul3A_308, %mul3A_391 : i32
        %get3A_393 = arith.index_cast %add3A_392 : i32 to index
        %get3A_394 = tpu.vector_load %arg14[%get3A_393] {strides = array<i32>} : memref<12800xf32, #tpu.memory_space<vmem>>, vector<16xf32>,
        %get3A_395 = vector.shape_cast %get3A_394 : vector<16xf32> to vector<16xf32>
        %add3A_396 = arith.addf %add3A_387, %get3A_395 : vector<16xf32>
        %scan3A_397 = arith.constant 3 : i32
        %scan3A_398 = arith.addi %scan3A_370, %scan3A_397 : i32
        %mul3A_399 = arith.constant 16 : i32
        %mul3A_400 = arith.muli %scan3A_398, %mul3A_399 : i32
        %add3A_401 = arith.addi %mul3A_308, %mul3A_400 : i32
        %get3A_402 = arith.index_cast %add3A_401 : i32 to index
        %get3A_403 = tpu.vector_load %arg14[%get3A_402] {strides = array<i32>} : memref<12800xf32, #tpu.memory_space<vmem>>, vector<16xf32>,
        %get3A_404 = vector.shape_cast %get3A_403 : vector<16xf32> to vector<16xf32>
        %add3A_405 = arith.addf %add3A_396, %get3A_404 : vector<16xf32>
        scf.yield %add3A_405 : vector<16xf32>
      }
      %scan3A_328 = arith.constant 12 : i32
      %mul3A_329 = arith.constant 400 : i32
      %mul3A_330 = arith.muli %scan3A_305, %mul3A_329 : i32
      %add3A_331 = arith.constant 192 : i32
      %add3A_332 = arith.addi %mul3A_330, %add3A_331 : i32
      %get3A_333 = arith.index_cast %add3A_332 : i32 to index
      %get3A_334 = tpu.vector_load %arg16[%get3A_333] {strides = array<i32>} : memref<12800xf32, #tpu.memory_space<vmem>>, vector<16xf32>,
      %get3A_335 = vector.shape_cast %get3A_334 : vector<16xf32> to vector<16xf32>
      %jit3A_336 = arith.constant 0.000000e+00 : f32
      %broadcast_in_dim3A_337 = vector.broadcast %jit3A_336 : f32 to vector<16xf32>
      %select_n3A_338 = arith.select %lt3A_4, %get3A_335, %broadcast_in_dim3A_337 : vector<16xi1>, vector<16xf32>
      %scan3A_339 = arith.constant 0 : i32
      %scan3A_340 = arith.constant 12 : i32
      %scan3A_341 = arith.addi %scan3A_339, %scan3A_340 : i32
      %scan3A_342 = arith.constant 4 : i32
      %scan3A_343 = scf.for %scan3A_370 = %scan3A_339 to %scan3A_341 step %scan3A_342 iter_args(%scan3A_371 = %select_n3A_338) -> (vector<16xf32>)  : i32 {
        %mul3A_372 = arith.constant 16 : i32
        %mul3A_373 = arith.muli %scan3A_370, %mul3A_372 : i32
        %add3A_374 = arith.addi %mul3A_330, %mul3A_373 : i32
        %get3A_375 = arith.index_cast %add3A_374 : i32 to index
        %get3A_376 = tpu.vector_load %arg16[%get3A_375] {strides = array<i32>} : memref<12800xf32, #tpu.memory_space<vmem>>, vector<16xf32>,
        %get3A_377 = vector.shape_cast %get3A_376 : vector<16xf32> to vector<16xf32>
        %add3A_378 = arith.addf %scan3A_371, %get3A_377 : vector<16xf32>
        %scan3A_379 = arith.constant 1 : i32
        %scan3A_380 = arith.addi %scan3A_370, %scan3A_379 : i32
        %mul3A_381 = arith.constant 16 : i32
        %mul3A_382 = arith.muli %scan3A_380, %mul3A_381 : i32
        %add3A_383 = arith.addi %mul3A_330, %mul3A_382 : i32
        %get3A_384 = arith.index_cast %add3A_383 : i32 to index
        %get3A_385 = tpu.vector_load %arg16[%get3A_384] {strides = array<i32>} : memref<12800xf32, #tpu.memory_space<vmem>>, vector<16xf32>,
        %get3A_386 = vector.shape_cast %get3A_385 : vector<16xf32> to vector<16xf32>
        %add3A_387 = arith.addf %add3A_378, %get3A_386 : vector<16xf32>
        %scan3A_388 = arith.constant 2 : i32
        %scan3A_389 = arith.addi %scan3A_370, %scan3A_388 : i32
        %mul3A_390 = arith.constant 16 : i32
        %mul3A_391 = arith.muli %scan3A_389, %mul3A_390 : i32
        %add3A_392 = arith.addi %mul3A_330, %mul3A_391 : i32
        %get3A_393 = arith.index_cast %add3A_392 : i32 to index
        %get3A_394 = tpu.vector_load %arg16[%get3A_393] {strides = array<i32>} : memref<12800xf32, #tpu.memory_space<vmem>>, vector<16xf32>,
        %get3A_395 = vector.shape_cast %get3A_394 : vector<16xf32> to vector<16xf32>
        %add3A_396 = arith.addf %add3A_387, %get3A_395 : vector<16xf32>
        %scan3A_397 = arith.constant 3 : i32
        %scan3A_398 = arith.addi %scan3A_370, %scan3A_397 : i32
        %mul3A_399 = arith.constant 16 : i32
        %mul3A_400 = arith.muli %scan3A_398, %mul3A_399 : i32
        %add3A_401 = arith.addi %mul3A_330, %mul3A_400 : i32
        %get3A_402 = arith.index_cast %add3A_401 : i32 to index
        %get3A_403 = tpu.vector_load %arg16[%get3A_402] {strides = array<i32>} : memref<12800xf32, #tpu.memory_space<vmem>>, vector<16xf32>,
        %get3A_404 = vector.shape_cast %get3A_403 : vector<16xf32> to vector<16xf32>
        %add3A_405 = arith.addf %add3A_396, %get3A_404 : vector<16xf32>
        scf.yield %add3A_405 : vector<16xf32>
      }
      %scan3A_344 = arith.constant 12 : i32
      %jit3A_345 = arith.constant 0.000000e+00 : f32
      %broadcast_in_dim3A_346 = vector.broadcast %jit3A_345 : f32 to vector<16xf32>
      %select_n3A_347 = arith.select %lt3A_4, %broadcast_in_dim3A_346, %get3A_335 : vector<16xi1>, vector<16xf32>
      %scan3A_348 = arith.constant 13 : i32
      %scan3A_349 = arith.constant 12 : i32
      %scan3A_350 = arith.addi %scan3A_348, %scan3A_349 : i32
      %scan3A_351 = arith.constant 4 : i32
      %scan3A_352 = scf.for %scan3A_370 = %scan3A_348 to %scan3A_350 step %scan3A_351 iter_args(%scan3A_371 = %select_n3A_347) -> (vector<16xf32>)  : i32 {
        %mul3A_372 = arith.constant 16 : i32
        %mul3A_373 = arith.muli %scan3A_370, %mul3A_372 : i32
        %add3A_374 = arith.addi %mul3A_330, %mul3A_373 : i32
        %get3A_375 = arith.index_cast %add3A_374 : i32 to index
        %get3A_376 = tpu.vector_load %arg16[%get3A_375] {strides = array<i32>} : memref<12800xf32, #tpu.memory_space<vmem>>, vector<16xf32>,
        %get3A_377 = vector.shape_cast %get3A_376 : vector<16xf32> to vector<16xf32>
        %add3A_378 = arith.addf %scan3A_371, %get3A_377 : vector<16xf32>
        %scan3A_379 = arith.constant 1 : i32
        %scan3A_380 = arith.addi %scan3A_370, %scan3A_379 : i32
        %mul3A_381 = arith.constant 16 : i32
        %mul3A_382 = arith.muli %scan3A_380, %mul3A_381 : i32
        %add3A_383 = arith.addi %mul3A_330, %mul3A_382 : i32
        %get3A_384 = arith.index_cast %add3A_383 : i32 to index
        %get3A_385 = tpu.vector_load %arg16[%get3A_384] {strides = array<i32>} : memref<12800xf32, #tpu.memory_space<vmem>>, vector<16xf32>,
        %get3A_386 = vector.shape_cast %get3A_385 : vector<16xf32> to vector<16xf32>
        %add3A_387 = arith.addf %add3A_378, %get3A_386 : vector<16xf32>
        %scan3A_388 = arith.constant 2 : i32
        %scan3A_389 = arith.addi %scan3A_370, %scan3A_388 : i32
        %mul3A_390 = arith.constant 16 : i32
        %mul3A_391 = arith.muli %scan3A_389, %mul3A_390 : i32
        %add3A_392 = arith.addi %mul3A_330, %mul3A_391 : i32
        %get3A_393 = arith.index_cast %add3A_392 : i32 to index
        %get3A_394 = tpu.vector_load %arg16[%get3A_393] {strides = array<i32>} : memref<12800xf32, #tpu.memory_space<vmem>>, vector<16xf32>,
        %get3A_395 = vector.shape_cast %get3A_394 : vector<16xf32> to vector<16xf32>
        %add3A_396 = arith.addf %add3A_387, %get3A_395 : vector<16xf32>
        %scan3A_397 = arith.constant 3 : i32
        %scan3A_398 = arith.addi %scan3A_370, %scan3A_397 : i32
        %mul3A_399 = arith.constant 16 : i32
        %mul3A_400 = arith.muli %scan3A_398, %mul3A_399 : i32
        %add3A_401 = arith.addi %mul3A_330, %mul3A_400 : i32
        %get3A_402 = arith.index_cast %add3A_401 : i32 to index
        %get3A_403 = tpu.vector_load %arg16[%get3A_402] {strides = array<i32>} : memref<12800xf32, #tpu.memory_space<vmem>>, vector<16xf32>,
        %get3A_404 = vector.shape_cast %get3A_403 : vector<16xf32> to vector<16xf32>
        %add3A_405 = arith.addf %add3A_396, %get3A_404 : vector<16xf32>
        scf.yield %add3A_405 : vector<16xf32>
      }
      %scan3A_353 = arith.constant 12 : i32
      %add3A_354 = arith.addf %scan3A_318, %scan3A_343 : vector<16xf32>
      %mul3A_355 = arith.constant 32 : i32
      %mul3A_356 = arith.muli %mul3A_355, %scan3A_305 : i32
      %swap3A = arith.index_cast %mul3A_356 : i32 to index
      %swap3A_357 = tpu.vector_load %arg17[%swap3A] {strides = array<i32>} : memref<1024xf32, #tpu.memory_space<vmem>>, vector<16xf32>,
      %swap3A_358 = vector.shape_cast %swap3A_357 : vector<16xf32> to vector<16xf32>
      %swap3A_359 = vector.shape_cast %add3A_354 : vector<16xf32> to vector<16xf32>
      tpu.vector_store %arg17[%swap3A], %swap3A_359 {strides = array<i32>} : memref<1024xf32, #tpu.memory_space<vmem>>, vector<16xf32>,
      %add3A_360 = arith.addf %scan3A_327, %scan3A_352 : vector<16xf32>
      %mul3A_361 = arith.constant 32 : i32
      %mul3A_362 = arith.muli %mul3A_361, %scan3A_305 : i32
      %add3A_363 = arith.constant 16 : i32
      %add3A_364 = arith.addi %mul3A_362, %add3A_363 : i32
      %swap3A_365 = arith.index_cast %add3A_364 : i32 to index
      %swap3A_366 = tpu.vector_load %arg17[%swap3A_365] {strides = array<i32>} : memref<1024xf32, #tpu.memory_space<vmem>>, vector<16xf32>,
      %swap3A_367 = vector.shape_cast %swap3A_366 : vector<16xf32> to vector<16xf32>
      %swap3A_368 = vector.shape_cast %add3A_360 : vector<16xf32> to vector<16xf32>
      tpu.vector_store %arg17[%swap3A_365], %swap3A_368 {strides = array<i32>} : memref<1024xf32, #tpu.memory_space<vmem>>, vector<16xf32>,
      %scan3A_369 = arith.constant 0 : i32
      scf.yield %scan3A_369 : i32
    }
    %scan3A_232 = arith.constant 32 : i32
    %mul3A_233 = arith.constant 1024 : i32
    %mul3A_234 = arith.muli %arg1, %mul3A_233 : i32
    "tpu.region"() ({
      %run_scoped3A = tpu.sem_alloc : memref<!tpu.dma_semaphore, #tpu.memory_space<semaphore_mem>>
      %dma_start3A_305 = tpu.memref_slice %arg21[%mul3A_234] : memref<16384xf32, #tpu.memory_space<vmem_shared>> -> memref<1024xf32, #tpu.memory_space<vmem_shared>>
      %dma_start3A_306 = tpu.memref_slice %arg21[%mul3A_234] : memref<16384xf32, #tpu.memory_space<vmem_shared>> -> memref<1024xf32, #tpu.memory_space<vmem_shared>>
      tpu.enqueue_dma source(%arg17 : memref<1024xf32, #tpu.memory_space<vmem>>) target(%dma_start3A_306 : memref<1024xf32, #tpu.memory_space<vmem_shared>>) target_semaphore(%run_scoped3A : memref<!tpu.dma_semaphore, #tpu.memory_space<semaphore_mem>>)
      %dma_wait3A_307 = tpu.memref_slice %arg21[%mul3A_234] : memref<16384xf32, #tpu.memory_space<vmem_shared>> -> memref<1024xf32, #tpu.memory_space<vmem_shared>>
      %dma_wait3A_308 = tpu.memref_slice %arg21[%mul3A_234] : memref<16384xf32, #tpu.memory_space<vmem_shared>> -> memref<1024xf32, #tpu.memory_space<vmem_shared>>
      tpu.wait_dma2 semaphore(%run_scoped3A : memref<!tpu.dma_semaphore, #tpu.memory_space<semaphore_mem>>) src(%arg17 : memref<1024xf32, #tpu.memory_space<vmem>>) dst(%dma_wait3A_308 : memref<1024xf32, #tpu.memory_space<vmem_shared>>)
      tpu.yield
    }) : () -> ()
    "tpu.region"() ({
      %run_scoped3A = tpu.sem_alloc : memref<!tpu.dma_semaphore, #tpu.memory_space<semaphore_mem>>
      %dma_start3A_305 = arith.constant 0 : i32
      %dma_start3A_306 = tpu.memref_slice %arg21[%dma_start3A_305] : memref<16384xf32, #tpu.memory_space<vmem_shared>> -> memref<16384xf32, #tpu.memory_space<vmem_shared>>
      tpu.enqueue_indirect_dma source(%dma_start3A_306 : memref<16384xf32, #tpu.memory_space<vmem_shared>>) target(%arg18 : memref<1024xf32, #tpu.memory_space<vmem>>) offsets(%arg8 : memref<1024xi32, #tpu.memory_space<vmem>>) semaphore(%run_scoped3A : memref<!tpu.dma_semaphore, #tpu.memory_space<semaphore_mem>>)
      %dma_wait3A_307 = arith.constant 0 : i32
      %dma_wait3A_308 = tpu.memref_slice %arg21[%dma_wait3A_307] : memref<16384xf32, #tpu.memory_space<vmem_shared>> -> memref<16384xf32, #tpu.memory_space<vmem_shared>>
      tpu.wait_indirect_dma semaphore(%run_scoped3A : memref<!tpu.dma_semaphore, #tpu.memory_space<semaphore_mem>>) src(%dma_wait3A_308 : memref<16384xf32, #tpu.memory_space<vmem_shared>>) dst(%arg18 : memref<1024xf32, #tpu.memory_space<vmem>>)
      tpu.yield
    }) : () -> ()
    %scan3A_235 = arith.constant 5.000000e-03 : f32
    %scan3A_236 = arith.constant 0 : i32
    %scan3A_237 = arith.constant 0 : i32
    %scan3A_238 = arith.constant 4 : i32
    %scan3A_239 = arith.addi %scan3A_237, %scan3A_238 : i32
    %scan3A_240 = arith.constant 1 : i32
    %scan3A_241 = scf.for %scan3A_305 = %scan3A_237 to %scan3A_239 step %scan3A_240 iter_args(%scan3A_306 = %scan3A_236) -> (i32)  : i32 {
      %mul3A_307 = arith.constant 16 : i32
      %mul3A_308 = arith.muli %scan3A_305, %mul3A_307 : i32
      %get3A_309 = arith.index_cast %mul3A_308 : i32 to index
      %get3A_310 = tpu.vector_load %arg18[%get3A_309] {strides = array<i32>} : memref<1024xf32, #tpu.memory_space<vmem>>, vector<16xf32>,
      %get3A_311 = vector.shape_cast %get3A_310 : vector<16xf32> to vector<16xf32>
      %scan3A_312 = arith.constant 1 : i32
      %scan3A_313 = arith.constant 12 : i32
      %scan3A_314 = arith.addi %scan3A_312, %scan3A_313 : i32
      %scan3A_315 = arith.constant 4 : i32
      %scan3A_316 = scf.for %scan3A_360 = %scan3A_312 to %scan3A_314 step %scan3A_315 iter_args(%scan3A_361 = %get3A_311) -> (vector<16xf32>)  : i32 {
        %mul3A_362 = arith.constant 64 : i32
        %mul3A_363 = arith.muli %scan3A_360, %mul3A_362 : i32
        %mul3A_364 = arith.constant 16 : i32
        %mul3A_365 = arith.muli %scan3A_305, %mul3A_364 : i32
        %add3A_366 = arith.addi %mul3A_363, %mul3A_365 : i32
        %get3A_367 = arith.index_cast %add3A_366 : i32 to index
        %get3A_368 = tpu.vector_load %arg18[%get3A_367] {strides = array<i32>} : memref<1024xf32, #tpu.memory_space<vmem>>, vector<16xf32>,
        %get3A_369 = vector.shape_cast %get3A_368 : vector<16xf32> to vector<16xf32>
        %add3A_370 = arith.addf %scan3A_361, %get3A_369 : vector<16xf32>
        %scan3A_371 = arith.constant 1 : i32
        %scan3A_372 = arith.addi %scan3A_360, %scan3A_371 : i32
        %mul3A_373 = arith.constant 64 : i32
        %mul3A_374 = arith.muli %scan3A_372, %mul3A_373 : i32
        %mul3A_375 = arith.constant 16 : i32
        %mul3A_376 = arith.muli %scan3A_305, %mul3A_375 : i32
        %add3A_377 = arith.addi %mul3A_374, %mul3A_376 : i32
        %get3A_378 = arith.index_cast %add3A_377 : i32 to index
        %get3A_379 = tpu.vector_load %arg18[%get3A_378] {strides = array<i32>} : memref<1024xf32, #tpu.memory_space<vmem>>, vector<16xf32>,
        %get3A_380 = vector.shape_cast %get3A_379 : vector<16xf32> to vector<16xf32>
        %add3A_381 = arith.addf %add3A_370, %get3A_380 : vector<16xf32>
        %scan3A_382 = arith.constant 2 : i32
        %scan3A_383 = arith.addi %scan3A_360, %scan3A_382 : i32
        %mul3A_384 = arith.constant 64 : i32
        %mul3A_385 = arith.muli %scan3A_383, %mul3A_384 : i32
        %mul3A_386 = arith.constant 16 : i32
        %mul3A_387 = arith.muli %scan3A_305, %mul3A_386 : i32
        %add3A_388 = arith.addi %mul3A_385, %mul3A_387 : i32
        %get3A_389 = arith.index_cast %add3A_388 : i32 to index
        %get3A_390 = tpu.vector_load %arg18[%get3A_389] {strides = array<i32>} : memref<1024xf32, #tpu.memory_space<vmem>>, vector<16xf32>,
        %get3A_391 = vector.shape_cast %get3A_390 : vector<16xf32> to vector<16xf32>
        %add3A_392 = arith.addf %add3A_381, %get3A_391 : vector<16xf32>
        %scan3A_393 = arith.constant 3 : i32
        %scan3A_394 = arith.addi %scan3A_360, %scan3A_393 : i32
        %mul3A_395 = arith.constant 64 : i32
        %mul3A_396 = arith.muli %scan3A_394, %mul3A_395 : i32
        %mul3A_397 = arith.constant 16 : i32
        %mul3A_398 = arith.muli %scan3A_305, %mul3A_397 : i32
        %add3A_399 = arith.addi %mul3A_396, %mul3A_398 : i32
        %get3A_400 = arith.index_cast %add3A_399 : i32 to index
        %get3A_401 = tpu.vector_load %arg18[%get3A_400] {strides = array<i32>} : memref<1024xf32, #tpu.memory_space<vmem>>, vector<16xf32>,
        %get3A_402 = vector.shape_cast %get3A_401 : vector<16xf32> to vector<16xf32>
        %add3A_403 = arith.addf %add3A_392, %get3A_402 : vector<16xf32>
        scf.yield %add3A_403 : vector<16xf32>
      }
      %scan3A_317 = arith.constant 12 : i32
      %scan3A_318 = arith.addi %scan3A_312, %scan3A_317 : i32
      %mul3A_319 = arith.constant 64 : i32
      %mul3A_320 = arith.muli %scan3A_318, %mul3A_319 : i32
      %mul3A_321 = arith.constant 16 : i32
      %mul3A_322 = arith.muli %scan3A_305, %mul3A_321 : i32
      %add3A_323 = arith.addi %mul3A_320, %mul3A_322 : i32
      %get3A_324 = arith.index_cast %add3A_323 : i32 to index
      %get3A_325 = tpu.vector_load %arg18[%get3A_324] {strides = array<i32>} : memref<1024xf32, #tpu.memory_space<vmem>>, vector<16xf32>,
      %get3A_326 = vector.shape_cast %get3A_325 : vector<16xf32> to vector<16xf32>
      %add3A_327 = arith.addf %scan3A_316, %get3A_326 : vector<16xf32>
      %scan3A_328 = arith.constant 13 : i32
      %scan3A_329 = arith.addi %scan3A_312, %scan3A_328 : i32
      %mul3A_330 = arith.constant 64 : i32
      %mul3A_331 = arith.muli %scan3A_329, %mul3A_330 : i32
      %mul3A_332 = arith.constant 16 : i32
      %mul3A_333 = arith.muli %scan3A_305, %mul3A_332 : i32
      %add3A_334 = arith.addi %mul3A_331, %mul3A_333 : i32
      %get3A_335 = arith.index_cast %add3A_334 : i32 to index
      %get3A_336 = tpu.vector_load %arg18[%get3A_335] {strides = array<i32>} : memref<1024xf32, #tpu.memory_space<vmem>>, vector<16xf32>,
      %get3A_337 = vector.shape_cast %get3A_336 : vector<16xf32> to vector<16xf32>
      %add3A_338 = arith.addf %add3A_327, %get3A_337 : vector<16xf32>
      %scan3A_339 = arith.constant 14 : i32
      %scan3A_340 = arith.addi %scan3A_312, %scan3A_339 : i32
      %mul3A_341 = arith.constant 64 : i32
      %mul3A_342 = arith.muli %scan3A_340, %mul3A_341 : i32
      %mul3A_343 = arith.constant 16 : i32
      %mul3A_344 = arith.muli %scan3A_305, %mul3A_343 : i32
      %add3A_345 = arith.addi %mul3A_342, %mul3A_344 : i32
      %get3A_346 = arith.index_cast %add3A_345 : i32 to index
      %get3A_347 = tpu.vector_load %arg18[%get3A_346] {strides = array<i32>} : memref<1024xf32, #tpu.memory_space<vmem>>, vector<16xf32>,
      %get3A_348 = vector.shape_cast %get3A_347 : vector<16xf32> to vector<16xf32>
      %add3A_349 = arith.addf %add3A_338, %get3A_348 : vector<16xf32>
      %scan3A_350 = arith.constant 15 : i32
      %mul3A_351 = vector.broadcast %scan3A_235 : f32 to vector<16xf32>
      %mul3A_352 = arith.mulf %add3A_349, %mul3A_351 : vector<16xf32>
      %add3A_353 = arith.addf %mul3A_352, %get3A_2 : vector<16xf32>
      %mul3A_354 = arith.constant 16 : i32
      %mul3A_355 = arith.muli %scan3A_305, %mul3A_354 : i32
      %swap3A = arith.index_cast %mul3A_355 : i32 to index
      %swap3A_356 = tpu.vector_load %arg19[%swap3A] {strides = array<i32>} : memref<64xf32, #tpu.memory_space<vmem>>, vector<16xf32>,
      %swap3A_357 = vector.shape_cast %swap3A_356 : vector<16xf32> to vector<16xf32>
      %swap3A_358 = vector.shape_cast %add3A_353 : vector<16xf32> to vector<16xf32>
      tpu.vector_store %arg19[%swap3A], %swap3A_358 {strides = array<i32>} : memref<64xf32, #tpu.memory_space<vmem>>, vector<16xf32>,
      %scan3A_359 = arith.constant 0 : i32
      scf.yield %scan3A_359 : i32
    }
    %scan3A_242 = arith.constant 4 : i32
    "tpu.region"() ({
      %run_scoped3A = tpu.sem_alloc : memref<!tpu.dma_semaphore, #tpu.memory_space<semaphore_mem>>
      %dma_start3A_305 = tpu.memref_slice %arg7[%add3A_225] : memref<16384xf32, #tpu.memory_space<hbm>> -> memref<64xf32, #tpu.memory_space<hbm>>
      %dma_start3A_306 = tpu.memref_slice %arg7[%add3A_225] : memref<16384xf32, #tpu.memory_space<hbm>> -> memref<64xf32, #tpu.memory_space<hbm>>
      tpu.enqueue_dma source(%arg19 : memref<64xf32, #tpu.memory_space<vmem>>) target(%dma_start3A_306 : memref<64xf32, #tpu.memory_space<hbm>>) target_semaphore(%run_scoped3A : memref<!tpu.dma_semaphore, #tpu.memory_space<semaphore_mem>>)
      %dma_wait3A_307 = tpu.memref_slice %arg7[%add3A_225] : memref<16384xf32, #tpu.memory_space<hbm>> -> memref<64xf32, #tpu.memory_space<hbm>>
      %dma_wait3A_308 = tpu.memref_slice %arg7[%add3A_225] : memref<16384xf32, #tpu.memory_space<hbm>> -> memref<64xf32, #tpu.memory_space<hbm>>
      tpu.wait_dma2 semaphore(%run_scoped3A : memref<!tpu.dma_semaphore, #tpu.memory_space<semaphore_mem>>) src(%arg19 : memref<64xf32, #tpu.memory_space<vmem>>) dst(%dma_wait3A_308 : memref<64xf32, #tpu.memory_space<hbm>>)
      tpu.yield
    }) : () -> ()
    %mul3A_243 = arith.constant 512 : i32
    %mul3A_244 = arith.muli %add3A, %mul3A_243 : i32
    %add3A_245 = arith.constant 448 : i32
    %add3A_246 = arith.addi %mul3A_244, %add3A_245 : i32
    %mul3A_247 = arith.constant 200 : i32
    %mul3A_248 = arith.muli %add3A_246, %mul3A_247 : i32
    "tpu.region"() ({
      %run_scoped3A = tpu.sem_alloc : memref<!tpu.dma_semaphore, #tpu.memory_space<semaphore_mem>>
      %dma_start3A_305 = tpu.memref_slice %arg4[%mul3A_248] : memref<3276800xi32, #tpu.memory_space<hbm>> -> memref<12800xi32, #tpu.memory_space<hbm>>
      %dma_start3A_306 = tpu.memref_slice %arg4[%mul3A_248] : memref<3276800xi32, #tpu.memory_space<hbm>> -> memref<12800xi32, #tpu.memory_space<hbm>>
      tpu.enqueue_dma source(%dma_start3A_306 : memref<12800xi32, #tpu.memory_space<hbm>>) target(%arg10 : memref<12800xi32, #tpu.memory_space<vmem>>) target_semaphore(%run_scoped3A : memref<!tpu.dma_semaphore, #tpu.memory_space<semaphore_mem>>)
      %dma_wait3A_307 = tpu.memref_slice %arg4[%mul3A_248] : memref<3276800xi32, #tpu.memory_space<hbm>> -> memref<12800xi32, #tpu.memory_space<hbm>>
      %dma_wait3A_308 = tpu.memref_slice %arg4[%mul3A_248] : memref<3276800xi32, #tpu.memory_space<hbm>> -> memref<12800xi32, #tpu.memory_space<hbm>>
      tpu.wait_dma2 semaphore(%run_scoped3A : memref<!tpu.dma_semaphore, #tpu.memory_space<semaphore_mem>>) src(%dma_wait3A_308 : memref<12800xi32, #tpu.memory_space<hbm>>) dst(%arg10 : memref<12800xi32, #tpu.memory_space<vmem>>)
      tpu.yield
    }) : () -> ()
    %mul3A_249 = arith.constant 200 : i32
    %mul3A_250 = arith.muli %add3A_246, %mul3A_249 : i32
    "tpu.region"() ({
      %run_scoped3A = tpu.sem_alloc : memref<!tpu.dma_semaphore, #tpu.memory_space<semaphore_mem>>
      %dma_start3A_305 = tpu.memref_slice %arg5[%mul3A_250] : memref<3276800xi32, #tpu.memory_space<hbm>> -> memref<12800xi32, #tpu.memory_space<hbm>>
      %dma_start3A_306 = tpu.memref_slice %arg5[%mul3A_250] : memref<3276800xi32, #tpu.memory_space<hbm>> -> memref<12800xi32, #tpu.memory_space<hbm>>
      tpu.enqueue_dma source(%dma_start3A_306 : memref<12800xi32, #tpu.memory_space<hbm>>) target(%arg12 : memref<12800xi32, #tpu.memory_space<vmem>>) target_semaphore(%run_scoped3A : memref<!tpu.dma_semaphore, #tpu.memory_space<semaphore_mem>>)
      %dma_wait3A_307 = tpu.memref_slice %arg5[%mul3A_250] : memref<3276800xi32, #tpu.memory_space<hbm>> -> memref<12800xi32, #tpu.memory_space<hbm>>
      %dma_wait3A_308 = tpu.memref_slice %arg5[%mul3A_250] : memref<3276800xi32, #tpu.memory_space<hbm>> -> memref<12800xi32, #tpu.memory_space<hbm>>
      tpu.wait_dma2 semaphore(%run_scoped3A : memref<!tpu.dma_semaphore, #tpu.memory_space<semaphore_mem>>) src(%dma_wait3A_308 : memref<12800xi32, #tpu.memory_space<hbm>>) dst(%arg12 : memref<12800xi32, #tpu.memory_space<vmem>>)
      tpu.yield
    }) : () -> ()
    %dma_start3A_251 = arith.constant 0 : i32
    %dma_start3A_252 = tpu.memref_slice %arg2[%dma_start3A_251] : memref<1000000xf32, #tpu.memory_space<hbm>> -> memref<1000000xf32, #tpu.memory_space<hbm>>
    tpu.enqueue_indirect_dma source(%dma_start3A_252 : memref<1000000xf32, #tpu.memory_space<hbm>>) target(%arg14 : memref<12800xf32, #tpu.memory_space<vmem>>) offsets(%arg10 : memref<12800xi32, #tpu.memory_space<vmem>>) semaphore(%arg23 : memref<!tpu.dma_semaphore, #tpu.memory_space<semaphore_mem>>)
    %dma_start3A_253 = arith.constant 0 : i32
    %dma_start3A_254 = tpu.memref_slice %arg3[%dma_start3A_253] : memref<1000000xf32, #tpu.memory_space<hbm>> -> memref<1000000xf32, #tpu.memory_space<hbm>>
    tpu.enqueue_indirect_dma source(%dma_start3A_254 : memref<1000000xf32, #tpu.memory_space<hbm>>) target(%arg16 : memref<12800xf32, #tpu.memory_space<vmem>>) offsets(%arg12 : memref<12800xi32, #tpu.memory_space<vmem>>) semaphore(%arg25 : memref<!tpu.dma_semaphore, #tpu.memory_space<semaphore_mem>>)
    %dma_wait3A_255 = arith.constant 0 : i32
    %dma_wait3A_256 = tpu.memref_slice %arg2[%dma_wait3A_255] : memref<1000000xf32, #tpu.memory_space<hbm>> -> memref<1000000xf32, #tpu.memory_space<hbm>>
    tpu.wait_indirect_dma semaphore(%arg22 : memref<!tpu.dma_semaphore, #tpu.memory_space<semaphore_mem>>) src(%dma_wait3A_256 : memref<1000000xf32, #tpu.memory_space<hbm>>) dst(%arg13 : memref<12800xf32, #tpu.memory_space<vmem>>)
    %dma_wait3A_257 = arith.constant 0 : i32
    %dma_wait3A_258 = tpu.memref_slice %arg3[%dma_wait3A_257] : memref<1000000xf32, #tpu.memory_space<hbm>> -> memref<1000000xf32, #tpu.memory_space<hbm>>
    tpu.wait_indirect_dma semaphore(%arg24 : memref<!tpu.dma_semaphore, #tpu.memory_space<semaphore_mem>>) src(%dma_wait3A_258 : memref<1000000xf32, #tpu.memory_space<hbm>>) dst(%arg15 : memref<12800xf32, #tpu.memory_space<vmem>>)
    %mul3A_259 = arith.constant 512 : i32
    %mul3A_260 = arith.muli %add3A, %mul3A_259 : i32
    %add3A_261 = arith.constant 384 : i32
    %add3A_262 = arith.addi %mul3A_260, %add3A_261 : i32
    %scan3A_263 = arith.constant 0 : i32
    %scan3A_264 = arith.constant 0 : i32
    %scan3A_265 = arith.constant 32 : i32
    %scan3A_266 = arith.addi %scan3A_264, %scan3A_265 : i32
    %scan3A_267 = arith.constant 1 : i32
    %scan3A_268 = scf.for %scan3A_305 = %scan3A_264 to %scan3A_266 step %scan3A_267 iter_args(%scan3A_306 = %scan3A_263) -> (i32)  : i32 {
      %mul3A_307 = arith.constant 400 : i32
      %mul3A_308 = arith.muli %scan3A_305, %mul3A_307 : i32
      %add3A_309 = arith.constant 192 : i32
      %add3A_310 = arith.addi %mul3A_308, %add3A_309 : i32
      %get3A_311 = arith.index_cast %add3A_310 : i32 to index
      %get3A_312 = tpu.vector_load %arg13[%get3A_311] {strides = array<i32>} : memref<12800xf32, #tpu.memory_space<vmem>>, vector<16xf32>,
      %get3A_313 = vector.shape_cast %get3A_312 : vector<16xf32> to vector<16xf32>
      %jit3A = arith.constant 0.000000e+00 : f32
      %broadcast_in_dim3A = vector.broadcast %jit3A : f32 to vector<16xf32>
      %select_n3A = arith.select %lt3A_4, %get3A_313, %broadcast_in_dim3A : vector<16xi1>, vector<16xf32>
      %scan3A_314 = arith.constant 0 : i32
      %scan3A_315 = arith.constant 12 : i32
      %scan3A_316 = arith.addi %scan3A_314, %scan3A_315 : i32
      %scan3A_317 = arith.constant 4 : i32
      %scan3A_318 = scf.for %scan3A_370 = %scan3A_314 to %scan3A_316 step %scan3A_317 iter_args(%scan3A_371 = %select_n3A) -> (vector<16xf32>)  : i32 {
        %mul3A_372 = arith.constant 16 : i32
        %mul3A_373 = arith.muli %scan3A_370, %mul3A_372 : i32
        %add3A_374 = arith.addi %mul3A_308, %mul3A_373 : i32
        %get3A_375 = arith.index_cast %add3A_374 : i32 to index
        %get3A_376 = tpu.vector_load %arg13[%get3A_375] {strides = array<i32>} : memref<12800xf32, #tpu.memory_space<vmem>>, vector<16xf32>,
        %get3A_377 = vector.shape_cast %get3A_376 : vector<16xf32> to vector<16xf32>
        %add3A_378 = arith.addf %scan3A_371, %get3A_377 : vector<16xf32>
        %scan3A_379 = arith.constant 1 : i32
        %scan3A_380 = arith.addi %scan3A_370, %scan3A_379 : i32
        %mul3A_381 = arith.constant 16 : i32
        %mul3A_382 = arith.muli %scan3A_380, %mul3A_381 : i32
        %add3A_383 = arith.addi %mul3A_308, %mul3A_382 : i32
        %get3A_384 = arith.index_cast %add3A_383 : i32 to index
        %get3A_385 = tpu.vector_load %arg13[%get3A_384] {strides = array<i32>} : memref<12800xf32, #tpu.memory_space<vmem>>, vector<16xf32>,
        %get3A_386 = vector.shape_cast %get3A_385 : vector<16xf32> to vector<16xf32>
        %add3A_387 = arith.addf %add3A_378, %get3A_386 : vector<16xf32>
        %scan3A_388 = arith.constant 2 : i32
        %scan3A_389 = arith.addi %scan3A_370, %scan3A_388 : i32
        %mul3A_390 = arith.constant 16 : i32
        %mul3A_391 = arith.muli %scan3A_389, %mul3A_390 : i32
        %add3A_392 = arith.addi %mul3A_308, %mul3A_391 : i32
        %get3A_393 = arith.index_cast %add3A_392 : i32 to index
        %get3A_394 = tpu.vector_load %arg13[%get3A_393] {strides = array<i32>} : memref<12800xf32, #tpu.memory_space<vmem>>, vector<16xf32>,
        %get3A_395 = vector.shape_cast %get3A_394 : vector<16xf32> to vector<16xf32>
        %add3A_396 = arith.addf %add3A_387, %get3A_395 : vector<16xf32>
        %scan3A_397 = arith.constant 3 : i32
        %scan3A_398 = arith.addi %scan3A_370, %scan3A_397 : i32
        %mul3A_399 = arith.constant 16 : i32
        %mul3A_400 = arith.muli %scan3A_398, %mul3A_399 : i32
        %add3A_401 = arith.addi %mul3A_308, %mul3A_400 : i32
        %get3A_402 = arith.index_cast %add3A_401 : i32 to index
        %get3A_403 = tpu.vector_load %arg13[%get3A_402] {strides = array<i32>} : memref<12800xf32, #tpu.memory_space<vmem>>, vector<16xf32>,
        %get3A_404 = vector.shape_cast %get3A_403 : vector<16xf32> to vector<16xf32>
        %add3A_405 = arith.addf %add3A_396, %get3A_404 : vector<16xf32>
        scf.yield %add3A_405 : vector<16xf32>
      }
      %scan3A_319 = arith.constant 12 : i32
      %jit3A_320 = arith.constant 0.000000e+00 : f32
      %broadcast_in_dim3A_321 = vector.broadcast %jit3A_320 : f32 to vector<16xf32>
      %select_n3A_322 = arith.select %lt3A_4, %broadcast_in_dim3A_321, %get3A_313 : vector<16xi1>, vector<16xf32>
      %scan3A_323 = arith.constant 13 : i32
      %scan3A_324 = arith.constant 12 : i32
      %scan3A_325 = arith.addi %scan3A_323, %scan3A_324 : i32
      %scan3A_326 = arith.constant 4 : i32
      %scan3A_327 = scf.for %scan3A_370 = %scan3A_323 to %scan3A_325 step %scan3A_326 iter_args(%scan3A_371 = %select_n3A_322) -> (vector<16xf32>)  : i32 {
        %mul3A_372 = arith.constant 16 : i32
        %mul3A_373 = arith.muli %scan3A_370, %mul3A_372 : i32
        %add3A_374 = arith.addi %mul3A_308, %mul3A_373 : i32
        %get3A_375 = arith.index_cast %add3A_374 : i32 to index
        %get3A_376 = tpu.vector_load %arg13[%get3A_375] {strides = array<i32>} : memref<12800xf32, #tpu.memory_space<vmem>>, vector<16xf32>,
        %get3A_377 = vector.shape_cast %get3A_376 : vector<16xf32> to vector<16xf32>
        %add3A_378 = arith.addf %scan3A_371, %get3A_377 : vector<16xf32>
        %scan3A_379 = arith.constant 1 : i32
        %scan3A_380 = arith.addi %scan3A_370, %scan3A_379 : i32
        %mul3A_381 = arith.constant 16 : i32
        %mul3A_382 = arith.muli %scan3A_380, %mul3A_381 : i32
        %add3A_383 = arith.addi %mul3A_308, %mul3A_382 : i32
        %get3A_384 = arith.index_cast %add3A_383 : i32 to index
        %get3A_385 = tpu.vector_load %arg13[%get3A_384] {strides = array<i32>} : memref<12800xf32, #tpu.memory_space<vmem>>, vector<16xf32>,
        %get3A_386 = vector.shape_cast %get3A_385 : vector<16xf32> to vector<16xf32>
        %add3A_387 = arith.addf %add3A_378, %get3A_386 : vector<16xf32>
        %scan3A_388 = arith.constant 2 : i32
        %scan3A_389 = arith.addi %scan3A_370, %scan3A_388 : i32
        %mul3A_390 = arith.constant 16 : i32
        %mul3A_391 = arith.muli %scan3A_389, %mul3A_390 : i32
        %add3A_392 = arith.addi %mul3A_308, %mul3A_391 : i32
        %get3A_393 = arith.index_cast %add3A_392 : i32 to index
        %get3A_394 = tpu.vector_load %arg13[%get3A_393] {strides = array<i32>} : memref<12800xf32, #tpu.memory_space<vmem>>, vector<16xf32>,
        %get3A_395 = vector.shape_cast %get3A_394 : vector<16xf32> to vector<16xf32>
        %add3A_396 = arith.addf %add3A_387, %get3A_395 : vector<16xf32>
        %scan3A_397 = arith.constant 3 : i32
        %scan3A_398 = arith.addi %scan3A_370, %scan3A_397 : i32
        %mul3A_399 = arith.constant 16 : i32
        %mul3A_400 = arith.muli %scan3A_398, %mul3A_399 : i32
        %add3A_401 = arith.addi %mul3A_308, %mul3A_400 : i32
        %get3A_402 = arith.index_cast %add3A_401 : i32 to index
        %get3A_403 = tpu.vector_load %arg13[%get3A_402] {strides = array<i32>} : memref<12800xf32, #tpu.memory_space<vmem>>, vector<16xf32>,
        %get3A_404 = vector.shape_cast %get3A_403 : vector<16xf32> to vector<16xf32>
        %add3A_405 = arith.addf %add3A_396, %get3A_404 : vector<16xf32>
        scf.yield %add3A_405 : vector<16xf32>
      }
      %scan3A_328 = arith.constant 12 : i32
      %mul3A_329 = arith.constant 400 : i32
      %mul3A_330 = arith.muli %scan3A_305, %mul3A_329 : i32
      %add3A_331 = arith.constant 192 : i32
      %add3A_332 = arith.addi %mul3A_330, %add3A_331 : i32
      %get3A_333 = arith.index_cast %add3A_332 : i32 to index
      %get3A_334 = tpu.vector_load %arg15[%get3A_333] {strides = array<i32>} : memref<12800xf32, #tpu.memory_space<vmem>>, vector<16xf32>,
      %get3A_335 = vector.shape_cast %get3A_334 : vector<16xf32> to vector<16xf32>
      %jit3A_336 = arith.constant 0.000000e+00 : f32
      %broadcast_in_dim3A_337 = vector.broadcast %jit3A_336 : f32 to vector<16xf32>
      %select_n3A_338 = arith.select %lt3A_4, %get3A_335, %broadcast_in_dim3A_337 : vector<16xi1>, vector<16xf32>
      %scan3A_339 = arith.constant 0 : i32
      %scan3A_340 = arith.constant 12 : i32
      %scan3A_341 = arith.addi %scan3A_339, %scan3A_340 : i32
      %scan3A_342 = arith.constant 4 : i32
      %scan3A_343 = scf.for %scan3A_370 = %scan3A_339 to %scan3A_341 step %scan3A_342 iter_args(%scan3A_371 = %select_n3A_338) -> (vector<16xf32>)  : i32 {
        %mul3A_372 = arith.constant 16 : i32
        %mul3A_373 = arith.muli %scan3A_370, %mul3A_372 : i32
        %add3A_374 = arith.addi %mul3A_330, %mul3A_373 : i32
        %get3A_375 = arith.index_cast %add3A_374 : i32 to index
        %get3A_376 = tpu.vector_load %arg15[%get3A_375] {strides = array<i32>} : memref<12800xf32, #tpu.memory_space<vmem>>, vector<16xf32>,
        %get3A_377 = vector.shape_cast %get3A_376 : vector<16xf32> to vector<16xf32>
        %add3A_378 = arith.addf %scan3A_371, %get3A_377 : vector<16xf32>
        %scan3A_379 = arith.constant 1 : i32
        %scan3A_380 = arith.addi %scan3A_370, %scan3A_379 : i32
        %mul3A_381 = arith.constant 16 : i32
        %mul3A_382 = arith.muli %scan3A_380, %mul3A_381 : i32
        %add3A_383 = arith.addi %mul3A_330, %mul3A_382 : i32
        %get3A_384 = arith.index_cast %add3A_383 : i32 to index
        %get3A_385 = tpu.vector_load %arg15[%get3A_384] {strides = array<i32>} : memref<12800xf32, #tpu.memory_space<vmem>>, vector<16xf32>,
        %get3A_386 = vector.shape_cast %get3A_385 : vector<16xf32> to vector<16xf32>
        %add3A_387 = arith.addf %add3A_378, %get3A_386 : vector<16xf32>
        %scan3A_388 = arith.constant 2 : i32
        %scan3A_389 = arith.addi %scan3A_370, %scan3A_388 : i32
        %mul3A_390 = arith.constant 16 : i32
        %mul3A_391 = arith.muli %scan3A_389, %mul3A_390 : i32
        %add3A_392 = arith.addi %mul3A_330, %mul3A_391 : i32
        %get3A_393 = arith.index_cast %add3A_392 : i32 to index
        %get3A_394 = tpu.vector_load %arg15[%get3A_393] {strides = array<i32>} : memref<12800xf32, #tpu.memory_space<vmem>>, vector<16xf32>,
        %get3A_395 = vector.shape_cast %get3A_394 : vector<16xf32> to vector<16xf32>
        %add3A_396 = arith.addf %add3A_387, %get3A_395 : vector<16xf32>
        %scan3A_397 = arith.constant 3 : i32
        %scan3A_398 = arith.addi %scan3A_370, %scan3A_397 : i32
        %mul3A_399 = arith.constant 16 : i32
        %mul3A_400 = arith.muli %scan3A_398, %mul3A_399 : i32
        %add3A_401 = arith.addi %mul3A_330, %mul3A_400 : i32
        %get3A_402 = arith.index_cast %add3A_401 : i32 to index
        %get3A_403 = tpu.vector_load %arg15[%get3A_402] {strides = array<i32>} : memref<12800xf32, #tpu.memory_space<vmem>>, vector<16xf32>,
        %get3A_404 = vector.shape_cast %get3A_403 : vector<16xf32> to vector<16xf32>
        %add3A_405 = arith.addf %add3A_396, %get3A_404 : vector<16xf32>
        scf.yield %add3A_405 : vector<16xf32>
      }
      %scan3A_344 = arith.constant 12 : i32
      %jit3A_345 = arith.constant 0.000000e+00 : f32
      %broadcast_in_dim3A_346 = vector.broadcast %jit3A_345 : f32 to vector<16xf32>
      %select_n3A_347 = arith.select %lt3A_4, %broadcast_in_dim3A_346, %get3A_335 : vector<16xi1>, vector<16xf32>
      %scan3A_348 = arith.constant 13 : i32
      %scan3A_349 = arith.constant 12 : i32
      %scan3A_350 = arith.addi %scan3A_348, %scan3A_349 : i32
      %scan3A_351 = arith.constant 4 : i32
      %scan3A_352 = scf.for %scan3A_370 = %scan3A_348 to %scan3A_350 step %scan3A_351 iter_args(%scan3A_371 = %select_n3A_347) -> (vector<16xf32>)  : i32 {
        %mul3A_372 = arith.constant 16 : i32
        %mul3A_373 = arith.muli %scan3A_370, %mul3A_372 : i32
        %add3A_374 = arith.addi %mul3A_330, %mul3A_373 : i32
        %get3A_375 = arith.index_cast %add3A_374 : i32 to index
        %get3A_376 = tpu.vector_load %arg15[%get3A_375] {strides = array<i32>} : memref<12800xf32, #tpu.memory_space<vmem>>, vector<16xf32>,
        %get3A_377 = vector.shape_cast %get3A_376 : vector<16xf32> to vector<16xf32>
        %add3A_378 = arith.addf %scan3A_371, %get3A_377 : vector<16xf32>
        %scan3A_379 = arith.constant 1 : i32
        %scan3A_380 = arith.addi %scan3A_370, %scan3A_379 : i32
        %mul3A_381 = arith.constant 16 : i32
        %mul3A_382 = arith.muli %scan3A_380, %mul3A_381 : i32
        %add3A_383 = arith.addi %mul3A_330, %mul3A_382 : i32
        %get3A_384 = arith.index_cast %add3A_383 : i32 to index
        %get3A_385 = tpu.vector_load %arg15[%get3A_384] {strides = array<i32>} : memref<12800xf32, #tpu.memory_space<vmem>>, vector<16xf32>,
        %get3A_386 = vector.shape_cast %get3A_385 : vector<16xf32> to vector<16xf32>
        %add3A_387 = arith.addf %add3A_378, %get3A_386 : vector<16xf32>
        %scan3A_388 = arith.constant 2 : i32
        %scan3A_389 = arith.addi %scan3A_370, %scan3A_388 : i32
        %mul3A_390 = arith.constant 16 : i32
        %mul3A_391 = arith.muli %scan3A_389, %mul3A_390 : i32
        %add3A_392 = arith.addi %mul3A_330, %mul3A_391 : i32
        %get3A_393 = arith.index_cast %add3A_392 : i32 to index
        %get3A_394 = tpu.vector_load %arg15[%get3A_393] {strides = array<i32>} : memref<12800xf32, #tpu.memory_space<vmem>>, vector<16xf32>,
        %get3A_395 = vector.shape_cast %get3A_394 : vector<16xf32> to vector<16xf32>
        %add3A_396 = arith.addf %add3A_387, %get3A_395 : vector<16xf32>
        %scan3A_397 = arith.constant 3 : i32
        %scan3A_398 = arith.addi %scan3A_370, %scan3A_397 : i32
        %mul3A_399 = arith.constant 16 : i32
        %mul3A_400 = arith.muli %scan3A_398, %mul3A_399 : i32
        %add3A_401 = arith.addi %mul3A_330, %mul3A_400 : i32
        %get3A_402 = arith.index_cast %add3A_401 : i32 to index
        %get3A_403 = tpu.vector_load %arg15[%get3A_402] {strides = array<i32>} : memref<12800xf32, #tpu.memory_space<vmem>>, vector<16xf32>,
        %get3A_404 = vector.shape_cast %get3A_403 : vector<16xf32> to vector<16xf32>
        %add3A_405 = arith.addf %add3A_396, %get3A_404 : vector<16xf32>
        scf.yield %add3A_405 : vector<16xf32>
      }
      %scan3A_353 = arith.constant 12 : i32
      %add3A_354 = arith.addf %scan3A_318, %scan3A_343 : vector<16xf32>
      %mul3A_355 = arith.constant 32 : i32
      %mul3A_356 = arith.muli %mul3A_355, %scan3A_305 : i32
      %swap3A = arith.index_cast %mul3A_356 : i32 to index
      %swap3A_357 = tpu.vector_load %arg17[%swap3A] {strides = array<i32>} : memref<1024xf32, #tpu.memory_space<vmem>>, vector<16xf32>,
      %swap3A_358 = vector.shape_cast %swap3A_357 : vector<16xf32> to vector<16xf32>
      %swap3A_359 = vector.shape_cast %add3A_354 : vector<16xf32> to vector<16xf32>
      tpu.vector_store %arg17[%swap3A], %swap3A_359 {strides = array<i32>} : memref<1024xf32, #tpu.memory_space<vmem>>, vector<16xf32>,
      %add3A_360 = arith.addf %scan3A_327, %scan3A_352 : vector<16xf32>
      %mul3A_361 = arith.constant 32 : i32
      %mul3A_362 = arith.muli %mul3A_361, %scan3A_305 : i32
      %add3A_363 = arith.constant 16 : i32
      %add3A_364 = arith.addi %mul3A_362, %add3A_363 : i32
      %swap3A_365 = arith.index_cast %add3A_364 : i32 to index
      %swap3A_366 = tpu.vector_load %arg17[%swap3A_365] {strides = array<i32>} : memref<1024xf32, #tpu.memory_space<vmem>>, vector<16xf32>,
      %swap3A_367 = vector.shape_cast %swap3A_366 : vector<16xf32> to vector<16xf32>
      %swap3A_368 = vector.shape_cast %add3A_360 : vector<16xf32> to vector<16xf32>
      tpu.vector_store %arg17[%swap3A_365], %swap3A_368 {strides = array<i32>} : memref<1024xf32, #tpu.memory_space<vmem>>, vector<16xf32>,
      %scan3A_369 = arith.constant 0 : i32
      scf.yield %scan3A_369 : i32
    }
    %scan3A_269 = arith.constant 32 : i32
    %mul3A_270 = arith.constant 1024 : i32
    %mul3A_271 = arith.muli %arg1, %mul3A_270 : i32
    "tpu.region"() ({
      %run_scoped3A = tpu.sem_alloc : memref<!tpu.dma_semaphore, #tpu.memory_space<semaphore_mem>>
      %dma_start3A_305 = tpu.memref_slice %arg21[%mul3A_271] : memref<16384xf32, #tpu.memory_space<vmem_shared>> -> memref<1024xf32, #tpu.memory_space<vmem_shared>>
      %dma_start3A_306 = tpu.memref_slice %arg21[%mul3A_271] : memref<16384xf32, #tpu.memory_space<vmem_shared>> -> memref<1024xf32, #tpu.memory_space<vmem_shared>>
      tpu.enqueue_dma source(%arg17 : memref<1024xf32, #tpu.memory_space<vmem>>) target(%dma_start3A_306 : memref<1024xf32, #tpu.memory_space<vmem_shared>>) target_semaphore(%run_scoped3A : memref<!tpu.dma_semaphore, #tpu.memory_space<semaphore_mem>>)
      %dma_wait3A_307 = tpu.memref_slice %arg21[%mul3A_271] : memref<16384xf32, #tpu.memory_space<vmem_shared>> -> memref<1024xf32, #tpu.memory_space<vmem_shared>>
      %dma_wait3A_308 = tpu.memref_slice %arg21[%mul3A_271] : memref<16384xf32, #tpu.memory_space<vmem_shared>> -> memref<1024xf32, #tpu.memory_space<vmem_shared>>
      tpu.wait_dma2 semaphore(%run_scoped3A : memref<!tpu.dma_semaphore, #tpu.memory_space<semaphore_mem>>) src(%arg17 : memref<1024xf32, #tpu.memory_space<vmem>>) dst(%dma_wait3A_308 : memref<1024xf32, #tpu.memory_space<vmem_shared>>)
      tpu.yield
    }) : () -> ()
    "tpu.region"() ({
      %run_scoped3A = tpu.sem_alloc : memref<!tpu.dma_semaphore, #tpu.memory_space<semaphore_mem>>
      %dma_start3A_305 = arith.constant 0 : i32
      %dma_start3A_306 = tpu.memref_slice %arg21[%dma_start3A_305] : memref<16384xf32, #tpu.memory_space<vmem_shared>> -> memref<16384xf32, #tpu.memory_space<vmem_shared>>
      tpu.enqueue_indirect_dma source(%dma_start3A_306 : memref<16384xf32, #tpu.memory_space<vmem_shared>>) target(%arg18 : memref<1024xf32, #tpu.memory_space<vmem>>) offsets(%arg8 : memref<1024xi32, #tpu.memory_space<vmem>>) semaphore(%run_scoped3A : memref<!tpu.dma_semaphore, #tpu.memory_space<semaphore_mem>>)
      %dma_wait3A_307 = arith.constant 0 : i32
      %dma_wait3A_308 = tpu.memref_slice %arg21[%dma_wait3A_307] : memref<16384xf32, #tpu.memory_space<vmem_shared>> -> memref<16384xf32, #tpu.memory_space<vmem_shared>>
      tpu.wait_indirect_dma semaphore(%run_scoped3A : memref<!tpu.dma_semaphore, #tpu.memory_space<semaphore_mem>>) src(%dma_wait3A_308 : memref<16384xf32, #tpu.memory_space<vmem_shared>>) dst(%arg18 : memref<1024xf32, #tpu.memory_space<vmem>>)
      tpu.yield
    }) : () -> ()
    %scan3A_272 = arith.constant 5.000000e-03 : f32
    %scan3A_273 = arith.constant 0 : i32
    %scan3A_274 = arith.constant 0 : i32
    %scan3A_275 = arith.constant 4 : i32
    %scan3A_276 = arith.addi %scan3A_274, %scan3A_275 : i32
    %scan3A_277 = arith.constant 1 : i32
    %scan3A_278 = scf.for %scan3A_305 = %scan3A_274 to %scan3A_276 step %scan3A_277 iter_args(%scan3A_306 = %scan3A_273) -> (i32)  : i32 {
      %mul3A_307 = arith.constant 16 : i32
      %mul3A_308 = arith.muli %scan3A_305, %mul3A_307 : i32
      %get3A_309 = arith.index_cast %mul3A_308 : i32 to index
      %get3A_310 = tpu.vector_load %arg18[%get3A_309] {strides = array<i32>} : memref<1024xf32, #tpu.memory_space<vmem>>, vector<16xf32>,
      %get3A_311 = vector.shape_cast %get3A_310 : vector<16xf32> to vector<16xf32>
      %scan3A_312 = arith.constant 1 : i32
      %scan3A_313 = arith.constant 12 : i32
      %scan3A_314 = arith.addi %scan3A_312, %scan3A_313 : i32
      %scan3A_315 = arith.constant 4 : i32
      %scan3A_316 = scf.for %scan3A_360 = %scan3A_312 to %scan3A_314 step %scan3A_315 iter_args(%scan3A_361 = %get3A_311) -> (vector<16xf32>)  : i32 {
        %mul3A_362 = arith.constant 64 : i32
        %mul3A_363 = arith.muli %scan3A_360, %mul3A_362 : i32
        %mul3A_364 = arith.constant 16 : i32
        %mul3A_365 = arith.muli %scan3A_305, %mul3A_364 : i32
        %add3A_366 = arith.addi %mul3A_363, %mul3A_365 : i32
        %get3A_367 = arith.index_cast %add3A_366 : i32 to index
        %get3A_368 = tpu.vector_load %arg18[%get3A_367] {strides = array<i32>} : memref<1024xf32, #tpu.memory_space<vmem>>, vector<16xf32>,
        %get3A_369 = vector.shape_cast %get3A_368 : vector<16xf32> to vector<16xf32>
        %add3A_370 = arith.addf %scan3A_361, %get3A_369 : vector<16xf32>
        %scan3A_371 = arith.constant 1 : i32
        %scan3A_372 = arith.addi %scan3A_360, %scan3A_371 : i32
        %mul3A_373 = arith.constant 64 : i32
        %mul3A_374 = arith.muli %scan3A_372, %mul3A_373 : i32
        %mul3A_375 = arith.constant 16 : i32
        %mul3A_376 = arith.muli %scan3A_305, %mul3A_375 : i32
        %add3A_377 = arith.addi %mul3A_374, %mul3A_376 : i32
        %get3A_378 = arith.index_cast %add3A_377 : i32 to index
        %get3A_379 = tpu.vector_load %arg18[%get3A_378] {strides = array<i32>} : memref<1024xf32, #tpu.memory_space<vmem>>, vector<16xf32>,
        %get3A_380 = vector.shape_cast %get3A_379 : vector<16xf32> to vector<16xf32>
        %add3A_381 = arith.addf %add3A_370, %get3A_380 : vector<16xf32>
        %scan3A_382 = arith.constant 2 : i32
        %scan3A_383 = arith.addi %scan3A_360, %scan3A_382 : i32
        %mul3A_384 = arith.constant 64 : i32
        %mul3A_385 = arith.muli %scan3A_383, %mul3A_384 : i32
        %mul3A_386 = arith.constant 16 : i32
        %mul3A_387 = arith.muli %scan3A_305, %mul3A_386 : i32
        %add3A_388 = arith.addi %mul3A_385, %mul3A_387 : i32
        %get3A_389 = arith.index_cast %add3A_388 : i32 to index
        %get3A_390 = tpu.vector_load %arg18[%get3A_389] {strides = array<i32>} : memref<1024xf32, #tpu.memory_space<vmem>>, vector<16xf32>,
        %get3A_391 = vector.shape_cast %get3A_390 : vector<16xf32> to vector<16xf32>
        %add3A_392 = arith.addf %add3A_381, %get3A_391 : vector<16xf32>
        %scan3A_393 = arith.constant 3 : i32
        %scan3A_394 = arith.addi %scan3A_360, %scan3A_393 : i32
        %mul3A_395 = arith.constant 64 : i32
        %mul3A_396 = arith.muli %scan3A_394, %mul3A_395 : i32
        %mul3A_397 = arith.constant 16 : i32
        %mul3A_398 = arith.muli %scan3A_305, %mul3A_397 : i32
        %add3A_399 = arith.addi %mul3A_396, %mul3A_398 : i32
        %get3A_400 = arith.index_cast %add3A_399 : i32 to index
        %get3A_401 = tpu.vector_load %arg18[%get3A_400] {strides = array<i32>} : memref<1024xf32, #tpu.memory_space<vmem>>, vector<16xf32>,
        %get3A_402 = vector.shape_cast %get3A_401 : vector<16xf32> to vector<16xf32>
        %add3A_403 = arith.addf %add3A_392, %get3A_402 : vector<16xf32>
        scf.yield %add3A_403 : vector<16xf32>
      }
      %scan3A_317 = arith.constant 12 : i32
      %scan3A_318 = arith.addi %scan3A_312, %scan3A_317 : i32
      %mul3A_319 = arith.constant 64 : i32
      %mul3A_320 = arith.muli %scan3A_318, %mul3A_319 : i32
      %mul3A_321 = arith.constant 16 : i32
      %mul3A_322 = arith.muli %scan3A_305, %mul3A_321 : i32
      %add3A_323 = arith.addi %mul3A_320, %mul3A_322 : i32
      %get3A_324 = arith.index_cast %add3A_323 : i32 to index
      %get3A_325 = tpu.vector_load %arg18[%get3A_324] {strides = array<i32>} : memref<1024xf32, #tpu.memory_space<vmem>>, vector<16xf32>,
      %get3A_326 = vector.shape_cast %get3A_325 : vector<16xf32> to vector<16xf32>
      %add3A_327 = arith.addf %scan3A_316, %get3A_326 : vector<16xf32>
      %scan3A_328 = arith.constant 13 : i32
      %scan3A_329 = arith.addi %scan3A_312, %scan3A_328 : i32
      %mul3A_330 = arith.constant 64 : i32
      %mul3A_331 = arith.muli %scan3A_329, %mul3A_330 : i32
      %mul3A_332 = arith.constant 16 : i32
      %mul3A_333 = arith.muli %scan3A_305, %mul3A_332 : i32
      %add3A_334 = arith.addi %mul3A_331, %mul3A_333 : i32
      %get3A_335 = arith.index_cast %add3A_334 : i32 to index
      %get3A_336 = tpu.vector_load %arg18[%get3A_335] {strides = array<i32>} : memref<1024xf32, #tpu.memory_space<vmem>>, vector<16xf32>,
      %get3A_337 = vector.shape_cast %get3A_336 : vector<16xf32> to vector<16xf32>
      %add3A_338 = arith.addf %add3A_327, %get3A_337 : vector<16xf32>
      %scan3A_339 = arith.constant 14 : i32
      %scan3A_340 = arith.addi %scan3A_312, %scan3A_339 : i32
      %mul3A_341 = arith.constant 64 : i32
      %mul3A_342 = arith.muli %scan3A_340, %mul3A_341 : i32
      %mul3A_343 = arith.constant 16 : i32
      %mul3A_344 = arith.muli %scan3A_305, %mul3A_343 : i32
      %add3A_345 = arith.addi %mul3A_342, %mul3A_344 : i32
      %get3A_346 = arith.index_cast %add3A_345 : i32 to index
      %get3A_347 = tpu.vector_load %arg18[%get3A_346] {strides = array<i32>} : memref<1024xf32, #tpu.memory_space<vmem>>, vector<16xf32>,
      %get3A_348 = vector.shape_cast %get3A_347 : vector<16xf32> to vector<16xf32>
      %add3A_349 = arith.addf %add3A_338, %get3A_348 : vector<16xf32>
      %scan3A_350 = arith.constant 15 : i32
      %mul3A_351 = vector.broadcast %scan3A_272 : f32 to vector<16xf32>
      %mul3A_352 = arith.mulf %add3A_349, %mul3A_351 : vector<16xf32>
      %add3A_353 = arith.addf %mul3A_352, %get3A_2 : vector<16xf32>
      %mul3A_354 = arith.constant 16 : i32
      %mul3A_355 = arith.muli %scan3A_305, %mul3A_354 : i32
      %swap3A = arith.index_cast %mul3A_355 : i32 to index
      %swap3A_356 = tpu.vector_load %arg19[%swap3A] {strides = array<i32>} : memref<64xf32, #tpu.memory_space<vmem>>, vector<16xf32>,
      %swap3A_357 = vector.shape_cast %swap3A_356 : vector<16xf32> to vector<16xf32>
      %swap3A_358 = vector.shape_cast %add3A_353 : vector<16xf32> to vector<16xf32>
      tpu.vector_store %arg19[%swap3A], %swap3A_358 {strides = array<i32>} : memref<64xf32, #tpu.memory_space<vmem>>, vector<16xf32>,
      %scan3A_359 = arith.constant 0 : i32
      scf.yield %scan3A_359 : i32
    }
    %scan3A_279 = arith.constant 4 : i32
    "tpu.region"() ({
      %run_scoped3A = tpu.sem_alloc : memref<!tpu.dma_semaphore, #tpu.memory_space<semaphore_mem>>
      %dma_start3A_305 = tpu.memref_slice %arg7[%add3A_262] : memref<16384xf32, #tpu.memory_space<hbm>> -> memref<64xf32, #tpu.memory_space<hbm>>
      %dma_start3A_306 = tpu.memref_slice %arg7[%add3A_262] : memref<16384xf32, #tpu.memory_space<hbm>> -> memref<64xf32, #tpu.memory_space<hbm>>
      tpu.enqueue_dma source(%arg19 : memref<64xf32, #tpu.memory_space<vmem>>) target(%dma_start3A_306 : memref<64xf32, #tpu.memory_space<hbm>>) target_semaphore(%run_scoped3A : memref<!tpu.dma_semaphore, #tpu.memory_space<semaphore_mem>>)
      %dma_wait3A_307 = tpu.memref_slice %arg7[%add3A_262] : memref<16384xf32, #tpu.memory_space<hbm>> -> memref<64xf32, #tpu.memory_space<hbm>>
      %dma_wait3A_308 = tpu.memref_slice %arg7[%add3A_262] : memref<16384xf32, #tpu.memory_space<hbm>> -> memref<64xf32, #tpu.memory_space<hbm>>
      tpu.wait_dma2 semaphore(%run_scoped3A : memref<!tpu.dma_semaphore, #tpu.memory_space<semaphore_mem>>) src(%arg19 : memref<64xf32, #tpu.memory_space<vmem>>) dst(%dma_wait3A_308 : memref<64xf32, #tpu.memory_space<hbm>>)
      tpu.yield
    }) : () -> ()
    %dma_wait3A_280 = arith.constant 0 : i32
    %dma_wait3A_281 = tpu.memref_slice %arg2[%dma_wait3A_280] : memref<1000000xf32, #tpu.memory_space<hbm>> -> memref<1000000xf32, #tpu.memory_space<hbm>>
    tpu.wait_indirect_dma semaphore(%arg23 : memref<!tpu.dma_semaphore, #tpu.memory_space<semaphore_mem>>) src(%dma_wait3A_281 : memref<1000000xf32, #tpu.memory_space<hbm>>) dst(%arg14 : memref<12800xf32, #tpu.memory_space<vmem>>)
    %dma_wait3A_282 = arith.constant 0 : i32
    %dma_wait3A_283 = tpu.memref_slice %arg3[%dma_wait3A_282] : memref<1000000xf32, #tpu.memory_space<hbm>> -> memref<1000000xf32, #tpu.memory_space<hbm>>
    tpu.wait_indirect_dma semaphore(%arg25 : memref<!tpu.dma_semaphore, #tpu.memory_space<semaphore_mem>>) src(%dma_wait3A_283 : memref<1000000xf32, #tpu.memory_space<hbm>>) dst(%arg16 : memref<12800xf32, #tpu.memory_space<vmem>>)
    %mul3A_284 = arith.constant 512 : i32
    %mul3A_285 = arith.muli %add3A, %mul3A_284 : i32
    %add3A_286 = arith.constant 448 : i32
    %add3A_287 = arith.addi %mul3A_285, %add3A_286 : i32
    %scan3A_288 = arith.constant 0 : i32
    %scan3A_289 = arith.constant 0 : i32
    %scan3A_290 = arith.constant 32 : i32
    %scan3A_291 = arith.addi %scan3A_289, %scan3A_290 : i32
    %scan3A_292 = arith.constant 1 : i32
    %scan3A_293 = scf.for %scan3A_305 = %scan3A_289 to %scan3A_291 step %scan3A_292 iter_args(%scan3A_306 = %scan3A_288) -> (i32)  : i32 {
      %mul3A_307 = arith.constant 400 : i32
      %mul3A_308 = arith.muli %scan3A_305, %mul3A_307 : i32
      %add3A_309 = arith.constant 192 : i32
      %add3A_310 = arith.addi %mul3A_308, %add3A_309 : i32
      %get3A_311 = arith.index_cast %add3A_310 : i32 to index
      %get3A_312 = tpu.vector_load %arg14[%get3A_311] {strides = array<i32>} : memref<12800xf32, #tpu.memory_space<vmem>>, vector<16xf32>,
      %get3A_313 = vector.shape_cast %get3A_312 : vector<16xf32> to vector<16xf32>
      %jit3A = arith.constant 0.000000e+00 : f32
      %broadcast_in_dim3A = vector.broadcast %jit3A : f32 to vector<16xf32>
      %select_n3A = arith.select %lt3A_4, %get3A_313, %broadcast_in_dim3A : vector<16xi1>, vector<16xf32>
      %scan3A_314 = arith.constant 0 : i32
      %scan3A_315 = arith.constant 12 : i32
      %scan3A_316 = arith.addi %scan3A_314, %scan3A_315 : i32
      %scan3A_317 = arith.constant 4 : i32
      %scan3A_318 = scf.for %scan3A_370 = %scan3A_314 to %scan3A_316 step %scan3A_317 iter_args(%scan3A_371 = %select_n3A) -> (vector<16xf32>)  : i32 {
        %mul3A_372 = arith.constant 16 : i32
        %mul3A_373 = arith.muli %scan3A_370, %mul3A_372 : i32
        %add3A_374 = arith.addi %mul3A_308, %mul3A_373 : i32
        %get3A_375 = arith.index_cast %add3A_374 : i32 to index
        %get3A_376 = tpu.vector_load %arg14[%get3A_375] {strides = array<i32>} : memref<12800xf32, #tpu.memory_space<vmem>>, vector<16xf32>,
        %get3A_377 = vector.shape_cast %get3A_376 : vector<16xf32> to vector<16xf32>
        %add3A_378 = arith.addf %scan3A_371, %get3A_377 : vector<16xf32>
        %scan3A_379 = arith.constant 1 : i32
        %scan3A_380 = arith.addi %scan3A_370, %scan3A_379 : i32
        %mul3A_381 = arith.constant 16 : i32
        %mul3A_382 = arith.muli %scan3A_380, %mul3A_381 : i32
        %add3A_383 = arith.addi %mul3A_308, %mul3A_382 : i32
        %get3A_384 = arith.index_cast %add3A_383 : i32 to index
        %get3A_385 = tpu.vector_load %arg14[%get3A_384] {strides = array<i32>} : memref<12800xf32, #tpu.memory_space<vmem>>, vector<16xf32>,
        %get3A_386 = vector.shape_cast %get3A_385 : vector<16xf32> to vector<16xf32>
        %add3A_387 = arith.addf %add3A_378, %get3A_386 : vector<16xf32>
        %scan3A_388 = arith.constant 2 : i32
        %scan3A_389 = arith.addi %scan3A_370, %scan3A_388 : i32
        %mul3A_390 = arith.constant 16 : i32
        %mul3A_391 = arith.muli %scan3A_389, %mul3A_390 : i32
        %add3A_392 = arith.addi %mul3A_308, %mul3A_391 : i32
        %get3A_393 = arith.index_cast %add3A_392 : i32 to index
        %get3A_394 = tpu.vector_load %arg14[%get3A_393] {strides = array<i32>} : memref<12800xf32, #tpu.memory_space<vmem>>, vector<16xf32>,
        %get3A_395 = vector.shape_cast %get3A_394 : vector<16xf32> to vector<16xf32>
        %add3A_396 = arith.addf %add3A_387, %get3A_395 : vector<16xf32>
        %scan3A_397 = arith.constant 3 : i32
        %scan3A_398 = arith.addi %scan3A_370, %scan3A_397 : i32
        %mul3A_399 = arith.constant 16 : i32
        %mul3A_400 = arith.muli %scan3A_398, %mul3A_399 : i32
        %add3A_401 = arith.addi %mul3A_308, %mul3A_400 : i32
        %get3A_402 = arith.index_cast %add3A_401 : i32 to index
        %get3A_403 = tpu.vector_load %arg14[%get3A_402] {strides = array<i32>} : memref<12800xf32, #tpu.memory_space<vmem>>, vector<16xf32>,
        %get3A_404 = vector.shape_cast %get3A_403 : vector<16xf32> to vector<16xf32>
        %add3A_405 = arith.addf %add3A_396, %get3A_404 : vector<16xf32>
        scf.yield %add3A_405 : vector<16xf32>
      }
      %scan3A_319 = arith.constant 12 : i32
      %jit3A_320 = arith.constant 0.000000e+00 : f32
      %broadcast_in_dim3A_321 = vector.broadcast %jit3A_320 : f32 to vector<16xf32>
      %select_n3A_322 = arith.select %lt3A_4, %broadcast_in_dim3A_321, %get3A_313 : vector<16xi1>, vector<16xf32>
      %scan3A_323 = arith.constant 13 : i32
      %scan3A_324 = arith.constant 12 : i32
      %scan3A_325 = arith.addi %scan3A_323, %scan3A_324 : i32
      %scan3A_326 = arith.constant 4 : i32
      %scan3A_327 = scf.for %scan3A_370 = %scan3A_323 to %scan3A_325 step %scan3A_326 iter_args(%scan3A_371 = %select_n3A_322) -> (vector<16xf32>)  : i32 {
        %mul3A_372 = arith.constant 16 : i32
        %mul3A_373 = arith.muli %scan3A_370, %mul3A_372 : i32
        %add3A_374 = arith.addi %mul3A_308, %mul3A_373 : i32
        %get3A_375 = arith.index_cast %add3A_374 : i32 to index
        %get3A_376 = tpu.vector_load %arg14[%get3A_375] {strides = array<i32>} : memref<12800xf32, #tpu.memory_space<vmem>>, vector<16xf32>,
        %get3A_377 = vector.shape_cast %get3A_376 : vector<16xf32> to vector<16xf32>
        %add3A_378 = arith.addf %scan3A_371, %get3A_377 : vector<16xf32>
        %scan3A_379 = arith.constant 1 : i32
        %scan3A_380 = arith.addi %scan3A_370, %scan3A_379 : i32
        %mul3A_381 = arith.constant 16 : i32
        %mul3A_382 = arith.muli %scan3A_380, %mul3A_381 : i32
        %add3A_383 = arith.addi %mul3A_308, %mul3A_382 : i32
        %get3A_384 = arith.index_cast %add3A_383 : i32 to index
        %get3A_385 = tpu.vector_load %arg14[%get3A_384] {strides = array<i32>} : memref<12800xf32, #tpu.memory_space<vmem>>, vector<16xf32>,
        %get3A_386 = vector.shape_cast %get3A_385 : vector<16xf32> to vector<16xf32>
        %add3A_387 = arith.addf %add3A_378, %get3A_386 : vector<16xf32>
        %scan3A_388 = arith.constant 2 : i32
        %scan3A_389 = arith.addi %scan3A_370, %scan3A_388 : i32
        %mul3A_390 = arith.constant 16 : i32
        %mul3A_391 = arith.muli %scan3A_389, %mul3A_390 : i32
        %add3A_392 = arith.addi %mul3A_308, %mul3A_391 : i32
        %get3A_393 = arith.index_cast %add3A_392 : i32 to index
        %get3A_394 = tpu.vector_load %arg14[%get3A_393] {strides = array<i32>} : memref<12800xf32, #tpu.memory_space<vmem>>, vector<16xf32>,
        %get3A_395 = vector.shape_cast %get3A_394 : vector<16xf32> to vector<16xf32>
        %add3A_396 = arith.addf %add3A_387, %get3A_395 : vector<16xf32>
        %scan3A_397 = arith.constant 3 : i32
        %scan3A_398 = arith.addi %scan3A_370, %scan3A_397 : i32
        %mul3A_399 = arith.constant 16 : i32
        %mul3A_400 = arith.muli %scan3A_398, %mul3A_399 : i32
        %add3A_401 = arith.addi %mul3A_308, %mul3A_400 : i32
        %get3A_402 = arith.index_cast %add3A_401 : i32 to index
        %get3A_403 = tpu.vector_load %arg14[%get3A_402] {strides = array<i32>} : memref<12800xf32, #tpu.memory_space<vmem>>, vector<16xf32>,
        %get3A_404 = vector.shape_cast %get3A_403 : vector<16xf32> to vector<16xf32>
        %add3A_405 = arith.addf %add3A_396, %get3A_404 : vector<16xf32>
        scf.yield %add3A_405 : vector<16xf32>
      }
      %scan3A_328 = arith.constant 12 : i32
      %mul3A_329 = arith.constant 400 : i32
      %mul3A_330 = arith.muli %scan3A_305, %mul3A_329 : i32
      %add3A_331 = arith.constant 192 : i32
      %add3A_332 = arith.addi %mul3A_330, %add3A_331 : i32
      %get3A_333 = arith.index_cast %add3A_332 : i32 to index
      %get3A_334 = tpu.vector_load %arg16[%get3A_333] {strides = array<i32>} : memref<12800xf32, #tpu.memory_space<vmem>>, vector<16xf32>,
      %get3A_335 = vector.shape_cast %get3A_334 : vector<16xf32> to vector<16xf32>
      %jit3A_336 = arith.constant 0.000000e+00 : f32
      %broadcast_in_dim3A_337 = vector.broadcast %jit3A_336 : f32 to vector<16xf32>
      %select_n3A_338 = arith.select %lt3A_4, %get3A_335, %broadcast_in_dim3A_337 : vector<16xi1>, vector<16xf32>
      %scan3A_339 = arith.constant 0 : i32
      %scan3A_340 = arith.constant 12 : i32
      %scan3A_341 = arith.addi %scan3A_339, %scan3A_340 : i32
      %scan3A_342 = arith.constant 4 : i32
      %scan3A_343 = scf.for %scan3A_370 = %scan3A_339 to %scan3A_341 step %scan3A_342 iter_args(%scan3A_371 = %select_n3A_338) -> (vector<16xf32>)  : i32 {
        %mul3A_372 = arith.constant 16 : i32
        %mul3A_373 = arith.muli %scan3A_370, %mul3A_372 : i32
        %add3A_374 = arith.addi %mul3A_330, %mul3A_373 : i32
        %get3A_375 = arith.index_cast %add3A_374 : i32 to index
        %get3A_376 = tpu.vector_load %arg16[%get3A_375] {strides = array<i32>} : memref<12800xf32, #tpu.memory_space<vmem>>, vector<16xf32>,
        %get3A_377 = vector.shape_cast %get3A_376 : vector<16xf32> to vector<16xf32>
        %add3A_378 = arith.addf %scan3A_371, %get3A_377 : vector<16xf32>
        %scan3A_379 = arith.constant 1 : i32
        %scan3A_380 = arith.addi %scan3A_370, %scan3A_379 : i32
        %mul3A_381 = arith.constant 16 : i32
        %mul3A_382 = arith.muli %scan3A_380, %mul3A_381 : i32
        %add3A_383 = arith.addi %mul3A_330, %mul3A_382 : i32
        %get3A_384 = arith.index_cast %add3A_383 : i32 to index
        %get3A_385 = tpu.vector_load %arg16[%get3A_384] {strides = array<i32>} : memref<12800xf32, #tpu.memory_space<vmem>>, vector<16xf32>,
        %get3A_386 = vector.shape_cast %get3A_385 : vector<16xf32> to vector<16xf32>
        %add3A_387 = arith.addf %add3A_378, %get3A_386 : vector<16xf32>
        %scan3A_388 = arith.constant 2 : i32
        %scan3A_389 = arith.addi %scan3A_370, %scan3A_388 : i32
        %mul3A_390 = arith.constant 16 : i32
        %mul3A_391 = arith.muli %scan3A_389, %mul3A_390 : i32
        %add3A_392 = arith.addi %mul3A_330, %mul3A_391 : i32
        %get3A_393 = arith.index_cast %add3A_392 : i32 to index
        %get3A_394 = tpu.vector_load %arg16[%get3A_393] {strides = array<i32>} : memref<12800xf32, #tpu.memory_space<vmem>>, vector<16xf32>,
        %get3A_395 = vector.shape_cast %get3A_394 : vector<16xf32> to vector<16xf32>
        %add3A_396 = arith.addf %add3A_387, %get3A_395 : vector<16xf32>
        %scan3A_397 = arith.constant 3 : i32
        %scan3A_398 = arith.addi %scan3A_370, %scan3A_397 : i32
        %mul3A_399 = arith.constant 16 : i32
        %mul3A_400 = arith.muli %scan3A_398, %mul3A_399 : i32
        %add3A_401 = arith.addi %mul3A_330, %mul3A_400 : i32
        %get3A_402 = arith.index_cast %add3A_401 : i32 to index
        %get3A_403 = tpu.vector_load %arg16[%get3A_402] {strides = array<i32>} : memref<12800xf32, #tpu.memory_space<vmem>>, vector<16xf32>,
        %get3A_404 = vector.shape_cast %get3A_403 : vector<16xf32> to vector<16xf32>
        %add3A_405 = arith.addf %add3A_396, %get3A_404 : vector<16xf32>
        scf.yield %add3A_405 : vector<16xf32>
      }
      %scan3A_344 = arith.constant 12 : i32
      %jit3A_345 = arith.constant 0.000000e+00 : f32
      %broadcast_in_dim3A_346 = vector.broadcast %jit3A_345 : f32 to vector<16xf32>
      %select_n3A_347 = arith.select %lt3A_4, %broadcast_in_dim3A_346, %get3A_335 : vector<16xi1>, vector<16xf32>
      %scan3A_348 = arith.constant 13 : i32
      %scan3A_349 = arith.constant 12 : i32
      %scan3A_350 = arith.addi %scan3A_348, %scan3A_349 : i32
      %scan3A_351 = arith.constant 4 : i32
      %scan3A_352 = scf.for %scan3A_370 = %scan3A_348 to %scan3A_350 step %scan3A_351 iter_args(%scan3A_371 = %select_n3A_347) -> (vector<16xf32>)  : i32 {
        %mul3A_372 = arith.constant 16 : i32
        %mul3A_373 = arith.muli %scan3A_370, %mul3A_372 : i32
        %add3A_374 = arith.addi %mul3A_330, %mul3A_373 : i32
        %get3A_375 = arith.index_cast %add3A_374 : i32 to index
        %get3A_376 = tpu.vector_load %arg16[%get3A_375] {strides = array<i32>} : memref<12800xf32, #tpu.memory_space<vmem>>, vector<16xf32>,
        %get3A_377 = vector.shape_cast %get3A_376 : vector<16xf32> to vector<16xf32>
        %add3A_378 = arith.addf %scan3A_371, %get3A_377 : vector<16xf32>
        %scan3A_379 = arith.constant 1 : i32
        %scan3A_380 = arith.addi %scan3A_370, %scan3A_379 : i32
        %mul3A_381 = arith.constant 16 : i32
        %mul3A_382 = arith.muli %scan3A_380, %mul3A_381 : i32
        %add3A_383 = arith.addi %mul3A_330, %mul3A_382 : i32
        %get3A_384 = arith.index_cast %add3A_383 : i32 to index
        %get3A_385 = tpu.vector_load %arg16[%get3A_384] {strides = array<i32>} : memref<12800xf32, #tpu.memory_space<vmem>>, vector<16xf32>,
        %get3A_386 = vector.shape_cast %get3A_385 : vector<16xf32> to vector<16xf32>
        %add3A_387 = arith.addf %add3A_378, %get3A_386 : vector<16xf32>
        %scan3A_388 = arith.constant 2 : i32
        %scan3A_389 = arith.addi %scan3A_370, %scan3A_388 : i32
        %mul3A_390 = arith.constant 16 : i32
        %mul3A_391 = arith.muli %scan3A_389, %mul3A_390 : i32
        %add3A_392 = arith.addi %mul3A_330, %mul3A_391 : i32
        %get3A_393 = arith.index_cast %add3A_392 : i32 to index
        %get3A_394 = tpu.vector_load %arg16[%get3A_393] {strides = array<i32>} : memref<12800xf32, #tpu.memory_space<vmem>>, vector<16xf32>,
        %get3A_395 = vector.shape_cast %get3A_394 : vector<16xf32> to vector<16xf32>
        %add3A_396 = arith.addf %add3A_387, %get3A_395 : vector<16xf32>
        %scan3A_397 = arith.constant 3 : i32
        %scan3A_398 = arith.addi %scan3A_370, %scan3A_397 : i32
        %mul3A_399 = arith.constant 16 : i32
        %mul3A_400 = arith.muli %scan3A_398, %mul3A_399 : i32
        %add3A_401 = arith.addi %mul3A_330, %mul3A_400 : i32
        %get3A_402 = arith.index_cast %add3A_401 : i32 to index
        %get3A_403 = tpu.vector_load %arg16[%get3A_402] {strides = array<i32>} : memref<12800xf32, #tpu.memory_space<vmem>>, vector<16xf32>,
        %get3A_404 = vector.shape_cast %get3A_403 : vector<16xf32> to vector<16xf32>
        %add3A_405 = arith.addf %add3A_396, %get3A_404 : vector<16xf32>
        scf.yield %add3A_405 : vector<16xf32>
      }
      %scan3A_353 = arith.constant 12 : i32
      %add3A_354 = arith.addf %scan3A_318, %scan3A_343 : vector<16xf32>
      %mul3A_355 = arith.constant 32 : i32
      %mul3A_356 = arith.muli %mul3A_355, %scan3A_305 : i32
      %swap3A = arith.index_cast %mul3A_356 : i32 to index
      %swap3A_357 = tpu.vector_load %arg17[%swap3A] {strides = array<i32>} : memref<1024xf32, #tpu.memory_space<vmem>>, vector<16xf32>,
      %swap3A_358 = vector.shape_cast %swap3A_357 : vector<16xf32> to vector<16xf32>
      %swap3A_359 = vector.shape_cast %add3A_354 : vector<16xf32> to vector<16xf32>
      tpu.vector_store %arg17[%swap3A], %swap3A_359 {strides = array<i32>} : memref<1024xf32, #tpu.memory_space<vmem>>, vector<16xf32>,
      %add3A_360 = arith.addf %scan3A_327, %scan3A_352 : vector<16xf32>
      %mul3A_361 = arith.constant 32 : i32
      %mul3A_362 = arith.muli %mul3A_361, %scan3A_305 : i32
      %add3A_363 = arith.constant 16 : i32
      %add3A_364 = arith.addi %mul3A_362, %add3A_363 : i32
      %swap3A_365 = arith.index_cast %add3A_364 : i32 to index
      %swap3A_366 = tpu.vector_load %arg17[%swap3A_365] {strides = array<i32>} : memref<1024xf32, #tpu.memory_space<vmem>>, vector<16xf32>,
      %swap3A_367 = vector.shape_cast %swap3A_366 : vector<16xf32> to vector<16xf32>
      %swap3A_368 = vector.shape_cast %add3A_360 : vector<16xf32> to vector<16xf32>
      tpu.vector_store %arg17[%swap3A_365], %swap3A_368 {strides = array<i32>} : memref<1024xf32, #tpu.memory_space<vmem>>, vector<16xf32>,
      %scan3A_369 = arith.constant 0 : i32
      scf.yield %scan3A_369 : i32
    }
    %scan3A_294 = arith.constant 32 : i32
    %mul3A_295 = arith.constant 1024 : i32
    %mul3A_296 = arith.muli %arg1, %mul3A_295 : i32
    "tpu.region"() ({
      %run_scoped3A = tpu.sem_alloc : memref<!tpu.dma_semaphore, #tpu.memory_space<semaphore_mem>>
      %dma_start3A_305 = tpu.memref_slice %arg21[%mul3A_296] : memref<16384xf32, #tpu.memory_space<vmem_shared>> -> memref<1024xf32, #tpu.memory_space<vmem_shared>>
      %dma_start3A_306 = tpu.memref_slice %arg21[%mul3A_296] : memref<16384xf32, #tpu.memory_space<vmem_shared>> -> memref<1024xf32, #tpu.memory_space<vmem_shared>>
      tpu.enqueue_dma source(%arg17 : memref<1024xf32, #tpu.memory_space<vmem>>) target(%dma_start3A_306 : memref<1024xf32, #tpu.memory_space<vmem_shared>>) target_semaphore(%run_scoped3A : memref<!tpu.dma_semaphore, #tpu.memory_space<semaphore_mem>>)
      %dma_wait3A_307 = tpu.memref_slice %arg21[%mul3A_296] : memref<16384xf32, #tpu.memory_space<vmem_shared>> -> memref<1024xf32, #tpu.memory_space<vmem_shared>>
      %dma_wait3A_308 = tpu.memref_slice %arg21[%mul3A_296] : memref<16384xf32, #tpu.memory_space<vmem_shared>> -> memref<1024xf32, #tpu.memory_space<vmem_shared>>
      tpu.wait_dma2 semaphore(%run_scoped3A : memref<!tpu.dma_semaphore, #tpu.memory_space<semaphore_mem>>) src(%arg17 : memref<1024xf32, #tpu.memory_space<vmem>>) dst(%dma_wait3A_308 : memref<1024xf32, #tpu.memory_space<vmem_shared>>)
      tpu.yield
    }) : () -> ()
    "tpu.region"() ({
      %run_scoped3A = tpu.sem_alloc : memref<!tpu.dma_semaphore, #tpu.memory_space<semaphore_mem>>
      %dma_start3A_305 = arith.constant 0 : i32
      %dma_start3A_306 = tpu.memref_slice %arg21[%dma_start3A_305] : memref<16384xf32, #tpu.memory_space<vmem_shared>> -> memref<16384xf32, #tpu.memory_space<vmem_shared>>
      tpu.enqueue_indirect_dma source(%dma_start3A_306 : memref<16384xf32, #tpu.memory_space<vmem_shared>>) target(%arg18 : memref<1024xf32, #tpu.memory_space<vmem>>) offsets(%arg8 : memref<1024xi32, #tpu.memory_space<vmem>>) semaphore(%run_scoped3A : memref<!tpu.dma_semaphore, #tpu.memory_space<semaphore_mem>>)
      %dma_wait3A_307 = arith.constant 0 : i32
      %dma_wait3A_308 = tpu.memref_slice %arg21[%dma_wait3A_307] : memref<16384xf32, #tpu.memory_space<vmem_shared>> -> memref<16384xf32, #tpu.memory_space<vmem_shared>>
      tpu.wait_indirect_dma semaphore(%run_scoped3A : memref<!tpu.dma_semaphore, #tpu.memory_space<semaphore_mem>>) src(%dma_wait3A_308 : memref<16384xf32, #tpu.memory_space<vmem_shared>>) dst(%arg18 : memref<1024xf32, #tpu.memory_space<vmem>>)
      tpu.yield
    }) : () -> ()
    %scan3A_297 = arith.constant 5.000000e-03 : f32
    %scan3A_298 = arith.constant 0 : i32
    %scan3A_299 = arith.constant 0 : i32
    %scan3A_300 = arith.constant 4 : i32
    %scan3A_301 = arith.addi %scan3A_299, %scan3A_300 : i32
    %scan3A_302 = arith.constant 1 : i32
    %scan3A_303 = scf.for %scan3A_305 = %scan3A_299 to %scan3A_301 step %scan3A_302 iter_args(%scan3A_306 = %scan3A_298) -> (i32)  : i32 {
      %mul3A_307 = arith.constant 16 : i32
      %mul3A_308 = arith.muli %scan3A_305, %mul3A_307 : i32
      %get3A_309 = arith.index_cast %mul3A_308 : i32 to index
      %get3A_310 = tpu.vector_load %arg18[%get3A_309] {strides = array<i32>} : memref<1024xf32, #tpu.memory_space<vmem>>, vector<16xf32>,
      %get3A_311 = vector.shape_cast %get3A_310 : vector<16xf32> to vector<16xf32>
      %scan3A_312 = arith.constant 1 : i32
      %scan3A_313 = arith.constant 12 : i32
      %scan3A_314 = arith.addi %scan3A_312, %scan3A_313 : i32
      %scan3A_315 = arith.constant 4 : i32
      %scan3A_316 = scf.for %scan3A_360 = %scan3A_312 to %scan3A_314 step %scan3A_315 iter_args(%scan3A_361 = %get3A_311) -> (vector<16xf32>)  : i32 {
        %mul3A_362 = arith.constant 64 : i32
        %mul3A_363 = arith.muli %scan3A_360, %mul3A_362 : i32
        %mul3A_364 = arith.constant 16 : i32
        %mul3A_365 = arith.muli %scan3A_305, %mul3A_364 : i32
        %add3A_366 = arith.addi %mul3A_363, %mul3A_365 : i32
        %get3A_367 = arith.index_cast %add3A_366 : i32 to index
        %get3A_368 = tpu.vector_load %arg18[%get3A_367] {strides = array<i32>} : memref<1024xf32, #tpu.memory_space<vmem>>, vector<16xf32>,
        %get3A_369 = vector.shape_cast %get3A_368 : vector<16xf32> to vector<16xf32>
        %add3A_370 = arith.addf %scan3A_361, %get3A_369 : vector<16xf32>
        %scan3A_371 = arith.constant 1 : i32
        %scan3A_372 = arith.addi %scan3A_360, %scan3A_371 : i32
        %mul3A_373 = arith.constant 64 : i32
        %mul3A_374 = arith.muli %scan3A_372, %mul3A_373 : i32
        %mul3A_375 = arith.constant 16 : i32
        %mul3A_376 = arith.muli %scan3A_305, %mul3A_375 : i32
        %add3A_377 = arith.addi %mul3A_374, %mul3A_376 : i32
        %get3A_378 = arith.index_cast %add3A_377 : i32 to index
        %get3A_379 = tpu.vector_load %arg18[%get3A_378] {strides = array<i32>} : memref<1024xf32, #tpu.memory_space<vmem>>, vector<16xf32>,
        %get3A_380 = vector.shape_cast %get3A_379 : vector<16xf32> to vector<16xf32>
        %add3A_381 = arith.addf %add3A_370, %get3A_380 : vector<16xf32>
        %scan3A_382 = arith.constant 2 : i32
        %scan3A_383 = arith.addi %scan3A_360, %scan3A_382 : i32
        %mul3A_384 = arith.constant 64 : i32
        %mul3A_385 = arith.muli %scan3A_383, %mul3A_384 : i32
        %mul3A_386 = arith.constant 16 : i32
        %mul3A_387 = arith.muli %scan3A_305, %mul3A_386 : i32
        %add3A_388 = arith.addi %mul3A_385, %mul3A_387 : i32
        %get3A_389 = arith.index_cast %add3A_388 : i32 to index
        %get3A_390 = tpu.vector_load %arg18[%get3A_389] {strides = array<i32>} : memref<1024xf32, #tpu.memory_space<vmem>>, vector<16xf32>,
        %get3A_391 = vector.shape_cast %get3A_390 : vector<16xf32> to vector<16xf32>
        %add3A_392 = arith.addf %add3A_381, %get3A_391 : vector<16xf32>
        %scan3A_393 = arith.constant 3 : i32
        %scan3A_394 = arith.addi %scan3A_360, %scan3A_393 : i32
        %mul3A_395 = arith.constant 64 : i32
        %mul3A_396 = arith.muli %scan3A_394, %mul3A_395 : i32
        %mul3A_397 = arith.constant 16 : i32
        %mul3A_398 = arith.muli %scan3A_305, %mul3A_397 : i32
        %add3A_399 = arith.addi %mul3A_396, %mul3A_398 : i32
        %get3A_400 = arith.index_cast %add3A_399 : i32 to index
        %get3A_401 = tpu.vector_load %arg18[%get3A_400] {strides = array<i32>} : memref<1024xf32, #tpu.memory_space<vmem>>, vector<16xf32>,
        %get3A_402 = vector.shape_cast %get3A_401 : vector<16xf32> to vector<16xf32>
        %add3A_403 = arith.addf %add3A_392, %get3A_402 : vector<16xf32>
        scf.yield %add3A_403 : vector<16xf32>
      }
      %scan3A_317 = arith.constant 12 : i32
      %scan3A_318 = arith.addi %scan3A_312, %scan3A_317 : i32
      %mul3A_319 = arith.constant 64 : i32
      %mul3A_320 = arith.muli %scan3A_318, %mul3A_319 : i32
      %mul3A_321 = arith.constant 16 : i32
      %mul3A_322 = arith.muli %scan3A_305, %mul3A_321 : i32
      %add3A_323 = arith.addi %mul3A_320, %mul3A_322 : i32
      %get3A_324 = arith.index_cast %add3A_323 : i32 to index
      %get3A_325 = tpu.vector_load %arg18[%get3A_324] {strides = array<i32>} : memref<1024xf32, #tpu.memory_space<vmem>>, vector<16xf32>,
      %get3A_326 = vector.shape_cast %get3A_325 : vector<16xf32> to vector<16xf32>
      %add3A_327 = arith.addf %scan3A_316, %get3A_326 : vector<16xf32>
      %scan3A_328 = arith.constant 13 : i32
      %scan3A_329 = arith.addi %scan3A_312, %scan3A_328 : i32
      %mul3A_330 = arith.constant 64 : i32
      %mul3A_331 = arith.muli %scan3A_329, %mul3A_330 : i32
      %mul3A_332 = arith.constant 16 : i32
      %mul3A_333 = arith.muli %scan3A_305, %mul3A_332 : i32
      %add3A_334 = arith.addi %mul3A_331, %mul3A_333 : i32
      %get3A_335 = arith.index_cast %add3A_334 : i32 to index
      %get3A_336 = tpu.vector_load %arg18[%get3A_335] {strides = array<i32>} : memref<1024xf32, #tpu.memory_space<vmem>>, vector<16xf32>,
      %get3A_337 = vector.shape_cast %get3A_336 : vector<16xf32> to vector<16xf32>
      %add3A_338 = arith.addf %add3A_327, %get3A_337 : vector<16xf32>
      %scan3A_339 = arith.constant 14 : i32
      %scan3A_340 = arith.addi %scan3A_312, %scan3A_339 : i32
      %mul3A_341 = arith.constant 64 : i32
      %mul3A_342 = arith.muli %scan3A_340, %mul3A_341 : i32
      %mul3A_343 = arith.constant 16 : i32
      %mul3A_344 = arith.muli %scan3A_305, %mul3A_343 : i32
      %add3A_345 = arith.addi %mul3A_342, %mul3A_344 : i32
      %get3A_346 = arith.index_cast %add3A_345 : i32 to index
      %get3A_347 = tpu.vector_load %arg18[%get3A_346] {strides = array<i32>} : memref<1024xf32, #tpu.memory_space<vmem>>, vector<16xf32>,
      %get3A_348 = vector.shape_cast %get3A_347 : vector<16xf32> to vector<16xf32>
      %add3A_349 = arith.addf %add3A_338, %get3A_348 : vector<16xf32>
      %scan3A_350 = arith.constant 15 : i32
      %mul3A_351 = vector.broadcast %scan3A_297 : f32 to vector<16xf32>
      %mul3A_352 = arith.mulf %add3A_349, %mul3A_351 : vector<16xf32>
      %add3A_353 = arith.addf %mul3A_352, %get3A_2 : vector<16xf32>
      %mul3A_354 = arith.constant 16 : i32
      %mul3A_355 = arith.muli %scan3A_305, %mul3A_354 : i32
      %swap3A = arith.index_cast %mul3A_355 : i32 to index
      %swap3A_356 = tpu.vector_load %arg19[%swap3A] {strides = array<i32>} : memref<64xf32, #tpu.memory_space<vmem>>, vector<16xf32>,
      %swap3A_357 = vector.shape_cast %swap3A_356 : vector<16xf32> to vector<16xf32>
      %swap3A_358 = vector.shape_cast %add3A_353 : vector<16xf32> to vector<16xf32>
      tpu.vector_store %arg19[%swap3A], %swap3A_358 {strides = array<i32>} : memref<64xf32, #tpu.memory_space<vmem>>, vector<16xf32>,
      %scan3A_359 = arith.constant 0 : i32
      scf.yield %scan3A_359 : i32
    }
    %scan3A_304 = arith.constant 4 : i32
    "tpu.region"() ({
      %run_scoped3A = tpu.sem_alloc : memref<!tpu.dma_semaphore, #tpu.memory_space<semaphore_mem>>
      %dma_start3A_305 = tpu.memref_slice %arg7[%add3A_287] : memref<16384xf32, #tpu.memory_space<hbm>> -> memref<64xf32, #tpu.memory_space<hbm>>
      %dma_start3A_306 = tpu.memref_slice %arg7[%add3A_287] : memref<16384xf32, #tpu.memory_space<hbm>> -> memref<64xf32, #tpu.memory_space<hbm>>
      tpu.enqueue_dma source(%arg19 : memref<64xf32, #tpu.memory_space<vmem>>) target(%dma_start3A_306 : memref<64xf32, #tpu.memory_space<hbm>>) target_semaphore(%run_scoped3A : memref<!tpu.dma_semaphore, #tpu.memory_space<semaphore_mem>>)
      %dma_wait3A_307 = tpu.memref_slice %arg7[%add3A_287] : memref<16384xf32, #tpu.memory_space<hbm>> -> memref<64xf32, #tpu.memory_space<hbm>>
      %dma_wait3A_308 = tpu.memref_slice %arg7[%add3A_287] : memref<16384xf32, #tpu.memory_space<hbm>> -> memref<64xf32, #tpu.memory_space<hbm>>
      tpu.wait_dma2 semaphore(%run_scoped3A : memref<!tpu.dma_semaphore, #tpu.memory_space<semaphore_mem>>) src(%arg19 : memref<64xf32, #tpu.memory_space<vmem>>) dst(%dma_wait3A_308 : memref<64xf32, #tpu.memory_space<hbm>>)
      tpu.yield
    }) : () -> ()
    return
  }
}

module attributes {stable_mosaic.version = 14 : i64} {
  func.func @_proj_body(%arg0: i32, %arg1: memref<16x32768xf32, #tpu.memory_space<vmem>>, %arg2: memref<1x16xf32, #tpu.memory_space<vmem>>, %arg3: memref<1x16xf32, #tpu.memory_space<vmem>>, %arg4: memref<32768xf32, #tpu.memory_space<vmem>>, %arg5: memref<32768xf32, #tpu.memory_space<vmem>>) attributes {dimension_semantics = [#tpu.dimension_semantics<arbitrary>], iteration_bounds = array<i64: 31>, scalar_prefetch = 0 : i64, scratch_operands = 0 : i64, tpu.core_type = #tpu.core_type<tc>, window_params = [{transform_indices = @transform_0, window_bounds = array<i64: 16, 32768>}, {pipeline_mode = #tpu.pipeline_mode<synchronous>, transform_indices = @transform_1, window_bounds = array<i64: 1, 16>}, {pipeline_mode = #tpu.pipeline_mode<synchronous>, transform_indices = @transform_2, window_bounds = array<i64: 1, 16>}, {transform_indices = @transform_3, window_bounds = array<i64: 32768>}, {transform_indices = @transform_4, window_bounds = array<i64: 32768>}]} {
    %get3A = arith.constant 0 : index
    %get3A_0 = arith.constant 0 : index
    %get3A_1 = vector.load %arg1[%get3A, %get3A_0] : memref<16x32768xf32, #tpu.memory_space<vmem>>, vector<16x32768xf32>
    %get3A_2 = arith.constant 0 : index
    %get3A_3 = arith.constant 0 : index
    %get3A_4 = vector.load %arg2[%get3A_2, %get3A_3] : memref<1x16xf32, #tpu.memory_space<vmem>>, vector<1x16xf32>
    %dot_general3A = arith.constant dense<0.000000e+00> : vector<1x32768xf32>
    %dot_general3A_5 = tpu.matmul %get3A_4, %get3A_1, %dot_general3A {dimension_numbers = #tpu.dot_dimension_numbers<[1], [0], [0], [1], [0, 0, 1, 1], [], []>, transpose_lhs_hint = false} : vector<1x16xf32>, vector<16x32768xf32>, vector<1x32768xf32> -> vector<1x32768xf32>
    %get3A_6 = arith.constant 0 : index
    %get3A_7 = arith.constant 0 : index
    %get3A_8 = vector.load %arg3[%get3A_6, %get3A_7] : memref<1x16xf32, #tpu.memory_space<vmem>>, vector<1x16xf32>
    %dot_general3A_9 = arith.constant dense<0.000000e+00> : vector<1x32768xf32>
    %dot_general3A_10 = tpu.matmul %get3A_8, %get3A_1, %dot_general3A_9 {dimension_numbers = #tpu.dot_dimension_numbers<[1], [0], [0], [1], [0, 0, 1, 1], [], []>, transpose_lhs_hint = false} : vector<1x16xf32>, vector<16x32768xf32>, vector<1x32768xf32> -> vector<1x32768xf32>
    %reshape3A = vector.shape_cast %dot_general3A_5 : vector<1x32768xf32> to vector<32768xf32>
    %swap3A = arith.constant 0 : index
    %swap3A_11 = vector.load %arg4[%swap3A] : memref<32768xf32, #tpu.memory_space<vmem>>, vector<32768xf32>
    tpu.vector_store %arg4[%swap3A], %reshape3A {strides = array<i32>} : memref<32768xf32, #tpu.memory_space<vmem>>, vector<32768xf32>,
    %reshape3A_12 = vector.shape_cast %dot_general3A_10 : vector<1x32768xf32> to vector<32768xf32>
    %swap3A_13 = arith.constant 0 : index
    %swap3A_14 = vector.load %arg5[%swap3A_13] : memref<32768xf32, #tpu.memory_space<vmem>>, vector<32768xf32>
    tpu.vector_store %arg5[%swap3A_13], %reshape3A_12 {strides = array<i32>} : memref<32768xf32, #tpu.memory_space<vmem>>, vector<32768xf32>,
    return
  }
  func.func @transform_0(%arg0: i32) -> (i32, i32) {
    %c0_i32 = arith.constant 0 : i32
    %c0_i32_0 = arith.constant 0 : i32
    return %c0_i32, %arg0 : i32, i32
  }
  func.func @transform_1(%arg0: i32) -> (i32, i32) {
    %c0_i32 = arith.constant 0 : i32
    %c0_i32_0 = arith.constant 0 : i32
    %c0_i32_1 = arith.constant 0 : i32
    return %c0_i32, %c0_i32_0 : i32, i32
  }
  func.func @transform_2(%arg0: i32) -> (i32, i32) {
    %c0_i32 = arith.constant 0 : i32
    %c0_i32_0 = arith.constant 0 : i32
    %c0_i32_1 = arith.constant 0 : i32
    return %c0_i32, %c0_i32_0 : i32, i32
  }
  func.func @transform_3(%arg0: i32) -> i32 {
    %c0_i32 = arith.constant 0 : i32
    return %arg0 : i32
  }
  func.func @transform_4(%arg0: i32) -> i32 {
    %c0_i32 = arith.constant 0 : i32
    return %arg0 : i32
  }
}

</mosaic_0001>

<sc_bundles>
// kernel: kernel.4.cloned.1.call-start
scs
__scs_entry_jumppad:
0x0: {  	(pc) =	sbr.rel $0x88, $3  }
0x1: {  	(tag) =	ssettag $0x0;
	lr =	simm.s32 $0x1  }
0x2: {  	[smem:$0x3F9C] =	sst lr;
	_ =	strace $0xD0000000  }
0x3: {  	_ = 	snop  }
0x4: {  	_ = 	snop  }
0x5: {  	_ = 	snop  }
0x6: {  	_ = 	snop  }
0x7: {  	_ = 	snop  }
__scs_overlays_trampoline_lowered:
0x8: {  	[smem:$0x3FAB] =	sst s0  }
0x9: {  	[smem:$0x3FAC] =	sst s1  }
0xa: {  	[smem:$0x3FAD] =	sst s2  }
0xb: {  	[smem:$0x3FAE] =	sst s3  }
0xc: {  	[smem:$0x3FAF] =	sst s4  }
0xd: {  	[smem:$0x3FB0] =	sst s5  }
0xe: {  	[smem:$0x3FB1] =	sst s6  }
0xf: {  	[smem:$0x3FB2] =	sst s7  }
0x10: {  	[smem:$0x3FB3] =	sst s8  }
0x11: {  	[smem:$0x3FB4] =	sst s9;
	s0 =	simm.s32 @!p0 $0x0  }
0x12: {  	s1 =	sld [smem:$0x3F9A];
	s0 =	simm.s32 @p0 $0x1  }
0x13: {  	[smem:$0x3FB5] =	sst s0;
	s0 =	simm.s32 @!p1 $0x0  }
0x14: {  	s2 =	sld [smem:$0x3F99];
	s0 =	simm.s32 @p1 $0x1  }
0x15: {  	[smem:$0x3FB6] =	sst s0;
	s0 =	simm.s32 @!p2 $0x0  }
0x16: {  	s3 =	sld [smem:$0x3FDB];
	s0 =	simm.s32 @p2 $0x1  }
0x17: {  	s4 =	simm.s32 $0x1BF5;
	[smem:$0x3FB8] =	sst s0  }
0x18: {  	s0 =	sld [smem:$0x3F9B];
	_ =	swait.ge [sflag:s4], $0x0  }
0x19: {  	s7 =	sld [smem:$0x3F9C]  }
0x1a: {  	s8 =	sadd.s32 $0xFFFFE003, lr  }
0x1b: {  	s9 =	sadd.s32 $0xFFFFFEF7, lr;
	s5 =	simm.s32 $0xFFFFFFFF;
	p2 =	slt.u32 s8, $0xFFFFF086  }
0x1c: {  	p1 =	slt.u32 s9, $0xF7A;
	s5 =	simm.s32 @!p2 $0x0  }
0x1d: {  	s5 =	simm.s32 @p1 $0x1;
	p0 =	seq.s32 s7, s2  }
0x1e: {  	s7 =	smul.u32 @!p0 $0xF7A, s2;
	p2 =	seq.s32 @!p0 s5, $0x0  }
0x1f: {  	s9 =	smul.u32 $0xF7A, s1;
	s8 =	simm.s32 @!p0 $0x1BF5;
	p2 =	por !p2, p0  }
0x20: {  	[sflag:s8] =	ssyncset.s32 @!p0 $0xFFFFF086;
	s6 =	sadd.s32 @!p0 s3, s7;
	s7 =	simm.s32 @!p0 $0x108  }
0x21: {  	s3 =	sadd.s32 s3, s9;
	s6 =	sadd.s32 @!p0 $0x88, s6;
	s7 =	simm.s32 @p2 $0x1082  }
0x22: {  	[simem:s7], [sflag:s8] =	dma.local @!p0 [hbm:s6], $0xF7A  }
0x23: {  	s9 =	sor.u32 $0xD0000000, s2;
	s6 =	simm.s32 $0x108;
	_ =	swait.ge @!p0 [sflag:s8], $0x0  }
0x24: {  	s3 =	sadd.s32 $0x88, s3;
	s6 =	simm.s32 @!p1 $0x1082;
	[sflag:s4] =	ssyncset.s32 $0xFFFFF086  }
0x25: {  	[simem:s6], [sflag:s4] =	dma.local [hbm:s3], $0xF7A  }
0x26: {  	[smem:$0x3F9C] =	sst s1;
	(tag) =	ssettag s2;
	_ =	strace s9  }
0x27: {  	s1 =	sld [smem:$0x3FAC]  }
0x28: {  	s2 =	sld [smem:$0x3FAD]  }
0x29: {  	s4 =	sld [smem:$0x3FAF]  }
0x2a: {  	p0 =	seq.s32 s5, $0x0;
	s5 =	sld [smem:$0x3FB0]  }
0x2b: {  	s6 =	sld [smem:$0x3FB1]  }
0x2c: {  	s7 =	sld [smem:$0x3FB2]  }
0x2d: {  	s3 =	simm.s32 $0x108;
	s8 =	sld [smem:$0x3FB3]  }
0x2e: {  	s3 =	simm.s32 @!p0 $0x1082;
	s9 =	sld [smem:$0x3FB4]  }
0x2f: {  	lr =	sadd.s32 s0, s3;
	s0 =	sld [smem:$0x3FAB]  }
0x30: {  	s3 =	sld [smem:$0x3FAE]  }
0x31: {  	[smem:$0x3FB7] =	sst s10  }
0x32: {  	s10 =	sld [smem:$0x3FB5];
	_ =	sdelay $0x3  }
0x33: {  	p0 =	seq.s32 s10, $0x1;
	s10 =	sld [smem:$0x3FB7];
	_ =	sdelay $0x3  }
0x34: {  	[smem:$0x3FB7] =	sst s10  }
0x35: {  	s10 =	sld [smem:$0x3FB6];
	_ =	sdelay $0x3  }
0x36: {  	p1 =	seq.s32 s10, $0x1;
	s10 =	sld [smem:$0x3FB7];
	_ =	sdelay $0x3  }
0x37: {  	[smem:$0x3FB7] =	sst s10  }
0x38: {  	s10 =	sld [smem:$0x3FB8]  }
0x39: {  	_ = 	snop;
	(pc) =	sbr.ind lr, $3  }
0x3a: {  	_ = 	snop  }
0x3b: {  	_ = 	snop  }
0x3c: {  	p2 =	seq.s32 s10, $0x1;
	s10 =	sld [smem:$0x3FB7]  }
0x3d: {  	_ =	shalt  }
0x3e: {  	_ =	shalt  }
0x3f: {  	_ =	shalt  }
0x40: {  	_ =	shalt  }
0x41: {  	_ =	shalt  }
0x42: {  	_ =	shalt  }
0x43: {  	_ =	shalt  }
0x44: {  	_ =	shalt  }
0x45: {  	_ =	shalt  }
0x46: {  	_ =	shalt  }
0x47: {  	_ =	shalt  }
0x48: {  	_ =	shalt  }
0x49: {  	_ =	shalt  }
0x4a: {  	_ =	shalt  }
0x4b: {  	_ =	shalt  }
0x4c: {  	_ =	shalt  }
0x4d: {  	_ =	shalt  }
0x4e: {  	_ =	shalt  }
0x4f: {  	_ =	shalt  }
0x50: {  	_ =	shalt  }
0x51: {  	_ =	shalt  }
0x52: {  	_ =	shalt  }
0x53: {  	_ =	shalt  }
0x54: {  	_ =	shalt  }
0x55: {  	_ =	shalt  }
0x56: {  	_ =	shalt  }
0x57: {  	_ =	shalt  }
0x58: {  	_ =	shalt  }
0x59: {  	_ =	shalt  }
0x5a: {  	_ =	shalt  }
0x5b: {  	_ =	shalt  }
0x5c: {  	_ =	shalt  }
0x5d: {  	_ =	shalt  }
0x5e: {  	_ =	shalt  }
0x5f: {  	_ =	shalt  }
0x60: {  	_ =	shalt  }
0x61: {  	_ =	shalt  }
0x62: {  	_ =	shalt  }
0x63: {  	_ =	shalt  }
0x64: {  	_ =	shalt  }
0x65: {  	_ =	shalt  }
0x66: {  	_ =	shalt  }
0x67: {  	_ =	shalt  }
0x68: {  	_ =	shalt  }
0x69: {  	_ =	shalt  }
0x6a: {  	_ =	shalt  }
0x6b: {  	_ =	shalt  }
0x6c: {  	_ =	shalt  }
0x6d: {  	_ =	shalt  }
0x6e: {  	_ =	shalt  }
0x6f: {  	_ =	shalt  }
0x70: {  	_ =	shalt  }
0x71: {  	_ =	shalt  }
0x72: {  	_ =	shalt  }
0x73: {  	_ =	shalt  }
0x74: {  	_ =	shalt  }
0x75: {  	_ =	shalt  }
0x76: {  	_ =	shalt  }
0x77: {  	_ =	shalt  }
0x78: {  	_ =	shalt  }
0x79: {  	_ =	shalt  }
0x7a: {  	_ =	shalt  }
0x7b: {  	_ =	shalt  }
0x7c: {  	_ =	shalt  }
0x7d: {  	_ =	shalt  }
0x7e: {  	_ =	shalt  }
0x7f: {  	_ =	shalt  }
0x80: {  	_ =	shalt  }
0x81: {  	_ =	shalt  }
0x82: {  	_ =	shalt  }
0x83: {  	_ =	shalt  }
0x84: {  	_ =	shalt  }
0x85: {  	_ =	shalt  }
0x86: {  	_ =	shalt  }
0x87: {  	_ =	shalt  }
.Lfunc_end0:
.L_simem_size_0:
called_computation_lowered:
.L_overlay_start_0:
0x88: {  	s2 =	sld [smem:$0x3FD9]  }
0x89: {  	s3 =	sld [smem:$0x3FFE];
	_ =	sdelay $0x1  }
0x8a: {  	s1 =	srdreg.scid  }
0x8b: {  	s0 =	sand.u32 $0x1, s1  }
0x8c: {  	s17 =	sshll.u32 s0, $0xA;
	s2 =	sadd.s32 s3, s2  }
0x8d: {  	s2 =	sadd.s32 s2, s17  }
0x8e: {  	[smem:$0x3FC3] =	sst s2  }
0x8f: {  	_ = 	snop  }
0x90: {  	s2 =	sld [smem:$0x3FD0];
	(tm) =	ssettm $0x1  }
0x91: {  	s18 =	sld [smem:$0x3FFB];
	_ =	sdelay $0x3  }
0x92: {  	_ =	strace s18  }
0x93: {  	s3 =	sld [smem:$0x3FFC];
	_ =	sdelay $0x3  }
0x94: {  	_ =	strace s3  }
0x95: {  	s3 =	sld [smem:$0x3FFD];
	_ =	sdelay $0x3  }
0x96: {  	_ =	strace s3  }
0x97: {  	_ =	strace $0x8FFFFFFF  }
0x98: {  	s19 =	sld [smem:$0x3FDB];
	_ =	sdelay $0x1  }
0x99: {  	s4 =	simm.s32 $_scs_section_size  }
0x9a: {  	s5 =	simm.s32 $_size__tile_overlayer_lowered;
	s6 =	simm.s32 $_tile_overlayer_lowered  }
0x9b: {  	s22 =	simm.s32 $0x1BFF;
	s21 =	sshll.u32 s6, $0x1;
	s3 =	sadd.s32 s4, s19  }
0x9c: {  	s7 =	simm.s32 $0x0;
	s20 =	sshll.u32 s5, $0x1;
	s5 =	sadd.s32 s21, s3  }
0x9d: {  	[timem:s7], [sflag:s22] =	dma.local [hbm:s5], s20  }
0x9e: {  	_ =	swait.ge [sflag:s22], s20  }
0x9f: {  	s4 =	ssub.s32 $0x0, s20;
	[sflag:s22] =	ssyncset.done $0x0  }
0xa0: {  	[sflag:s22] =	ssyncadd.s32 s4;
	_ =	sdelay $0x1  }
0xa1: {  	s23 =	simm.s32 $0x1B8B  }
0xa2: {  	_ =	swait.ge [sflag:s23], $0x1  }
0xa3: {  	[sflag:s23] =	ssyncset.done $0x0  }
0xa4: {  	s25 =	simm.s32 $0x1B8E;
	s24 =	sld [smem:$0x3FFE];
	[sflag:s23] =	ssyncadd.s32 $0xFFFFFFFF  }
0xa5: {  	s26 =	simm.s32 $execute0_lowered;
	[smem:$0x3FD2] =	sst s25  }
0xa6: {  	s5 =	sshll.u32 s26, $0x1;
	_ =	strace $0x80000046;
	[dreg:$0x1] =	wrdreg $0xFFFFFFFF  }
0xa7: {  	s28 =	simm.s32 $_size_execute0_lowered;
	s3 =	sadd.s32 s3, s5;
	[dreg:$0x0] =	wrdreg $0x0  }
0xa8: {  	s5 =	sshll.u32 s28, $0x1;
	[dreg:$0x2] =	wrdreg s3  }
0xa9: {  	[dreg:$0x3] =	wrdreg s5  }
0xaa: {  	[dreg:$0x4] =	wrdreg $0xC0  }
0xab: {  	_ =	task [dreg:s7], $0x5FFFF  }
0xac: {  	[dreg:$0x1] =	wrdreg $0xFFFFFFFF  }
0xad: {  	[dreg:$0x0] =	wrdreg $0x60  }
0xae: {  	[dreg:$0x2] =	wrdreg s24  }
0xaf: {  	[dreg:$0x3] =	wrdreg s2  }
0xb0: {  	[dreg:$0x4] =	wrdreg $0x19D000  }
0xb1: {  	[dreg:$0x5] =	wrdreg $0x9  }
0xb2: {  	_ =	task.clear_ibuf [dreg:s7], $0x6FFFF;
	_ =	strace $0x90000046  }
0xb3: {  	s29 =	simm.s32 $0x9;
	_ =	strace $0x80000048  }
0xb4: {  	_ =	swait.ge [sflag:s29], $0x1  }
0xb5: {  	[sflag:s29] =	ssyncadd.s32 $0xFFFFFFFF  }
0xb6: {  	_ =	strace $0x90000048  }
0xb7: {  	_ =	sfence  }
0xb8: {  	s30 =	sld [smem:$0x0];
	_ =	sdelay $0x2  }
0xb9: {  	s31 =	sshll.u32 s1, $0xD;
	s1 =	sshrl.u32 s1, $0x2  }
0xba: {  	s3 =	sand.u32 $0x4000, s31;
	s1 =	sadd.s32 s1, s30  }
0xbb: {  	s0 =	sor.u32 s3, s0;
	s1 =	sshll.u32 s1, $0x11  }
0xbc: {  	s0 =	sor.u32 s1, s0  }
0xbd: {  	s0 =	sadd.s32 $0x8F2B, s0  }
0xbe: {  	[sflag:s0] =	ssyncadd.remote.s32 $0x1  }
0xbf: {  	_ =	sfence.sel $0xFFFF  }
0xc0: {  	[dreg:$0x0] =	wrdreg $0xFFFFFFFF;
	(pc) =	sbr.abs _section_cstart, $3  }
0xc1: {  	[dreg:$0x1] =	wrdreg $0xFFFFFFFF  }
0xc2: {  	_ =	task.clear_ibuf [dreg:s7], $0x2FFFF;
	_ =	strace $0x9FFFFFFF  }
0xc3: {  	(tm) =	ssettm $0x7FFFFFFF  }
tec
execute0_lowered:
.L_overlay_start_1:
0x0: {  	(tag) =	ssettag $0x1  }
0x1: {  	s0 =	srdreg.scid;
	s14 =	stileid.u32  }
0x2: {  	s1 =	sand.u32 $0x1, s0;
	s2 =	sshll.u32 s14, $0x1  }
0x3: {  	s0 =	rddreg [dreg:$0x0];
	s2 =	sor.u32 s1, s2  }
0x4: {  	s3 =	sadd.s32 $0x1C00, s0;
	s1 =	ssub.s32 $0x2, s1;
	s8 =	sadd.s32 $0x65C00, s0  }
0x5: {  	s29 =	sadd.s32 $0xC9C00, s0;
	s30 =	sadd.s32 $0xE8600, s0;
	s31 =	sadd.s32 $0x107000, s0  }
0x6: {  	s4 =	sshll.u32 s2, $0x9;
	s5 =	sshrl.u32 s1, $0x1;
	s6 =	smul.u32 $0x3200, s2  }
0x7: {  	s7 =	sor.u32 $0x40, s4;
	s1 =	ssub.s32 s1, s5;
	s10 =	sor.u32 $0xC0, s4  }
0x8: {  	s11 =	sor.u32 $0x100, s4;
	s16 =	smul.u32 $0x19, s7;
	s9 =	sadd.s32 s3, s6  }
0x9: {  	s13 =	sor.u32 $0x180, s4;
	s6 =	sadd.s32 s8, s6;
	[dreg:$0x4] =	wrdreg s9  }
0xa: {  	s19 =	smul.u32 $0x19, s10;
	[dreg:$0x5] =	wrdreg s6;
	s17 =	sadd.s32 s3, s16  }
0xb: {  	s20 =	smul.u32 $0x19, s11;
	s5 =	sadd.s32 s8, s16;
	[dreg:$0x6] =	wrdreg s17  }
0xc: {  	s24 =	smul.u32 $0x19, s13;
	s21 =	sadd.s32 s3, s19;
	[dreg:$0x7] =	wrdreg s5  }
0xd: {  	s2 =	sshll.u32 s2, $0x6;
	s22 =	sadd.s32 s3, s20;
	[dreg:$0xa] =	wrdreg s21  }
0xe: {  	s6 =	sor.u32 $0x80, s4;
	s26 =	sadd.s32 s3, s24;
	[dreg:$0xc] =	wrdreg s22  }
0xf: {  	s18 =	smul.u32 $0x19, s6;
	s16 =	sshrl.u32 s7, $0x3;
	[dreg:$0x10] =	wrdreg s26  }
0x10: {  	s7 =	simm.s32 $0x3600;
	s5 =	sadd.s32 s8, s19;
	s17 =	rddreg [dreg:$0x1]  }
0x11: {  	s19 =	sshrl.u32 s6, $0x3;
	s21 =	sshrl.u32 s11, $0x3;
	s6 =	simm.s32 $0x13000  }
0x12: {  	s11 =	simm.s32 $0x1;
	s12 =	sadd.s32 s3, s18;
	s9 =	sadd.s32 s8, s18  }
0x13: {  	[dreg:$0xb] =	wrdreg s5;
	s5 =	sor.u32 $0x140, s4;
	s4 =	sor.u32 $0x1C0, s4  }
0x14: {  	s2 =	sadd.s32 s17, s2;
	s18 =	sadd.s32 s17, s16;
	[dreg:$0x8] =	wrdreg s12  }
0x15: {  	s22 =	sadd.s32 s17, s21;
	s16 =	simm.s32 $0x19C00;
	[dreg:$0x9] =	wrdreg s9  }
0x16: {  	s23 =	smul.u32 $0x19, s5;
	s9 =	sadd.s32 s8, s20;
	[dreg:$0x14] =	wrdreg s2  }
0x17: {  	s25 =	smul.u32 $0x19, s4;
	[dreg:$0x15] =	wrdreg s18;
	s2 =	sadd.s32 s17, s19  }
0x18: {  	s20 =	sshrl.u32 s10, $0x3;
	[dreg:$0x18] =	wrdreg s22;
	s26 =	sshrl.u32 s4, $0x3  }
0x19: {  	s4 =	simm.s32 $0x3200;
	s10 =	simm.s32 $0x16200;
	[dreg:$0xd] =	wrdreg s9  }
0x1a: {  	s18 =	simm.s32 $0x4;
	s9 =	sadd.s32 s8, s24;
	[dreg:$0x16] =	wrdreg s2  }
0x1b: {  	s19 =	simm.s32 $0x0;
	s2 =	sadd.s32 s17, s20;
	[dreg:$0x11] =	wrdreg s9  }
0x1c: {  	s24 =	sshrl.u32 s13, $0x3;
	s15 =	sadd.s32 s3, s23;
	[dreg:$0x17] =	wrdreg s2  }
0x1d: {  	s28 =	sadd.s32 s17, s26;
	s12 =	sadd.s32 s8, s23;
	[dreg:$0xe] =	wrdreg s15  }
0x1e: {  	s13 =	simm.s32 $0x19400;
	s3 =	sadd.s32 s3, s25;
	[dreg:$0xf] =	wrdreg s12  }
0x1f: {  	s23 =	sshrl.u32 s5, $0x3;
	s5 =	simm.s32 $0xCC00;
	[dreg:$0x12] =	wrdreg s3  }
0x20: {  	s9 =	simm.s32 $0xFE00;
	s12 =	sadd.s32 s8, s25;
	s25 =	rddreg [dreg:$0x2]  }
0x21: {  	s15 =	simm.s32 $0x0;
	s2 =	sadd.s32 s17, s23;
	[dreg:$0x13] =	wrdreg s12  }
0x22: {  	s23 =	smax.u32 s1, $0x1;
	s1 =	simm.s32 $0x5;
	[smem:$0x7FF] =	sst s15  }
0x23: {  	s3 =	simm.s32 $0x6800;
	s8 =	simm.s32 $0x9A00;
	[dreg:$0x19] =	wrdreg s2  }
0x24: {  	s2 =	sadd.s32 s17, s24;
	s17 =	sshll.u32 s14, $0xA;
	s12 =	simm.s32 $0x3  }
0x25: {  	v1 =	vlaneseq.u32;
	s14 =	simm.s32 $0x19800;
	[dreg:$0x1a] =	wrdreg s2;
	s0 =	sadd.s32 s17, s25  }
0x26: {  	vm0 =	vmmov $0xff;
	v1 =	vmul.u32 $0x10, v1;
	s2 =	simm.s32 $0x400;
	v0 =	vmov s17;
	s17 =	simm.s32 $0x2;
	_ =	strace $0x80000047  }
.LBB2_1:
0x27: {  	s20 =	simm.s32 $0x19C80;
	v2 =	vmov s15  }
0x28: {  	[tilespmem:s20], [sflag:$0x5] =	stream.linear.gather [hbm4b:s31+s15], $0x80, $0x38;
	v3 =	vshll.u32 v2, $0x4;
	[tilespmem:$0x1A100] =	vst v63  }
0x29: {  	v2 =	vshrl.u32 v2, $0x6;
	_ =	swait.ge [sflag:s1], $0x80;
	v3 =	vor.u32 v1, v3  }
0x2a: {  	v4 =	vor.u32 v0, v2;
	[sflag:s1] =	ssyncset.done $0x0;
	v3 =	vand.u32 $0x3F0, v3  }
0x2b: {  	[sflag:s1] =	ssyncadd.s32 $0xFFFFFF80;
	v3 =	vor.u32 v3, v4  }
0x2c: {  	s21 =	simm.s32 $0x0;
	s20 =	simm.s32 $0x10;
	v2 =	vld [tilespmem:$0x19C80];
	[tilespmem:s15+$0x0] =	vst v3  }
.LBB2_2:
0x2d: {  	v3 =	vmov s20;
	p0 =	sne.s32 s20, $0x3F0;
	s20 =	sadd.s32 $0x10, s20  }
.Ltmp0:
0x2e: {  	v4 =	vshll.u32 v3, $0x4;
	(pc) =	sbr.rel @p0 .LBB2_2-.Ltmp0, $4  }
0x2f: {  	v3 =	vshrl.u32 v3, $0x6;
	v4 =	vor.u32 v1, v4  }
0x30: {  	v3 =	vor.u32 v0, v3;
	v4 =	vand.u32 $0x3F0, v4  }
0x31: {  	s21 =	sadd.s32 $0x10, s21;
	v3 =	vor.u32 v4, v3  }
0x32: {  	[tilespmem:s21+$0x0] =	vst v3  }
0x33: {  	s20 =	simm.s32 $0x0;
	s21 =	rddreg [dreg:$0x4]  }
0x34: {  	[tilespmem:s2], [sflag:$0x5] =	stream.linear.gather [hbm4b:s21+s20], $0x3200, $0x38;
	[tilespmem:$0x1A100] =	vst v63  }
0x35: {  	_ =	swait.ge [sflag:s1], $0x3200  }
0x36: {  	[sflag:s1] =	ssyncset.done $0x0  }
0x37: {  	s22 =	rddreg [dreg:$0x5];
	[sflag:s1] =	ssyncadd.s32 $0xFFFFCE00  }
0x38: {  	[tilespmem:s3], [sflag:$0x5] =	stream.linear.gather [hbm4b:s22+s20], $0x3200, $0x38;
	[tilespmem:$0x1A100] =	vst v63  }
0x39: {  	_ =	swait.ge [sflag:s1], $0x3200  }
0x3a: {  	[sflag:s1] =	ssyncset.done $0x0  }
0x3b: {  	[sflag:s1] =	ssyncadd.s32 $0xFFFFCE00  }
0x3c: {  	[tilespmem:s5], [sflag:$0x1] =	stream.indirect.gather [hbm4b:s29+s4], $0x1, s2, s4, $0xb8;
	[tilespmem:$0x1A100] =	vst v63  }
0x3d: {  	_ = 	snop  }
0x3e: {  	[tilespmem:s6], [sflag:$0x3] =	stream.indirect.gather [hbm4b:s30+s4], $0x1, s3, s4, $0xb8;
	[tilespmem:$0x1A100] =	vst v63  }
0x3f: {  	s24 =	rddreg [dreg:$0x6]  }
0x40: {  	[tilespmem:s7], [sflag:$0x5] =	stream.linear.gather [hbm4b:s24+s20], $0x3200, $0x38;
	[tilespmem:$0x1A100] =	vst v63  }
0x41: {  	_ =	swait.ge [sflag:s1], $0x3200  }
0x42: {  	[sflag:s1] =	ssyncset.done $0x0  }
0x43: {  	s26 =	rddreg [dreg:$0x7];
	[sflag:s1] =	ssyncadd.s32 $0xFFFFCE00  }
0x44: {  	[tilespmem:s8], [sflag:$0x5] =	stream.linear.gather [hbm4b:s26+s20], $0x3200, $0x38;
	[tilespmem:$0x1A100] =	vst v63  }
0x45: {  	_ =	swait.ge [sflag:s1], $0x3200  }
0x46: {  	[sflag:s1] =	ssyncset.done $0x0  }
0x47: {  	[sflag:s1] =	ssyncadd.s32 $0xFFFFCE00  }
0x48: {  	[tilespmem:s9], [sflag:$0x2] =	stream.indirect.gather [hbm4b:s29+s4], $0x1, s7, s4, $0xb8;
	[tilespmem:$0x1A100] =	vst v63  }
0x49: {  	_ = 	snop  }
0x4a: {  	[tilespmem:s10], [sflag:$0x4] =	stream.indirect.gather [hbm4b:s30+s4], $0x1, s8, s4, $0xb8;
	[tilespmem:$0x1A100] =	vst v63  }
0x4b: {  	_ =	swait.ge [sflag:s11], $0x3200  }
0x4c: {  	[sflag:s11] =	ssyncset.done $0x0  }
0x4d: {  	[sflag:s11] =	ssyncadd.s32 $0xFFFFCE00  }
0x4e: {  	_ =	swait.ge [sflag:s12], $0x3200  }
0x4f: {  	[sflag:s12] =	ssyncset.done $0x0  }
0x50: {  	s21 =	simm.s32 $0x0;
	[sflag:s12] =	ssyncadd.s32 $0xFFFFCE00  }
0x51: {  	v3 =	vld [tilespmem:s21+$0x13050]  }
0x52: {  	v4 =	vld [tilespmem:s21+$0xCC50]  }
0x53: {  	v5 =	vld [tilespmem:s21+$0x13120]  }
0x54: {  	v6 =	vld [tilespmem:s21+$0x13040]  }
0x55: {  	v7 =	vld [tilespmem:s21+$0xCD20]  }
0x56: {  	v8 =	vld [tilespmem:s21+$0x13110]  }
0x57: {  	v10 =	vld [tilespmem:s21+$0xCD10]  }
0x58: {  	v11 =	vld [tilespmem:s21+$0x13030]  }
0x59: {  	v9 =	vld [tilespmem:s21+$0xCC40]  }
0x5a: {  	v13 =	vld [tilespmem:s21+$0xCD00]  }
0x5b: {  	v12 =	vld [tilespmem:s21+$0x13100]  }
0x5c: {  	s22 =	simm.s32 $0x19410;
	s24 =	simm.s32 $0x640;
	s20 =	simm.s32 $0x19410;
	v14 =	vld [tilespmem:s21+$0x130F0]  }
.LBB2_4:
0x5d: {  	p0 =	sne.s32 s24, $0xC1C0  }
0x5e: {  	v15 =	vld [tilespmem:s21+$0xCC30];
	s22 =	sadd.s32 $0x20, s22;
	s26 =	smov.u32 s24;
	s24 =	sadd.s32 $0x640, s24  }
0x5f: {  	v16 =	vld [tilespmem:s21+$0xCCF0]  }
0x60: {  	v17 =	vld [tilespmem:s21+$0x13010]  }
0x61: {  	v18 =	vld [tilespmem:s21+$0x13020]  }
0x62: {  	v19 =	vld [tilespmem:s21+$0xCC20]  }
0x63: {  	v20 =	vld [tilespmem:s21+$0xCCE0]  }
0x64: {  	v21 =	vld [tilespmem:s21+$0x130E0]  }
0x65: {  	v22 =	vld [tilespmem:s21+$0xCC10]  }
0x66: {  	v23 =	vld [tilespmem:s21+$0x13000]  }
0x67: {  	v24 =	vld [tilespmem:s21+$0xCC00]  }
0x68: {  	v25 =	vld [tilespmem:s21+$0x130D0]  }
0x69: {  	v26 =	vld [tilespmem:s21+$0xCCD0]  }
0x6a: {  	v27 =	vld [tilespmem:s21+$0xCCC0]  }
0x6b: {  	v28 =	vld [tilespmem:s21+$0x130C0]  }
0x6c: {  	v29 =	vld [tilespmem:s21+$0x13170]  }
0x6d: {  	v30 =	vld [tilespmem:s21+$0xCCB0]  }
0x6e: {  	v31 =	vld [tilespmem:s21+$0xCD80]  }
0x6f: {  	v32 =	vnsel vm0, $0x0, v27;
	v27 =	vsel vm0, $0x0, v27;
	v33 =	vld [tilespmem:s21+$0xCD30]  }
0x70: {  	v34 =	vld [tilespmem:s21+$0xCC60];
	v35 =	vnsel vm0, $0x0, v28;
	v28 =	vsel vm0, $0x0, v28;
	v26 =	vadd.f32 v26, v27  }
0x71: {  	v24 =	vadd.f32 v24, v32;
	v27 =	vld [tilespmem:s21+$0x13060];
	v25 =	vadd.f32 v25, v28  }
0x72: {  	v23 =	vadd.f32 v23, v35;
	v28 =	vld [tilespmem:s21+$0xCC70];
	v20 =	vadd.f32 v20, v26  }
0x73: {  	v22 =	vadd.f32 v22, v24;
	v26 =	vld [tilespmem:s21+$0x13070];
	v21 =	vadd.f32 v21, v25  }
0x74: {  	v17 =	vadd.f32 v17, v23;
	v24 =	vld [tilespmem:s21+$0x13130];
	v16 =	vadd.f32 v16, v20  }
0x75: {  	v19 =	vadd.f32 v19, v22;
	v20 =	vld [tilespmem:s21+$0xCD40];
	v14 =	vadd.f32 v14, v21  }
0x76: {  	v17 =	vadd.f32 v18, v17;
	v21 =	vld [tilespmem:s21+$0xCC80];
	v13 =	vadd.f32 v13, v16  }
0x77: {  	v16 =	vld [tilespmem:s21+$0x13080];
	v12 =	vadd.f32 v12, v14;
	v14 =	vadd.f32 v15, v19  }
0x78: {  	s26 =	sshra.s32 s26, $0x2;
	v11 =	vadd.f32 v11, v17;
	v15 =	vld [tilespmem:s21+$0x13140];
	v10 =	vadd.f32 v10, v13  }
0x79: {  	v13 =	vld [tilespmem:s21+$0xCD50];
	v8 =	vadd.f32 v8, v12;
	v9 =	vadd.f32 v9, v14  }
0x7a: {  	v6 =	vadd.f32 v6, v11;
	v12 =	vld [tilespmem:s21+$0xCC90];
	v7 =	vadd.f32 v7, v10  }
0x7b: {  	v10 =	vld [tilespmem:s21+$0x13090];
	v5 =	vadd.f32 v5, v8;
	v4 =	vadd.f32 v4, v9  }
0x7c: {  	v3 =	vadd.f32 v3, v6;
	v8 =	vld [tilespmem:s21+$0x13150];
	v6 =	vadd.f32 v33, v7  }
0x7d: {  	v7 =	vld [tilespmem:s21+$0xCD60];
	v5 =	vadd.f32 v24, v5;
	v4 =	vadd.f32 v34, v4  }
0x7e: {  	v3 =	vadd.f32 v27, v3;
	v9 =	vld [tilespmem:s21+$0x13160];
	v6 =	vadd.f32 v20, v6  }
0x7f: {  	v11 =	vld [tilespmem:s21+$0xCD70];
	v5 =	vadd.f32 v15, v5;
	v4 =	vadd.f32 v28, v4  }
0x80: {  	v3 =	vadd.f32 v26, v3;
	v14 =	vld [tilespmem:s21+$0xCCA0];
	v6 =	vadd.f32 v13, v6  }
0x81: {  	v13 =	vld [tilespmem:s21+$0x130A0];
	v5 =	vadd.f32 v8, v5;
	v4 =	vadd.f32 v21, v4  }
0x82: {  	v3 =	vadd.f32 v16, v3;
	v8 =	vld [tilespmem:s21+$0x13180];
	v6 =	vadd.f32 v7, v6  }
0x83: {  	v7 =	vld [tilespmem:s21+$0x130B0];
	v5 =	vadd.f32 v9, v5;
	v4 =	vadd.f32 v12, v4;
	s21 =	smov.u32 s26  }
0x84: {  	v3 =	vadd.f32 v10, v3;
	v6 =	vadd.f32 v11, v6  }
0x85: {  	v5 =	vadd.f32 v29, v5;
	v4 =	vadd.f32 v14, v4  }
0x86: {  	v3 =	vadd.f32 v13, v3;
	v6 =	vadd.f32 v31, v6  }
0x87: {  	v5 =	vadd.f32 v8, v5;
	v4 =	vadd.f32 v30, v4  }
0x88: {  	v3 =	vadd.f32 v7, v3  }
0x89: {  	v5 =	vadd.f32 v5, v6  }
0x8a: {  	v3 =	vadd.f32 v3, v4  }
0x8b: {  	[tilespmem:s20+$0x0] =	vst v5  }
0x8c: {  	[tilespmem:s20+$0xFFFFFFF0] =	vst v3;
	s20 =	smov.u32 s22  }
0x8d: {  	v3 =	vld [tilespmem:s21+$0x13050]  }
0x8e: {  	v4 =	vld [tilespmem:s21+$0xCC50]  }
0x8f: {  	v5 =	vld [tilespmem:s21+$0x13120]  }
0x90: {  	v6 =	vld [tilespmem:s21+$0x13040]  }
0x91: {  	v7 =	vld [tilespmem:s21+$0xCD20]  }
0x92: {  	v8 =	vld [tilespmem:s21+$0x13110]  }
0x93: {  	v10 =	vld [tilespmem:s21+$0xCD10]  }
.Ltmp1:
0x94: {  	v11 =	vld [tilespmem:s21+$0x13030];
	(pc) =	sbr.rel @p0 .LBB2_4-.Ltmp1, $4  }
0x95: {  	v9 =	vld [tilespmem:s21+$0xCC40]  }
0x96: {  	v13 =	vld [tilespmem:s21+$0xCD00]  }
0x97: {  	v12 =	vld [tilespmem:s21+$0x13100]  }
0x98: {  	v14 =	vld [tilespmem:s21+$0x130F0]  }
0x99: {  	v15 =	vld [tilespmem:s21+$0xCC30]  }
0x9a: {  	v16 =	vld [tilespmem:s21+$0xCCF0]  }
0x9b: {  	v17 =	vld [tilespmem:s21+$0x13010]  }
0x9c: {  	v18 =	vld [tilespmem:s21+$0x13020]  }
0x9d: {  	v19 =	vld [tilespmem:s21+$0xCC20]  }
0x9e: {  	v20 =	vld [tilespmem:s21+$0xCCE0]  }
0x9f: {  	v21 =	vld [tilespmem:s21+$0x130E0]  }
0xa0: {  	v22 =	vld [tilespmem:s21+$0xCC10]  }
0xa1: {  	v23 =	vld [tilespmem:s21+$0x13000]  }
0xa2: {  	v24 =	vld [tilespmem:s21+$0xCC00]  }
0xa3: {  	v25 =	vld [tilespmem:s21+$0x130D0]  }
0xa4: {  	v26 =	vld [tilespmem:s21+$0xCCD0]  }
0xa5: {  	v27 =	vld [tilespmem:s21+$0xCCC0]  }
0xa6: {  	v28 =	vld [tilespmem:s21+$0x130C0]  }
0xa7: {  	v29 =	vld [tilespmem:s21+$0x13170]  }
0xa8: {  	v30 =	vld [tilespmem:s21+$0xCCB0]  }
0xa9: {  	v31 =	vld [tilespmem:s21+$0xCD80]  }
0xaa: {  	v32 =	vld [tilespmem:s21+$0xCD30]  }
0xab: {  	v34 =	vld [tilespmem:s21+$0xCC60];
	v33 =	vnsel vm0, $0x0, v27;
	v27 =	vsel vm0, $0x0, v27;
	v35 =	vsel vm0, $0x0, v28  }
0xac: {  	v54 =	vld [tilespmem:s21+$0x13060];
	v28 =	vnsel vm0, $0x0, v28;
	v26 =	vadd.f32 v26, v27;
	v25 =	vadd.f32 v25, v35  }
0xad: {  	v55 =	vld [tilespmem:s21+$0xCC70];
	v24 =	vadd.f32 v24, v33;
	v23 =	vadd.f32 v23, v28  }
0xae: {  	v56 =	vld [tilespmem:s21+$0x13070];
	v20 =	vadd.f32 v20, v26;
	v21 =	vadd.f32 v21, v25  }
0xaf: {  	v57 =	vld [tilespmem:s21+$0x13130];
	v22 =	vadd.f32 v22, v24;
	v17 =	vadd.f32 v17, v23  }
0xb0: {  	v58 =	vld [tilespmem:s21+$0xCD40];
	v16 =	vadd.f32 v16, v20;
	v14 =	vadd.f32 v14, v21  }
0xb1: {  	v59 =	vld [tilespmem:s21+$0xCC80];
	v19 =	vadd.f32 v19, v22;
	v17 =	vadd.f32 v18, v17  }
0xb2: {  	v60 =	vld [tilespmem:s21+$0x13080];
	v13 =	vadd.f32 v13, v16;
	v12 =	vadd.f32 v12, v14  }
0xb3: {  	v14 =	vadd.f32 v15, v19;
	v15 =	vld [tilespmem:s21+$0x13140];
	v11 =	vadd.f32 v11, v17  }
0xb4: {  	v10 =	vadd.f32 v10, v13;
	v13 =	vld [tilespmem:s21+$0xCD50];
	v8 =	vadd.f32 v8, v12  }
0xb5: {  	v9 =	vadd.f32 v9, v14;
	v12 =	vld [tilespmem:s21+$0xCC90];
	v6 =	vadd.f32 v6, v11  }
0xb6: {  	v11 =	vld [tilespmem:s21+$0xCD70];
	v7 =	vadd.f32 v7, v10;
	v5 =	vadd.f32 v5, v8  }
0xb7: {  	v4 =	vadd.f32 v4, v9;
	v8 =	vld [tilespmem:s21+$0x13150];
	v3 =	vadd.f32 v3, v6  }
0xb8: {  	v9 =	vld [tilespmem:s21+$0x13160];
	v6 =	vadd.f32 v32, v7;
	v5 =	vadd.f32 v57, v5  }
0xb9: {  	v7 =	vld [tilespmem:s21+$0xCD60];
	v4 =	vadd.f32 v34, v4;
	v3 =	vadd.f32 v54, v3  }
0xba: {  	v10 =	vld [tilespmem:s21+$0x13090];
	v6 =	vadd.f32 v58, v6;
	v5 =	vadd.f32 v15, v5  }
0xbb: {  	v14 =	vld [tilespmem:s21+$0xCCA0];
	v4 =	vadd.f32 v55, v4;
	v3 =	vadd.f32 v56, v3  }
0xbc: {  	v6 =	vadd.f32 v13, v6;
	v13 =	vld [tilespmem:s21+$0x130A0];
	v5 =	vadd.f32 v8, v5  }
0xbd: {  	v4 =	vadd.f32 v59, v4;
	v8 =	vld [tilespmem:s21+$0x13180];
	v3 =	vadd.f32 v60, v3  }
0xbe: {  	v6 =	vadd.f32 v7, v6;
	v7 =	vld [tilespmem:s21+$0x130B0];
	v5 =	vadd.f32 v9, v5  }
0xbf: {  	v4 =	vadd.f32 v12, v4;
	v3 =	vadd.f32 v10, v3  }
0xc0: {  	v6 =	vadd.f32 v11, v6;
	v5 =	vadd.f32 v29, v5  }
0xc1: {  	v4 =	vadd.f32 v14, v4;
	v3 =	vadd.f32 v13, v3  }
0xc2: {  	v6 =	vadd.f32 v31, v6;
	v5 =	vadd.f32 v8, v5  }
0xc3: {  	v4 =	vadd.f32 v30, v4;
	v3 =	vadd.f32 v7, v3  }
0xc4: {  	v5 =	vadd.f32 v5, v6  }
0xc5: {  	v3 =	vadd.f32 v3, v4  }
0xc6: {  	[tilespmem:s20+$0x0] =	vst v5  }
0xc7: {  	[tilespmem:s20+$0xFFFFFFF0] =	vst v3  }
0xc8: {  	[spmem:s0] =	stream.linear.scatter [tilespmem:s13], [sflag:$0x5], $0x400, $0x38;
	[tilespmem:$0x1A100] =	vst v63  }
0xc9: {  	_ =	swait.ge [sflag:s1], $0x400  }
0xca: {  	[sflag:s1] =	ssyncset.done $0x0  }
0xcb: {  	s20 =	simm.s32 $0x0;
	[sflag:s1] =	ssyncadd.s32 $0xFFFFFC00  }
0xcc: {  	[tilespmem:s14], [sflag:$0x5] =	stream.indirect.gather [spmem:s25], $0x1, s20, s2, $0xb8;
	[tilespmem:$0x1A100] =	vst v63  }
0xcd: {  	_ =	swait.ge [sflag:s1], $0x400  }
0xce: {  	[sflag:s1] =	ssyncset.done $0x0  }
0xcf: {  	[sflag:s1] =	ssyncadd.s32 $0xFFFFFC00  }
0xd0: {  	v3 =	vld [tilespmem:$0x19800]  }
0xd1: {  	v4 =	vld [tilespmem:$0x19840]  }
0xd2: {  	v5 =	vld [tilespmem:$0x19880]  }
0xd3: {  	v6 =	vld [tilespmem:$0x198C0]  }
0xd4: {  	v7 =	vld [tilespmem:$0x19900]  }
0xd5: {  	v8 =	vld [tilespmem:$0x19940]  }
0xd6: {  	v9 =	vld [tilespmem:$0x19980]  }
0xd7: {  	v10 =	vld [tilespmem:$0x199C0]  }
0xd8: {  	v11 =	vld [tilespmem:$0x19A00]  }
0xd9: {  	v12 =	vld [tilespmem:$0x19A40]  }
0xda: {  	v13 =	vld [tilespmem:$0x19A80]  }
0xdb: {  	v14 =	vld [tilespmem:$0x19AC0]  }
0xdc: {  	v15 =	vld [tilespmem:$0x19B00]  }
0xdd: {  	v16 =	vld [tilespmem:$0x19B40]  }
0xde: {  	v17 =	vld [tilespmem:$0x19B80]  }
0xdf: {  	v18 =	vld [tilespmem:$0x19BC0]  }
0xe0: {  	v61 =	vld [tilespmem:$0x19810]  }
0xe1: {  	v62 =	vld [tilespmem:$0x19850]  }
0xe2: {  	v63 =	vld [tilespmem:$0x19890]  }
0xe3: {  	v42 =	vld [tilespmem:$0x198D0]  }
0xe4: {  	v43 =	vld [tilespmem:$0x19910]  }
0xe5: {  	v44 =	vld [tilespmem:$0x19950]  }
0xe6: {  	v45 =	vld [tilespmem:$0x19990]  }
0xe7: {  	v46 =	vld [tilespmem:$0x199D0]  }
0xe8: {  	v47 =	vld [tilespmem:$0x19A10]  }
0xe9: {  	v48 =	vld [tilespmem:$0x19A50]  }
0xea: {  	v49 =	vld [tilespmem:$0x19A90]  }
0xeb: {  	v50 =	vld [tilespmem:$0x19AD0]  }
0xec: {  	v51 =	vld [tilespmem:$0x19B10]  }
0xed: {  	v52 =	vld [tilespmem:$0x19B50]  }
0xee: {  	v53 =	vld [tilespmem:$0x19B90]  }
0xef: {  	v54 =	vld [tilespmem:$0x19BD0]  }
0xf0: {  	v55 =	vld [tilespmem:$0x19820]  }
0xf1: {  	v36 =	vld [tilespmem:$0x19860]  }
0xf2: {  	v37 =	vld [tilespmem:$0x19830]  }
0xf3: {  	v38 =	vld [tilespmem:$0x19870]  }
0xf4: {  	v39 =	vld [tilespmem:$0x198A0]  }
0xf5: {  	v3 =	vadd.f32 v4, v3;
	v4 =	vld [tilespmem:$0x198B0]  }
0xf6: {  	v56 =	vld [tilespmem:$0x198E0];
	v19 =	vadd.f32 v62, v61  }
0xf7: {  	v57 =	vld [tilespmem:$0x198F0];
	v3 =	vadd.f32 v5, v3;
	v5 =	vadd.f32 v36, v55  }
0xf8: {  	v59 =	vld [tilespmem:$0x19920];
	v58 =	vadd.f32 v38, v37;
	v19 =	vadd.f32 v63, v19  }
0xf9: {  	v3 =	vadd.f32 v6, v3;
	v5 =	vadd.f32 v39, v5;
	v6 =	vld [tilespmem:$0x19930]  }
0xfa: {  	v60 =	vld [tilespmem:$0x19960];
	v19 =	vadd.f32 v42, v19;
	v4 =	vadd.f32 v4, v58  }
0xfb: {  	v3 =	vadd.f32 v7, v3;
	v5 =	vadd.f32 v56, v5;
	v7 =	vld [tilespmem:$0x19970]  }
0xfc: {  	v61 =	vld [tilespmem:$0x199A0];
	v19 =	vadd.f32 v43, v19;
	v4 =	vadd.f32 v57, v4  }
0xfd: {  	v3 =	vadd.f32 v8, v3;
	v5 =	vadd.f32 v59, v5;
	v8 =	vld [tilespmem:$0x199B0]  }
0xfe: {  	v62 =	vld [tilespmem:$0x199E0];
	v19 =	vadd.f32 v44, v19;
	v4 =	vadd.f32 v6, v4  }
0xff: {  	v6 =	vld [tilespmem:$0x199F0];
	v3 =	vadd.f32 v9, v3;
	v5 =	vadd.f32 v60, v5  }
0x100: {  	v63 =	vld [tilespmem:$0x19A20];
	v9 =	vadd.f32 v45, v19;
	v4 =	vadd.f32 v7, v4  }
0x101: {  	v7 =	vld [tilespmem:$0x19A30];
	v3 =	vadd.f32 v10, v3;
	v5 =	vadd.f32 v61, v5  }
0x102: {  	v9 =	vadd.f32 v46, v9;
	v10 =	vld [tilespmem:$0x19A60];
	v4 =	vadd.f32 v8, v4  }
0x103: {  	v8 =	vld [tilespmem:$0x19A70];
	v3 =	vadd.f32 v11, v3;
	v5 =	vadd.f32 v62, v5  }
0x104: {  	v9 =	vadd.f32 v47, v9;
	v11 =	vld [tilespmem:$0x19AA0];
	v4 =	vadd.f32 v6, v4  }
0x105: {  	v6 =	vld [tilespmem:$0x19AB0];
	v3 =	vadd.f32 v12, v3;
	v5 =	vadd.f32 v63, v5  }
0x106: {  	v9 =	vadd.f32 v48, v9;
	v12 =	vld [tilespmem:$0x19AE0];
	v4 =	vadd.f32 v7, v4  }
0x107: {  	v7 =	vld [tilespmem:$0x19AF0];
	v3 =	vadd.f32 v13, v3;
	v5 =	vadd.f32 v10, v5  }
0x108: {  	v9 =	vadd.f32 v49, v9;
	v10 =	vld [tilespmem:$0x19B20];
	v4 =	vadd.f32 v8, v4  }
0x109: {  	v8 =	vld [tilespmem:$0x19B30];
	v3 =	vadd.f32 v14, v3;
	v5 =	vadd.f32 v11, v5  }
0x10a: {  	v9 =	vadd.f32 v50, v9;
	v11 =	vld [tilespmem:$0x19B60];
	v4 =	vadd.f32 v6, v4  }
0x10b: {  	v6 =	vld [tilespmem:$0x19B70];
	v3 =	vadd.f32 v15, v3;
	v5 =	vadd.f32 v12, v5  }
0x10c: {  	v9 =	vadd.f32 v51, v9;
	v12 =	vld [tilespmem:$0x19BA0];
	v4 =	vadd.f32 v7, v4  }
0x10d: {  	v7 =	vld [tilespmem:$0x19BB0];
	v3 =	vadd.f32 v16, v3;
	v5 =	vadd.f32 v10, v5  }
0x10e: {  	v9 =	vadd.f32 v52, v9;
	v10 =	vld [tilespmem:$0x19BE0];
	v4 =	vadd.f32 v8, v4  }
0x10f: {  	v8 =	vld [tilespmem:$0x19BF0];
	v3 =	vadd.f32 v17, v3;
	v5 =	vadd.f32 v11, v5  }
0x110: {  	v9 =	vadd.f32 v53, v9;
	v4 =	vadd.f32 v6, v4  }
0x111: {  	v3 =	vadd.f32 v18, v3;
	v5 =	vadd.f32 v12, v5  }
0x112: {  	v6 =	vadd.f32 v54, v9;
	v4 =	vadd.f32 v7, v4  }
0x113: {  	v3 =	vmul.f32 $4.999999890e-03, v3;
	v5 =	vadd.f32 v10, v5  }
0x114: {  	v6 =	vmul.f32 $4.999999890e-03, v6;
	v4 =	vadd.f32 v8, v4  }
0x115: {  	v3 =	vadd.f32 v3, v2;
	v5 =	vmul.f32 $4.999999890e-03, v5  }
0x116: {  	v6 =	vadd.f32 v6, v2;
	v4 =	vmul.f32 $4.999999890e-03, v4  }
0x117: {  	[tilespmem:$0x19C00] =	vst v3;
	v3 =	vadd.f32 v5, v2  }
0x118: {  	[tilespmem:$0x19C10] =	vst v6;
	v4 =	vadd.f32 v4, v2  }
0x119: {  	[tilespmem:$0x19C20] =	vst v3  }
0x11a: {  	s22 =	rddreg [dreg:$0x14];
	[tilespmem:$0x19C30] =	vst v4  }
0x11b: {  	[hbm4b:s22+s20] =	stream.linear.scatter [tilespmem:s16], [sflag:$0x5], $0x40, $0x38;
	[tilespmem:$0x1A100] =	vst v63  }
0x11c: {  	_ =	swait.ge [sflag:s1], $0x40  }
0x11d: {  	[sflag:s1] =	ssyncset.done $0x0  }
0x11e: {  	s24 =	rddreg [dreg:$0x8];
	[sflag:s1] =	ssyncadd.s32 $0xFFFFFFC0  }
0x11f: {  	[tilespmem:s2], [sflag:$0x5] =	stream.linear.gather [hbm4b:s24+s20], $0x3200, $0x38;
	[tilespmem:$0x1A100] =	vst v63  }
0x120: {  	_ =	swait.ge [sflag:s1], $0x3200  }
0x121: {  	[sflag:s1] =	ssyncset.done $0x0  }
0x122: {  	s26 =	rddreg [dreg:$0x9];
	[sflag:s1] =	ssyncadd.s32 $0xFFFFCE00  }
0x123: {  	[tilespmem:s3], [sflag:$0x5] =	stream.linear.gather [hbm4b:s26+s20], $0x3200, $0x38;
	[tilespmem:$0x1A100] =	vst v63  }
0x124: {  	_ =	swait.ge [sflag:s1], $0x3200  }
0x125: {  	[sflag:s1] =	ssyncset.done $0x0  }
0x126: {  	[sflag:s1] =	ssyncadd.s32 $0xFFFFCE00  }
0x127: {  	[tilespmem:s5], [sflag:$0x1] =	stream.indirect.gather [hbm4b:s29+s4], $0x1, s2, s4, $0xb8;
	[tilespmem:$0x1A100] =	vst v63  }
0x128: {  	_ = 	snop  }
0x129: {  	[tilespmem:s6], [sflag:$0x3] =	stream.indirect.gather [hbm4b:s30+s4], $0x1, s3, s4, $0xb8;
	[tilespmem:$0x1A100] =	vst v63  }
0x12a: {  	_ =	swait.ge [sflag:s17], $0x3200  }
0x12b: {  	[sflag:s17] =	ssyncset.done $0x0  }
0x12c: {  	[sflag:s17] =	ssyncadd.s32 $0xFFFFCE00  }
0x12d: {  	_ =	swait.ge [sflag:s18], $0x3200  }
0x12e: {  	[sflag:s18] =	ssyncset.done $0x0  }
0x12f: {  	s21 =	simm.s32 $0x0;
	[sflag:s18] =	ssyncadd.s32 $0xFFFFCE00  }
0x130: {  	v3 =	vld [tilespmem:s21+$0x16250]  }
0x131: {  	v4 =	vld [tilespmem:s21+$0xFE50]  }
0x132: {  	v5 =	vld [tilespmem:s21+$0x16320]  }
0x133: {  	v6 =	vld [tilespmem:s21+$0x16240]  }
0x134: {  	v7 =	vld [tilespmem:s21+$0xFF20]  }
0x135: {  	v8 =	vld [tilespmem:s21+$0x16310]  }
0x136: {  	v10 =	vld [tilespmem:s21+$0xFF10]  }
0x137: {  	v11 =	vld [tilespmem:s21+$0x16230]  }
0x138: {  	v9 =	vld [tilespmem:s21+$0xFE40]  }
0x139: {  	v13 =	vld [tilespmem:s21+$0xFF00]  }
0x13a: {  	v12 =	vld [tilespmem:s21+$0x16300]  }
0x13b: {  	s22 =	simm.s32 $0x19410;
	s24 =	simm.s32 $0x640;
	s20 =	simm.s32 $0x19410;
	v14 =	vld [tilespmem:s21+$0x162F0]  }
.LBB2_6:
0x13c: {  	p0 =	sne.s32 s24, $0xC1C0  }
0x13d: {  	v15 =	vld [tilespmem:s21+$0xFE30];
	s22 =	sadd.s32 $0x20, s22;
	s26 =	smov.u32 s24;
	s24 =	sadd.s32 $0x640, s24  }
0x13e: {  	v16 =	vld [tilespmem:s21+$0xFEF0]  }
0x13f: {  	v17 =	vld [tilespmem:s21+$0x16210]  }
0x140: {  	v18 =	vld [tilespmem:s21+$0x16220]  }
0x141: {  	v19 =	vld [tilespmem:s21+$0xFE20]  }
0x142: {  	v20 =	vld [tilespmem:s21+$0xFEE0]  }
0x143: {  	v21 =	vld [tilespmem:s21+$0x162E0]  }
0x144: {  	v22 =	vld [tilespmem:s21+$0xFE10]  }
0x145: {  	v23 =	vld [tilespmem:s21+$0x16200]  }
0x146: {  	v24 =	vld [tilespmem:s21+$0xFE00]  }
0x147: {  	v25 =	vld [tilespmem:s21+$0x162D0]  }
0x148: {  	v26 =	vld [tilespmem:s21+$0xFED0]  }
0x149: {  	v27 =	vld [tilespmem:s21+$0xFEC0]  }
0x14a: {  	v28 =	vld [tilespmem:s21+$0x162C0]  }
0x14b: {  	v29 =	vld [tilespmem:s21+$0x16370]  }
0x14c: {  	v30 =	vld [tilespmem:s21+$0xFEB0]  }
0x14d: {  	v31 =	vld [tilespmem:s21+$0xFF80]  }
0x14e: {  	v32 =	vnsel vm0, $0x0, v27;
	v27 =	vsel vm0, $0x0, v27;
	v33 =	vld [tilespmem:s21+$0xFF30]  }
0x14f: {  	v34 =	vld [tilespmem:s21+$0xFE60];
	v35 =	vnsel vm0, $0x0, v28;
	v28 =	vsel vm0, $0x0, v28;
	v26 =	vadd.f32 v26, v27  }
0x150: {  	v24 =	vadd.f32 v24, v32;
	v27 =	vld [tilespmem:s21+$0x16260];
	v25 =	vadd.f32 v25, v28  }
0x151: {  	v23 =	vadd.f32 v23, v35;
	v28 =	vld [tilespmem:s21+$0xFE70];
	v20 =	vadd.f32 v20, v26  }
0x152: {  	v22 =	vadd.f32 v22, v24;
	v26 =	vld [tilespmem:s21+$0x16270];
	v21 =	vadd.f32 v21, v25  }
0x153: {  	v17 =	vadd.f32 v17, v23;
	v24 =	vld [tilespmem:s21+$0x16330];
	v16 =	vadd.f32 v16, v20  }
0x154: {  	v19 =	vadd.f32 v19, v22;
	v20 =	vld [tilespmem:s21+$0xFF40];
	v14 =	vadd.f32 v14, v21  }
0x155: {  	v17 =	vadd.f32 v18, v17;
	v21 =	vld [tilespmem:s21+$0xFE80];
	v13 =	vadd.f32 v13, v16  }
0x156: {  	v16 =	vld [tilespmem:s21+$0x16280];
	v12 =	vadd.f32 v12, v14;
	v14 =	vadd.f32 v15, v19  }
0x157: {  	s26 =	sshra.s32 s26, $0x2;
	v11 =	vadd.f32 v11, v17;
	v15 =	vld [tilespmem:s21+$0x16340];
	v10 =	vadd.f32 v10, v13  }
0x158: {  	v13 =	vld [tilespmem:s21+$0xFF50];
	v8 =	vadd.f32 v8, v12;
	v9 =	vadd.f32 v9, v14  }
0x159: {  	v6 =	vadd.f32 v6, v11;
	v12 =	vld [tilespmem:s21+$0xFE90];
	v7 =	vadd.f32 v7, v10  }
0x15a: {  	v10 =	vld [tilespmem:s21+$0x16290];
	v5 =	vadd.f32 v5, v8;
	v4 =	vadd.f32 v4, v9  }
0x15b: {  	v3 =	vadd.f32 v3, v6;
	v8 =	vld [tilespmem:s21+$0x16350];
	v6 =	vadd.f32 v33, v7  }
0x15c: {  	v7 =	vld [tilespmem:s21+$0xFF60];
	v5 =	vadd.f32 v24, v5;
	v4 =	vadd.f32 v34, v4  }
0x15d: {  	v3 =	vadd.f32 v27, v3;
	v9 =	vld [tilespmem:s21+$0x16360];
	v6 =	vadd.f32 v20, v6  }
0x15e: {  	v11 =	vld [tilespmem:s21+$0xFF70];
	v5 =	vadd.f32 v15, v5;
	v4 =	vadd.f32 v28, v4  }
0x15f: {  	v3 =	vadd.f32 v26, v3;
	v14 =	vld [tilespmem:s21+$0xFEA0];
	v6 =	vadd.f32 v13, v6  }
0x160: {  	v13 =	vld [tilespmem:s21+$0x162A0];
	v5 =	vadd.f32 v8, v5;
	v4 =	vadd.f32 v21, v4  }
0x161: {  	v3 =	vadd.f32 v16, v3;
	v8 =	vld [tilespmem:s21+$0x16380];
	v6 =	vadd.f32 v7, v6  }
0x162: {  	v7 =	vld [tilespmem:s21+$0x162B0];
	v5 =	vadd.f32 v9, v5;
	v4 =	vadd.f32 v12, v4;
	s21 =	smov.u32 s26  }
0x163: {  	v3 =	vadd.f32 v10, v3;
	v6 =	vadd.f32 v11, v6  }
0x164: {  	v5 =	vadd.f32 v29, v5;
	v4 =	vadd.f32 v14, v4  }
0x165: {  	v3 =	vadd.f32 v13, v3;
	v6 =	vadd.f32 v31, v6  }
0x166: {  	v5 =	vadd.f32 v8, v5;
	v4 =	vadd.f32 v30, v4  }
0x167: {  	v3 =	vadd.f32 v7, v3  }
0x168: {  	v5 =	vadd.f32 v5, v6  }
0x169: {  	v3 =	vadd.f32 v3, v4  }
0x16a: {  	[tilespmem:s20+$0x0] =	vst v5  }
0x16b: {  	[tilespmem:s20+$0xFFFFFFF0] =	vst v3;
	s20 =	smov.u32 s22  }
0x16c: {  	v3 =	vld [tilespmem:s21+$0x16250]  }
0x16d: {  	v4 =	vld [tilespmem:s21+$0xFE50]  }
0x16e: {  	v5 =	vld [tilespmem:s21+$0x16320]  }
0x16f: {  	v6 =	vld [tilespmem:s21+$0x16240]  }
0x170: {  	v7 =	vld [tilespmem:s21+$0xFF20]  }
0x171: {  	v8 =	vld [tilespmem:s21+$0x16310]  }
0x172: {  	v10 =	vld [tilespmem:s21+$0xFF10]  }
.Ltmp2:
0x173: {  	v11 =	vld [tilespmem:s21+$0x16230];
	(pc) =	sbr.rel @p0 .LBB2_6-.Ltmp2, $4  }
0x174: {  	v9 =	vld [tilespmem:s21+$0xFE40]  }
0x175: {  	v13 =	vld [tilespmem:s21+$0xFF00]  }
0x176: {  	v12 =	vld [tilespmem:s21+$0x16300]  }
0x177: {  	v14 =	vld [tilespmem:s21+$0x162F0]  }
0x178: {  	v15 =	vld [tilespmem:s21+$0xFE30]  }
0x179: {  	v16 =	vld [tilespmem:s21+$0xFEF0]  }
0x17a: {  	v17 =	vld [tilespmem:s21+$0x16210]  }
0x17b: {  	v18 =	vld [tilespmem:s21+$0x16220]  }
0x17c: {  	v19 =	vld [tilespmem:s21+$0xFE20]  }
0x17d: {  	v20 =	vld [tilespmem:s21+$0xFEE0]  }
0x17e: {  	v21 =	vld [tilespmem:s21+$0x162E0]  }
0x17f: {  	v22 =	vld [tilespmem:s21+$0xFE10]  }
0x180: {  	v23 =	vld [tilespmem:s21+$0x16200]  }
0x181: {  	v24 =	vld [tilespmem:s21+$0xFE00]  }
0x182: {  	v25 =	vld [tilespmem:s21+$0x162D0]  }
0x183: {  	v26 =	vld [tilespmem:s21+$0xFED0]  }
0x184: {  	v27 =	vld [tilespmem:s21+$0xFEC0]  }
0x185: {  	v28 =	vld [tilespmem:s21+$0x162C0]  }
0x186: {  	v29 =	vld [tilespmem:s21+$0x16370]  }
0x187: {  	v30 =	vld [tilespmem:s21+$0xFEB0]  }
0x188: {  	v31 =	vld [tilespmem:s21+$0xFF80]  }
0x189: {  	v32 =	vld [tilespmem:s21+$0xFF30]  }
0x18a: {  	v34 =	vld [tilespmem:s21+$0xFE60];
	v33 =	vnsel vm0, $0x0, v27;
	v27 =	vsel vm0, $0x0, v27;
	v35 =	vsel vm0, $0x0, v28  }
0x18b: {  	v54 =	vld [tilespmem:s21+$0x16260];
	v28 =	vnsel vm0, $0x0, v28;
	v26 =	vadd.f32 v26, v27;
	v25 =	vadd.f32 v25, v35  }
0x18c: {  	v55 =	vld [tilespmem:s21+$0xFE70];
	v24 =	vadd.f32 v24, v33;
	v23 =	vadd.f32 v23, v28  }
0x18d: {  	v56 =	vld [tilespmem:s21+$0x16270];
	v20 =	vadd.f32 v20, v26;
	v21 =	vadd.f32 v21, v25  }
0x18e: {  	v57 =	vld [tilespmem:s21+$0x16330];
	v22 =	vadd.f32 v22, v24;
	v17 =	vadd.f32 v17, v23  }
0x18f: {  	v58 =	vld [tilespmem:s21+$0xFF40];
	v16 =	vadd.f32 v16, v20;
	v14 =	vadd.f32 v14, v21  }
0x190: {  	v59 =	vld [tilespmem:s21+$0xFE80];
	v19 =	vadd.f32 v19, v22;
	v17 =	vadd.f32 v18, v17  }
0x191: {  	v60 =	vld [tilespmem:s21+$0x16280];
	v13 =	vadd.f32 v13, v16;
	v12 =	vadd.f32 v12, v14  }
0x192: {  	v14 =	vadd.f32 v15, v19;
	v15 =	vld [tilespmem:s21+$0x16340];
	v11 =	vadd.f32 v11, v17  }
0x193: {  	v10 =	vadd.f32 v10, v13;
	v13 =	vld [tilespmem:s21+$0xFF50];
	v8 =	vadd.f32 v8, v12  }
0x194: {  	v9 =	vadd.f32 v9, v14;
	v12 =	vld [tilespmem:s21+$0xFE90];
	v6 =	vadd.f32 v6, v11  }
0x195: {  	v11 =	vld [tilespmem:s21+$0xFF70];
	v7 =	vadd.f32 v7, v10;
	v5 =	vadd.f32 v5, v8  }
0x196: {  	v4 =	vadd.f32 v4, v9;
	v8 =	vld [tilespmem:s21+$0x16350];
	v3 =	vadd.f32 v3, v6  }
0x197: {  	v9 =	vld [tilespmem:s21+$0x16360];
	v6 =	vadd.f32 v32, v7;
	v5 =	vadd.f32 v57, v5  }
0x198: {  	v7 =	vld [tilespmem:s21+$0xFF60];
	v4 =	vadd.f32 v34, v4;
	v3 =	vadd.f32 v54, v3  }
0x199: {  	v10 =	vld [tilespmem:s21+$0x16290];
	v6 =	vadd.f32 v58, v6;
	v5 =	vadd.f32 v15, v5  }
0x19a: {  	v14 =	vld [tilespmem:s21+$0xFEA0];
	v4 =	vadd.f32 v55, v4;
	v3 =	vadd.f32 v56, v3  }
0x19b: {  	v6 =	vadd.f32 v13, v6;
	v13 =	vld [tilespmem:s21+$0x162A0];
	v5 =	vadd.f32 v8, v5  }
0x19c: {  	v4 =	vadd.f32 v59, v4;
	v8 =	vld [tilespmem:s21+$0x16380];
	v3 =	vadd.f32 v60, v3  }
0x19d: {  	v6 =	vadd.f32 v7, v6;
	v7 =	vld [tilespmem:s21+$0x162B0];
	v5 =	vadd.f32 v9, v5  }
0x19e: {  	v4 =	vadd.f32 v12, v4;
	v3 =	vadd.f32 v10, v3  }
0x19f: {  	v6 =	vadd.f32 v11, v6;
	v5 =	vadd.f32 v29, v5  }
0x1a0: {  	v4 =	vadd.f32 v14, v4;
	v3 =	vadd.f32 v13, v3  }
0x1a1: {  	v6 =	vadd.f32 v31, v6;
	v5 =	vadd.f32 v8, v5  }
0x1a2: {  	v4 =	vadd.f32 v30, v4;
	v3 =	vadd.f32 v7, v3  }
0x1a3: {  	v5 =	vadd.f32 v5, v6  }
0x1a4: {  	v3 =	vadd.f32 v3, v4  }
0x1a5: {  	[tilespmem:s20+$0x0] =	vst v5  }
0x1a6: {  	[tilespmem:s20+$0xFFFFFFF0] =	vst v3  }
0x1a7: {  	[spmem:s0] =	stream.linear.scatter [tilespmem:s13], [sflag:$0x5], $0x400, $0x38;
	[tilespmem:$0x1A100] =	vst v63  }
0x1a8: {  	_ =	swait.ge [sflag:s1], $0x400  }
0x1a9: {  	[sflag:s1] =	ssyncset.done $0x0  }
0x1aa: {  	s20 =	simm.s32 $0x0;
	[sflag:s1] =	ssyncadd.s32 $0xFFFFFC00  }
0x1ab: {  	[tilespmem:s14], [sflag:$0x5] =	stream.indirect.gather [spmem:s25], $0x1, s20, s2, $0xb8;
	[tilespmem:$0x1A100] =	vst v63  }
0x1ac: {  	_ =	swait.ge [sflag:s1], $0x400  }
0x1ad: {  	[sflag:s1] =	ssyncset.done $0x0  }
0x1ae: {  	[sflag:s1] =	ssyncadd.s32 $0xFFFFFC00  }
0x1af: {  	v3 =	vld [tilespmem:$0x19800]  }
0x1b0: {  	v4 =	vld [tilespmem:$0x19840]  }
0x1b1: {  	v5 =	vld [tilespmem:$0x19880]  }
0x1b2: {  	v6 =	vld [tilespmem:$0x198C0]  }
0x1b3: {  	v7 =	vld [tilespmem:$0x19900]  }
0x1b4: {  	v8 =	vld [tilespmem:$0x19940]  }
0x1b5: {  	v9 =	vld [tilespmem:$0x19980]  }
0x1b6: {  	v10 =	vld [tilespmem:$0x199C0]  }
0x1b7: {  	v11 =	vld [tilespmem:$0x19A00]  }
0x1b8: {  	v12 =	vld [tilespmem:$0x19A40]  }
0x1b9: {  	v13 =	vld [tilespmem:$0x19A80]  }
0x1ba: {  	v14 =	vld [tilespmem:$0x19AC0]  }
0x1bb: {  	v15 =	vld [tilespmem:$0x19B00]  }
0x1bc: {  	v16 =	vld [tilespmem:$0x19B40]  }
0x1bd: {  	v17 =	vld [tilespmem:$0x19B80]  }
0x1be: {  	v18 =	vld [tilespmem:$0x19BC0]  }
0x1bf: {  	v61 =	vld [tilespmem:$0x19810]  }
0x1c0: {  	v62 =	vld [tilespmem:$0x19850]  }
0x1c1: {  	v63 =	vld [tilespmem:$0x19890]  }
0x1c2: {  	v42 =	vld [tilespmem:$0x198D0]  }
0x1c3: {  	v43 =	vld [tilespmem:$0x19910]  }
0x1c4: {  	v44 =	vld [tilespmem:$0x19950]  }
0x1c5: {  	v45 =	vld [tilespmem:$0x19990]  }
0x1c6: {  	v46 =	vld [tilespmem:$0x199D0]  }
0x1c7: {  	v47 =	vld [tilespmem:$0x19A10]  }
0x1c8: {  	v48 =	vld [tilespmem:$0x19A50]  }
0x1c9: {  	v49 =	vld [tilespmem:$0x19A90]  }
0x1ca: {  	v50 =	vld [tilespmem:$0x19AD0]  }
0x1cb: {  	v51 =	vld [tilespmem:$0x19B10]  }
0x1cc: {  	v52 =	vld [tilespmem:$0x19B50]  }
0x1cd: {  	v53 =	vld [tilespmem:$0x19B90]  }
0x1ce: {  	v54 =	vld [tilespmem:$0x19BD0]  }
0x1cf: {  	v55 =	vld [tilespmem:$0x19820]  }
0x1d0: {  	v36 =	vld [tilespmem:$0x19860]  }
0x1d1: {  	v37 =	vld [tilespmem:$0x19830]  }
0x1d2: {  	v38 =	vld [tilespmem:$0x19870]  }
0x1d3: {  	v39 =	vld [tilespmem:$0x198A0]  }
0x1d4: {  	v3 =	vadd.f32 v4, v3;
	v4 =	vld [tilespmem:$0x198B0]  }
0x1d5: {  	v56 =	vld [tilespmem:$0x198E0];
	v19 =	vadd.f32 v62, v61  }
0x1d6: {  	v57 =	vld [tilespmem:$0x198F0];
	v3 =	vadd.f32 v5, v3;
	v5 =	vadd.f32 v36, v55  }
0x1d7: {  	v59 =	vld [tilespmem:$0x19920];
	v58 =	vadd.f32 v38, v37;
	v19 =	vadd.f32 v63, v19  }
0x1d8: {  	v3 =	vadd.f32 v6, v3;
	v5 =	vadd.f32 v39, v5;
	v6 =	vld [tilespmem:$0x19930]  }
0x1d9: {  	v60 =	vld [tilespmem:$0x19960];
	v19 =	vadd.f32 v42, v19;
	v4 =	vadd.f32 v4, v58  }
0x1da: {  	v3 =	vadd.f32 v7, v3;
	v5 =	vadd.f32 v56, v5;
	v7 =	vld [tilespmem:$0x19970]  }
0x1db: {  	v61 =	vld [tilespmem:$0x199A0];
	v19 =	vadd.f32 v43, v19;
	v4 =	vadd.f32 v57, v4  }
0x1dc: {  	v3 =	vadd.f32 v8, v3;
	v5 =	vadd.f32 v59, v5;
	v8 =	vld [tilespmem:$0x199B0]  }
0x1dd: {  	v62 =	vld [tilespmem:$0x199E0];
	v19 =	vadd.f32 v44, v19;
	v4 =	vadd.f32 v6, v4  }
0x1de: {  	v6 =	vld [tilespmem:$0x199F0];
	v3 =	vadd.f32 v9, v3;
	v5 =	vadd.f32 v60, v5  }
0x1df: {  	v63 =	vld [tilespmem:$0x19A20];
	v9 =	vadd.f32 v45, v19;
	v4 =	vadd.f32 v7, v4  }
0x1e0: {  	v7 =	vld [tilespmem:$0x19A30];
	v3 =	vadd.f32 v10, v3;
	v5 =	vadd.f32 v61, v5  }
0x1e1: {  	v9 =	vadd.f32 v46, v9;
	v10 =	vld [tilespmem:$0x19A60];
	v4 =	vadd.f32 v8, v4  }
0x1e2: {  	v8 =	vld [tilespmem:$0x19A70];
	v3 =	vadd.f32 v11, v3;
	v5 =	vadd.f32 v62, v5  }
0x1e3: {  	v9 =	vadd.f32 v47, v9;
	v11 =	vld [tilespmem:$0x19AA0];
	v4 =	vadd.f32 v6, v4  }
0x1e4: {  	v6 =	vld [tilespmem:$0x19AB0];
	v3 =	vadd.f32 v12, v3;
	v5 =	vadd.f32 v63, v5  }
0x1e5: {  	v9 =	vadd.f32 v48, v9;
	v12 =	vld [tilespmem:$0x19AE0];
	v4 =	vadd.f32 v7, v4  }
0x1e6: {  	v7 =	vld [tilespmem:$0x19AF0];
	v3 =	vadd.f32 v13, v3;
	v5 =	vadd.f32 v10, v5  }
0x1e7: {  	v9 =	vadd.f32 v49, v9;
	v10 =	vld [tilespmem:$0x19B20];
	v4 =	vadd.f32 v8, v4  }
0x1e8: {  	v8 =	vld [tilespmem:$0x19B30];
	v3 =	vadd.f32 v14, v3;
	v5 =	vadd.f32 v11, v5  }
0x1e9: {  	v9 =	vadd.f32 v50, v9;
	v11 =	vld [tilespmem:$0x19B60];
	v4 =	vadd.f32 v6, v4  }
0x1ea: {  	v6 =	vld [tilespmem:$0x19B70];
	v3 =	vadd.f32 v15, v3;
	v5 =	vadd.f32 v12, v5  }
0x1eb: {  	v9 =	vadd.f32 v51, v9;
	v12 =	vld [tilespmem:$0x19BA0];
	v4 =	vadd.f32 v7, v4  }
0x1ec: {  	v7 =	vld [tilespmem:$0x19BB0];
	v3 =	vadd.f32 v16, v3;
	v5 =	vadd.f32 v10, v5  }
0x1ed: {  	v9 =	vadd.f32 v52, v9;
	v10 =	vld [tilespmem:$0x19BE0];
	v4 =	vadd.f32 v8, v4  }
0x1ee: {  	v8 =	vld [tilespmem:$0x19BF0];
	v3 =	vadd.f32 v17, v3;
	v5 =	vadd.f32 v11, v5  }
0x1ef: {  	v9 =	vadd.f32 v53, v9;
	v4 =	vadd.f32 v6, v4  }
0x1f0: {  	v3 =	vadd.f32 v18, v3;
	v5 =	vadd.f32 v12, v5  }
0x1f1: {  	v6 =	vadd.f32 v54, v9;
	v4 =	vadd.f32 v7, v4  }
0x1f2: {  	v3 =	vmul.f32 $4.999999890e-03, v3;
	v5 =	vadd.f32 v10, v5  }
0x1f3: {  	v6 =	vmul.f32 $4.999999890e-03, v6;
	v4 =	vadd.f32 v8, v4  }
0x1f4: {  	v3 =	vadd.f32 v3, v2;
	v5 =	vmul.f32 $4.999999890e-03, v5  }
0x1f5: {  	v6 =	vadd.f32 v6, v2;
	v4 =	vmul.f32 $4.999999890e-03, v4  }
0x1f6: {  	[tilespmem:$0x19C00] =	vst v3;
	v3 =	vadd.f32 v5, v2  }
0x1f7: {  	[tilespmem:$0x19C10] =	vst v6;
	v4 =	vadd.f32 v4, v2  }
0x1f8: {  	[tilespmem:$0x19C20] =	vst v3  }
0x1f9: {  	s22 =	rddreg [dreg:$0x15];
	[tilespmem:$0x19C30] =	vst v4  }
0x1fa: {  	[hbm4b:s22+s20] =	stream.linear.scatter [tilespmem:s16], [sflag:$0x5], $0x40, $0x38;
	[tilespmem:$0x1A100] =	vst v63  }
0x1fb: {  	_ =	swait.ge [sflag:s1], $0x40  }
0x1fc: {  	[sflag:s1] =	ssyncset.done $0x0  }
0x1fd: {  	s24 =	rddreg [dreg:$0xa];
	[sflag:s1] =	ssyncadd.s32 $0xFFFFFFC0  }
0x1fe: {  	[tilespmem:s7], [sflag:$0x5] =	stream.linear.gather [hbm4b:s24+s20], $0x3200, $0x38;
	[tilespmem:$0x1A100] =	vst v63  }
0x1ff: {  	_ =	swait.ge [sflag:s1], $0x3200  }
0x200: {  	[sflag:s1] =	ssyncset.done $0x0  }
0x201: {  	s26 =	rddreg [dreg:$0xb];
	[sflag:s1] =	ssyncadd.s32 $0xFFFFCE00  }
0x202: {  	[tilespmem:s8], [sflag:$0x5] =	stream.linear.gather [hbm4b:s26+s20], $0x3200, $0x38;
	[tilespmem:$0x1A100] =	vst v63  }
0x203: {  	_ =	swait.ge [sflag:s1], $0x3200  }
0x204: {  	[sflag:s1] =	ssyncset.done $0x0  }
0x205: {  	[sflag:s1] =	ssyncadd.s32 $0xFFFFCE00  }
0x206: {  	[tilespmem:s9], [sflag:$0x2] =	stream.indirect.gather [hbm4b:s29+s4], $0x1, s7, s4, $0xb8;
	[tilespmem:$0x1A100] =	vst v63  }
0x207: {  	_ = 	snop  }
0x208: {  	[tilespmem:s10], [sflag:$0x4] =	stream.indirect.gather [hbm4b:s30+s4], $0x1, s8, s4, $0xb8;
	[tilespmem:$0x1A100] =	vst v63  }
0x209: {  	_ =	swait.ge [sflag:s11], $0x3200  }
0x20a: {  	[sflag:s11] =	ssyncset.done $0x0  }
0x20b: {  	[sflag:s11] =	ssyncadd.s32 $0xFFFFCE00  }
0x20c: {  	_ =	swait.ge [sflag:s12], $0x3200  }
0x20d: {  	[sflag:s12] =	ssyncset.done $0x0  }
0x20e: {  	s21 =	simm.s32 $0x0;
	[sflag:s12] =	ssyncadd.s32 $0xFFFFCE00  }
0x20f: {  	v3 =	vld [tilespmem:s21+$0x13050]  }
0x210: {  	v4 =	vld [tilespmem:s21+$0xCC50]  }
0x211: {  	v5 =	vld [tilespmem:s21+$0x13120]  }
0x212: {  	v6 =	vld [tilespmem:s21+$0x13040]  }
0x213: {  	v7 =	vld [tilespmem:s21+$0xCD20]  }
0x214: {  	v8 =	vld [tilespmem:s21+$0x13110]  }
0x215: {  	v10 =	vld [tilespmem:s21+$0xCD10]  }
0x216: {  	v11 =	vld [tilespmem:s21+$0x13030]  }
0x217: {  	v9 =	vld [tilespmem:s21+$0xCC40]  }
0x218: {  	v13 =	vld [tilespmem:s21+$0xCD00]  }
0x219: {  	v12 =	vld [tilespmem:s21+$0x13100]  }
0x21a: {  	s22 =	simm.s32 $0x19410;
	s24 =	simm.s32 $0x640;
	s20 =	simm.s32 $0x19410;
	v14 =	vld [tilespmem:s21+$0x130F0]  }
.LBB2_8:
0x21b: {  	p0 =	sne.s32 s24, $0xC1C0  }
0x21c: {  	v15 =	vld [tilespmem:s21+$0xCC30];
	s22 =	sadd.s32 $0x20, s22;
	s26 =	smov.u32 s24;
	s24 =	sadd.s32 $0x640, s24  }
0x21d: {  	v16 =	vld [tilespmem:s21+$0xCCF0]  }
0x21e: {  	v17 =	vld [tilespmem:s21+$0x13010]  }
0x21f: {  	v18 =	vld [tilespmem:s21+$0x13020]  }
0x220: {  	v19 =	vld [tilespmem:s21+$0xCC20]  }
0x221: {  	v20 =	vld [tilespmem:s21+$0xCCE0]  }
0x222: {  	v21 =	vld [tilespmem:s21+$0x130E0]  }
0x223: {  	v22 =	vld [tilespmem:s21+$0xCC10]  }
0x224: {  	v23 =	vld [tilespmem:s21+$0x13000]  }
0x225: {  	v24 =	vld [tilespmem:s21+$0xCC00]  }
0x226: {  	v25 =	vld [tilespmem:s21+$0x130D0]  }
0x227: {  	v26 =	vld [tilespmem:s21+$0xCCD0]  }
0x228: {  	v27 =	vld [tilespmem:s21+$0xCCC0]  }
0x229: {  	v28 =	vld [tilespmem:s21+$0x130C0]  }
0x22a: {  	v29 =	vld [tilespmem:s21+$0x13170]  }
0x22b: {  	v30 =	vld [tilespmem:s21+$0xCCB0]  }
0x22c: {  	v31 =	vld [tilespmem:s21+$0xCD80]  }
0x22d: {  	v32 =	vnsel vm0, $0x0, v27;
	v27 =	vsel vm0, $0x0, v27;
	v33 =	vld [tilespmem:s21+$0xCD30]  }
0x22e: {  	v34 =	vld [tilespmem:s21+$0xCC60];
	v35 =	vnsel vm0, $0x0, v28;
	v28 =	vsel vm0, $0x0, v28;
	v26 =	vadd.f32 v26, v27  }
0x22f: {  	v24 =	vadd.f32 v24, v32;
	v27 =	vld [tilespmem:s21+$0x13060];
	v25 =	vadd.f32 v25, v28  }
0x230: {  	v23 =	vadd.f32 v23, v35;
	v28 =	vld [tilespmem:s21+$0xCC70];
	v20 =	vadd.f32 v20, v26  }
0x231: {  	v22 =	vadd.f32 v22, v24;
	v26 =	vld [tilespmem:s21+$0x13070];
	v21 =	vadd.f32 v21, v25  }
0x232: {  	v17 =	vadd.f32 v17, v23;
	v24 =	vld [tilespmem:s21+$0x13130];
	v16 =	vadd.f32 v16, v20  }
0x233: {  	v19 =	vadd.f32 v19, v22;
	v20 =	vld [tilespmem:s21+$0xCD40];
	v14 =	vadd.f32 v14, v21  }
0x234: {  	v17 =	vadd.f32 v18, v17;
	v21 =	vld [tilespmem:s21+$0xCC80];
	v13 =	vadd.f32 v13, v16  }
0x235: {  	v16 =	vld [tilespmem:s21+$0x13080];
	v12 =	vadd.f32 v12, v14;
	v14 =	vadd.f32 v15, v19  }
0x236: {  	s26 =	sshra.s32 s26, $0x2;
	v11 =	vadd.f32 v11, v17;
	v15 =	vld [tilespmem:s21+$0x13140];
	v10 =	vadd.f32 v10, v13  }
0x237: {  	v13 =	vld [tilespmem:s21+$0xCD50];
	v8 =	vadd.f32 v8, v12;
	v9 =	vadd.f32 v9, v14  }
0x238: {  	v6 =	vadd.f32 v6, v11;
	v12 =	vld [tilespmem:s21+$0xCC90];
	v7 =	vadd.f32 v7, v10  }
0x239: {  	v10 =	vld [tilespmem:s21+$0x13090];
	v5 =	vadd.f32 v5, v8;
	v4 =	vadd.f32 v4, v9  }
0x23a: {  	v3 =	vadd.f32 v3, v6;
	v8 =	vld [tilespmem:s21+$0x13150];
	v6 =	vadd.f32 v33, v7  }
0x23b: {  	v7 =	vld [tilespmem:s21+$0xCD60];
	v5 =	vadd.f32 v24, v5;
	v4 =	vadd.f32 v34, v4  }
0x23c: {  	v3 =	vadd.f32 v27, v3;
	v9 =	vld [tilespmem:s21+$0x13160];
	v6 =	vadd.f32 v20, v6  }
0x23d: {  	v11 =	vld [tilespmem:s21+$0xCD70];
	v5 =	vadd.f32 v15, v5;
	v4 =	vadd.f32 v28, v4  }
0x23e: {  	v3 =	vadd.f32 v26, v3;
	v14 =	vld [tilespmem:s21+$0xCCA0];
	v6 =	vadd.f32 v13, v6  }
0x23f: {  	v13 =	vld [tilespmem:s21+$0x130A0];
	v5 =	vadd.f32 v8, v5;
	v4 =	vadd.f32 v21, v4  }
0x240: {  	v3 =	vadd.f32 v16, v3;
	v8 =	vld [tilespmem:s21+$0x13180];
	v6 =	vadd.f32 v7, v6  }
0x241: {  	v7 =	vld [tilespmem:s21+$0x130B0];
	v5 =	vadd.f32 v9, v5;
	v4 =	vadd.f32 v12, v4;
	s21 =	smov.u32 s26  }
0x242: {  	v3 =	vadd.f32 v10, v3;
	v6 =	vadd.f32 v11, v6  }
0x243: {  	v5 =	vadd.f32 v29, v5;
	v4 =	vadd.f32 v14, v4  }
0x244: {  	v3 =	vadd.f32 v13, v3;
	v6 =	vadd.f32 v31, v6  }
0x245: {  	v5 =	vadd.f32 v8, v5;
	v4 =	vadd.f32 v30, v4  }
0x246: {  	v3 =	vadd.f32 v7, v3  }
0x247: {  	v5 =	vadd.f32 v5, v6  }
0x248: {  	v3 =	vadd.f32 v3, v4  }
0x249: {  	[tilespmem:s20+$0x0] =	vst v5  }
0x24a: {  	[tilespmem:s20+$0xFFFFFFF0] =	vst v3;
	s20 =	smov.u32 s22  }
0x24b: {  	v3 =	vld [tilespmem:s21+$0x13050]  }
0x24c: {  	v4 =	vld [tilespmem:s21+$0xCC50]  }
0x24d: {  	v5 =	vld [tilespmem:s21+$0x13120]  }
0x24e: {  	v6 =	vld [tilespmem:s21+$0x13040]  }
0x24f: {  	v7 =	vld [tilespmem:s21+$0xCD20]  }
0x250: {  	v8 =	vld [tilespmem:s21+$0x13110]  }
0x251: {  	v10 =	vld [tilespmem:s21+$0xCD10]  }
.Ltmp3:
0x252: {  	v11 =	vld [tilespmem:s21+$0x13030];
	(pc) =	sbr.rel @p0 .LBB2_8-.Ltmp3, $4  }
0x253: {  	v9 =	vld [tilespmem:s21+$0xCC40]  }
0x254: {  	v13 =	vld [tilespmem:s21+$0xCD00]  }
0x255: {  	v12 =	vld [tilespmem:s21+$0x13100]  }
0x256: {  	v14 =	vld [tilespmem:s21+$0x130F0]  }
0x257: {  	v15 =	vld [tilespmem:s21+$0xCC30]  }
0x258: {  	v16 =	vld [tilespmem:s21+$0xCCF0]  }
0x259: {  	v17 =	vld [tilespmem:s21+$0x13010]  }
0x25a: {  	v18 =	vld [tilespmem:s21+$0x13020]  }
0x25b: {  	v19 =	vld [tilespmem:s21+$0xCC20]  }
0x25c: {  	v20 =	vld [tilespmem:s21+$0xCCE0]  }
0x25d: {  	v21 =	vld [tilespmem:s21+$0x130E0]  }
0x25e: {  	v22 =	vld [tilespmem:s21+$0xCC10]  }
0x25f: {  	v23 =	vld [tilespmem:s21+$0x13000]  }
0x260: {  	v24 =	vld [tilespmem:s21+$0xCC00]  }
0x261: {  	v25 =	vld [tilespmem:s21+$0x130D0]  }
0x262: {  	v26 =	vld [tilespmem:s21+$0xCCD0]  }
0x263: {  	v27 =	vld [tilespmem:s21+$0xCCC0]  }
0x264: {  	v28 =	vld [tilespmem:s21+$0x130C0]  }
0x265: {  	v29 =	vld [tilespmem:s21+$0x13170]  }
0x266: {  	v30 =	vld [tilespmem:s21+$0xCCB0]  }
0x267: {  	v31 =	vld [tilespmem:s21+$0xCD80]  }
0x268: {  	v32 =	vld [tilespmem:s21+$0xCD30]  }
0x269: {  	v34 =	vld [tilespmem:s21+$0xCC60];
	v33 =	vnsel vm0, $0x0, v27;
	v27 =	vsel vm0, $0x0, v27;
	v35 =	vsel vm0, $0x0, v28  }
0x26a: {  	v54 =	vld [tilespmem:s21+$0x13060];
	v28 =	vnsel vm0, $0x0, v28;
	v26 =	vadd.f32 v26, v27;
	v25 =	vadd.f32 v25, v35  }
0x26b: {  	v55 =	vld [tilespmem:s21+$0xCC70];
	v24 =	vadd.f32 v24, v33;
	v23 =	vadd.f32 v23, v28  }
0x26c: {  	v56 =	vld [tilespmem:s21+$0x13070];
	v20 =	vadd.f32 v20, v26;
	v21 =	vadd.f32 v21, v25  }
0x26d: {  	v57 =	vld [tilespmem:s21+$0x13130];
	v22 =	vadd.f32 v22, v24;
	v17 =	vadd.f32 v17, v23  }
0x26e: {  	v58 =	vld [tilespmem:s21+$0xCD40];
	v16 =	vadd.f32 v16, v20;
	v14 =	vadd.f32 v14, v21  }
0x26f: {  	v59 =	vld [tilespmem:s21+$0xCC80];
	v19 =	vadd.f32 v19, v22;
	v17 =	vadd.f32 v18, v17  }
0x270: {  	v60 =	vld [tilespmem:s21+$0x13080];
	v13 =	vadd.f32 v13, v16;
	v12 =	vadd.f32 v12, v14  }
0x271: {  	v14 =	vadd.f32 v15, v19;
	v15 =	vld [tilespmem:s21+$0x13140];
	v11 =	vadd.f32 v11, v17  }
0x272: {  	v10 =	vadd.f32 v10, v13;
	v13 =	vld [tilespmem:s21+$0xCD50];
	v8 =	vadd.f32 v8, v12  }
0x273: {  	v9 =	vadd.f32 v9, v14;
	v12 =	vld [tilespmem:s21+$0xCC90];
	v6 =	vadd.f32 v6, v11  }
0x274: {  	v11 =	vld [tilespmem:s21+$0xCD70];
	v7 =	vadd.f32 v7, v10;
	v5 =	vadd.f32 v5, v8  }
0x275: {  	v4 =	vadd.f32 v4, v9;
	v8 =	vld [tilespmem:s21+$0x13150];
	v3 =	vadd.f32 v3, v6  }
0x276: {  	v9 =	vld [tilespmem:s21+$0x13160];
	v6 =	vadd.f32 v32, v7;
	v5 =	vadd.f32 v57, v5  }
0x277: {  	v7 =	vld [tilespmem:s21+$0xCD60];
	v4 =	vadd.f32 v34, v4;
	v3 =	vadd.f32 v54, v3  }
0x278: {  	v10 =	vld [tilespmem:s21+$0x13090];
	v6 =	vadd.f32 v58, v6;
	v5 =	vadd.f32 v15, v5  }
0x279: {  	v14 =	vld [tilespmem:s21+$0xCCA0];
	v4 =	vadd.f32 v55, v4;
	v3 =	vadd.f32 v56, v3  }
0x27a: {  	v6 =	vadd.f32 v13, v6;
	v13 =	vld [tilespmem:s21+$0x130A0];
	v5 =	vadd.f32 v8, v5  }
0x27b: {  	v4 =	vadd.f32 v59, v4;
	v8 =	vld [tilespmem:s21+$0x13180];
	v3 =	vadd.f32 v60, v3  }
0x27c: {  	v6 =	vadd.f32 v7, v6;
	v7 =	vld [tilespmem:s21+$0x130B0];
	v5 =	vadd.f32 v9, v5  }
0x27d: {  	v4 =	vadd.f32 v12, v4;
	v3 =	vadd.f32 v10, v3  }
0x27e: {  	v6 =	vadd.f32 v11, v6;
	v5 =	vadd.f32 v29, v5  }
0x27f: {  	v4 =	vadd.f32 v14, v4;
	v3 =	vadd.f32 v13, v3  }
0x280: {  	v6 =	vadd.f32 v31, v6;
	v5 =	vadd.f32 v8, v5  }
0x281: {  	v4 =	vadd.f32 v30, v4;
	v3 =	vadd.f32 v7, v3  }
0x282: {  	v5 =	vadd.f32 v5, v6  }
0x283: {  	v3 =	vadd.f32 v3, v4  }
0x284: {  	[tilespmem:s20+$0x0] =	vst v5  }
0x285: {  	[tilespmem:s20+$0xFFFFFFF0] =	vst v3  }
0x286: {  	[spmem:s0] =	stream.linear.scatter [tilespmem:s13], [sflag:$0x5], $0x400, $0x38;
	[tilespmem:$0x1A100] =	vst v63  }
0x287: {  	_ =	swait.ge [sflag:s1], $0x400  }
0x288: {  	[sflag:s1] =	ssyncset.done $0x0  }
0x289: {  	s20 =	simm.s32 $0x0;
	[sflag:s1] =	ssyncadd.s32 $0xFFFFFC00  }
0x28a: {  	[tilespmem:s14], [sflag:$0x5] =	stream.indirect.gather [spmem:s25], $0x1, s20, s2, $0xb8;
	[tilespmem:$0x1A100] =	vst v63  }
0x28b: {  	_ =	swait.ge [sflag:s1], $0x400  }
0x28c: {  	[sflag:s1] =	ssyncset.done $0x0  }
0x28d: {  	[sflag:s1] =	ssyncadd.s32 $0xFFFFFC00  }
0x28e: {  	v3 =	vld [tilespmem:$0x19800]  }
0x28f: {  	v4 =	vld [tilespmem:$0x19840]  }
0x290: {  	v5 =	vld [tilespmem:$0x19880]  }
0x291: {  	v6 =	vld [tilespmem:$0x198C0]  }
0x292: {  	v7 =	vld [tilespmem:$0x19900]  }
0x293: {  	v8 =	vld [tilespmem:$0x19940]  }
0x294: {  	v9 =	vld [tilespmem:$0x19980]  }
0x295: {  	v10 =	vld [tilespmem:$0x199C0]  }
0x296: {  	v11 =	vld [tilespmem:$0x19A00]  }
0x297: {  	v12 =	vld [tilespmem:$0x19A40]  }
0x298: {  	v13 =	vld [tilespmem:$0x19A80]  }
0x299: {  	v14 =	vld [tilespmem:$0x19AC0]  }
0x29a: {  	v15 =	vld [tilespmem:$0x19B00]  }
0x29b: {  	v16 =	vld [tilespmem:$0x19B40]  }
0x29c: {  	v17 =	vld [tilespmem:$0x19B80]  }
0x29d: {  	v18 =	vld [tilespmem:$0x19BC0]  }
0x29e: {  	v61 =	vld [tilespmem:$0x19810]  }
0x29f: {  	v62 =	vld [tilespmem:$0x19850]  }
0x2a0: {  	v63 =	vld [tilespmem:$0x19890]  }
0x2a1: {  	v42 =	vld [tilespmem:$0x198D0]  }
0x2a2: {  	v43 =	vld [tilespmem:$0x19910]  }
0x2a3: {  	v44 =	vld [tilespmem:$0x19950]  }
0x2a4: {  	v45 =	vld [tilespmem:$0x19990]  }
0x2a5: {  	v46 =	vld [tilespmem:$0x199D0]  }
0x2a6: {  	v47 =	vld [tilespmem:$0x19A10]  }
0x2a7: {  	v48 =	vld [tilespmem:$0x19A50]  }
0x2a8: {  	v49 =	vld [tilespmem:$0x19A90]  }
0x2a9: {  	v50 =	vld [tilespmem:$0x19AD0]  }
0x2aa: {  	v51 =	vld [tilespmem:$0x19B10]  }
0x2ab: {  	v52 =	vld [tilespmem:$0x19B50]  }
0x2ac: {  	v53 =	vld [tilespmem:$0x19B90]  }
0x2ad: {  	v54 =	vld [tilespmem:$0x19BD0]  }
0x2ae: {  	v55 =	vld [tilespmem:$0x19820]  }
0x2af: {  	v36 =	vld [tilespmem:$0x19860]  }
0x2b0: {  	v37 =	vld [tilespmem:$0x19830]  }
0x2b1: {  	v38 =	vld [tilespmem:$0x19870]  }
0x2b2: {  	v39 =	vld [tilespmem:$0x198A0]  }
0x2b3: {  	v3 =	vadd.f32 v4, v3;
	v4 =	vld [tilespmem:$0x198B0]  }
0x2b4: {  	v56 =	vld [tilespmem:$0x198E0];
	v19 =	vadd.f32 v62, v61  }
0x2b5: {  	v57 =	vld [tilespmem:$0x198F0];
	v3 =	vadd.f32 v5, v3;
	v5 =	vadd.f32 v36, v55  }
0x2b6: {  	v59 =	vld [tilespmem:$0x19920];
	v58 =	vadd.f32 v38, v37;
	v19 =	vadd.f32 v63, v19  }
0x2b7: {  	v3 =	vadd.f32 v6, v3;
	v5 =	vadd.f32 v39, v5;
	v6 =	vld [tilespmem:$0x19930]  }
0x2b8: {  	v60 =	vld [tilespmem:$0x19960];
	v19 =	vadd.f32 v42, v19;
	v4 =	vadd.f32 v4, v58  }
0x2b9: {  	v3 =	vadd.f32 v7, v3;
	v5 =	vadd.f32 v56, v5;
	v7 =	vld [tilespmem:$0x19970]  }
0x2ba: {  	v61 =	vld [tilespmem:$0x199A0];
	v19 =	vadd.f32 v43, v19;
	v4 =	vadd.f32 v57, v4  }
0x2bb: {  	v3 =	vadd.f32 v8, v3;
	v5 =	vadd.f32 v59, v5;
	v8 =	vld [tilespmem:$0x199B0]  }
0x2bc: {  	v62 =	vld [tilespmem:$0x199E0];
	v19 =	vadd.f32 v44, v19;
	v4 =	vadd.f32 v6, v4  }
0x2bd: {  	v6 =	vld [tilespmem:$0x199F0];
	v3 =	vadd.f32 v9, v3;
	v5 =	vadd.f32 v60, v5  }
0x2be: {  	v63 =	vld [tilespmem:$0x19A20];
	v9 =	vadd.f32 v45, v19;
	v4 =	vadd.f32 v7, v4  }
0x2bf: {  	v7 =	vld [tilespmem:$0x19A30];
	v3 =	vadd.f32 v10, v3;
	v5 =	vadd.f32 v61, v5  }
0x2c0: {  	v9 =	vadd.f32 v46, v9;
	v10 =	vld [tilespmem:$0x19A60];
	v4 =	vadd.f32 v8, v4  }
0x2c1: {  	v8 =	vld [tilespmem:$0x19A70];
	v3 =	vadd.f32 v11, v3;
	v5 =	vadd.f32 v62, v5  }
0x2c2: {  	v9 =	vadd.f32 v47, v9;
	v11 =	vld [tilespmem:$0x19AA0];
	v4 =	vadd.f32 v6, v4  }
0x2c3: {  	v6 =	vld [tilespmem:$0x19AB0];
	v3 =	vadd.f32 v12, v3;
	v5 =	vadd.f32 v63, v5  }
0x2c4: {  	v9 =	vadd.f32 v48, v9;
	v12 =	vld [tilespmem:$0x19AE0];
	v4 =	vadd.f32 v7, v4  }
0x2c5: {  	v7 =	vld [tilespmem:$0x19AF0];
	v3 =	vadd.f32 v13, v3;
	v5 =	vadd.f32 v10, v5  }
0x2c6: {  	v9 =	vadd.f32 v49, v9;
	v10 =	vld [tilespmem:$0x19B20];
	v4 =	vadd.f32 v8, v4  }
0x2c7: {  	v8 =	vld [tilespmem:$0x19B30];
	v3 =	vadd.f32 v14, v3;
	v5 =	vadd.f32 v11, v5  }
0x2c8: {  	v9 =	vadd.f32 v50, v9;
	v11 =	vld [tilespmem:$0x19B60];
	v4 =	vadd.f32 v6, v4  }
0x2c9: {  	v6 =	vld [tilespmem:$0x19B70];
	v3 =	vadd.f32 v15, v3;
	v5 =	vadd.f32 v12, v5  }
0x2ca: {  	v9 =	vadd.f32 v51, v9;
	v12 =	vld [tilespmem:$0x19BA0];
	v4 =	vadd.f32 v7, v4  }
0x2cb: {  	v7 =	vld [tilespmem:$0x19BB0];
	v3 =	vadd.f32 v16, v3;
	v5 =	vadd.f32 v10, v5  }
0x2cc: {  	v9 =	vadd.f32 v52, v9;
	v10 =	vld [tilespmem:$0x19BE0];
	v4 =	vadd.f32 v8, v4  }
0x2cd: {  	v8 =	vld [tilespmem:$0x19BF0];
	v3 =	vadd.f32 v17, v3;
	v5 =	vadd.f32 v11, v5  }
0x2ce: {  	v9 =	vadd.f32 v53, v9;
	v4 =	vadd.f32 v6, v4  }
0x2cf: {  	v3 =	vadd.f32 v18, v3;
	v5 =	vadd.f32 v12, v5  }
0x2d0: {  	v6 =	vadd.f32 v54, v9;
	v4 =	vadd.f32 v7, v4  }
0x2d1: {  	v3 =	vmul.f32 $4.999999890e-03, v3;
	v5 =	vadd.f32 v10, v5  }
0x2d2: {  	v6 =	vmul.f32 $4.999999890e-03, v6;
	v4 =	vadd.f32 v8, v4  }
0x2d3: {  	v3 =	vadd.f32 v3, v2;
	v5 =	vmul.f32 $4.999999890e-03, v5  }
0x2d4: {  	v6 =	vadd.f32 v6, v2;
	v4 =	vmul.f32 $4.999999890e-03, v4  }
0x2d5: {  	[tilespmem:$0x19C00] =	vst v3;
	v3 =	vadd.f32 v5, v2  }
0x2d6: {  	[tilespmem:$0x19C10] =	vst v6;
	v4 =	vadd.f32 v4, v2  }
0x2d7: {  	[tilespmem:$0x19C20] =	vst v3  }
0x2d8: {  	s22 =	rddreg [dreg:$0x16];
	[tilespmem:$0x19C30] =	vst v4  }
0x2d9: {  	[hbm4b:s22+s20] =	stream.linear.scatter [tilespmem:s16], [sflag:$0x5], $0x40, $0x38;
	[tilespmem:$0x1A100] =	vst v63  }
0x2da: {  	_ =	swait.ge [sflag:s1], $0x40  }
0x2db: {  	[sflag:s1] =	ssyncset.done $0x0  }
0x2dc: {  	s24 =	rddreg [dreg:$0xc];
	[sflag:s1] =	ssyncadd.s32 $0xFFFFFFC0  }
0x2dd: {  	[tilespmem:s2], [sflag:$0x5] =	stream.linear.gather [hbm4b:s24+s20], $0x3200, $0x38;
	[tilespmem:$0x1A100] =	vst v63  }
0x2de: {  	_ =	swait.ge [sflag:s1], $0x3200  }
0x2df: {  	[sflag:s1] =	ssyncset.done $0x0  }
0x2e0: {  	s26 =	rddreg [dreg:$0xd];
	[sflag:s1] =	ssyncadd.s32 $0xFFFFCE00  }
0x2e1: {  	[tilespmem:s3], [sflag:$0x5] =	stream.linear.gather [hbm4b:s26+s20], $0x3200, $0x38;
	[tilespmem:$0x1A100] =	vst v63  }
0x2e2: {  	_ =	swait.ge [sflag:s1], $0x3200  }
0x2e3: {  	[sflag:s1] =	ssyncset.done $0x0  }
0x2e4: {  	[sflag:s1] =	ssyncadd.s32 $0xFFFFCE00  }
0x2e5: {  	[tilespmem:s5], [sflag:$0x1] =	stream.indirect.gather [hbm4b:s29+s4], $0x1, s2, s4, $0xb8;
	[tilespmem:$0x1A100] =	vst v63  }
0x2e6: {  	_ = 	snop  }
0x2e7: {  	[tilespmem:s6], [sflag:$0x3] =	stream.indirect.gather [hbm4b:s30+s4], $0x1, s3, s4, $0xb8;
	[tilespmem:$0x1A100] =	vst v63  }
0x2e8: {  	_ =	swait.ge [sflag:s17], $0x3200  }
0x2e9: {  	[sflag:s17] =	ssyncset.done $0x0  }
0x2ea: {  	[sflag:s17] =	ssyncadd.s32 $0xFFFFCE00  }
0x2eb: {  	_ =	swait.ge [sflag:s18], $0x3200  }
0x2ec: {  	[sflag:s18] =	ssyncset.done $0x0  }
0x2ed: {  	s21 =	simm.s32 $0x0;
	[sflag:s18] =	ssyncadd.s32 $0xFFFFCE00  }
0x2ee: {  	v3 =	vld [tilespmem:s21+$0x16250]  }
0x2ef: {  	v4 =	vld [tilespmem:s21+$0xFE50]  }
0x2f0: {  	v5 =	vld [tilespmem:s21+$0x16320]  }
0x2f1: {  	v6 =	vld [tilespmem:s21+$0x16240]  }
0x2f2: {  	v7 =	vld [tilespmem:s21+$0xFF20]  }
0x2f3: {  	v8 =	vld [tilespmem:s21+$0x16310]  }
0x2f4: {  	v10 =	vld [tilespmem:s21+$0xFF10]  }
0x2f5: {  	v11 =	vld [tilespmem:s21+$0x16230]  }
0x2f6: {  	v9 =	vld [tilespmem:s21+$0xFE40]  }
0x2f7: {  	v13 =	vld [tilespmem:s21+$0xFF00]  }
0x2f8: {  	v12 =	vld [tilespmem:s21+$0x16300]  }
0x2f9: {  	s22 =	simm.s32 $0x19410;
	s24 =	simm.s32 $0x640;
	s20 =	simm.s32 $0x19410;
	v14 =	vld [tilespmem:s21+$0x162F0]  }
.LBB2_10:
0x2fa: {  	p0 =	sne.s32 s24, $0xC1C0  }
0x2fb: {  	v15 =	vld [tilespmem:s21+$0xFE30];
	s22 =	sadd.s32 $0x20, s22;
	s26 =	smov.u32 s24;
	s24 =	sadd.s32 $0x640, s24  }
0x2fc: {  	v16 =	vld [tilespmem:s21+$0xFEF0]  }
0x2fd: {  	v17 =	vld [tilespmem:s21+$0x16210]  }
0x2fe: {  	v18 =	vld [tilespmem:s21+$0x16220]  }
0x2ff: {  	v19 =	vld [tilespmem:s21+$0xFE20]  }
0x300: {  	v20 =	vld [tilespmem:s21+$0xFEE0]  }
0x301: {  	v21 =	vld [tilespmem:s21+$0x162E0]  }
0x302: {  	v22 =	vld [tilespmem:s21+$0xFE10]  }
0x303: {  	v23 =	vld [tilespmem:s21+$0x16200]  }
0x304: {  	v24 =	vld [tilespmem:s21+$0xFE00]  }
0x305: {  	v25 =	vld [tilespmem:s21+$0x162D0]  }
0x306: {  	v26 =	vld [tilespmem:s21+$0xFED0]  }
0x307: {  	v27 =	vld [tilespmem:s21+$0xFEC0]  }
0x308: {  	v28 =	vld [tilespmem:s21+$0x162C0]  }
0x309: {  	v29 =	vld [tilespmem:s21+$0x16370]  }
0x30a: {  	v30 =	vld [tilespmem:s21+$0xFEB0]  }
0x30b: {  	v31 =	vld [tilespmem:s21+$0xFF80]  }
0x30c: {  	v32 =	vnsel vm0, $0x0, v27;
	v27 =	vsel vm0, $0x0, v27;
	v33 =	vld [tilespmem:s21+$0xFF30]  }
0x30d: {  	v34 =	vld [tilespmem:s21+$0xFE60];
	v35 =	vnsel vm0, $0x0, v28;
	v28 =	vsel vm0, $0x0, v28;
	v26 =	vadd.f32 v26, v27  }
0x30e: {  	v24 =	vadd.f32 v24, v32;
	v27 =	vld [tilespmem:s21+$0x16260];
	v25 =	vadd.f32 v25, v28  }
0x30f: {  	v23 =	vadd.f32 v23, v35;
	v28 =	vld [tilespmem:s21+$0xFE70];
	v20 =	vadd.f32 v20, v26  }
0x310: {  	v22 =	vadd.f32 v22, v24;
	v26 =	vld [tilespmem:s21+$0x16270];
	v21 =	vadd.f32 v21, v25  }
0x311: {  	v17 =	vadd.f32 v17, v23;
	v24 =	vld [tilespmem:s21+$0x16330];
	v16 =	vadd.f32 v16, v20  }
0x312: {  	v19 =	vadd.f32 v19, v22;
	v20 =	vld [tilespmem:s21+$0xFF40];
	v14 =	vadd.f32 v14, v21  }
0x313: {  	v17 =	vadd.f32 v18, v17;
	v21 =	vld [tilespmem:s21+$0xFE80];
	v13 =	vadd.f32 v13, v16  }
0x314: {  	v16 =	vld [tilespmem:s21+$0x16280];
	v12 =	vadd.f32 v12, v14;
	v14 =	vadd.f32 v15, v19  }
0x315: {  	s26 =	sshra.s32 s26, $0x2;
	v11 =	vadd.f32 v11, v17;
	v15 =	vld [tilespmem:s21+$0x16340];
	v10 =	vadd.f32 v10, v13  }
0x316: {  	v13 =	vld [tilespmem:s21+$0xFF50];
	v8 =	vadd.f32 v8, v12;
	v9 =	vadd.f32 v9, v14  }
0x317: {  	v6 =	vadd.f32 v6, v11;
	v12 =	vld [tilespmem:s21+$0xFE90];
	v7 =	vadd.f32 v7, v10  }
0x318: {  	v10 =	vld [tilespmem:s21+$0x16290];
	v5 =	vadd.f32 v5, v8;
	v4 =	vadd.f32 v4, v9  }
0x319: {  	v3 =	vadd.f32 v3, v6;
	v8 =	vld [tilespmem:s21+$0x16350];
	v6 =	vadd.f32 v33, v7  }
0x31a: {  	v7 =	vld [tilespmem:s21+$0xFF60];
	v5 =	vadd.f32 v24, v5;
	v4 =	vadd.f32 v34, v4  }
0x31b: {  	v3 =	vadd.f32 v27, v3;
	v9 =	vld [tilespmem:s21+$0x16360];
	v6 =	vadd.f32 v20, v6  }
0x31c: {  	v11 =	vld [tilespmem:s21+$0xFF70];
	v5 =	vadd.f32 v15, v5;
	v4 =	vadd.f32 v28, v4  }
0x31d: {  	v3 =	vadd.f32 v26, v3;
	v14 =	vld [tilespmem:s21+$0xFEA0];
	v6 =	vadd.f32 v13, v6  }
0x31e: {  	v13 =	vld [tilespmem:s21+$0x162A0];
	v5 =	vadd.f32 v8, v5;
	v4 =	vadd.f32 v21, v4  }
0x31f: {  	v3 =	vadd.f32 v16, v3;
	v8 =	vld [tilespmem:s21+$0x16380];
	v6 =	vadd.f32 v7, v6  }
0x320: {  	v7 =	vld [tilespmem:s21+$0x162B0];
	v5 =	vadd.f32 v9, v5;
	v4 =	vadd.f32 v12, v4;
	s21 =	smov.u32 s26  }
0x321: {  	v3 =	vadd.f32 v10, v3;
	v6 =	vadd.f32 v11, v6  }
0x322: {  	v5 =	vadd.f32 v29, v5;
	v4 =	vadd.f32 v14, v4  }
0x323: {  	v3 =	vadd.f32 v13, v3;
	v6 =	vadd.f32 v31, v6  }
0x324: {  	v5 =	vadd.f32 v8, v5;
	v4 =	vadd.f32 v30, v4  }
0x325: {  	v3 =	vadd.f32 v7, v3  }
0x326: {  	v5 =	vadd.f32 v5, v6  }
0x327: {  	v3 =	vadd.f32 v3, v4  }
0x328: {  	[tilespmem:s20+$0x0] =	vst v5  }
0x329: {  	[tilespmem:s20+$0xFFFFFFF0] =	vst v3;
	s20 =	smov.u32 s22  }
0x32a: {  	v3 =	vld [tilespmem:s21+$0x16250]  }
0x32b: {  	v4 =	vld [tilespmem:s21+$0xFE50]  }
0x32c: {  	v5 =	vld [tilespmem:s21+$0x16320]  }
0x32d: {  	v6 =	vld [tilespmem:s21+$0x16240]  }
0x32e: {  	v7 =	vld [tilespmem:s21+$0xFF20]  }
0x32f: {  	v8 =	vld [tilespmem:s21+$0x16310]  }
0x330: {  	v10 =	vld [tilespmem:s21+$0xFF10]  }
.Ltmp4:
0x331: {  	v11 =	vld [tilespmem:s21+$0x16230];
	(pc) =	sbr.rel @p0 .LBB2_10-.Ltmp4, $4  }
0x332: {  	v9 =	vld [tilespmem:s21+$0xFE40]  }
0x333: {  	v13 =	vld [tilespmem:s21+$0xFF00]  }
0x334: {  	v12 =	vld [tilespmem:s21+$0x16300]  }
0x335: {  	v14 =	vld [tilespmem:s21+$0x162F0]  }
0x336: {  	v15 =	vld [tilespmem:s21+$0xFE30]  }
0x337: {  	v16 =	vld [tilespmem:s21+$0xFEF0]  }
0x338: {  	v17 =	vld [tilespmem:s21+$0x16210]  }
0x339: {  	v18 =	vld [tilespmem:s21+$0x16220]  }
0x33a: {  	v19 =	vld [tilespmem:s21+$0xFE20]  }
0x33b: {  	v20 =	vld [tilespmem:s21+$0xFEE0]  }
0x33c: {  	v21 =	vld [tilespmem:s21+$0x162E0]  }
0x33d: {  	v22 =	vld [tilespmem:s21+$0xFE10]  }
0x33e: {  	v23 =	vld [tilespmem:s21+$0x16200]  }
0x33f: {  	v24 =	vld [tilespmem:s21+$0xFE00]  }
0x340: {  	v25 =	vld [tilespmem:s21+$0x162D0]  }
0x341: {  	v26 =	vld [tilespmem:s21+$0xFED0]  }
0x342: {  	v27 =	vld [tilespmem:s21+$0xFEC0]  }
0x343: {  	v28 =	vld [tilespmem:s21+$0x162C0]  }
0x344: {  	v29 =	vld [tilespmem:s21+$0x16370]  }
0x345: {  	v30 =	vld [tilespmem:s21+$0xFEB0]  }
0x346: {  	v31 =	vld [tilespmem:s21+$0xFF80]  }
0x347: {  	v32 =	vld [tilespmem:s21+$0xFF30]  }
0x348: {  	v34 =	vld [tilespmem:s21+$0xFE60];
	v33 =	vnsel vm0, $0x0, v27;
	v27 =	vsel vm0, $0x0, v27;
	v35 =	vsel vm0, $0x0, v28  }
0x349: {  	v54 =	vld [tilespmem:s21+$0x16260];
	v28 =	vnsel vm0, $0x0, v28;
	v26 =	vadd.f32 v26, v27;
	v25 =	vadd.f32 v25, v35  }
0x34a: {  	v55 =	vld [tilespmem:s21+$0xFE70];
	v24 =	vadd.f32 v24, v33;
	v23 =	vadd.f32 v23, v28  }
0x34b: {  	v56 =	vld [tilespmem:s21+$0x16270];
	v20 =	vadd.f32 v20, v26;
	v21 =	vadd.f32 v21, v25  }
0x34c: {  	v57 =	vld [tilespmem:s21+$0x16330];
	v22 =	vadd.f32 v22, v24;
	v17 =	vadd.f32 v17, v23  }
0x34d: {  	v58 =	vld [tilespmem:s21+$0xFF40];
	v16 =	vadd.f32 v16, v20;
	v14 =	vadd.f32 v14, v21  }
0x34e: {  	v59 =	vld [tilespmem:s21+$0xFE80];
	v19 =	vadd.f32 v19, v22;
	v17 =	vadd.f32 v18, v17  }
0x34f: {  	v60 =	vld [tilespmem:s21+$0x16280];
	v13 =	vadd.f32 v13, v16;
	v12 =	vadd.f32 v12, v14  }
0x350: {  	v14 =	vadd.f32 v15, v19;
	v15 =	vld [tilespmem:s21+$0x16340];
	v11 =	vadd.f32 v11, v17  }
0x351: {  	v10 =	vadd.f32 v10, v13;
	v13 =	vld [tilespmem:s21+$0xFF50];
	v8 =	vadd.f32 v8, v12  }
0x352: {  	v9 =	vadd.f32 v9, v14;
	v12 =	vld [tilespmem:s21+$0xFE90];
	v6 =	vadd.f32 v6, v11  }
0x353: {  	v11 =	vld [tilespmem:s21+$0xFF70];
	v7 =	vadd.f32 v7, v10;
	v5 =	vadd.f32 v5, v8  }
0x354: {  	v4 =	vadd.f32 v4, v9;
	v8 =	vld [tilespmem:s21+$0x16350];
	v3 =	vadd.f32 v3, v6  }
0x355: {  	v9 =	vld [tilespmem:s21+$0x16360];
	v6 =	vadd.f32 v32, v7;
	v5 =	vadd.f32 v57, v5  }
0x356: {  	v7 =	vld [tilespmem:s21+$0xFF60];
	v4 =	vadd.f32 v34, v4;
	v3 =	vadd.f32 v54, v3  }
0x357: {  	v10 =	vld [tilespmem:s21+$0x16290];
	v6 =	vadd.f32 v58, v6;
	v5 =	vadd.f32 v15, v5  }
0x358: {  	v14 =	vld [tilespmem:s21+$0xFEA0];
	v4 =	vadd.f32 v55, v4;
	v3 =	vadd.f32 v56, v3  }
0x359: {  	v6 =	vadd.f32 v13, v6;
	v13 =	vld [tilespmem:s21+$0x162A0];
	v5 =	vadd.f32 v8, v5  }
0x35a: {  	v4 =	vadd.f32 v59, v4;
	v8 =	vld [tilespmem:s21+$0x16380];
	v3 =	vadd.f32 v60, v3  }
0x35b: {  	v6 =	vadd.f32 v7, v6;
	v7 =	vld [tilespmem:s21+$0x162B0];
	v5 =	vadd.f32 v9, v5  }
0x35c: {  	v4 =	vadd.f32 v12, v4;
	v3 =	vadd.f32 v10, v3  }
0x35d: {  	v6 =	vadd.f32 v11, v6;
	v5 =	vadd.f32 v29, v5  }
0x35e: {  	v4 =	vadd.f32 v14, v4;
	v3 =	vadd.f32 v13, v3  }
0x35f: {  	v6 =	vadd.f32 v31, v6;
	v5 =	vadd.f32 v8, v5  }
0x360: {  	v4 =	vadd.f32 v30, v4;
	v3 =	vadd.f32 v7, v3  }
0x361: {  	v5 =	vadd.f32 v5, v6  }
0x362: {  	v3 =	vadd.f32 v3, v4  }
0x363: {  	[tilespmem:s20+$0x0] =	vst v5  }
0x364: {  	[tilespmem:s20+$0xFFFFFFF0] =	vst v3  }
0x365: {  	[spmem:s0] =	stream.linear.scatter [tilespmem:s13], [sflag:$0x5], $0x400, $0x38;
	[tilespmem:$0x1A100] =	vst v63  }
0x366: {  	_ =	swait.ge [sflag:s1], $0x400  }
0x367: {  	[sflag:s1] =	ssyncset.done $0x0  }
0x368: {  	s20 =	simm.s32 $0x0;
	[sflag:s1] =	ssyncadd.s32 $0xFFFFFC00  }
0x369: {  	[tilespmem:s14], [sflag:$0x5] =	stream.indirect.gather [spmem:s25], $0x1, s20, s2, $0xb8;
	[tilespmem:$0x1A100] =	vst v63  }
0x36a: {  	_ =	swait.ge [sflag:s1], $0x400  }
0x36b: {  	[sflag:s1] =	ssyncset.done $0x0  }
0x36c: {  	[sflag:s1] =	ssyncadd.s32 $0xFFFFFC00  }
0x36d: {  	v3 =	vld [tilespmem:$0x19800]  }
0x36e: {  	v4 =	vld [tilespmem:$0x19840]  }
0x36f: {  	v5 =	vld [tilespmem:$0x19880]  }
0x370: {  	v6 =	vld [tilespmem:$0x198C0]  }
0x371: {  	v7 =	vld [tilespmem:$0x19900]  }
0x372: {  	v8 =	vld [tilespmem:$0x19940]  }
0x373: {  	v9 =	vld [tilespmem:$0x19980]  }
0x374: {  	v10 =	vld [tilespmem:$0x199C0]  }
0x375: {  	v11 =	vld [tilespmem:$0x19A00]  }
0x376: {  	v12 =	vld [tilespmem:$0x19A40]  }
0x377: {  	v13 =	vld [tilespmem:$0x19A80]  }
0x378: {  	v14 =	vld [tilespmem:$0x19AC0]  }
0x379: {  	v15 =	vld [tilespmem:$0x19B00]  }
0x37a: {  	v16 =	vld [tilespmem:$0x19B40]  }
0x37b: {  	v17 =	vld [tilespmem:$0x19B80]  }
0x37c: {  	v18 =	vld [tilespmem:$0x19BC0]  }
0x37d: {  	v61 =	vld [tilespmem:$0x19810]  }
0x37e: {  	v62 =	vld [tilespmem:$0x19850]  }
0x37f: {  	v63 =	vld [tilespmem:$0x19890]  }
0x380: {  	v42 =	vld [tilespmem:$0x198D0]  }
0x381: {  	v43 =	vld [tilespmem:$0x19910]  }
0x382: {  	v44 =	vld [tilespmem:$0x19950]  }
0x383: {  	v45 =	vld [tilespmem:$0x19990]  }
0x384: {  	v46 =	vld [tilespmem:$0x199D0]  }
0x385: {  	v47 =	vld [tilespmem:$0x19A10]  }
0x386: {  	v48 =	vld [tilespmem:$0x19A50]  }
0x387: {  	v49 =	vld [tilespmem:$0x19A90]  }
0x388: {  	v50 =	vld [tilespmem:$0x19AD0]  }
0x389: {  	v51 =	vld [tilespmem:$0x19B10]  }
0x38a: {  	v52 =	vld [tilespmem:$0x19B50]  }
0x38b: {  	v53 =	vld [tilespmem:$0x19B90]  }
0x38c: {  	v54 =	vld [tilespmem:$0x19BD0]  }
0x38d: {  	v55 =	vld [tilespmem:$0x19820]  }
0x38e: {  	v36 =	vld [tilespmem:$0x19860]  }
0x38f: {  	v37 =	vld [tilespmem:$0x19830]  }
0x390: {  	v38 =	vld [tilespmem:$0x19870]  }
0x391: {  	v39 =	vld [tilespmem:$0x198A0]  }
0x392: {  	v3 =	vadd.f32 v4, v3;
	v4 =	vld [tilespmem:$0x198B0]  }
0x393: {  	v56 =	vld [tilespmem:$0x198E0];
	v19 =	vadd.f32 v62, v61  }
0x394: {  	v57 =	vld [tilespmem:$0x198F0];
	v3 =	vadd.f32 v5, v3;
	v5 =	vadd.f32 v36, v55  }
0x395: {  	v59 =	vld [tilespmem:$0x19920];
	v58 =	vadd.f32 v38, v37;
	v19 =	vadd.f32 v63, v19  }
0x396: {  	v3 =	vadd.f32 v6, v3;
	v5 =	vadd.f32 v39, v5;
	v6 =	vld [tilespmem:$0x19930]  }
0x397: {  	v60 =	vld [tilespmem:$0x19960];
	v19 =	vadd.f32 v42, v19;
	v4 =	vadd.f32 v4, v58  }
0x398: {  	v3 =	vadd.f32 v7, v3;
	v5 =	vadd.f32 v56, v5;
	v7 =	vld [tilespmem:$0x19970]  }
0x399: {  	v61 =	vld [tilespmem:$0x199A0];
	v19 =	vadd.f32 v43, v19;
	v4 =	vadd.f32 v57, v4  }
0x39a: {  	v3 =	vadd.f32 v8, v3;
	v5 =	vadd.f32 v59, v5;
	v8 =	vld [tilespmem:$0x199B0]  }
0x39b: {  	v62 =	vld [tilespmem:$0x199E0];
	v19 =	vadd.f32 v44, v19;
	v4 =	vadd.f32 v6, v4  }
0x39c: {  	v6 =	vld [tilespmem:$0x199F0];
	v3 =	vadd.f32 v9, v3;
	v5 =	vadd.f32 v60, v5  }
0x39d: {  	v63 =	vld [tilespmem:$0x19A20];
	v9 =	vadd.f32 v45, v19;
	v4 =	vadd.f32 v7, v4  }
0x39e: {  	v7 =	vld [tilespmem:$0x19A30];
	v3 =	vadd.f32 v10, v3;
	v5 =	vadd.f32 v61, v5  }
0x39f: {  	v9 =	vadd.f32 v46, v9;
	v10 =	vld [tilespmem:$0x19A60];
	v4 =	vadd.f32 v8, v4  }
0x3a0: {  	v8 =	vld [tilespmem:$0x19A70];
	v3 =	vadd.f32 v11, v3;
	v5 =	vadd.f32 v62, v5  }
0x3a1: {  	v9 =	vadd.f32 v47, v9;
	v11 =	vld [tilespmem:$0x19AA0];
	v4 =	vadd.f32 v6, v4  }
0x3a2: {  	v6 =	vld [tilespmem:$0x19AB0];
	v3 =	vadd.f32 v12, v3;
	v5 =	vadd.f32 v63, v5  }
0x3a3: {  	v9 =	vadd.f32 v48, v9;
	v12 =	vld [tilespmem:$0x19AE0];
	v4 =	vadd.f32 v7, v4  }
0x3a4: {  	v7 =	vld [tilespmem:$0x19AF0];
	v3 =	vadd.f32 v13, v3;
	v5 =	vadd.f32 v10, v5  }
0x3a5: {  	v9 =	vadd.f32 v49, v9;
	v10 =	vld [tilespmem:$0x19B20];
	v4 =	vadd.f32 v8, v4  }
0x3a6: {  	v8 =	vld [tilespmem:$0x19B30];
	v3 =	vadd.f32 v14, v3;
	v5 =	vadd.f32 v11, v5  }
0x3a7: {  	v9 =	vadd.f32 v50, v9;
	v11 =	vld [tilespmem:$0x19B60];
	v4 =	vadd.f32 v6, v4  }
0x3a8: {  	v6 =	vld [tilespmem:$0x19B70];
	v3 =	vadd.f32 v15, v3;
	v5 =	vadd.f32 v12, v5  }
0x3a9: {  	v9 =	vadd.f32 v51, v9;
	v12 =	vld [tilespmem:$0x19BA0];
	v4 =	vadd.f32 v7, v4  }
0x3aa: {  	v7 =	vld [tilespmem:$0x19BB0];
	v3 =	vadd.f32 v16, v3;
	v5 =	vadd.f32 v10, v5  }
0x3ab: {  	v9 =	vadd.f32 v52, v9;
	v10 =	vld [tilespmem:$0x19BE0];
	v4 =	vadd.f32 v8, v4  }
0x3ac: {  	v8 =	vld [tilespmem:$0x19BF0];
	v3 =	vadd.f32 v17, v3;
	v5 =	vadd.f32 v11, v5  }
0x3ad: {  	v9 =	vadd.f32 v53, v9;
	v4 =	vadd.f32 v6, v4  }
0x3ae: {  	v3 =	vadd.f32 v18, v3;
	v5 =	vadd.f32 v12, v5  }
0x3af: {  	v6 =	vadd.f32 v54, v9;
	v4 =	vadd.f32 v7, v4  }
0x3b0: {  	v3 =	vmul.f32 $4.999999890e-03, v3;
	v5 =	vadd.f32 v10, v5  }
0x3b1: {  	v6 =	vmul.f32 $4.999999890e-03, v6;
	v4 =	vadd.f32 v8, v4  }
0x3b2: {  	v3 =	vadd.f32 v3, v2;
	v5 =	vmul.f32 $4.999999890e-03, v5  }
0x3b3: {  	v6 =	vadd.f32 v6, v2;
	v4 =	vmul.f32 $4.999999890e-03, v4  }
0x3b4: {  	[tilespmem:$0x19C00] =	vst v3;
	v3 =	vadd.f32 v5, v2  }
0x3b5: {  	[tilespmem:$0x19C10] =	vst v6;
	v4 =	vadd.f32 v4, v2  }
0x3b6: {  	[tilespmem:$0x19C20] =	vst v3  }
0x3b7: {  	s22 =	rddreg [dreg:$0x17];
	[tilespmem:$0x19C30] =	vst v4  }
0x3b8: {  	[hbm4b:s22+s20] =	stream.linear.scatter [tilespmem:s16], [sflag:$0x5], $0x40, $0x38;
	[tilespmem:$0x1A100] =	vst v63  }
0x3b9: {  	_ =	swait.ge [sflag:s1], $0x40  }
0x3ba: {  	[sflag:s1] =	ssyncset.done $0x0  }
0x3bb: {  	s24 =	rddreg [dreg:$0xe];
	[sflag:s1] =	ssyncadd.s32 $0xFFFFFFC0  }
0x3bc: {  	[tilespmem:s7], [sflag:$0x5] =	stream.linear.gather [hbm4b:s24+s20], $0x3200, $0x38;
	[tilespmem:$0x1A100] =	vst v63  }
0x3bd: {  	_ =	swait.ge [sflag:s1], $0x3200  }
0x3be: {  	[sflag:s1] =	ssyncset.done $0x0  }
0x3bf: {  	s26 =	rddreg [dreg:$0xf];
	[sflag:s1] =	ssyncadd.s32 $0xFFFFCE00  }
0x3c0: {  	[tilespmem:s8], [sflag:$0x5] =	stream.linear.gather [hbm4b:s26+s20], $0x3200, $0x38;
	[tilespmem:$0x1A100] =	vst v63  }
0x3c1: {  	_ =	swait.ge [sflag:s1], $0x3200  }
0x3c2: {  	[sflag:s1] =	ssyncset.done $0x0  }
0x3c3: {  	[sflag:s1] =	ssyncadd.s32 $0xFFFFCE00  }
0x3c4: {  	[tilespmem:s9], [sflag:$0x2] =	stream.indirect.gather [hbm4b:s29+s4], $0x1, s7, s4, $0xb8;
	[tilespmem:$0x1A100] =	vst v63  }
0x3c5: {  	_ = 	snop  }
0x3c6: {  	[tilespmem:s10], [sflag:$0x4] =	stream.indirect.gather [hbm4b:s30+s4], $0x1, s8, s4, $0xb8;
	[tilespmem:$0x1A100] =	vst v63  }
0x3c7: {  	_ =	swait.ge [sflag:s11], $0x3200  }
0x3c8: {  	[sflag:s11] =	ssyncset.done $0x0  }
0x3c9: {  	[sflag:s11] =	ssyncadd.s32 $0xFFFFCE00  }
0x3ca: {  	_ =	swait.ge [sflag:s12], $0x3200  }
0x3cb: {  	[sflag:s12] =	ssyncset.done $0x0  }
0x3cc: {  	s21 =	simm.s32 $0x0;
	[sflag:s12] =	ssyncadd.s32 $0xFFFFCE00  }
0x3cd: {  	v3 =	vld [tilespmem:s21+$0x13050]  }
0x3ce: {  	v4 =	vld [tilespmem:s21+$0xCC50]  }
0x3cf: {  	v5 =	vld [tilespmem:s21+$0x13120]  }
0x3d0: {  	v6 =	vld [tilespmem:s21+$0x13040]  }
0x3d1: {  	v7 =	vld [tilespmem:s21+$0xCD20]  }
0x3d2: {  	v8 =	vld [tilespmem:s21+$0x13110]  }
0x3d3: {  	v10 =	vld [tilespmem:s21+$0xCD10]  }
0x3d4: {  	v11 =	vld [tilespmem:s21+$0x13030]  }
0x3d5: {  	v9 =	vld [tilespmem:s21+$0xCC40]  }
0x3d6: {  	v13 =	vld [tilespmem:s21+$0xCD00]  }
0x3d7: {  	v12 =	vld [tilespmem:s21+$0x13100]  }
0x3d8: {  	s22 =	simm.s32 $0x19410;
	s24 =	simm.s32 $0x640;
	s20 =	simm.s32 $0x19410;
	v14 =	vld [tilespmem:s21+$0x130F0]  }
.LBB2_12:
0x3d9: {  	p0 =	sne.s32 s24, $0xC1C0  }
0x3da: {  	v15 =	vld [tilespmem:s21+$0xCC30];
	s22 =	sadd.s32 $0x20, s22;
	s26 =	smov.u32 s24;
	s24 =	sadd.s32 $0x640, s24  }
0x3db: {  	v16 =	vld [tilespmem:s21+$0xCCF0]  }
0x3dc: {  	v17 =	vld [tilespmem:s21+$0x13010]  }
0x3dd: {  	v18 =	vld [tilespmem:s21+$0x13020]  }
0x3de: {  	v19 =	vld [tilespmem:s21+$0xCC20]  }
0x3df: {  	v20 =	vld [tilespmem:s21+$0xCCE0]  }
0x3e0: {  	v21 =	vld [tilespmem:s21+$0x130E0]  }
0x3e1: {  	v22 =	vld [tilespmem:s21+$0xCC10]  }
0x3e2: {  	v23 =	vld [tilespmem:s21+$0x13000]  }
0x3e3: {  	v24 =	vld [tilespmem:s21+$0xCC00]  }
0x3e4: {  	v25 =	vld [tilespmem:s21+$0x130D0]  }
0x3e5: {  	v26 =	vld [tilespmem:s21+$0xCCD0]  }
0x3e6: {  	v27 =	vld [tilespmem:s21+$0xCCC0]  }
0x3e7: {  	v28 =	vld [tilespmem:s21+$0x130C0]  }
0x3e8: {  	v29 =	vld [tilespmem:s21+$0x13170]  }
0x3e9: {  	v30 =	vld [tilespmem:s21+$0xCCB0]  }
0x3ea: {  	v31 =	vld [tilespmem:s21+$0xCD80]  }
0x3eb: {  	v32 =	vnsel vm0, $0x0, v27;
	v27 =	vsel vm0, $0x0, v27;
	v33 =	vld [tilespmem:s21+$0xCD30]  }
0x3ec: {  	v34 =	vld [tilespmem:s21+$0xCC60];
	v35 =	vnsel vm0, $0x0, v28;
	v28 =	vsel vm0, $0x0, v28;
	v26 =	vadd.f32 v26, v27  }
0x3ed: {  	v24 =	vadd.f32 v24, v32;
	v27 =	vld [tilespmem:s21+$0x13060];
	v25 =	vadd.f32 v25, v28  }
0x3ee: {  	v23 =	vadd.f32 v23, v35;
	v28 =	vld [tilespmem:s21+$0xCC70];
	v20 =	vadd.f32 v20, v26  }
0x3ef: {  	v22 =	vadd.f32 v22, v24;
	v26 =	vld [tilespmem:s21+$0x13070];
	v21 =	vadd.f32 v21, v25  }
0x3f0: {  	v17 =	vadd.f32 v17, v23;
	v24 =	vld [tilespmem:s21+$0x13130];
	v16 =	vadd.f32 v16, v20  }
0x3f1: {  	v19 =	vadd.f32 v19, v22;
	v20 =	vld [tilespmem:s21+$0xCD40];
	v14 =	vadd.f32 v14, v21  }
0x3f2: {  	v17 =	vadd.f32 v18, v17;
	v21 =	vld [tilespmem:s21+$0xCC80];
	v13 =	vadd.f32 v13, v16  }
0x3f3: {  	v16 =	vld [tilespmem:s21+$0x13080];
	v12 =	vadd.f32 v12, v14;
	v14 =	vadd.f32 v15, v19  }
0x3f4: {  	s26 =	sshra.s32 s26, $0x2;
	v11 =	vadd.f32 v11, v17;
	v15 =	vld [tilespmem:s21+$0x13140];
	v10 =	vadd.f32 v10, v13  }
0x3f5: {  	v13 =	vld [tilespmem:s21+$0xCD50];
	v8 =	vadd.f32 v8, v12;
	v9 =	vadd.f32 v9, v14  }
0x3f6: {  	v6 =	vadd.f32 v6, v11;
	v12 =	vld [tilespmem:s21+$0xCC90];
	v7 =	vadd.f32 v7, v10  }
0x3f7: {  	v10 =	vld [tilespmem:s21+$0x13090];
	v5 =	vadd.f32 v5, v8;
	v4 =	vadd.f32 v4, v9  }
0x3f8: {  	v3 =	vadd.f32 v3, v6;
	v8 =	vld [tilespmem:s21+$0x13150];
	v6 =	vadd.f32 v33, v7  }
0x3f9: {  	v7 =	vld [tilespmem:s21+$0xCD60];
	v5 =	vadd.f32 v24, v5;
	v4 =	vadd.f32 v34, v4  }
0x3fa: {  	v3 =	vadd.f32 v27, v3;
	v9 =	vld [tilespmem:s21+$0x13160];
	v6 =	vadd.f32 v20, v6  }
0x3fb: {  	v11 =	vld [tilespmem:s21+$0xCD70];
	v5 =	vadd.f32 v15, v5;
	v4 =	vadd.f32 v28, v4  }
0x3fc: {  	v3 =	vadd.f32 v26, v3;
	v14 =	vld [tilespmem:s21+$0xCCA0];
	v6 =	vadd.f32 v13, v6  }
0x3fd: {  	v13 =	vld [tilespmem:s21+$0x130A0];
	v5 =	vadd.f32 v8, v5;
	v4 =	vadd.f32 v21, v4  }
0x3fe: {  	v3 =	vadd.f32 v16, v3;
	v8 =	vld [tilespmem:s21+$0x13180];
	v6 =	vadd.f32 v7, v6  }
0x3ff: {  	v7 =	vld [tilespmem:s21+$0x130B0];
	v5 =	vadd.f32 v9, v5;
	v4 =	vadd.f32 v12, v4;
	s21 =	smov.u32 s26  }
0x400: {  	v3 =	vadd.f32 v10, v3;
	v6 =	vadd.f32 v11, v6  }
0x401: {  	v5 =	vadd.f32 v29, v5;
	v4 =	vadd.f32 v14, v4  }
0x402: {  	v3 =	vadd.f32 v13, v3;
	v6 =	vadd.f32 v31, v6  }
0x403: {  	v5 =	vadd.f32 v8, v5;
	v4 =	vadd.f32 v30, v4  }
0x404: {  	v3 =	vadd.f32 v7, v3  }
0x405: {  	v5 =	vadd.f32 v5, v6  }
0x406: {  	v3 =	vadd.f32 v3, v4  }
0x407: {  	[tilespmem:s20+$0x0] =	vst v5  }
0x408: {  	[tilespmem:s20+$0xFFFFFFF0] =	vst v3;
	s20 =	smov.u32 s22  }
0x409: {  	v3 =	vld [tilespmem:s21+$0x13050]  }
0x40a: {  	v4 =	vld [tilespmem:s21+$0xCC50]  }
0x40b: {  	v5 =	vld [tilespmem:s21+$0x13120]  }
0x40c: {  	v6 =	vld [tilespmem:s21+$0x13040]  }
0x40d: {  	v7 =	vld [tilespmem:s21+$0xCD20]  }
0x40e: {  	v8 =	vld [tilespmem:s21+$0x13110]  }
0x40f: {  	v10 =	vld [tilespmem:s21+$0xCD10]  }
.Ltmp5:
0x410: {  	v11 =	vld [tilespmem:s21+$0x13030];
	(pc) =	sbr.rel @p0 .LBB2_12-.Ltmp5, $4  }
0x411: {  	v9 =	vld [tilespmem:s21+$0xCC40]  }
0x412: {  	v13 =	vld [tilespmem:s21+$0xCD00]  }
0x413: {  	v12 =	vld [tilespmem:s21+$0x13100]  }
0x414: {  	v14 =	vld [tilespmem:s21+$0x130F0]  }
0x415: {  	v15 =	vld [tilespmem:s21+$0xCC30]  }
0x416: {  	v16 =	vld [tilespmem:s21+$0xCCF0]  }
0x417: {  	v17 =	vld [tilespmem:s21+$0x13010]  }
0x418: {  	v18 =	vld [tilespmem:s21+$0x13020]  }
0x419: {  	v19 =	vld [tilespmem:s21+$0xCC20]  }
0x41a: {  	v20 =	vld [tilespmem:s21+$0xCCE0]  }
0x41b: {  	v21 =	vld [tilespmem:s21+$0x130E0]  }
0x41c: {  	v22 =	vld [tilespmem:s21+$0xCC10]  }
0x41d: {  	v23 =	vld [tilespmem:s21+$0x13000]  }
0x41e: {  	v24 =	vld [tilespmem:s21+$0xCC00]  }
0x41f: {  	v25 =	vld [tilespmem:s21+$0x130D0]  }
0x420: {  	v26 =	vld [tilespmem:s21+$0xCCD0]  }
0x421: {  	v27 =	vld [tilespmem:s21+$0xCCC0]  }
0x422: {  	v28 =	vld [tilespmem:s21+$0x130C0]  }
0x423: {  	v29 =	vld [tilespmem:s21+$0x13170]  }
0x424: {  	v30 =	vld [tilespmem:s21+$0xCCB0]  }
0x425: {  	v31 =	vld [tilespmem:s21+$0xCD80]  }
0x426: {  	v32 =	vld [tilespmem:s21+$0xCD30]  }
0x427: {  	v34 =	vld [tilespmem:s21+$0xCC60];
	v33 =	vnsel vm0, $0x0, v27;
	v27 =	vsel vm0, $0x0, v27;
	v35 =	vsel vm0, $0x0, v28  }
0x428: {  	v54 =	vld [tilespmem:s21+$0x13060];
	v28 =	vnsel vm0, $0x0, v28;
	v26 =	vadd.f32 v26, v27;
	v25 =	vadd.f32 v25, v35  }
0x429: {  	v55 =	vld [tilespmem:s21+$0xCC70];
	v24 =	vadd.f32 v24, v33;
	v23 =	vadd.f32 v23, v28  }
0x42a: {  	v56 =	vld [tilespmem:s21+$0x13070];
	v20 =	vadd.f32 v20, v26;
	v21 =	vadd.f32 v21, v25  }
0x42b: {  	v57 =	vld [tilespmem:s21+$0x13130];
	v22 =	vadd.f32 v22, v24;
	v17 =	vadd.f32 v17, v23  }
0x42c: {  	v58 =	vld [tilespmem:s21+$0xCD40];
	v16 =	vadd.f32 v16, v20;
	v14 =	vadd.f32 v14, v21  }
0x42d: {  	v59 =	vld [tilespmem:s21+$0xCC80];
	v19 =	vadd.f32 v19, v22;
	v17 =	vadd.f32 v18, v17  }
0x42e: {  	v60 =	vld [tilespmem:s21+$0x13080];
	v13 =	vadd.f32 v13, v16;
	v12 =	vadd.f32 v12, v14  }
0x42f: {  	v14 =	vadd.f32 v15, v19;
	v15 =	vld [tilespmem:s21+$0x13140];
	v11 =	vadd.f32 v11, v17  }
0x430: {  	v10 =	vadd.f32 v10, v13;
	v13 =	vld [tilespmem:s21+$0xCD50];
	v8 =	vadd.f32 v8, v12  }
0x431: {  	v9 =	vadd.f32 v9, v14;
	v12 =	vld [tilespmem:s21+$0xCC90];
	v6 =	vadd.f32 v6, v11  }
0x432: {  	v11 =	vld [tilespmem:s21+$0xCD70];
	v7 =	vadd.f32 v7, v10;
	v5 =	vadd.f32 v5, v8  }
0x433: {  	v4 =	vadd.f32 v4, v9;
	v8 =	vld [tilespmem:s21+$0x13150];
	v3 =	vadd.f32 v3, v6  }
0x434: {  	v9 =	vld [tilespmem:s21+$0x13160];
	v6 =	vadd.f32 v32, v7;
	v5 =	vadd.f32 v57, v5  }
0x435: {  	v7 =	vld [tilespmem:s21+$0xCD60];
	v4 =	vadd.f32 v34, v4;
	v3 =	vadd.f32 v54, v3  }
0x436: {  	v10 =	vld [tilespmem:s21+$0x13090];
	v6 =	vadd.f32 v58, v6;
	v5 =	vadd.f32 v15, v5  }
0x437: {  	v14 =	vld [tilespmem:s21+$0xCCA0];
	v4 =	vadd.f32 v55, v4;
	v3 =	vadd.f32 v56, v3  }
0x438: {  	v6 =	vadd.f32 v13, v6;
	v13 =	vld [tilespmem:s21+$0x130A0];
	v5 =	vadd.f32 v8, v5  }
0x439: {  	v4 =	vadd.f32 v59, v4;
	v8 =	vld [tilespmem:s21+$0x13180];
	v3 =	vadd.f32 v60, v3  }
0x43a: {  	v6 =	vadd.f32 v7, v6;
	v7 =	vld [tilespmem:s21+$0x130B0];
	v5 =	vadd.f32 v9, v5  }
0x43b: {  	v4 =	vadd.f32 v12, v4;
	v3 =	vadd.f32 v10, v3  }
0x43c: {  	v6 =	vadd.f32 v11, v6;
	v5 =	vadd.f32 v29, v5  }
0x43d: {  	v4 =	vadd.f32 v14, v4;
	v3 =	vadd.f32 v13, v3  }
0x43e: {  	v6 =	vadd.f32 v31, v6;
	v5 =	vadd.f32 v8, v5  }
0x43f: {  	v4 =	vadd.f32 v30, v4;
	v3 =	vadd.f32 v7, v3  }
0x440: {  	v5 =	vadd.f32 v5, v6  }
0x441: {  	v3 =	vadd.f32 v3, v4  }
0x442: {  	[tilespmem:s20+$0x0] =	vst v5  }
0x443: {  	[tilespmem:s20+$0xFFFFFFF0] =	vst v3  }
0x444: {  	[spmem:s0] =	stream.linear.scatter [tilespmem:s13], [sflag:$0x5], $0x400, $0x38;
	[tilespmem:$0x1A100] =	vst v63  }
0x445: {  	_ =	swait.ge [sflag:s1], $0x400  }
0x446: {  	[sflag:s1] =	ssyncset.done $0x0  }
0x447: {  	s20 =	simm.s32 $0x0;
	[sflag:s1] =	ssyncadd.s32 $0xFFFFFC00  }
0x448: {  	[tilespmem:s14], [sflag:$0x5] =	stream.indirect.gather [spmem:s25], $0x1, s20, s2, $0xb8;
	[tilespmem:$0x1A100] =	vst v63  }
0x449: {  	_ =	swait.ge [sflag:s1], $0x400  }
0x44a: {  	[sflag:s1] =	ssyncset.done $0x0  }
0x44b: {  	[sflag:s1] =	ssyncadd.s32 $0xFFFFFC00  }
0x44c: {  	v3 =	vld [tilespmem:$0x19800]  }
0x44d: {  	v4 =	vld [tilespmem:$0x19840]  }
0x44e: {  	v5 =	vld [tilespmem:$0x19880]  }
0x44f: {  	v6 =	vld [tilespmem:$0x198C0]  }
0x450: {  	v7 =	vld [tilespmem:$0x19900]  }
0x451: {  	v8 =	vld [tilespmem:$0x19940]  }
0x452: {  	v9 =	vld [tilespmem:$0x19980]  }
0x453: {  	v10 =	vld [tilespmem:$0x199C0]  }
0x454: {  	v11 =	vld [tilespmem:$0x19A00]  }
0x455: {  	v12 =	vld [tilespmem:$0x19A40]  }
0x456: {  	v13 =	vld [tilespmem:$0x19A80]  }
0x457: {  	v14 =	vld [tilespmem:$0x19AC0]  }
0x458: {  	v15 =	vld [tilespmem:$0x19B00]  }
0x459: {  	v16 =	vld [tilespmem:$0x19B40]  }
0x45a: {  	v17 =	vld [tilespmem:$0x19B80]  }
0x45b: {  	v18 =	vld [tilespmem:$0x19BC0]  }
0x45c: {  	v61 =	vld [tilespmem:$0x19810]  }
0x45d: {  	v62 =	vld [tilespmem:$0x19850]  }
0x45e: {  	v63 =	vld [tilespmem:$0x19890]  }
0x45f: {  	v42 =	vld [tilespmem:$0x198D0]  }
0x460: {  	v43 =	vld [tilespmem:$0x19910]  }
0x461: {  	v44 =	vld [tilespmem:$0x19950]  }
0x462: {  	v45 =	vld [tilespmem:$0x19990]  }
0x463: {  	v46 =	vld [tilespmem:$0x199D0]  }
0x464: {  	v47 =	vld [tilespmem:$0x19A10]  }
0x465: {  	v48 =	vld [tilespmem:$0x19A50]  }
0x466: {  	v49 =	vld [tilespmem:$0x19A90]  }
0x467: {  	v50 =	vld [tilespmem:$0x19AD0]  }
0x468: {  	v51 =	vld [tilespmem:$0x19B10]  }
0x469: {  	v52 =	vld [tilespmem:$0x19B50]  }
0x46a: {  	v53 =	vld [tilespmem:$0x19B90]  }
0x46b: {  	v54 =	vld [tilespmem:$0x19BD0]  }
0x46c: {  	v55 =	vld [tilespmem:$0x19820]  }
0x46d: {  	v36 =	vld [tilespmem:$0x19860]  }
0x46e: {  	v37 =	vld [tilespmem:$0x19830]  }
0x46f: {  	v38 =	vld [tilespmem:$0x19870]  }
0x470: {  	v39 =	vld [tilespmem:$0x198A0]  }
0x471: {  	v3 =	vadd.f32 v4, v3;
	v4 =	vld [tilespmem:$0x198B0]  }
0x472: {  	v56 =	vld [tilespmem:$0x198E0];
	v19 =	vadd.f32 v62, v61  }
0x473: {  	v57 =	vld [tilespmem:$0x198F0];
	v3 =	vadd.f32 v5, v3;
	v5 =	vadd.f32 v36, v55  }
0x474: {  	v59 =	vld [tilespmem:$0x19920];
	v58 =	vadd.f32 v38, v37;
	v19 =	vadd.f32 v63, v19  }
0x475: {  	v3 =	vadd.f32 v6, v3;
	v5 =	vadd.f32 v39, v5;
	v6 =	vld [tilespmem:$0x19930]  }
0x476: {  	v60 =	vld [tilespmem:$0x19960];
	v19 =	vadd.f32 v42, v19;
	v4 =	vadd.f32 v4, v58  }
0x477: {  	v3 =	vadd.f32 v7, v3;
	v5 =	vadd.f32 v56, v5;
	v7 =	vld [tilespmem:$0x19970]  }
0x478: {  	v61 =	vld [tilespmem:$0x199A0];
	v19 =	vadd.f32 v43, v19;
	v4 =	vadd.f32 v57, v4  }
0x479: {  	v3 =	vadd.f32 v8, v3;
	v5 =	vadd.f32 v59, v5;
	v8 =	vld [tilespmem:$0x199B0]  }
0x47a: {  	v62 =	vld [tilespmem:$0x199E0];
	v19 =	vadd.f32 v44, v19;
	v4 =	vadd.f32 v6, v4  }
0x47b: {  	v6 =	vld [tilespmem:$0x199F0];
	v3 =	vadd.f32 v9, v3;
	v5 =	vadd.f32 v60, v5  }
0x47c: {  	v63 =	vld [tilespmem:$0x19A20];
	v9 =	vadd.f32 v45, v19;
	v4 =	vadd.f32 v7, v4  }
0x47d: {  	v7 =	vld [tilespmem:$0x19A30];
	v3 =	vadd.f32 v10, v3;
	v5 =	vadd.f32 v61, v5  }
0x47e: {  	v9 =	vadd.f32 v46, v9;
	v10 =	vld [tilespmem:$0x19A60];
	v4 =	vadd.f32 v8, v4  }
0x47f: {  	v8 =	vld [tilespmem:$0x19A70];
	v3 =	vadd.f32 v11, v3;
	v5 =	vadd.f32 v62, v5  }
0x480: {  	v9 =	vadd.f32 v47, v9;
	v11 =	vld [tilespmem:$0x19AA0];
	v4 =	vadd.f32 v6, v4  }
0x481: {  	v6 =	vld [tilespmem:$0x19AB0];
	v3 =	vadd.f32 v12, v3;
	v5 =	vadd.f32 v63, v5  }
0x482: {  	v9 =	vadd.f32 v48, v9;
	v12 =	vld [tilespmem:$0x19AE0];
	v4 =	vadd.f32 v7, v4  }
0x483: {  	v7 =	vld [tilespmem:$0x19AF0];
	v3 =	vadd.f32 v13, v3;
	v5 =	vadd.f32 v10, v5  }
0x484: {  	v9 =	vadd.f32 v49, v9;
	v10 =	vld [tilespmem:$0x19B20];
	v4 =	vadd.f32 v8, v4  }
0x485: {  	v8 =	vld [tilespmem:$0x19B30];
	v3 =	vadd.f32 v14, v3;
	v5 =	vadd.f32 v11, v5  }
0x486: {  	v9 =	vadd.f32 v50, v9;
	v11 =	vld [tilespmem:$0x19B60];
	v4 =	vadd.f32 v6, v4  }
0x487: {  	v6 =	vld [tilespmem:$0x19B70];
	v3 =	vadd.f32 v15, v3;
	v5 =	vadd.f32 v12, v5  }
0x488: {  	v9 =	vadd.f32 v51, v9;
	v12 =	vld [tilespmem:$0x19BA0];
	v4 =	vadd.f32 v7, v4  }
0x489: {  	v7 =	vld [tilespmem:$0x19BB0];
	v3 =	vadd.f32 v16, v3;
	v5 =	vadd.f32 v10, v5  }
0x48a: {  	v9 =	vadd.f32 v52, v9;
	v10 =	vld [tilespmem:$0x19BE0];
	v4 =	vadd.f32 v8, v4  }
0x48b: {  	v8 =	vld [tilespmem:$0x19BF0];
	v3 =	vadd.f32 v17, v3;
	v5 =	vadd.f32 v11, v5  }
0x48c: {  	v9 =	vadd.f32 v53, v9;
	v4 =	vadd.f32 v6, v4  }
0x48d: {  	v3 =	vadd.f32 v18, v3;
	v5 =	vadd.f32 v12, v5  }
0x48e: {  	v6 =	vadd.f32 v54, v9;
	v4 =	vadd.f32 v7, v4  }
0x48f: {  	v3 =	vmul.f32 $4.999999890e-03, v3;
	v5 =	vadd.f32 v10, v5  }
0x490: {  	v6 =	vmul.f32 $4.999999890e-03, v6;
	v4 =	vadd.f32 v8, v4  }
0x491: {  	v3 =	vadd.f32 v3, v2;
	v5 =	vmul.f32 $4.999999890e-03, v5  }
0x492: {  	v6 =	vadd.f32 v6, v2;
	v4 =	vmul.f32 $4.999999890e-03, v4  }
0x493: {  	[tilespmem:$0x19C00] =	vst v3;
	v3 =	vadd.f32 v5, v2  }
0x494: {  	[tilespmem:$0x19C10] =	vst v6;
	v4 =	vadd.f32 v4, v2  }
0x495: {  	[tilespmem:$0x19C20] =	vst v3  }
0x496: {  	s22 =	rddreg [dreg:$0x18];
	[tilespmem:$0x19C30] =	vst v4  }
0x497: {  	[hbm4b:s22+s20] =	stream.linear.scatter [tilespmem:s16], [sflag:$0x5], $0x40, $0x38;
	[tilespmem:$0x1A100] =	vst v63  }
0x498: {  	_ =	swait.ge [sflag:s1], $0x40  }
0x499: {  	[sflag:s1] =	ssyncset.done $0x0  }
0x49a: {  	s24 =	rddreg [dreg:$0x10];
	[sflag:s1] =	ssyncadd.s32 $0xFFFFFFC0  }
0x49b: {  	[tilespmem:s2], [sflag:$0x5] =	stream.linear.gather [hbm4b:s24+s20], $0x3200, $0x38;
	[tilespmem:$0x1A100] =	vst v63  }
0x49c: {  	_ =	swait.ge [sflag:s1], $0x3200  }
0x49d: {  	[sflag:s1] =	ssyncset.done $0x0  }
0x49e: {  	s26 =	rddreg [dreg:$0x11];
	[sflag:s1] =	ssyncadd.s32 $0xFFFFCE00  }
0x49f: {  	[tilespmem:s3], [sflag:$0x5] =	stream.linear.gather [hbm4b:s26+s20], $0x3200, $0x38;
	[tilespmem:$0x1A100] =	vst v63  }
0x4a0: {  	_ =	swait.ge [sflag:s1], $0x3200  }
0x4a1: {  	[sflag:s1] =	ssyncset.done $0x0  }
0x4a2: {  	[sflag:s1] =	ssyncadd.s32 $0xFFFFCE00  }
0x4a3: {  	[tilespmem:s5], [sflag:$0x1] =	stream.indirect.gather [hbm4b:s29+s4], $0x1, s2, s4, $0xb8;
	[tilespmem:$0x1A100] =	vst v63  }
0x4a4: {  	_ = 	snop  }
0x4a5: {  	[tilespmem:s6], [sflag:$0x3] =	stream.indirect.gather [hbm4b:s30+s4], $0x1, s3, s4, $0xb8;
	[tilespmem:$0x1A100] =	vst v63  }
0x4a6: {  	_ =	swait.ge [sflag:s17], $0x3200  }
0x4a7: {  	[sflag:s17] =	ssyncset.done $0x0  }
0x4a8: {  	[sflag:s17] =	ssyncadd.s32 $0xFFFFCE00  }
0x4a9: {  	_ =	swait.ge [sflag:s18], $0x3200  }
0x4aa: {  	[sflag:s18] =	ssyncset.done $0x0  }
0x4ab: {  	s21 =	simm.s32 $0x0;
	[sflag:s18] =	ssyncadd.s32 $0xFFFFCE00  }
0x4ac: {  	v3 =	vld [tilespmem:s21+$0x16250]  }
0x4ad: {  	v4 =	vld [tilespmem:s21+$0xFE50]  }
0x4ae: {  	v5 =	vld [tilespmem:s21+$0x16320]  }
0x4af: {  	v6 =	vld [tilespmem:s21+$0x16240]  }
0x4b0: {  	v7 =	vld [tilespmem:s21+$0xFF20]  }
0x4b1: {  	v8 =	vld [tilespmem:s21+$0x16310]  }
0x4b2: {  	v10 =	vld [tilespmem:s21+$0xFF10]  }
0x4b3: {  	v11 =	vld [tilespmem:s21+$0x16230]  }
0x4b4: {  	v9 =	vld [tilespmem:s21+$0xFE40]  }
0x4b5: {  	v13 =	vld [tilespmem:s21+$0xFF00]  }
0x4b6: {  	v12 =	vld [tilespmem:s21+$0x16300]  }
0x4b7: {  	s22 =	simm.s32 $0x19410;
	s24 =	simm.s32 $0x640;
	s20 =	simm.s32 $0x19410;
	v14 =	vld [tilespmem:s21+$0x162F0]  }
.LBB2_14:
0x4b8: {  	p0 =	sne.s32 s24, $0xC1C0  }
0x4b9: {  	v15 =	vld [tilespmem:s21+$0xFE30];
	s22 =	sadd.s32 $0x20, s22;
	s26 =	smov.u32 s24;
	s24 =	sadd.s32 $0x640, s24  }
0x4ba: {  	v16 =	vld [tilespmem:s21+$0xFEF0]  }
0x4bb: {  	v17 =	vld [tilespmem:s21+$0x16210]  }
0x4bc: {  	v18 =	vld [tilespmem:s21+$0x16220]  }
0x4bd: {  	v19 =	vld [tilespmem:s21+$0xFE20]  }
0x4be: {  	v20 =	vld [tilespmem:s21+$0xFEE0]  }
0x4bf: {  	v21 =	vld [tilespmem:s21+$0x162E0]  }
0x4c0: {  	v22 =	vld [tilespmem:s21+$0xFE10]  }
0x4c1: {  	v23 =	vld [tilespmem:s21+$0x16200]  }
0x4c2: {  	v24 =	vld [tilespmem:s21+$0xFE00]  }
0x4c3: {  	v25 =	vld [tilespmem:s21+$0x162D0]  }
0x4c4: {  	v26 =	vld [tilespmem:s21+$0xFED0]  }
0x4c5: {  	v27 =	vld [tilespmem:s21+$0xFEC0]  }
0x4c6: {  	v28 =	vld [tilespmem:s21+$0x162C0]  }
0x4c7: {  	v29 =	vld [tilespmem:s21+$0x16370]  }
0x4c8: {  	v30 =	vld [tilespmem:s21+$0xFEB0]  }
0x4c9: {  	v31 =	vld [tilespmem:s21+$0xFF80]  }
0x4ca: {  	v32 =	vnsel vm0, $0x0, v27;
	v27 =	vsel vm0, $0x0, v27;
	v33 =	vld [tilespmem:s21+$0xFF30]  }
0x4cb: {  	v34 =	vld [tilespmem:s21+$0xFE60];
	v35 =	vnsel vm0, $0x0, v28;
	v28 =	vsel vm0, $0x0, v28;
	v26 =	vadd.f32 v26, v27  }
0x4cc: {  	v24 =	vadd.f32 v24, v32;
	v27 =	vld [tilespmem:s21+$0x16260];
	v25 =	vadd.f32 v25, v28  }
0x4cd: {  	v23 =	vadd.f32 v23, v35;
	v28 =	vld [tilespmem:s21+$0xFE70];
	v20 =	vadd.f32 v20, v26  }
0x4ce: {  	v22 =	vadd.f32 v22, v24;
	v26 =	vld [tilespmem:s21+$0x16270];
	v21 =	vadd.f32 v21, v25  }
0x4cf: {  	v17 =	vadd.f32 v17, v23;
	v24 =	vld [tilespmem:s21+$0x16330];
	v16 =	vadd.f32 v16, v20  }
0x4d0: {  	v19 =	vadd.f32 v19, v22;
	v20 =	vld [tilespmem:s21+$0xFF40];
	v14 =	vadd.f32 v14, v21  }
0x4d1: {  	v17 =	vadd.f32 v18, v17;
	v21 =	vld [tilespmem:s21+$0xFE80];
	v13 =	vadd.f32 v13, v16  }
0x4d2: {  	v16 =	vld [tilespmem:s21+$0x16280];
	v12 =	vadd.f32 v12, v14;
	v14 =	vadd.f32 v15, v19  }
0x4d3: {  	s26 =	sshra.s32 s26, $0x2;
	v11 =	vadd.f32 v11, v17;
	v15 =	vld [tilespmem:s21+$0x16340];
	v10 =	vadd.f32 v10, v13  }
0x4d4: {  	v13 =	vld [tilespmem:s21+$0xFF50];
	v8 =	vadd.f32 v8, v12;
	v9 =	vadd.f32 v9, v14  }
0x4d5: {  	v6 =	vadd.f32 v6, v11;
	v12 =	vld [tilespmem:s21+$0xFE90];
	v7 =	vadd.f32 v7, v10  }
0x4d6: {  	v10 =	vld [tilespmem:s21+$0x16290];
	v5 =	vadd.f32 v5, v8;
	v4 =	vadd.f32 v4, v9  }
0x4d7: {  	v3 =	vadd.f32 v3, v6;
	v8 =	vld [tilespmem:s21+$0x16350];
	v6 =	vadd.f32 v33, v7  }
0x4d8: {  	v7 =	vld [tilespmem:s21+$0xFF60];
	v5 =	vadd.f32 v24, v5;
	v4 =	vadd.f32 v34, v4  }
0x4d9: {  	v3 =	vadd.f32 v27, v3;
	v9 =	vld [tilespmem:s21+$0x16360];
	v6 =	vadd.f32 v20, v6  }
0x4da: {  	v11 =	vld [tilespmem:s21+$0xFF70];
	v5 =	vadd.f32 v15, v5;
	v4 =	vadd.f32 v28, v4  }
0x4db: {  	v3 =	vadd.f32 v26, v3;
	v14 =	vld [tilespmem:s21+$0xFEA0];
	v6 =	vadd.f32 v13, v6  }
0x4dc: {  	v13 =	vld [tilespmem:s21+$0x162A0];
	v5 =	vadd.f32 v8, v5;
	v4 =	vadd.f32 v21, v4  }
0x4dd: {  	v3 =	vadd.f32 v16, v3;
	v8 =	vld [tilespmem:s21+$0x16380];
	v6 =	vadd.f32 v7, v6  }
0x4de: {  	v7 =	vld [tilespmem:s21+$0x162B0];
	v5 =	vadd.f32 v9, v5;
	v4 =	vadd.f32 v12, v4;
	s21 =	smov.u32 s26  }
0x4df: {  	v3 =	vadd.f32 v10, v3;
	v6 =	vadd.f32 v11, v6  }
0x4e0: {  	v5 =	vadd.f32 v29, v5;
	v4 =	vadd.f32 v14, v4  }
0x4e1: {  	v3 =	vadd.f32 v13, v3;
	v6 =	vadd.f32 v31, v6  }
0x4e2: {  	v5 =	vadd.f32 v8, v5;
	v4 =	vadd.f32 v30, v4  }
0x4e3: {  	v3 =	vadd.f32 v7, v3  }
0x4e4: {  	v5 =	vadd.f32 v5, v6  }
0x4e5: {  	v3 =	vadd.f32 v3, v4  }
0x4e6: {  	[tilespmem:s20+$0x0] =	vst v5  }
0x4e7: {  	[tilespmem:s20+$0xFFFFFFF0] =	vst v3;
	s20 =	smov.u32 s22  }
0x4e8: {  	v3 =	vld [tilespmem:s21+$0x16250]  }
0x4e9: {  	v4 =	vld [tilespmem:s21+$0xFE50]  }
0x4ea: {  	v5 =	vld [tilespmem:s21+$0x16320]  }
0x4eb: {  	v6 =	vld [tilespmem:s21+$0x16240]  }
0x4ec: {  	v7 =	vld [tilespmem:s21+$0xFF20]  }
0x4ed: {  	v8 =	vld [tilespmem:s21+$0x16310]  }
0x4ee: {  	v10 =	vld [tilespmem:s21+$0xFF10]  }
.Ltmp6:
0x4ef: {  	v11 =	vld [tilespmem:s21+$0x16230];
	(pc) =	sbr.rel @p0 .LBB2_14-.Ltmp6, $4  }
0x4f0: {  	v9 =	vld [tilespmem:s21+$0xFE40]  }
0x4f1: {  	v13 =	vld [tilespmem:s21+$0xFF00]  }
0x4f2: {  	v12 =	vld [tilespmem:s21+$0x16300]  }
0x4f3: {  	v14 =	vld [tilespmem:s21+$0x162F0]  }
0x4f4: {  	v15 =	vld [tilespmem:s21+$0xFE30]  }
0x4f5: {  	v16 =	vld [tilespmem:s21+$0xFEF0]  }
0x4f6: {  	v17 =	vld [tilespmem:s21+$0x16210]  }
0x4f7: {  	v18 =	vld [tilespmem:s21+$0x16220]  }
0x4f8: {  	v19 =	vld [tilespmem:s21+$0xFE20]  }
0x4f9: {  	v20 =	vld [tilespmem:s21+$0xFEE0]  }
0x4fa: {  	v21 =	vld [tilespmem:s21+$0x162E0]  }
0x4fb: {  	v22 =	vld [tilespmem:s21+$0xFE10]  }
0x4fc: {  	v23 =	vld [tilespmem:s21+$0x16200]  }
0x4fd: {  	v24 =	vld [tilespmem:s21+$0xFE00]  }
0x4fe: {  	v25 =	vld [tilespmem:s21+$0x162D0]  }
0x4ff: {  	v26 =	vld [tilespmem:s21+$0xFED0]  }
0x500: {  	v27 =	vld [tilespmem:s21+$0xFEC0]  }
0x501: {  	v28 =	vld [tilespmem:s21+$0x162C0]  }
0x502: {  	v29 =	vld [tilespmem:s21+$0x16370]  }
0x503: {  	v30 =	vld [tilespmem:s21+$0xFEB0]  }
0x504: {  	v31 =	vld [tilespmem:s21+$0xFF80]  }
0x505: {  	v32 =	vld [tilespmem:s21+$0xFF30]  }
0x506: {  	v34 =	vld [tilespmem:s21+$0xFE60];
	v33 =	vnsel vm0, $0x0, v27;
	v27 =	vsel vm0, $0x0, v27;
	v35 =	vsel vm0, $0x0, v28  }
0x507: {  	v54 =	vld [tilespmem:s21+$0x16260];
	v28 =	vnsel vm0, $0x0, v28;
	v26 =	vadd.f32 v26, v27;
	v25 =	vadd.f32 v25, v35  }
0x508: {  	v55 =	vld [tilespmem:s21+$0xFE70];
	v24 =	vadd.f32 v24, v33;
	v23 =	vadd.f32 v23, v28  }
0x509: {  	v56 =	vld [tilespmem:s21+$0x16270];
	v20 =	vadd.f32 v20, v26;
	v21 =	vadd.f32 v21, v25  }
0x50a: {  	v57 =	vld [tilespmem:s21+$0x16330];
	v22 =	vadd.f32 v22, v24;
	v17 =	vadd.f32 v17, v23  }
0x50b: {  	v58 =	vld [tilespmem:s21+$0xFF40];
	v16 =	vadd.f32 v16, v20;
	v14 =	vadd.f32 v14, v21  }
0x50c: {  	v59 =	vld [tilespmem:s21+$0xFE80];
	v19 =	vadd.f32 v19, v22;
	v17 =	vadd.f32 v18, v17  }
0x50d: {  	v60 =	vld [tilespmem:s21+$0x16280];
	v13 =	vadd.f32 v13, v16;
	v12 =	vadd.f32 v12, v14  }
0x50e: {  	v14 =	vadd.f32 v15, v19;
	v15 =	vld [tilespmem:s21+$0x16340];
	v11 =	vadd.f32 v11, v17  }
0x50f: {  	v10 =	vadd.f32 v10, v13;
	v13 =	vld [tilespmem:s21+$0xFF50];
	v8 =	vadd.f32 v8, v12  }
0x510: {  	v9 =	vadd.f32 v9, v14;
	v12 =	vld [tilespmem:s21+$0xFE90];
	v6 =	vadd.f32 v6, v11  }
0x511: {  	v11 =	vld [tilespmem:s21+$0xFF70];
	v7 =	vadd.f32 v7, v10;
	v5 =	vadd.f32 v5, v8  }
0x512: {  	v4 =	vadd.f32 v4, v9;
	v8 =	vld [tilespmem:s21+$0x16350];
	v3 =	vadd.f32 v3, v6  }
0x513: {  	v9 =	vld [tilespmem:s21+$0x16360];
	v6 =	vadd.f32 v32, v7;
	v5 =	vadd.f32 v57, v5  }
0x514: {  	v7 =	vld [tilespmem:s21+$0xFF60];
	v4 =	vadd.f32 v34, v4;
	v3 =	vadd.f32 v54, v3  }
0x515: {  	v10 =	vld [tilespmem:s21+$0x16290];
	v6 =	vadd.f32 v58, v6;
	v5 =	vadd.f32 v15, v5  }
0x516: {  	v14 =	vld [tilespmem:s21+$0xFEA0];
	v4 =	vadd.f32 v55, v4;
	v3 =	vadd.f32 v56, v3  }
0x517: {  	v6 =	vadd.f32 v13, v6;
	v13 =	vld [tilespmem:s21+$0x162A0];
	v5 =	vadd.f32 v8, v5  }
0x518: {  	v4 =	vadd.f32 v59, v4;
	v8 =	vld [tilespmem:s21+$0x16380];
	v3 =	vadd.f32 v60, v3  }
0x519: {  	v6 =	vadd.f32 v7, v6;
	v7 =	vld [tilespmem:s21+$0x162B0];
	v5 =	vadd.f32 v9, v5  }
0x51a: {  	v4 =	vadd.f32 v12, v4;
	v3 =	vadd.f32 v10, v3  }
0x51b: {  	v6 =	vadd.f32 v11, v6;
	v5 =	vadd.f32 v29, v5  }
0x51c: {  	v4 =	vadd.f32 v14, v4;
	v3 =	vadd.f32 v13, v3  }
0x51d: {  	v6 =	vadd.f32 v31, v6;
	v5 =	vadd.f32 v8, v5  }
0x51e: {  	v4 =	vadd.f32 v30, v4;
	v3 =	vadd.f32 v7, v3  }
0x51f: {  	v5 =	vadd.f32 v5, v6  }
0x520: {  	v3 =	vadd.f32 v3, v4  }
0x521: {  	[tilespmem:s20+$0x0] =	vst v5  }
0x522: {  	[tilespmem:s20+$0xFFFFFFF0] =	vst v3  }
0x523: {  	[spmem:s0] =	stream.linear.scatter [tilespmem:s13], [sflag:$0x5], $0x400, $0x38;
	[tilespmem:$0x1A100] =	vst v63  }
0x524: {  	_ =	swait.ge [sflag:s1], $0x400  }
0x525: {  	[sflag:s1] =	ssyncset.done $0x0  }
0x526: {  	s20 =	simm.s32 $0x0;
	[sflag:s1] =	ssyncadd.s32 $0xFFFFFC00  }
0x527: {  	[tilespmem:s14], [sflag:$0x5] =	stream.indirect.gather [spmem:s25], $0x1, s20, s2, $0xb8;
	[tilespmem:$0x1A100] =	vst v63  }
0x528: {  	_ =	swait.ge [sflag:s1], $0x400  }
0x529: {  	[sflag:s1] =	ssyncset.done $0x0  }
0x52a: {  	[sflag:s1] =	ssyncadd.s32 $0xFFFFFC00  }
0x52b: {  	v3 =	vld [tilespmem:$0x19800]  }
0x52c: {  	v4 =	vld [tilespmem:$0x19840]  }
0x52d: {  	v5 =	vld [tilespmem:$0x19880]  }
0x52e: {  	v6 =	vld [tilespmem:$0x198C0]  }
0x52f: {  	v7 =	vld [tilespmem:$0x19900]  }
0x530: {  	v8 =	vld [tilespmem:$0x19940]  }
0x531: {  	v9 =	vld [tilespmem:$0x19980]  }
0x532: {  	v10 =	vld [tilespmem:$0x199C0]  }
0x533: {  	v11 =	vld [tilespmem:$0x19A00]  }
0x534: {  	v12 =	vld [tilespmem:$0x19A40]  }
0x535: {  	v13 =	vld [tilespmem:$0x19A80]  }
0x536: {  	v14 =	vld [tilespmem:$0x19AC0]  }
0x537: {  	v15 =	vld [tilespmem:$0x19B00]  }
0x538: {  	v16 =	vld [tilespmem:$0x19B40]  }
0x539: {  	v17 =	vld [tilespmem:$0x19B80]  }
0x53a: {  	v18 =	vld [tilespmem:$0x19BC0]  }
0x53b: {  	v61 =	vld [tilespmem:$0x19810]  }
0x53c: {  	v62 =	vld [tilespmem:$0x19850]  }
0x53d: {  	v63 =	vld [tilespmem:$0x19890]  }
0x53e: {  	v42 =	vld [tilespmem:$0x198D0]  }
0x53f: {  	v43 =	vld [tilespmem:$0x19910]  }
0x540: {  	v44 =	vld [tilespmem:$0x19950]  }
0x541: {  	v45 =	vld [tilespmem:$0x19990]  }
0x542: {  	v46 =	vld [tilespmem:$0x199D0]  }
0x543: {  	v47 =	vld [tilespmem:$0x19A10]  }
0x544: {  	v48 =	vld [tilespmem:$0x19A50]  }
0x545: {  	v49 =	vld [tilespmem:$0x19A90]  }
0x546: {  	v50 =	vld [tilespmem:$0x19AD0]  }
0x547: {  	v51 =	vld [tilespmem:$0x19B10]  }
0x548: {  	v52 =	vld [tilespmem:$0x19B50]  }
0x549: {  	v53 =	vld [tilespmem:$0x19B90]  }
0x54a: {  	v54 =	vld [tilespmem:$0x19BD0]  }
0x54b: {  	v55 =	vld [tilespmem:$0x19820]  }
0x54c: {  	v36 =	vld [tilespmem:$0x19860]  }
0x54d: {  	v37 =	vld [tilespmem:$0x19830]  }
0x54e: {  	v38 =	vld [tilespmem:$0x19870]  }
0x54f: {  	v39 =	vld [tilespmem:$0x198A0]  }
0x550: {  	v3 =	vadd.f32 v4, v3;
	v4 =	vld [tilespmem:$0x198B0]  }
0x551: {  	v56 =	vld [tilespmem:$0x198E0];
	v19 =	vadd.f32 v62, v61  }
0x552: {  	v57 =	vld [tilespmem:$0x198F0];
	v3 =	vadd.f32 v5, v3;
	v5 =	vadd.f32 v36, v55  }
0x553: {  	v59 =	vld [tilespmem:$0x19920];
	v58 =	vadd.f32 v38, v37;
	v19 =	vadd.f32 v63, v19  }
0x554: {  	v3 =	vadd.f32 v6, v3;
	v5 =	vadd.f32 v39, v5;
	v6 =	vld [tilespmem:$0x19930]  }
0x555: {  	v60 =	vld [tilespmem:$0x19960];
	v19 =	vadd.f32 v42, v19;
	v4 =	vadd.f32 v4, v58  }
0x556: {  	v3 =	vadd.f32 v7, v3;
	v5 =	vadd.f32 v56, v5;
	v7 =	vld [tilespmem:$0x19970]  }
0x557: {  	v61 =	vld [tilespmem:$0x199A0];
	v19 =	vadd.f32 v43, v19;
	v4 =	vadd.f32 v57, v4  }
0x558: {  	v3 =	vadd.f32 v8, v3;
	v5 =	vadd.f32 v59, v5;
	v8 =	vld [tilespmem:$0x199B0]  }
0x559: {  	v62 =	vld [tilespmem:$0x199E0];
	v19 =	vadd.f32 v44, v19;
	v4 =	vadd.f32 v6, v4  }
0x55a: {  	v6 =	vld [tilespmem:$0x199F0];
	v3 =	vadd.f32 v9, v3;
	v5 =	vadd.f32 v60, v5  }
0x55b: {  	v63 =	vld [tilespmem:$0x19A20];
	v9 =	vadd.f32 v45, v19;
	v4 =	vadd.f32 v7, v4  }
0x55c: {  	v7 =	vld [tilespmem:$0x19A30];
	v3 =	vadd.f32 v10, v3;
	v5 =	vadd.f32 v61, v5  }
0x55d: {  	v9 =	vadd.f32 v46, v9;
	v10 =	vld [tilespmem:$0x19A60];
	v4 =	vadd.f32 v8, v4  }
0x55e: {  	v8 =	vld [tilespmem:$0x19A70];
	v3 =	vadd.f32 v11, v3;
	v5 =	vadd.f32 v62, v5  }
0x55f: {  	v9 =	vadd.f32 v47, v9;
	v11 =	vld [tilespmem:$0x19AA0];
	v4 =	vadd.f32 v6, v4  }
0x560: {  	v6 =	vld [tilespmem:$0x19AB0];
	v3 =	vadd.f32 v12, v3;
	v5 =	vadd.f32 v63, v5  }
0x561: {  	v9 =	vadd.f32 v48, v9;
	v12 =	vld [tilespmem:$0x19AE0];
	v4 =	vadd.f32 v7, v4  }
0x562: {  	v7 =	vld [tilespmem:$0x19AF0];
	v3 =	vadd.f32 v13, v3;
	v5 =	vadd.f32 v10, v5  }
0x563: {  	v9 =	vadd.f32 v49, v9;
	v10 =	vld [tilespmem:$0x19B20];
	v4 =	vadd.f32 v8, v4  }
0x564: {  	v8 =	vld [tilespmem:$0x19B30];
	v3 =	vadd.f32 v14, v3;
	v5 =	vadd.f32 v11, v5  }
0x565: {  	v9 =	vadd.f32 v50, v9;
	v11 =	vld [tilespmem:$0x19B60];
	v4 =	vadd.f32 v6, v4  }
0x566: {  	v6 =	vld [tilespmem:$0x19B70];
	v3 =	vadd.f32 v15, v3;
	v5 =	vadd.f32 v12, v5  }
0x567: {  	v9 =	vadd.f32 v51, v9;
	v12 =	vld [tilespmem:$0x19BA0];
	v4 =	vadd.f32 v7, v4  }
0x568: {  	v7 =	vld [tilespmem:$0x19BB0];
	v3 =	vadd.f32 v16, v3;
	v5 =	vadd.f32 v10, v5  }
0x569: {  	v9 =	vadd.f32 v52, v9;
	v10 =	vld [tilespmem:$0x19BE0];
	v4 =	vadd.f32 v8, v4  }
0x56a: {  	v8 =	vld [tilespmem:$0x19BF0];
	v3 =	vadd.f32 v17, v3;
	v5 =	vadd.f32 v11, v5  }
0x56b: {  	v9 =	vadd.f32 v53, v9;
	v4 =	vadd.f32 v6, v4  }
0x56c: {  	v3 =	vadd.f32 v18, v3;
	v5 =	vadd.f32 v12, v5  }
0x56d: {  	v6 =	vadd.f32 v54, v9;
	v4 =	vadd.f32 v7, v4  }
0x56e: {  	v3 =	vmul.f32 $4.999999890e-03, v3;
	v5 =	vadd.f32 v10, v5  }
0x56f: {  	v6 =	vmul.f32 $4.999999890e-03, v6;
	v4 =	vadd.f32 v8, v4  }
0x570: {  	v3 =	vadd.f32 v3, v2;
	v5 =	vmul.f32 $4.999999890e-03, v5  }
0x571: {  	v6 =	vadd.f32 v6, v2;
	v4 =	vmul.f32 $4.999999890e-03, v4  }
0x572: {  	[tilespmem:$0x19C00] =	vst v3;
	v3 =	vadd.f32 v5, v2  }
0x573: {  	[tilespmem:$0x19C10] =	vst v6;
	v4 =	vadd.f32 v4, v2  }
0x574: {  	[tilespmem:$0x19C20] =	vst v3  }
0x575: {  	s22 =	rddreg [dreg:$0x19];
	[tilespmem:$0x19C30] =	vst v4  }
0x576: {  	[hbm4b:s22+s20] =	stream.linear.scatter [tilespmem:s16], [sflag:$0x5], $0x40, $0x38;
	[tilespmem:$0x1A100] =	vst v63  }
0x577: {  	_ =	swait.ge [sflag:s1], $0x40  }
0x578: {  	[sflag:s1] =	ssyncset.done $0x0  }
0x579: {  	s24 =	rddreg [dreg:$0x12];
	[sflag:s1] =	ssyncadd.s32 $0xFFFFFFC0  }
0x57a: {  	[tilespmem:s7], [sflag:$0x5] =	stream.linear.gather [hbm4b:s24+s20], $0x3200, $0x38;
	[tilespmem:$0x1A100] =	vst v63  }
0x57b: {  	_ =	swait.ge [sflag:s1], $0x3200  }
0x57c: {  	[sflag:s1] =	ssyncset.done $0x0  }
0x57d: {  	s26 =	rddreg [dreg:$0x13];
	[sflag:s1] =	ssyncadd.s32 $0xFFFFCE00  }
0x57e: {  	[tilespmem:s8], [sflag:$0x5] =	stream.linear.gather [hbm4b:s26+s20], $0x3200, $0x38;
	[tilespmem:$0x1A100] =	vst v63  }
0x57f: {  	_ =	swait.ge [sflag:s1], $0x3200  }
0x580: {  	[sflag:s1] =	ssyncset.done $0x0  }
0x581: {  	[sflag:s1] =	ssyncadd.s32 $0xFFFFCE00  }
0x582: {  	[tilespmem:s9], [sflag:$0x2] =	stream.indirect.gather [hbm4b:s29+s4], $0x1, s7, s4, $0xb8;
	[tilespmem:$0x1A100] =	vst v63  }
0x583: {  	_ = 	snop  }
0x584: {  	[tilespmem:s10], [sflag:$0x4] =	stream.indirect.gather [hbm4b:s30+s4], $0x1, s8, s4, $0xb8;
	[tilespmem:$0x1A100] =	vst v63  }
0x585: {  	_ =	swait.ge [sflag:s11], $0x3200  }
0x586: {  	[sflag:s11] =	ssyncset.done $0x0  }
0x587: {  	[sflag:s11] =	ssyncadd.s32 $0xFFFFCE00  }
0x588: {  	_ =	swait.ge [sflag:s12], $0x3200  }
0x589: {  	[sflag:s12] =	ssyncset.done $0x0  }
0x58a: {  	s21 =	simm.s32 $0x0;
	[sflag:s12] =	ssyncadd.s32 $0xFFFFCE00  }
0x58b: {  	v3 =	vld [tilespmem:s21+$0x13050]  }
0x58c: {  	v4 =	vld [tilespmem:s21+$0xCC50]  }
0x58d: {  	v5 =	vld [tilespmem:s21+$0x13120]  }
0x58e: {  	v6 =	vld [tilespmem:s21+$0x13040]  }
0x58f: {  	v7 =	vld [tilespmem:s21+$0xCD20]  }
0x590: {  	v8 =	vld [tilespmem:s21+$0x13110]  }
0x591: {  	v10 =	vld [tilespmem:s21+$0xCD10]  }
0x592: {  	v11 =	vld [tilespmem:s21+$0x13030]  }
0x593: {  	v9 =	vld [tilespmem:s21+$0xCC40]  }
0x594: {  	v13 =	vld [tilespmem:s21+$0xCD00]  }
0x595: {  	v12 =	vld [tilespmem:s21+$0x13100]  }
0x596: {  	s22 =	simm.s32 $0x19410;
	s24 =	simm.s32 $0x640;
	s20 =	simm.s32 $0x19410;
	v14 =	vld [tilespmem:s21+$0x130F0]  }
.LBB2_16:
0x597: {  	p0 =	sne.s32 s24, $0xC1C0  }
0x598: {  	v15 =	vld [tilespmem:s21+$0xCC30];
	s22 =	sadd.s32 $0x20, s22;
	s26 =	smov.u32 s24;
	s24 =	sadd.s32 $0x640, s24  }
0x599: {  	v16 =	vld [tilespmem:s21+$0xCCF0]  }
0x59a: {  	v17 =	vld [tilespmem:s21+$0x13010]  }
0x59b: {  	v18 =	vld [tilespmem:s21+$0x13020]  }
0x59c: {  	v19 =	vld [tilespmem:s21+$0xCC20]  }
0x59d: {  	v20 =	vld [tilespmem:s21+$0xCCE0]  }
0x59e: {  	v21 =	vld [tilespmem:s21+$0x130E0]  }
0x59f: {  	v22 =	vld [tilespmem:s21+$0xCC10]  }
0x5a0: {  	v23 =	vld [tilespmem:s21+$0x13000]  }
0x5a1: {  	v24 =	vld [tilespmem:s21+$0xCC00]  }
0x5a2: {  	v25 =	vld [tilespmem:s21+$0x130D0]  }
0x5a3: {  	v26 =	vld [tilespmem:s21+$0xCCD0]  }
0x5a4: {  	v27 =	vld [tilespmem:s21+$0xCCC0]  }
0x5a5: {  	v28 =	vld [tilespmem:s21+$0x130C0]  }
0x5a6: {  	v29 =	vld [tilespmem:s21+$0x13170]  }
0x5a7: {  	v30 =	vld [tilespmem:s21+$0xCCB0]  }
0x5a8: {  	v31 =	vld [tilespmem:s21+$0xCD80]  }
0x5a9: {  	v32 =	vnsel vm0, $0x0, v27;
	v27 =	vsel vm0, $0x0, v27;
	v33 =	vld [tilespmem:s21+$0xCD30]  }
0x5aa: {  	v34 =	vld [tilespmem:s21+$0xCC60];
	v35 =	vnsel vm0, $0x0, v28;
	v28 =	vsel vm0, $0x0, v28;
	v26 =	vadd.f32 v26, v27  }
0x5ab: {  	v24 =	vadd.f32 v24, v32;
	v27 =	vld [tilespmem:s21+$0x13060];
	v25 =	vadd.f32 v25, v28  }
0x5ac: {  	v23 =	vadd.f32 v23, v35;
	v28 =	vld [tilespmem:s21+$0xCC70];
	v20 =	vadd.f32 v20, v26  }
0x5ad: {  	v22 =	vadd.f32 v22, v24;
	v26 =	vld [tilespmem:s21+$0x13070];
	v21 =	vadd.f32 v21, v25  }
0x5ae: {  	v17 =	vadd.f32 v17, v23;
	v24 =	vld [tilespmem:s21+$0x13130];
	v16 =	vadd.f32 v16, v20  }
0x5af: {  	v19 =	vadd.f32 v19, v22;
	v20 =	vld [tilespmem:s21+$0xCD40];
	v14 =	vadd.f32 v14, v21  }
0x5b0: {  	v17 =	vadd.f32 v18, v17;
	v21 =	vld [tilespmem:s21+$0xCC80];
	v13 =	vadd.f32 v13, v16  }
0x5b1: {  	v16 =	vld [tilespmem:s21+$0x13080];
	v12 =	vadd.f32 v12, v14;
	v14 =	vadd.f32 v15, v19  }
0x5b2: {  	s26 =	sshra.s32 s26, $0x2;
	v11 =	vadd.f32 v11, v17;
	v15 =	vld [tilespmem:s21+$0x13140];
	v10 =	vadd.f32 v10, v13  }
0x5b3: {  	v13 =	vld [tilespmem:s21+$0xCD50];
	v8 =	vadd.f32 v8, v12;
	v9 =	vadd.f32 v9, v14  }
0x5b4: {  	v6 =	vadd.f32 v6, v11;
	v12 =	vld [tilespmem:s21+$0xCC90];
	v7 =	vadd.f32 v7, v10  }
0x5b5: {  	v10 =	vld [tilespmem:s21+$0x13090];
	v5 =	vadd.f32 v5, v8;
	v4 =	vadd.f32 v4, v9  }
0x5b6: {  	v3 =	vadd.f32 v3, v6;
	v8 =	vld [tilespmem:s21+$0x13150];
	v6 =	vadd.f32 v33, v7  }
0x5b7: {  	v7 =	vld [tilespmem:s21+$0xCD60];
	v5 =	vadd.f32 v24, v5;
	v4 =	vadd.f32 v34, v4  }
0x5b8: {  	v3 =	vadd.f32 v27, v3;
	v9 =	vld [tilespmem:s21+$0x13160];
	v6 =	vadd.f32 v20, v6  }
0x5b9: {  	v11 =	vld [tilespmem:s21+$0xCD70];
	v5 =	vadd.f32 v15, v5;
	v4 =	vadd.f32 v28, v4  }
0x5ba: {  	v3 =	vadd.f32 v26, v3;
	v14 =	vld [tilespmem:s21+$0xCCA0];
	v6 =	vadd.f32 v13, v6  }
0x5bb: {  	v13 =	vld [tilespmem:s21+$0x130A0];
	v5 =	vadd.f32 v8, v5;
	v4 =	vadd.f32 v21, v4  }
0x5bc: {  	v3 =	vadd.f32 v16, v3;
	v8 =	vld [tilespmem:s21+$0x13180];
	v6 =	vadd.f32 v7, v6  }
0x5bd: {  	v7 =	vld [tilespmem:s21+$0x130B0];
	v5 =	vadd.f32 v9, v5;
	v4 =	vadd.f32 v12, v4;
	s21 =	smov.u32 s26  }
0x5be: {  	v3 =	vadd.f32 v10, v3;
	v6 =	vadd.f32 v11, v6  }
0x5bf: {  	v5 =	vadd.f32 v29, v5;
	v4 =	vadd.f32 v14, v4  }
0x5c0: {  	v3 =	vadd.f32 v13, v3;
	v6 =	vadd.f32 v31, v6  }
0x5c1: {  	v5 =	vadd.f32 v8, v5;
	v4 =	vadd.f32 v30, v4  }
0x5c2: {  	v3 =	vadd.f32 v7, v3  }
0x5c3: {  	v5 =	vadd.f32 v5, v6  }
0x5c4: {  	v3 =	vadd.f32 v3, v4  }
0x5c5: {  	[tilespmem:s20+$0x0] =	vst v5  }
0x5c6: {  	[tilespmem:s20+$0xFFFFFFF0] =	vst v3;
	s20 =	smov.u32 s22  }
0x5c7: {  	v3 =	vld [tilespmem:s21+$0x13050]  }
0x5c8: {  	v4 =	vld [tilespmem:s21+$0xCC50]  }
0x5c9: {  	v5 =	vld [tilespmem:s21+$0x13120]  }
0x5ca: {  	v6 =	vld [tilespmem:s21+$0x13040]  }
0x5cb: {  	v7 =	vld [tilespmem:s21+$0xCD20]  }
0x5cc: {  	v8 =	vld [tilespmem:s21+$0x13110]  }
0x5cd: {  	v10 =	vld [tilespmem:s21+$0xCD10]  }
.Ltmp7:
0x5ce: {  	v11 =	vld [tilespmem:s21+$0x13030];
	(pc) =	sbr.rel @p0 .LBB2_16-.Ltmp7, $4  }
0x5cf: {  	v9 =	vld [tilespmem:s21+$0xCC40]  }
0x5d0: {  	v13 =	vld [tilespmem:s21+$0xCD00]  }
0x5d1: {  	v12 =	vld [tilespmem:s21+$0x13100]  }
0x5d2: {  	v14 =	vld [tilespmem:s21+$0x130F0]  }
0x5d3: {  	v15 =	vld [tilespmem:s21+$0xCC30]  }
0x5d4: {  	v16 =	vld [tilespmem:s21+$0xCCF0]  }
0x5d5: {  	v17 =	vld [tilespmem:s21+$0x13010]  }
0x5d6: {  	v18 =	vld [tilespmem:s21+$0x13020]  }
0x5d7: {  	v19 =	vld [tilespmem:s21+$0xCC20]  }
0x5d8: {  	v20 =	vld [tilespmem:s21+$0xCCE0]  }
0x5d9: {  	v21 =	vld [tilespmem:s21+$0x130E0]  }
0x5da: {  	v22 =	vld [tilespmem:s21+$0xCC10]  }
0x5db: {  	v23 =	vld [tilespmem:s21+$0x13000]  }
0x5dc: {  	v24 =	vld [tilespmem:s21+$0xCC00]  }
0x5dd: {  	v25 =	vld [tilespmem:s21+$0x130D0]  }
0x5de: {  	v26 =	vld [tilespmem:s21+$0xCCD0]  }
0x5df: {  	v27 =	vld [tilespmem:s21+$0xCCC0]  }
0x5e0: {  	v28 =	vld [tilespmem:s21+$0x130C0]  }
0x5e1: {  	v29 =	vld [tilespmem:s21+$0x13170]  }
0x5e2: {  	v30 =	vld [tilespmem:s21+$0xCCB0]  }
0x5e3: {  	v31 =	vld [tilespmem:s21+$0xCD80]  }
0x5e4: {  	v32 =	vld [tilespmem:s21+$0xCD30]  }
0x5e5: {  	v34 =	vld [tilespmem:s21+$0xCC60];
	v33 =	vnsel vm0, $0x0, v27;
	v27 =	vsel vm0, $0x0, v27;
	v35 =	vsel vm0, $0x0, v28  }
0x5e6: {  	v54 =	vld [tilespmem:s21+$0x13060];
	v28 =	vnsel vm0, $0x0, v28;
	v26 =	vadd.f32 v26, v27;
	v25 =	vadd.f32 v25, v35  }
0x5e7: {  	v55 =	vld [tilespmem:s21+$0xCC70];
	v24 =	vadd.f32 v24, v33;
	v23 =	vadd.f32 v23, v28  }
0x5e8: {  	v56 =	vld [tilespmem:s21+$0x13070];
	v20 =	vadd.f32 v20, v26;
	v21 =	vadd.f32 v21, v25  }
0x5e9: {  	v57 =	vld [tilespmem:s21+$0x13130];
	v22 =	vadd.f32 v22, v24;
	v17 =	vadd.f32 v17, v23  }
0x5ea: {  	v58 =	vld [tilespmem:s21+$0xCD40];
	v16 =	vadd.f32 v16, v20;
	v14 =	vadd.f32 v14, v21  }
0x5eb: {  	v59 =	vld [tilespmem:s21+$0xCC80];
	v19 =	vadd.f32 v19, v22;
	v17 =	vadd.f32 v18, v17  }
0x5ec: {  	v60 =	vld [tilespmem:s21+$0x13080];
	v13 =	vadd.f32 v13, v16;
	v12 =	vadd.f32 v12, v14  }
0x5ed: {  	v14 =	vadd.f32 v15, v19;
	v15 =	vld [tilespmem:s21+$0x13140];
	v11 =	vadd.f32 v11, v17  }
0x5ee: {  	v10 =	vadd.f32 v10, v13;
	v13 =	vld [tilespmem:s21+$0xCD50];
	v8 =	vadd.f32 v8, v12  }
0x5ef: {  	v9 =	vadd.f32 v9, v14;
	v12 =	vld [tilespmem:s21+$0xCC90];
	v6 =	vadd.f32 v6, v11  }
0x5f0: {  	v11 =	vld [tilespmem:s21+$0xCD70];
	v7 =	vadd.f32 v7, v10;
	v5 =	vadd.f32 v5, v8  }
0x5f1: {  	v4 =	vadd.f32 v4, v9;
	v8 =	vld [tilespmem:s21+$0x13150];
	v3 =	vadd.f32 v3, v6  }
0x5f2: {  	v9 =	vld [tilespmem:s21+$0x13160];
	v6 =	vadd.f32 v32, v7;
	v5 =	vadd.f32 v57, v5  }
0x5f3: {  	v7 =	vld [tilespmem:s21+$0xCD60];
	v4 =	vadd.f32 v34, v4;
	v3 =	vadd.f32 v54, v3  }
0x5f4: {  	v10 =	vld [tilespmem:s21+$0x13090];
	v6 =	vadd.f32 v58, v6;
	v5 =	vadd.f32 v15, v5  }
0x5f5: {  	v14 =	vld [tilespmem:s21+$0xCCA0];
	v4 =	vadd.f32 v55, v4;
	v3 =	vadd.f32 v56, v3  }
0x5f6: {  	v6 =	vadd.f32 v13, v6;
	v13 =	vld [tilespmem:s21+$0x130A0];
	v5 =	vadd.f32 v8, v5  }
0x5f7: {  	v4 =	vadd.f32 v59, v4;
	v8 =	vld [tilespmem:s21+$0x13180];
	v3 =	vadd.f32 v60, v3  }
0x5f8: {  	v6 =	vadd.f32 v7, v6;
	v7 =	vld [tilespmem:s21+$0x130B0];
	v5 =	vadd.f32 v9, v5  }
0x5f9: {  	v4 =	vadd.f32 v12, v4;
	v3 =	vadd.f32 v10, v3  }
0x5fa: {  	v6 =	vadd.f32 v11, v6;
	v5 =	vadd.f32 v29, v5  }
0x5fb: {  	v4 =	vadd.f32 v14, v4;
	v3 =	vadd.f32 v13, v3  }
0x5fc: {  	v6 =	vadd.f32 v31, v6;
	v5 =	vadd.f32 v8, v5  }
0x5fd: {  	v4 =	vadd.f32 v30, v4;
	v3 =	vadd.f32 v7, v3  }
0x5fe: {  	v5 =	vadd.f32 v5, v6  }
0x5ff: {  	v3 =	vadd.f32 v3, v4  }
0x600: {  	[tilespmem:s20+$0x0] =	vst v5  }
0x601: {  	[tilespmem:s20+$0xFFFFFFF0] =	vst v3  }
0x602: {  	[spmem:s0] =	stream.linear.scatter [tilespmem:s13], [sflag:$0x5], $0x400, $0x38;
	[tilespmem:$0x1A100] =	vst v63  }
0x603: {  	_ =	swait.ge [sflag:s1], $0x400  }
0x604: {  	[sflag:s1] =	ssyncset.done $0x0  }
0x605: {  	s24 =	simm.s32 $0x0;
	[sflag:s1] =	ssyncadd.s32 $0xFFFFFC00  }
0x606: {  	[tilespmem:s14], [sflag:$0x5] =	stream.indirect.gather [spmem:s25], $0x1, s24, s2, $0xb8;
	[tilespmem:$0x1A100] =	vst v63  }
0x607: {  	_ =	swait.ge [sflag:s1], $0x400  }
0x608: {  	[sflag:s1] =	ssyncset.done $0x0  }
0x609: {  	[sflag:s1] =	ssyncadd.s32 $0xFFFFFC00  }
0x60a: {  	v3 =	vld [tilespmem:$0x19800]  }
0x60b: {  	v4 =	vld [tilespmem:$0x19840]  }
0x60c: {  	v5 =	vld [tilespmem:$0x19880]  }
0x60d: {  	v6 =	vld [tilespmem:$0x198C0]  }
0x60e: {  	v7 =	vld [tilespmem:$0x19900]  }
0x60f: {  	v8 =	vld [tilespmem:$0x19940]  }
0x610: {  	v9 =	vld [tilespmem:$0x19980]  }
0x611: {  	v10 =	vld [tilespmem:$0x199C0]  }
0x612: {  	v11 =	vld [tilespmem:$0x19A00]  }
0x613: {  	v12 =	vld [tilespmem:$0x19A40]  }
0x614: {  	v13 =	vld [tilespmem:$0x19A80]  }
0x615: {  	v14 =	vld [tilespmem:$0x19AC0]  }
0x616: {  	v15 =	vld [tilespmem:$0x19B00]  }
0x617: {  	v16 =	vld [tilespmem:$0x19B40]  }
0x618: {  	v17 =	vld [tilespmem:$0x19B80]  }
0x619: {  	v18 =	vld [tilespmem:$0x19BC0]  }
0x61a: {  	v61 =	vld [tilespmem:$0x19810]  }
0x61b: {  	v62 =	vld [tilespmem:$0x19850]  }
0x61c: {  	v63 =	vld [tilespmem:$0x19890]  }
0x61d: {  	v42 =	vld [tilespmem:$0x198D0]  }
0x61e: {  	v43 =	vld [tilespmem:$0x19910]  }
0x61f: {  	v44 =	vld [tilespmem:$0x19950]  }
0x620: {  	v45 =	vld [tilespmem:$0x19990]  }
0x621: {  	v46 =	vld [tilespmem:$0x199D0]  }
0x622: {  	v47 =	vld [tilespmem:$0x19A10]  }
0x623: {  	v48 =	vld [tilespmem:$0x19A50]  }
0x624: {  	v49 =	vld [tilespmem:$0x19A90]  }
0x625: {  	v50 =	vld [tilespmem:$0x19AD0]  }
0x626: {  	v51 =	vld [tilespmem:$0x19B10]  }
0x627: {  	v52 =	vld [tilespmem:$0x19B50]  }
0x628: {  	v53 =	vld [tilespmem:$0x19B90]  }
0x629: {  	v54 =	vld [tilespmem:$0x19BD0]  }
0x62a: {  	v55 =	vld [tilespmem:$0x19820]  }
0x62b: {  	v36 =	vld [tilespmem:$0x19860]  }
0x62c: {  	v37 =	vld [tilespmem:$0x19830]  }
0x62d: {  	v38 =	vld [tilespmem:$0x19870]  }
0x62e: {  	v39 =	vld [tilespmem:$0x198A0]  }
0x62f: {  	v3 =	vadd.f32 v4, v3;
	v4 =	vld [tilespmem:$0x198B0]  }
0x630: {  	v56 =	vld [tilespmem:$0x198E0];
	v19 =	vadd.f32 v62, v61  }
0x631: {  	v57 =	vld [tilespmem:$0x198F0];
	v3 =	vadd.f32 v5, v3;
	v5 =	vadd.f32 v36, v55  }
0x632: {  	v59 =	vld [tilespmem:$0x19920];
	v58 =	vadd.f32 v38, v37;
	v19 =	vadd.f32 v63, v19  }
0x633: {  	v3 =	vadd.f32 v6, v3;
	v5 =	vadd.f32 v39, v5;
	v6 =	vld [tilespmem:$0x19930]  }
0x634: {  	v60 =	vld [tilespmem:$0x19960];
	v19 =	vadd.f32 v42, v19;
	v4 =	vadd.f32 v4, v58  }
0x635: {  	v3 =	vadd.f32 v7, v3;
	v5 =	vadd.f32 v56, v5;
	v7 =	vld [tilespmem:$0x19970]  }
0x636: {  	v61 =	vld [tilespmem:$0x199A0];
	v19 =	vadd.f32 v43, v19;
	v4 =	vadd.f32 v57, v4  }
0x637: {  	v3 =	vadd.f32 v8, v3;
	v5 =	vadd.f32 v59, v5;
	v8 =	vld [tilespmem:$0x199B0]  }
0x638: {  	v62 =	vld [tilespmem:$0x199E0];
	v19 =	vadd.f32 v44, v19;
	v4 =	vadd.f32 v6, v4  }
0x639: {  	v6 =	vld [tilespmem:$0x199F0];
	v3 =	vadd.f32 v9, v3;
	v5 =	vadd.f32 v60, v5  }
0x63a: {  	v63 =	vld [tilespmem:$0x19A20];
	v9 =	vadd.f32 v45, v19;
	v4 =	vadd.f32 v7, v4  }
0x63b: {  	v7 =	vld [tilespmem:$0x19A30];
	v3 =	vadd.f32 v10, v3;
	v5 =	vadd.f32 v61, v5  }
0x63c: {  	v9 =	vadd.f32 v46, v9;
	v10 =	vld [tilespmem:$0x19A60];
	v4 =	vadd.f32 v8, v4  }
0x63d: {  	v8 =	vld [tilespmem:$0x19A70];
	v3 =	vadd.f32 v11, v3;
	v5 =	vadd.f32 v62, v5  }
0x63e: {  	v9 =	vadd.f32 v47, v9;
	v11 =	vld [tilespmem:$0x19AA0];
	v4 =	vadd.f32 v6, v4  }
0x63f: {  	v6 =	vld [tilespmem:$0x19AB0];
	v3 =	vadd.f32 v12, v3;
	v5 =	vadd.f32 v63, v5  }
0x640: {  	v9 =	vadd.f32 v48, v9;
	v12 =	vld [tilespmem:$0x19AE0];
	v4 =	vadd.f32 v7, v4  }
0x641: {  	v7 =	vld [tilespmem:$0x19AF0];
	v3 =	vadd.f32 v13, v3;
	v5 =	vadd.f32 v10, v5  }
0x642: {  	v9 =	vadd.f32 v49, v9;
	v10 =	vld [tilespmem:$0x19B20];
	v4 =	vadd.f32 v8, v4  }
0x643: {  	v8 =	vld [tilespmem:$0x19B30];
	v3 =	vadd.f32 v14, v3;
	v5 =	vadd.f32 v11, v5  }
0x644: {  	v9 =	vadd.f32 v50, v9;
	v11 =	vld [tilespmem:$0x19B60];
	v4 =	vadd.f32 v6, v4  }
0x645: {  	v6 =	vld [tilespmem:$0x19B70];
	v3 =	vadd.f32 v15, v3;
	v5 =	vadd.f32 v12, v5  }
0x646: {  	v9 =	vadd.f32 v51, v9;
	v12 =	vld [tilespmem:$0x19BA0];
	v4 =	vadd.f32 v7, v4  }
0x647: {  	v7 =	vld [tilespmem:$0x19BB0];
	v3 =	vadd.f32 v16, v3;
	v5 =	vadd.f32 v10, v5  }
0x648: {  	v9 =	vadd.f32 v52, v9;
	v10 =	vld [tilespmem:$0x19BE0];
	v4 =	vadd.f32 v8, v4  }
0x649: {  	v8 =	vld [tilespmem:$0x19BF0];
	v3 =	vadd.f32 v17, v3;
	v5 =	vadd.f32 v11, v5  }
0x64a: {  	v9 =	vadd.f32 v53, v9;
	v4 =	vadd.f32 v6, v4  }
0x64b: {  	v3 =	vadd.f32 v18, v3;
	v5 =	vadd.f32 v12, v5  }
0x64c: {  	v6 =	vadd.f32 v54, v9;
	v4 =	vadd.f32 v7, v4  }
0x64d: {  	v3 =	vmul.f32 $4.999999890e-03, v3;
	v5 =	vadd.f32 v10, v5  }
0x64e: {  	v6 =	vmul.f32 $4.999999890e-03, v6;
	v4 =	vadd.f32 v8, v4  }
0x64f: {  	v3 =	vadd.f32 v3, v2;
	v5 =	vmul.f32 $4.999999890e-03, v5  }
0x650: {  	v6 =	vadd.f32 v6, v2;
	v4 =	vmul.f32 $4.999999890e-03, v4  }
0x651: {  	[tilespmem:$0x19C00] =	vst v3;
	v3 =	vadd.f32 v5, v2  }
0x652: {  	[tilespmem:$0x19C10] =	vst v6;
	v4 =	vadd.f32 v4, v2  }
0x653: {  	[tilespmem:$0x19C20] =	vst v3  }
0x654: {  	s26 =	rddreg [dreg:$0x1a];
	[tilespmem:$0x19C30] =	vst v4  }
0x655: {  	[hbm4b:s26+s24] =	stream.linear.scatter [tilespmem:s16], [sflag:$0x5], $0x40, $0x38;
	[tilespmem:$0x1A100] =	vst v63  }
0x656: {  	_ =	swait.ge [sflag:s1], $0x40  }
0x657: {  	[sflag:s1] =	ssyncset.done $0x0  }
0x658: {  	[sflag:s1] =	ssyncadd.s32 $0xFFFFFFC0  }
0x659: {  	_ =	swait.ge [sflag:s17], $0x3200  }
0x65a: {  	[sflag:s17] =	ssyncset.done $0x0  }
0x65b: {  	[sflag:s17] =	ssyncadd.s32 $0xFFFFCE00  }
0x65c: {  	_ =	swait.ge [sflag:s18], $0x3200  }
0x65d: {  	[sflag:s18] =	ssyncset.done $0x0  }
0x65e: {  	s21 =	simm.s32 $0x0;
	[sflag:s18] =	ssyncadd.s32 $0xFFFFCE00  }
0x65f: {  	v3 =	vld [tilespmem:s21+$0x16250]  }
0x660: {  	v4 =	vld [tilespmem:s21+$0xFE50]  }
0x661: {  	v5 =	vld [tilespmem:s21+$0x16320]  }
0x662: {  	v6 =	vld [tilespmem:s21+$0x16240]  }
0x663: {  	v7 =	vld [tilespmem:s21+$0xFF20]  }
0x664: {  	v8 =	vld [tilespmem:s21+$0x16310]  }
0x665: {  	v10 =	vld [tilespmem:s21+$0xFF10]  }
0x666: {  	v11 =	vld [tilespmem:s21+$0x16230]  }
0x667: {  	v9 =	vld [tilespmem:s21+$0xFE40]  }
0x668: {  	v13 =	vld [tilespmem:s21+$0xFF00]  }
0x669: {  	v12 =	vld [tilespmem:s21+$0x16300]  }
0x66a: {  	s22 =	simm.s32 $0x19410;
	s20 =	simm.s32 $0x19410;
	s24 =	simm.s32 $0x640;
	v14 =	vld [tilespmem:s21+$0x162F0]  }
.LBB2_18:
0x66b: {  	p0 =	sne.s32 s24, $0xC1C0  }
0x66c: {  	v15 =	vld [tilespmem:s21+$0xFE30];
	s22 =	sadd.s32 $0x20, s22;
	s26 =	smov.u32 s24;
	s24 =	sadd.s32 $0x640, s24  }
0x66d: {  	v16 =	vld [tilespmem:s21+$0xFEF0]  }
0x66e: {  	v17 =	vld [tilespmem:s21+$0x16210]  }
0x66f: {  	v18 =	vld [tilespmem:s21+$0x16220]  }
0x670: {  	v19 =	vld [tilespmem:s21+$0xFE20]  }
0x671: {  	v20 =	vld [tilespmem:s21+$0xFEE0]  }
0x672: {  	v21 =	vld [tilespmem:s21+$0x162E0]  }
0x673: {  	v22 =	vld [tilespmem:s21+$0xFE10]  }
0x674: {  	v23 =	vld [tilespmem:s21+$0x16200]  }
0x675: {  	v24 =	vld [tilespmem:s21+$0xFE00]  }
0x676: {  	v25 =	vld [tilespmem:s21+$0x162D0]  }
0x677: {  	v26 =	vld [tilespmem:s21+$0xFED0]  }
0x678: {  	v27 =	vld [tilespmem:s21+$0xFEC0]  }
0x679: {  	v28 =	vld [tilespmem:s21+$0x162C0]  }
0x67a: {  	v29 =	vld [tilespmem:s21+$0x16370]  }
0x67b: {  	v30 =	vld [tilespmem:s21+$0xFEB0]  }
0x67c: {  	v31 =	vld [tilespmem:s21+$0xFF80]  }
0x67d: {  	v32 =	vnsel vm0, $0x0, v27;
	v27 =	vsel vm0, $0x0, v27;
	v33 =	vld [tilespmem:s21+$0xFF30]  }
0x67e: {  	v34 =	vld [tilespmem:s21+$0xFE60];
	v35 =	vnsel vm0, $0x0, v28;
	v28 =	vsel vm0, $0x0, v28;
	v26 =	vadd.f32 v26, v27  }
0x67f: {  	v24 =	vadd.f32 v24, v32;
	v27 =	vld [tilespmem:s21+$0x16260];
	v25 =	vadd.f32 v25, v28  }
0x680: {  	v23 =	vadd.f32 v23, v35;
	v28 =	vld [tilespmem:s21+$0xFE70];
	v20 =	vadd.f32 v20, v26  }
0x681: {  	v22 =	vadd.f32 v22, v24;
	v26 =	vld [tilespmem:s21+$0x16270];
	v21 =	vadd.f32 v21, v25  }
0x682: {  	v17 =	vadd.f32 v17, v23;
	v24 =	vld [tilespmem:s21+$0x16330];
	v16 =	vadd.f32 v16, v20  }
0x683: {  	v19 =	vadd.f32 v19, v22;
	v20 =	vld [tilespmem:s21+$0xFF40];
	v14 =	vadd.f32 v14, v21  }
0x684: {  	v17 =	vadd.f32 v18, v17;
	v21 =	vld [tilespmem:s21+$0xFE80];
	v13 =	vadd.f32 v13, v16  }
0x685: {  	v16 =	vld [tilespmem:s21+$0x16280];
	v12 =	vadd.f32 v12, v14;
	v14 =	vadd.f32 v15, v19  }
0x686: {  	s26 =	sshra.s32 s26, $0x2;
	v11 =	vadd.f32 v11, v17;
	v15 =	vld [tilespmem:s21+$0x16340];
	v10 =	vadd.f32 v10, v13  }
0x687: {  	v13 =	vld [tilespmem:s21+$0xFF50];
	v8 =	vadd.f32 v8, v12;
	v9 =	vadd.f32 v9, v14  }
0x688: {  	v6 =	vadd.f32 v6, v11;
	v12 =	vld [tilespmem:s21+$0xFE90];
	v7 =	vadd.f32 v7, v10  }
0x689: {  	v10 =	vld [tilespmem:s21+$0x16290];
	v5 =	vadd.f32 v5, v8;
	v4 =	vadd.f32 v4, v9  }
0x68a: {  	v3 =	vadd.f32 v3, v6;
	v8 =	vld [tilespmem:s21+$0x16350];
	v6 =	vadd.f32 v33, v7  }
0x68b: {  	v7 =	vld [tilespmem:s21+$0xFF60];
	v5 =	vadd.f32 v24, v5;
	v4 =	vadd.f32 v34, v4  }
0x68c: {  	v3 =	vadd.f32 v27, v3;
	v9 =	vld [tilespmem:s21+$0x16360];
	v6 =	vadd.f32 v20, v6  }
0x68d: {  	v11 =	vld [tilespmem:s21+$0xFF70];
	v5 =	vadd.f32 v15, v5;
	v4 =	vadd.f32 v28, v4  }
0x68e: {  	v3 =	vadd.f32 v26, v3;
	v14 =	vld [tilespmem:s21+$0xFEA0];
	v6 =	vadd.f32 v13, v6  }
0x68f: {  	v13 =	vld [tilespmem:s21+$0x162A0];
	v5 =	vadd.f32 v8, v5;
	v4 =	vadd.f32 v21, v4  }
0x690: {  	v3 =	vadd.f32 v16, v3;
	v8 =	vld [tilespmem:s21+$0x16380];
	v6 =	vadd.f32 v7, v6  }
0x691: {  	v7 =	vld [tilespmem:s21+$0x162B0];
	v5 =	vadd.f32 v9, v5;
	v4 =	vadd.f32 v12, v4;
	s21 =	smov.u32 s26  }
0x692: {  	v3 =	vadd.f32 v10, v3;
	v6 =	vadd.f32 v11, v6  }
0x693: {  	v5 =	vadd.f32 v29, v5;
	v4 =	vadd.f32 v14, v4  }
0x694: {  	v3 =	vadd.f32 v13, v3;
	v6 =	vadd.f32 v31, v6  }
0x695: {  	v5 =	vadd.f32 v8, v5;
	v4 =	vadd.f32 v30, v4  }
0x696: {  	v3 =	vadd.f32 v7, v3  }
0x697: {  	v5 =	vadd.f32 v5, v6  }
0x698: {  	v3 =	vadd.f32 v3, v4  }
0x699: {  	[tilespmem:s20+$0x0] =	vst v5  }
0x69a: {  	[tilespmem:s20+$0xFFFFFFF0] =	vst v3;
	s20 =	smov.u32 s22  }
0x69b: {  	v3 =	vld [tilespmem:s21+$0x16250]  }
0x69c: {  	v4 =	vld [tilespmem:s21+$0xFE50]  }
0x69d: {  	v5 =	vld [tilespmem:s21+$0x16320]  }
0x69e: {  	v6 =	vld [tilespmem:s21+$0x16240]  }
0x69f: {  	v7 =	vld [tilespmem:s21+$0xFF20]  }
0x6a0: {  	v8 =	vld [tilespmem:s21+$0x16310]  }
0x6a1: {  	v10 =	vld [tilespmem:s21+$0xFF10]  }
.Ltmp8:
0x6a2: {  	v11 =	vld [tilespmem:s21+$0x16230];
	(pc) =	sbr.rel @p0 .LBB2_18-.Ltmp8, $4  }
0x6a3: {  	v9 =	vld [tilespmem:s21+$0xFE40]  }
0x6a4: {  	v13 =	vld [tilespmem:s21+$0xFF00]  }
0x6a5: {  	v12 =	vld [tilespmem:s21+$0x16300]  }
0x6a6: {  	v14 =	vld [tilespmem:s21+$0x162F0]  }
0x6a7: {  	v15 =	vld [tilespmem:s21+$0xFE30]  }
0x6a8: {  	v16 =	vld [tilespmem:s21+$0xFEF0]  }
0x6a9: {  	v17 =	vld [tilespmem:s21+$0x16210]  }
0x6aa: {  	v18 =	vld [tilespmem:s21+$0x16220]  }
0x6ab: {  	v19 =	vld [tilespmem:s21+$0xFE20]  }
0x6ac: {  	v20 =	vld [tilespmem:s21+$0xFEE0]  }
0x6ad: {  	v21 =	vld [tilespmem:s21+$0x162E0]  }
0x6ae: {  	v22 =	vld [tilespmem:s21+$0xFE10]  }
0x6af: {  	v23 =	vld [tilespmem:s21+$0x16200]  }
0x6b0: {  	v24 =	vld [tilespmem:s21+$0xFE00]  }
0x6b1: {  	v25 =	vld [tilespmem:s21+$0x162D0]  }
0x6b2: {  	v26 =	vld [tilespmem:s21+$0xFED0]  }
0x6b3: {  	v27 =	vld [tilespmem:s21+$0xFEC0]  }
0x6b4: {  	v28 =	vld [tilespmem:s21+$0x162C0]  }
0x6b5: {  	v29 =	vld [tilespmem:s21+$0x16370]  }
0x6b6: {  	v30 =	vld [tilespmem:s21+$0xFEB0]  }
0x6b7: {  	v31 =	vld [tilespmem:s21+$0xFF80]  }
0x6b8: {  	v32 =	vld [tilespmem:s21+$0xFF30]  }
0x6b9: {  	v34 =	vld [tilespmem:s21+$0xFE60];
	v33 =	vnsel vm0, $0x0, v27;
	v27 =	vsel vm0, $0x0, v27;
	v35 =	vsel vm0, $0x0, v28  }
0x6ba: {  	v41 =	vld [tilespmem:s21+$0x16260];
	v28 =	vnsel vm0, $0x0, v28;
	v26 =	vadd.f32 v26, v27;
	v25 =	vadd.f32 v25, v35  }
0x6bb: {  	v42 =	vld [tilespmem:s21+$0xFE70];
	v24 =	vadd.f32 v24, v33;
	v23 =	vadd.f32 v23, v28  }
0x6bc: {  	v43 =	vld [tilespmem:s21+$0x16270];
	v20 =	vadd.f32 v20, v26;
	v21 =	vadd.f32 v21, v25  }
0x6bd: {  	v44 =	vld [tilespmem:s21+$0x16330];
	v22 =	vadd.f32 v22, v24;
	v17 =	vadd.f32 v17, v23  }
0x6be: {  	v45 =	vld [tilespmem:s21+$0xFF40];
	v16 =	vadd.f32 v16, v20;
	v14 =	vadd.f32 v14, v21  }
0x6bf: {  	v46 =	vld [tilespmem:s21+$0xFE80];
	v19 =	vadd.f32 v19, v22;
	v17 =	vadd.f32 v18, v17  }
0x6c0: {  	v47 =	vld [tilespmem:s21+$0x16280];
	v13 =	vadd.f32 v13, v16;
	v12 =	vadd.f32 v12, v14  }
0x6c1: {  	v49 =	vld [tilespmem:s21+$0x16340];
	v48 =	vadd.f32 v15, v19;
	v11 =	vadd.f32 v11, v17  }
0x6c2: {  	v50 =	vld [tilespmem:s21+$0xFF50];
	v10 =	vadd.f32 v10, v13;
	v8 =	vadd.f32 v8, v12  }
0x6c3: {  	v51 =	vld [tilespmem:s21+$0xFE90];
	v9 =	vadd.f32 v9, v48;
	v6 =	vadd.f32 v6, v11  }
0x6c4: {  	v52 =	vld [tilespmem:s21+$0x16290];
	v7 =	vadd.f32 v7, v10;
	v5 =	vadd.f32 v5, v8  }
0x6c5: {  	v53 =	vld [tilespmem:s21+$0x16350];
	v4 =	vadd.f32 v4, v9;
	v3 =	vadd.f32 v3, v6  }
0x6c6: {  	v55 =	vld [tilespmem:s21+$0xFF60];
	v54 =	vadd.f32 v32, v7;
	v5 =	vadd.f32 v44, v5  }
0x6c7: {  	v56 =	vld [tilespmem:s21+$0x16360];
	v4 =	vadd.f32 v34, v4;
	v3 =	vadd.f32 v41, v3  }
0x6c8: {  	v57 =	vld [tilespmem:s21+$0xFF70];
	v6 =	vadd.f32 v45, v54;
	v5 =	vadd.f32 v49, v5  }
0x6c9: {  	v58 =	vld [tilespmem:s21+$0xFEA0];
	v4 =	vadd.f32 v42, v4;
	v3 =	vadd.f32 v43, v3  }
0x6ca: {  	v59 =	vld [tilespmem:s21+$0x162A0];
	v6 =	vadd.f32 v50, v6;
	v5 =	vadd.f32 v53, v5  }
0x6cb: {  	v60 =	vld [tilespmem:s21+$0x16380];
	v4 =	vadd.f32 v46, v4;
	v3 =	vadd.f32 v47, v3  }
0x6cc: {  	v61 =	vld [tilespmem:s21+$0x162B0];
	v6 =	vadd.f32 v55, v6;
	v5 =	vadd.f32 v56, v5  }
0x6cd: {  	v4 =	vadd.f32 v51, v4;
	v3 =	vadd.f32 v52, v3  }
0x6ce: {  	v6 =	vadd.f32 v57, v6;
	v5 =	vadd.f32 v29, v5  }
0x6cf: {  	v4 =	vadd.f32 v58, v4;
	v3 =	vadd.f32 v59, v3  }
0x6d0: {  	v6 =	vadd.f32 v31, v6;
	v5 =	vadd.f32 v60, v5  }
0x6d1: {  	v4 =	vadd.f32 v30, v4;
	v3 =	vadd.f32 v61, v3  }
0x6d2: {  	v5 =	vadd.f32 v5, v6  }
0x6d3: {  	v3 =	vadd.f32 v3, v4  }
0x6d4: {  	[tilespmem:s20+$0x0] =	vst v5  }
0x6d5: {  	[tilespmem:s20+$0xFFFFFFF0] =	vst v3  }
0x6d6: {  	[spmem:s0] =	stream.linear.scatter [tilespmem:s13], [sflag:$0x5], $0x400, $0x38;
	[tilespmem:$0x1A100] =	vst v63  }
0x6d7: {  	_ =	swait.ge [sflag:s1], $0x400  }
0x6d8: {  	[sflag:s1] =	ssyncset.done $0x0  }
0x6d9: {  	[sflag:s1] =	ssyncadd.s32 $0xFFFFFC00  }
0x6da: {  	[tilespmem:s14], [sflag:$0x5] =	stream.indirect.gather [spmem:s25], $0x1, s15, s2, $0xb8;
	[tilespmem:$0x1A100] =	vst v63  }
0x6db: {  	_ =	swait.ge [sflag:s1], $0x400  }
0x6dc: {  	[sflag:s1] =	ssyncset.done $0x0  }
0x6dd: {  	[sflag:s1] =	ssyncadd.s32 $0xFFFFFC00  }
0x6de: {  	v3 =	vld [tilespmem:$0x19800]  }
0x6df: {  	v62 =	vld [tilespmem:$0x19840]  }
0x6e0: {  	v63 =	vld [tilespmem:$0x19880]  }
0x6e1: {  	v42 =	vld [tilespmem:$0x198C0]  }
0x6e2: {  	v43 =	vld [tilespmem:$0x19900]  }
0x6e3: {  	v44 =	vld [tilespmem:$0x19940]  }
0x6e4: {  	v45 =	vld [tilespmem:$0x19980]  }
0x6e5: {  	v10 =	vld [tilespmem:$0x199C0]  }
0x6e6: {  	v11 =	vld [tilespmem:$0x19A00]  }
0x6e7: {  	v12 =	vld [tilespmem:$0x19A40]  }
0x6e8: {  	v13 =	vld [tilespmem:$0x19A80]  }
0x6e9: {  	v14 =	vld [tilespmem:$0x19AC0]  }
0x6ea: {  	v15 =	vld [tilespmem:$0x19B00]  }
0x6eb: {  	v16 =	vld [tilespmem:$0x19B40]  }
0x6ec: {  	v17 =	vld [tilespmem:$0x19B80]  }
0x6ed: {  	v18 =	vld [tilespmem:$0x19BC0]  }
0x6ee: {  	v46 =	vld [tilespmem:$0x19810]  }
0x6ef: {  	v47 =	vld [tilespmem:$0x19850]  }
0x6f0: {  	v48 =	vld [tilespmem:$0x19890]  }
0x6f1: {  	v49 =	vld [tilespmem:$0x198D0]  }
0x6f2: {  	v50 =	vld [tilespmem:$0x19910]  }
0x6f3: {  	v51 =	vld [tilespmem:$0x19950]  }
0x6f4: {  	v52 =	vld [tilespmem:$0x19990]  }
0x6f5: {  	v53 =	vld [tilespmem:$0x199D0]  }
0x6f6: {  	v54 =	vld [tilespmem:$0x19A10]  }
0x6f7: {  	v55 =	vld [tilespmem:$0x19A50]  }
0x6f8: {  	v56 =	vld [tilespmem:$0x19A90]  }
0x6f9: {  	v30 =	vld [tilespmem:$0x19AD0]  }
0x6fa: {  	v31 =	vld [tilespmem:$0x19B10]  }
0x6fb: {  	v32 =	vld [tilespmem:$0x19B50]  }
0x6fc: {  	v33 =	vld [tilespmem:$0x19B90]  }
0x6fd: {  	v34 =	vld [tilespmem:$0x19BD0]  }
0x6fe: {  	v57 =	vld [tilespmem:$0x19820]  }
0x6ff: {  	v36 =	vld [tilespmem:$0x19860]  }
0x700: {  	v37 =	vld [tilespmem:$0x19830]  }
0x701: {  	v38 =	vld [tilespmem:$0x19870]  }
0x702: {  	v39 =	vld [tilespmem:$0x198A0]  }
0x703: {  	v58 =	vld [tilespmem:$0x198B0];
	v3 =	vadd.f32 v62, v3  }
0x704: {  	v59 =	vld [tilespmem:$0x198E0];
	v19 =	vadd.f32 v47, v46  }
0x705: {  	v61 =	vld [tilespmem:$0x198F0];
	v60 =	vadd.f32 v36, v57;
	v3 =	vadd.f32 v63, v3  }
0x706: {  	v62 =	vadd.f32 v38, v37;
	v19 =	vadd.f32 v48, v19;
	v63 =	vld [tilespmem:$0x19920]  }
0x707: {  	v5 =	vadd.f32 v39, v60;
	v39 =	vld [tilespmem:$0x19930];
	v3 =	vadd.f32 v42, v3  }
0x708: {  	v40 =	vld [tilespmem:$0x19960];
	v4 =	vadd.f32 v58, v62;
	v19 =	vadd.f32 v49, v19  }
0x709: {  	v41 =	vld [tilespmem:$0x19970];
	v5 =	vadd.f32 v59, v5;
	v3 =	vadd.f32 v43, v3  }
0x70a: {  	v42 =	vld [tilespmem:$0x199A0];
	v4 =	vadd.f32 v61, v4;
	v19 =	vadd.f32 v50, v19  }
0x70b: {  	v43 =	vld [tilespmem:$0x199B0];
	v5 =	vadd.f32 v63, v5;
	v3 =	vadd.f32 v44, v3  }
0x70c: {  	v4 =	vadd.f32 v39, v4;
	v19 =	vadd.f32 v51, v19;
	v44 =	vld [tilespmem:$0x199E0]  }
0x70d: {  	v5 =	vadd.f32 v40, v5;
	v3 =	vadd.f32 v45, v3;
	v45 =	vld [tilespmem:$0x199F0]  }
0x70e: {  	v47 =	vld [tilespmem:$0x19A20];
	v4 =	vadd.f32 v41, v4;
	v46 =	vadd.f32 v52, v19  }
0x70f: {  	v48 =	vld [tilespmem:$0x19A30];
	v5 =	vadd.f32 v42, v5;
	v3 =	vadd.f32 v10, v3  }
0x710: {  	v49 =	vld [tilespmem:$0x19A60];
	v4 =	vadd.f32 v43, v4;
	v9 =	vadd.f32 v53, v46  }
0x711: {  	v50 =	vld [tilespmem:$0x19A70];
	v5 =	vadd.f32 v44, v5;
	v3 =	vadd.f32 v11, v3  }
0x712: {  	v51 =	vld [tilespmem:$0x19AA0];
	v9 =	vadd.f32 v54, v9;
	v4 =	vadd.f32 v45, v4  }
0x713: {  	v52 =	vld [tilespmem:$0x19AB0];
	v5 =	vadd.f32 v47, v5;
	v3 =	vadd.f32 v12, v3  }
0x714: {  	v53 =	vld [tilespmem:$0x19AE0];
	v9 =	vadd.f32 v55, v9;
	v4 =	vadd.f32 v48, v4  }
0x715: {  	v54 =	vld [tilespmem:$0x19AF0];
	v5 =	vadd.f32 v49, v5;
	v3 =	vadd.f32 v13, v3  }
0x716: {  	v55 =	vld [tilespmem:$0x19B20];
	v9 =	vadd.f32 v56, v9;
	v4 =	vadd.f32 v50, v4  }
0x717: {  	v56 =	vld [tilespmem:$0x19B30];
	v5 =	vadd.f32 v51, v5;
	v3 =	vadd.f32 v14, v3  }
0x718: {  	v57 =	vld [tilespmem:$0x19B60];
	v9 =	vadd.f32 v30, v9;
	v4 =	vadd.f32 v52, v4  }
0x719: {  	v58 =	vld [tilespmem:$0x19B70];
	v5 =	vadd.f32 v53, v5;
	v3 =	vadd.f32 v15, v3  }
0x71a: {  	v59 =	vld [tilespmem:$0x19BA0];
	v9 =	vadd.f32 v31, v9;
	v4 =	vadd.f32 v54, v4  }
0x71b: {  	v60 =	vld [tilespmem:$0x19BB0];
	v5 =	vadd.f32 v55, v5;
	v3 =	vadd.f32 v16, v3  }
0x71c: {  	v61 =	vld [tilespmem:$0x19BE0];
	v9 =	vadd.f32 v32, v9;
	v4 =	vadd.f32 v56, v4  }
0x71d: {  	v62 =	vld [tilespmem:$0x19BF0];
	v5 =	vadd.f32 v57, v5;
	v3 =	vadd.f32 v17, v3  }
0x71e: {  	v9 =	vadd.f32 v33, v9;
	v4 =	vadd.f32 v58, v4  }
0x71f: {  	v5 =	vadd.f32 v59, v5;
	v3 =	vadd.f32 v18, v3  }
0x720: {  	v63 =	vadd.f32 v34, v9;
	v4 =	vadd.f32 v60, v4  }
0x721: {  	v5 =	vadd.f32 v61, v5;
	v3 =	vmul.f32 $4.999999890e-03, v3  }
0x722: {  	v6 =	vmul.f32 $4.999999890e-03, v63;
	v4 =	vadd.f32 v62, v4  }
0x723: {  	v5 =	vmul.f32 $4.999999890e-03, v5;
	v3 =	vadd.f32 v3, v2  }
0x724: {  	v6 =	vadd.f32 v6, v2;
	v4 =	vmul.f32 $4.999999890e-03, v4  }
0x725: {  	[tilespmem:$0x19C00] =	vst v3;
	v3 =	vadd.f32 v5, v2  }
0x726: {  	s19 =	sadd.s32 $0x1, s19;
	[tilespmem:$0x19C10] =	vst v6;
	v2 =	vadd.f32 v4, v2  }
0x727: {  	p0 =	sne.s32 s19, s23;
	[tilespmem:$0x19C20] =	vst v3  }
.Ltmp9:
0x728: {  	[tilespmem:$0x19C30] =	vst v2;
	(pc) =	sbr.rel @p0 .LBB2_1-.Ltmp9, $4  }
0x729: {  	[hbm4b:s28+s15] =	stream.linear.scatter [tilespmem:s16], [sflag:$0x5], $0x40, $0x38;
	[tilespmem:$0x1A100] =	vst v63  }
0x72a: {  	_ =	swait.ge [sflag:s1], $0x40  }
0x72b: {  	[sflag:s1] =	ssyncset.done $0x0  }
0x72c: {  	[sflag:s1] =	ssyncadd.s32 $0xFFFFFFC0  }
0x72d: {  	_ =	sfence.sel $0x180000  }
0x72e: {  	[bflag:$0x0] =	sbarrier.arrive $0xFFFF  }
0x72f: {  	_ =	strace $0x90000047  }
0x730: {  	s0 =	stileid.u32;
	[bflag:$0x2] =	sbarrier.arrive $0xFFFF  }
0x731: {  	p0 =	sne.s32 s0, $0x0;
	s0 =	rddreg [dreg:$0x3]  }
0x732: {  	s0 =	sadd.s32 @!p0 $0x100000, s0  }
0x733: {  	[sflag:s0] =	ssyncadd.tile.s32 @!p0 $0x1;
	_ =	shalt  }
.Lfunc_end2:
_tile_overlayer_lowered:
.L_overlay_start_2:
0x734: {  	(tag) =	ssettag $0x2  }
0x735: {  	s0 =	rddreg [dreg:$0x0];
	s2 =	stileid.u32  }
0x736: {  	s1 =	rddreg [dreg:$0x1];
	p0 =	sne.s32 s2, $0x0  }
0x737: {  	s3 =	rddreg [dreg:$0x2];
	[bflag:$0x3] =	sbarrier.arrive $0xFFFF;
	s2 =	simm.s32 @!p0 $0x1C05  }
0x738: {  	[timem:s3], [sflag:s2] =	dma.local @!p0 [hbm:s0], s1  }
0x739: {  	s0 =	simm.s32 @!p0 $0x5  }
0x73a: {  	_ =	swait.ge @!p0 [sflag:s0], s1  }
0x73b: {  	s1 =	ssub.s32 @!p0 $0x0, s1;
	[sflag:s0] =	ssyncset.done @!p0 $0x0  }
0x73c: {  	[sflag:s0] =	ssyncadd.s32 @!p0 s1  }
0x73d: {  	[bflag:$0x3] =	sbarrier.arrive $0xFFFF  }
0x73e: {  	_ =	shalt  }

</sc_bundles>
